<compile_context>
chip_gen: v7x
topology: tpu7x:2x2x1
jax: 0.10.2.dev20260603
libtpu: 0.0.44.dev20260713+nightly
codegen_flags: <defaults>
</compile_context>

<pallas_src>
import functools
import math

import jax
import jax.numpy as jnp
from jax import lax
from jax.experimental import pallas as pl
from jax.experimental.pallas import tpu as pltpu
from jax.experimental.pallas import tpu_sc as plsc

_LOG_NC = math.log(1000)

_NC = 2
_NS = 16
_NW = _NC * _NS


def _stats_body(x_ref, tgt_ref, minidx_ref, sel_ref, entsum_ref,
                *, bblk, n_models, n_classes):
    i = pl.program_id(0)
    tgt = tgt_ref[...]
    crow = lax.broadcasted_iota(jnp.int32, (n_classes, bblk), 0)
    tmask = crow == tgt

    ce = []
    ent = []
    for m in range(n_models):
        x = x_ref[m]
        xmax = jnp.max(x, axis=0, keepdims=True)
        shifted = x - xmax
        s = jnp.sum(jnp.exp(shifted), axis=0, keepdims=True)
        logsm = shifted - jnp.log(s)
        lsm_t = jnp.sum(jnp.where(tmask, logsm, 0.0), axis=0, keepdims=True)
        ce.append(-lsm_t)
        mean_lsm = jnp.sum(logsm, axis=0, keepdims=True) / float(n_classes)
        ent.append((-_LOG_NC) - mean_lsm)

    sum_ent = ((ent[0] + ent[1]) + ent[2]) + ent[3]
    loss = [ce[m] + (sum_ent - ent[m]) for m in range(n_models)]

    best = loss[0]
    bidx = jnp.zeros((1, bblk), jnp.int32)
    for m in range(1, n_models):
        take = loss[m] < best
        best = jnp.where(take, loss[m], best)
        bidx = jnp.where(take, m, bidx)

    selv = ce[0] - ent[0]
    for m in range(1, n_models):
        selv = jnp.where(bidx == m, ce[m] - ent[m], selv)

    minidx_ref[...] = bidx.reshape(bblk)

    @pl.when(i == 0)
    def _():
        sel_ref[...] = jnp.zeros((1, 1), jnp.float32)
        entsum_ref[...] = jnp.zeros((1, 1), jnp.float32)

    sel_ref[...] += jnp.sum(selv).reshape(1, 1)
    entsum_ref[...] += jnp.sum(sum_ent).reshape(1, 1)


def _tc_stats(pred_t, tgt_row, bblk):
    m, c, b = pred_t.shape
    nb = b // bblk
    body = functools.partial(_stats_body, bblk=bblk, n_models=m, n_classes=c)
    out_shapes = (
        jax.ShapeDtypeStruct((b,), jnp.int32),
        jax.ShapeDtypeStruct((1, 1), jnp.float32),
        jax.ShapeDtypeStruct((1, 1), jnp.float32),
    )
    in_specs = [
        pl.BlockSpec((m, c, bblk), lambda i: (0, 0, i)),
        pl.BlockSpec((1, bblk), lambda i: (0, i)),
    ]
    out_specs = (
        pl.BlockSpec((bblk,), lambda i: (i,)),
        pl.BlockSpec((1, 1), lambda i: (0, 0)),
        pl.BlockSpec((1, 1), lambda i: (0, 0)),
    )
    return pl.pallas_call(
        body,
        grid=(nb,),
        in_specs=in_specs,
        out_specs=out_specs,
        out_shape=out_shapes,
    )(pred_t, tgt_row)


def _sc_select_body(x_hbm, idx_hbm, out_hbm, idx_v, xin, xout, sem0, sem1,
                    osem0, osem1, *, b_per_w, n_models, n_classes, kc):
    wid = lax.axis_index("s") * _NC + lax.axis_index("c")
    base = wid * b_per_w
    pltpu.sync_copy(idx_hbm.at[pl.ds(base, b_per_w)], idx_v)
    nchunks = n_classes // kc
    tail_rows = n_classes - nchunks * kc
    insems = (sem0, sem1)
    outsems = (osem0, osem1)

    def start_in(j, slot):
        c0 = j * kc
        for m in range(n_models):
            pltpu.async_copy(
                x_hbm.at[pl.ds(m * n_classes + c0, kc), pl.ds(base, b_per_w)],
                xin.at[slot].at[pl.ds(m * kc, kc)], insems[slot])

    def drain_in(slot):
        for m in range(n_models):
            pltpu.make_async_copy(
                x_hbm.at[pl.ds(0, kc), pl.ds(base, b_per_w)],
                xin.at[slot].at[pl.ds(0, kc)], insems[slot]).wait()

    def start_out(j, slot):
        c0 = j * kc
        pltpu.async_copy(
            xout.at[slot], out_hbm.at[pl.ds(c0, kc), pl.ds(base, b_per_w)],
            outsems[slot])

    def drain_out(slot):
        pltpu.make_async_copy(
            xout.at[slot], out_hbm.at[pl.ds(0, kc), pl.ds(base, b_per_w)],
            outsems[slot]).wait()

    def compute(slot, rows=None):
        def grp(g, carry2):
            del carry2
            mi = idx_v[pl.ds(g * 16, 16)]
            masks = [mi == m for m in range(1, n_models)]
            for r in range(kc if rows is None else rows):
                vals = xin[slot, r, pl.ds(g * 16, 16)]
                for m in range(1, n_models):
                    vals = jnp.where(
                        masks[m - 1],
                        xin[slot, m * kc + r, pl.ds(g * 16, 16)], vals)
                xout[slot, r, pl.ds(g * 16, 16)] = vals
            return 0

        lax.fori_loop(0, b_per_w // 16, grp, 0)

    start_in(0, 0)

    def pair(p, carry):
        del carry
        j0 = p * 2
        start_in(j0 + 1, 1)
        drain_in(0)

        @pl.when(p > 0)
        def _():
            drain_out(0)

        compute(0)
        start_out(j0, 0)
        @pl.when(j0 + 2 < nchunks)
        def _():
            start_in(j0 + 2, 0)

        drain_in(1)

        @pl.when(p > 0)
        def _():
            drain_out(1)

        compute(1)
        start_out(j0 + 1, 1)
        return 0

    npairs = nchunks // 2
    lax.fori_loop(0, npairs, pair, 0)
    if nchunks % 2:
        j = nchunks - 1
        drain_in(0)
        drain_out(0)
        compute(0)
        start_out(j, 0)
        drain_out(1)
        drain_out(0)
    else:
        drain_out(0)
        drain_out(1)

    if tail_rows:
        c0 = nchunks * kc
        copies = [
            pltpu.async_copy(
                x_hbm.at[pl.ds(m * n_classes + c0, tail_rows),
                         pl.ds(base, b_per_w)],
                xin.at[0].at[pl.ds(m * kc, tail_rows)], insems[0])
            for m in range(n_models)
        ]
        for cp in copies:
            cp.wait()
        compute(0, rows=tail_rows)
        pltpu.async_copy(
            xout.at[0].at[pl.ds(0, tail_rows)],
            out_hbm.at[pl.ds(c0, tail_rows), pl.ds(base, b_per_w)],
            outsems[0]).wait()


def _sc_select(x2d, min_idx, kc=24):
    mc, b = x2d.shape
    n_classes = 1000
    n_models = mc // n_classes
    b_per_w = b // _NW
    mesh = plsc.VectorSubcoreMesh(core_axis_name="c", subcore_axis_name="s")
    body = functools.partial(_sc_select_body, b_per_w=b_per_w,
                             n_models=n_models, n_classes=n_classes, kc=kc)
    return pl.kernel(
        body,
        out_type=jax.ShapeDtypeStruct((n_classes, b), jnp.float32),
        mesh=mesh,
        compiler_params=pltpu.CompilerParams(use_tc_tiling_on_sc=True),
        scratch_types=[
            pltpu.VMEM((b_per_w,), jnp.int32),
            pltpu.VMEM((2, n_models * kc, b_per_w), jnp.float32),
            pltpu.VMEM((2, kc, b_per_w), jnp.float32),
            pltpu.SemaphoreType.DMA,
            pltpu.SemaphoreType.DMA,
            pltpu.SemaphoreType.DMA,
            pltpu.SemaphoreType.DMA,
        ],
    )(x2d, min_idx)


def kernel(pred_logits_list, targets):
    m, b, c = pred_logits_list.shape
    pred_t = jnp.transpose(pred_logits_list, (0, 2, 1))
    tgt_row = targets.astype(jnp.int32).reshape(1, b)
    minidx, sel_sum, ent_sum = _tc_stats(pred_t, tgt_row, bblk=512)
    oracle_t = _sc_select(pred_t.reshape(m * c, b), minidx)
    oracle = jnp.transpose(oracle_t, (1, 0))
    new_loss = sel_sum[0, 0] / b + ent_sum[0, 0] / b
    return new_loss, oracle, minidx

# --- scband reference (transcript-rebuilt; emitter-appended) ---
"""Pipeline reference for scband-cmclloss-v1-13237089206613 (READ-ONLY COPY).

The authoritative reference and input builder live on the scoring server;
editing this copy changes nothing except your own understanding.
"""

import jax, jax.numpy as jnp
import numpy as np
import math

EPS = 1e-10
TOPK = 1
BETA = 1.0
NUM_CLASSES = 1000
M, B, C = 4, 16384, 1000


def setup_inputs(seed: int = 0) -> dict:
    key = jax.random.key(seed)
    k1, k2 = jax.random.split(key)
    pred_logits_list = jax.random.normal(k1, (M, B, C), dtype=jnp.float32)
    targets = jax.random.randint(k2, (B,), 0, NUM_CLASSES)
    return {"pred_logits_list": pred_logits_list, "targets": targets}


def reference(pred_logits_list, targets):
    m, b, c = pred_logits_list.shape
    # per-model per-sample cross entropy (reduction='none')
    logsm = jax.nn.log_softmax(pred_logits_list, axis=-1)
    tgt = jnp.broadcast_to(targets[None, :, None], (m, b, 1))
    ce_loss = -jnp.take_along_axis(logsm, tgt, axis=2)[..., 0]  # [M, B]
    # entropy regularizer per model per sample
    logsm_eps = jax.nn.log_softmax(pred_logits_list + EPS, axis=-1)
    entropy = -math.log(NUM_CLASSES) - jnp.mean(logsm_eps, axis=-1)  # [M, B]
    # loss_m = ce_m + beta * sum_{j != m} entropy_j
    sum_ent = jnp.sum(entropy, axis=0)  # [B]
    loss_list = ce_loss + BETA * (sum_ent[None, :] - entropy)  # [M, B]
    # topk over models per sample of -loss (i.e. smallest losses)
    _, idx = jax.lax.top_k(-loss_list.T, TOPK)  # [B, TOPK]
    min_index = idx.T  # [TOPK, B]
    oracle_logits = pred_logits_list[min_index[0], jnp.arange(b)]  # [B, C]
    mask = jnp.zeros((m, b), dtype=jnp.float32).at[
        min_index.reshape(-1), jnp.tile(jnp.arange(b), TOPK)
    ].set(1.0)
    new_loss = jnp.sum(mask * (ce_loss - BETA * entropy)) / b
    new_loss = new_loss + jnp.sum(BETA * entropy) / b
    return new_loss, oracle_logits, min_index[0]

if __name__ == "__main__":
    import jax
    _d = setup_inputs()
    print(jax.jit(kernel)(*tuple(_d.values())))

</pallas_src>

<mosaic_0001>
#map = affine_map<(d0, d1) -> (0, 0)>
#map1 = affine_map<(d0, d1) -> (0)>
module attributes {stable_mosaic.version = 14 : i64} {
  func.func @_sc_select_body(%arg0: i32, %arg1: i32, %arg2: memref<4000x16384xf32, #tpu.memory_space<hbm>>, %arg3: memref<16384xi32, #tpu.memory_space<hbm>>, %arg4: memref<1000x16384xf32, #tpu.memory_space<hbm>>, %arg5: memref<512xi32, #tpu.memory_space<vmem>>, %arg6: memref<2x96x512xf32, #tpu.memory_space<vmem>>, %arg7: memref<2x24x512xf32, #tpu.memory_space<vmem>>, %arg8: memref<!tpu.dma_semaphore, #tpu.memory_space<semaphore_mem>>, %arg9: memref<!tpu.dma_semaphore, #tpu.memory_space<semaphore_mem>>, %arg10: memref<!tpu.dma_semaphore, #tpu.memory_space<semaphore_mem>>, %arg11: memref<!tpu.dma_semaphore, #tpu.memory_space<semaphore_mem>>) attributes {dimension_semantics = [#tpu.dimension_semantics<core_parallel>, #tpu.dimension_semantics<subcore_parallel>], iteration_bounds = array<i64: 2, 16>, scalar_prefetch = 0 : i64, scratch_operands = 7 : i64, tpu.core_type = #tpu.core_type<sc_vector_subcore>, window_params = [{transform_indices = #map}, {transform_indices = #map1}, {transform_indices = #map}]} {
    %mul3A = arith.constant 2 : i32
    %mul3A_0 = arith.muli %arg1, %mul3A : i32
    %add3A = arith.addi %mul3A_0, %arg0 : i32
    %mul3A_1 = arith.constant 512 : i32
    %mul3A_2 = arith.muli %add3A, %mul3A_1 : i32
    "tpu.region"() ({
      %run_scoped3A = tpu.sem_alloc : memref<!tpu.dma_semaphore, #tpu.memory_space<semaphore_mem>>
      %dma_start3A_415 = tpu.memref_slice %arg3[%mul3A_2] : memref<16384xi32, #tpu.memory_space<hbm>> -> memref<512xi32, #tpu.memory_space<hbm>>
      %dma_start3A_416 = tpu.memref_slice %arg3[%mul3A_2] : memref<16384xi32, #tpu.memory_space<hbm>> -> memref<512xi32, #tpu.memory_space<hbm>>
      tpu.enqueue_dma source(%dma_start3A_416 : memref<512xi32, #tpu.memory_space<hbm>>) target(%arg5 : memref<512xi32, #tpu.memory_space<vmem>>) target_semaphore(%run_scoped3A : memref<!tpu.dma_semaphore, #tpu.memory_space<semaphore_mem>>)
      %dma_wait3A_417 = tpu.memref_slice %arg3[%mul3A_2] : memref<16384xi32, #tpu.memory_space<hbm>> -> memref<512xi32, #tpu.memory_space<hbm>>
      %dma_wait3A_418 = tpu.memref_slice %arg3[%mul3A_2] : memref<16384xi32, #tpu.memory_space<hbm>> -> memref<512xi32, #tpu.memory_space<hbm>>
      tpu.wait_dma2 semaphore(%run_scoped3A : memref<!tpu.dma_semaphore, #tpu.memory_space<semaphore_mem>>) src(%dma_wait3A_418 : memref<512xi32, #tpu.memory_space<hbm>>) dst(%arg5 : memref<512xi32, #tpu.memory_space<vmem>>)
      tpu.yield
    }) : () -> ()
    %dma_start3A = arith.constant 0 : i32
    %dma_start3A_3 = arith.constant 0 : i32
    %dma_start3A_4 = arith.constant 0 : i32
    %dma_start3A_5 = tpu.memref_slice %arg6[%dma_start3A, %dma_start3A_3, %dma_start3A_4] : memref<2x96x512xf32, #tpu.memory_space<vmem>> -> memref<1x96x512xf32, #tpu.memory_space<vmem>>
    %dma_start3A_6 = tpu.memref_squeeze %dma_start3A_5 : memref<1x96x512xf32, #tpu.memory_space<vmem>> -> memref<96x512xf32, #tpu.memory_space<vmem>>
    %dma_start3A_7 = arith.constant 0 : i32
    %dma_start3A_8 = arith.constant 0 : i32
    %dma_start3A_9 = tpu.memref_slice %dma_start3A_6[%dma_start3A_7, %dma_start3A_8] : memref<96x512xf32, #tpu.memory_space<vmem>> -> memref<24x512xf32, #tpu.memory_space<vmem>>
    %dma_start3A_10 = arith.constant 0 : i32
    %dma_start3A_11 = tpu.memref_slice %arg2[%dma_start3A_10, %mul3A_2] : memref<4000x16384xf32, #tpu.memory_space<hbm>> -> memref<24x512xf32, #tpu.memory_space<hbm>>
    %dma_start3A_12 = arith.constant 0 : i32
    %dma_start3A_13 = arith.constant 0 : i32
    %dma_start3A_14 = tpu.memref_slice %arg6[%dma_start3A, %dma_start3A_12, %dma_start3A_13] : memref<2x96x512xf32, #tpu.memory_space<vmem>> -> memref<1x96x512xf32, #tpu.memory_space<vmem>>
    %dma_start3A_15 = tpu.memref_squeeze %dma_start3A_14 : memref<1x96x512xf32, #tpu.memory_space<vmem>> -> memref<96x512xf32, #tpu.memory_space<vmem>>
    %dma_start3A_16 = arith.constant 0 : i32
    %dma_start3A_17 = arith.constant 0 : i32
    %dma_start3A_18 = tpu.memref_slice %dma_start3A_15[%dma_start3A_16, %dma_start3A_17] : memref<96x512xf32, #tpu.memory_space<vmem>> -> memref<24x512xf32, #tpu.memory_space<vmem>>
    %dma_start3A_19 = arith.constant 0 : i32
    %dma_start3A_20 = tpu.memref_slice %arg2[%dma_start3A_19, %mul3A_2] : memref<4000x16384xf32, #tpu.memory_space<hbm>> -> memref<24x512xf32, #tpu.memory_space<hbm>>
    tpu.enqueue_dma source(%dma_start3A_20 : memref<24x512xf32, #tpu.memory_space<hbm>>) target(%dma_start3A_18 : memref<24x512xf32, #tpu.memory_space<vmem>>) target_semaphore(%arg8 : memref<!tpu.dma_semaphore, #tpu.memory_space<semaphore_mem>>)
    %dma_start3A_21 = arith.constant 0 : i32
    %dma_start3A_22 = arith.constant 0 : i32
    %dma_start3A_23 = arith.constant 0 : i32
    %dma_start3A_24 = tpu.memref_slice %arg6[%dma_start3A_21, %dma_start3A_22, %dma_start3A_23] : memref<2x96x512xf32, #tpu.memory_space<vmem>> -> memref<1x96x512xf32, #tpu.memory_space<vmem>>
    %dma_start3A_25 = tpu.memref_squeeze %dma_start3A_24 : memref<1x96x512xf32, #tpu.memory_space<vmem>> -> memref<96x512xf32, #tpu.memory_space<vmem>>
    %dma_start3A_26 = arith.constant 24 : i32
    %dma_start3A_27 = arith.constant 0 : i32
    %dma_start3A_28 = tpu.memref_slice %dma_start3A_25[%dma_start3A_26, %dma_start3A_27] : memref<96x512xf32, #tpu.memory_space<vmem>> -> memref<24x512xf32, #tpu.memory_space<vmem>>
    %dma_start3A_29 = arith.constant 1000 : i32
    %dma_start3A_30 = tpu.memref_slice %arg2[%dma_start3A_29, %mul3A_2] : memref<4000x16384xf32, #tpu.memory_space<hbm>> -> memref<24x512xf32, #tpu.memory_space<hbm>>
    %dma_start3A_31 = arith.constant 0 : i32
    %dma_start3A_32 = arith.constant 0 : i32
    %dma_start3A_33 = tpu.memref_slice %arg6[%dma_start3A_21, %dma_start3A_31, %dma_start3A_32] : memref<2x96x512xf32, #tpu.memory_space<vmem>> -> memref<1x96x512xf32, #tpu.memory_space<vmem>>
    %dma_start3A_34 = tpu.memref_squeeze %dma_start3A_33 : memref<1x96x512xf32, #tpu.memory_space<vmem>> -> memref<96x512xf32, #tpu.memory_space<vmem>>
    %dma_start3A_35 = arith.constant 24 : i32
    %dma_start3A_36 = arith.constant 0 : i32
    %dma_start3A_37 = tpu.memref_slice %dma_start3A_34[%dma_start3A_35, %dma_start3A_36] : memref<96x512xf32, #tpu.memory_space<vmem>> -> memref<24x512xf32, #tpu.memory_space<vmem>>
    %dma_start3A_38 = arith.constant 1000 : i32
    %dma_start3A_39 = tpu.memref_slice %arg2[%dma_start3A_38, %mul3A_2] : memref<4000x16384xf32, #tpu.memory_space<hbm>> -> memref<24x512xf32, #tpu.memory_space<hbm>>
    tpu.enqueue_dma source(%dma_start3A_39 : memref<24x512xf32, #tpu.memory_space<hbm>>) target(%dma_start3A_37 : memref<24x512xf32, #tpu.memory_space<vmem>>) target_semaphore(%arg8 : memref<!tpu.dma_semaphore, #tpu.memory_space<semaphore_mem>>)
    %dma_start3A_40 = arith.constant 0 : i32
    %dma_start3A_41 = arith.constant 0 : i32
    %dma_start3A_42 = arith.constant 0 : i32
    %dma_start3A_43 = tpu.memref_slice %arg6[%dma_start3A_40, %dma_start3A_41, %dma_start3A_42] : memref<2x96x512xf32, #tpu.memory_space<vmem>> -> memref<1x96x512xf32, #tpu.memory_space<vmem>>
    %dma_start3A_44 = tpu.memref_squeeze %dma_start3A_43 : memref<1x96x512xf32, #tpu.memory_space<vmem>> -> memref<96x512xf32, #tpu.memory_space<vmem>>
    %dma_start3A_45 = arith.constant 48 : i32
    %dma_start3A_46 = arith.constant 0 : i32
    %dma_start3A_47 = tpu.memref_slice %dma_start3A_44[%dma_start3A_45, %dma_start3A_46] : memref<96x512xf32, #tpu.memory_space<vmem>> -> memref<24x512xf32, #tpu.memory_space<vmem>>
    %dma_start3A_48 = arith.constant 2000 : i32
    %dma_start3A_49 = tpu.memref_slice %arg2[%dma_start3A_48, %mul3A_2] : memref<4000x16384xf32, #tpu.memory_space<hbm>> -> memref<24x512xf32, #tpu.memory_space<hbm>>
    %dma_start3A_50 = arith.constant 0 : i32
    %dma_start3A_51 = arith.constant 0 : i32
    %dma_start3A_52 = tpu.memref_slice %arg6[%dma_start3A_40, %dma_start3A_50, %dma_start3A_51] : memref<2x96x512xf32, #tpu.memory_space<vmem>> -> memref<1x96x512xf32, #tpu.memory_space<vmem>>
    %dma_start3A_53 = tpu.memref_squeeze %dma_start3A_52 : memref<1x96x512xf32, #tpu.memory_space<vmem>> -> memref<96x512xf32, #tpu.memory_space<vmem>>
    %dma_start3A_54 = arith.constant 48 : i32
    %dma_start3A_55 = arith.constant 0 : i32
    %dma_start3A_56 = tpu.memref_slice %dma_start3A_53[%dma_start3A_54, %dma_start3A_55] : memref<96x512xf32, #tpu.memory_space<vmem>> -> memref<24x512xf32, #tpu.memory_space<vmem>>
    %dma_start3A_57 = arith.constant 2000 : i32
    %dma_start3A_58 = tpu.memref_slice %arg2[%dma_start3A_57, %mul3A_2] : memref<4000x16384xf32, #tpu.memory_space<hbm>> -> memref<24x512xf32, #tpu.memory_space<hbm>>
    tpu.enqueue_dma source(%dma_start3A_58 : memref<24x512xf32, #tpu.memory_space<hbm>>) target(%dma_start3A_56 : memref<24x512xf32, #tpu.memory_space<vmem>>) target_semaphore(%arg8 : memref<!tpu.dma_semaphore, #tpu.memory_space<semaphore_mem>>)
    %dma_start3A_59 = arith.constant 0 : i32
    %dma_start3A_60 = arith.constant 0 : i32
    %dma_start3A_61 = arith.constant 0 : i32
    %dma_start3A_62 = tpu.memref_slice %arg6[%dma_start3A_59, %dma_start3A_60, %dma_start3A_61] : memref<2x96x512xf32, #tpu.memory_space<vmem>> -> memref<1x96x512xf32, #tpu.memory_space<vmem>>
    %dma_start3A_63 = tpu.memref_squeeze %dma_start3A_62 : memref<1x96x512xf32, #tpu.memory_space<vmem>> -> memref<96x512xf32, #tpu.memory_space<vmem>>
    %dma_start3A_64 = arith.constant 72 : i32
    %dma_start3A_65 = arith.constant 0 : i32
    %dma_start3A_66 = tpu.memref_slice %dma_start3A_63[%dma_start3A_64, %dma_start3A_65] : memref<96x512xf32, #tpu.memory_space<vmem>> -> memref<24x512xf32, #tpu.memory_space<vmem>>
    %dma_start3A_67 = arith.constant 3000 : i32
    %dma_start3A_68 = tpu.memref_slice %arg2[%dma_start3A_67, %mul3A_2] : memref<4000x16384xf32, #tpu.memory_space<hbm>> -> memref<24x512xf32, #tpu.memory_space<hbm>>
    %dma_start3A_69 = arith.constant 0 : i32
    %dma_start3A_70 = arith.constant 0 : i32
    %dma_start3A_71 = tpu.memref_slice %arg6[%dma_start3A_59, %dma_start3A_69, %dma_start3A_70] : memref<2x96x512xf32, #tpu.memory_space<vmem>> -> memref<1x96x512xf32, #tpu.memory_space<vmem>>
    %dma_start3A_72 = tpu.memref_squeeze %dma_start3A_71 : memref<1x96x512xf32, #tpu.memory_space<vmem>> -> memref<96x512xf32, #tpu.memory_space<vmem>>
    %dma_start3A_73 = arith.constant 72 : i32
    %dma_start3A_74 = arith.constant 0 : i32
    %dma_start3A_75 = tpu.memref_slice %dma_start3A_72[%dma_start3A_73, %dma_start3A_74] : memref<96x512xf32, #tpu.memory_space<vmem>> -> memref<24x512xf32, #tpu.memory_space<vmem>>
    %dma_start3A_76 = arith.constant 3000 : i32
    %dma_start3A_77 = tpu.memref_slice %arg2[%dma_start3A_76, %mul3A_2] : memref<4000x16384xf32, #tpu.memory_space<hbm>> -> memref<24x512xf32, #tpu.memory_space<hbm>>
    tpu.enqueue_dma source(%dma_start3A_77 : memref<24x512xf32, #tpu.memory_space<hbm>>) target(%dma_start3A_75 : memref<24x512xf32, #tpu.memory_space<vmem>>) target_semaphore(%arg8 : memref<!tpu.dma_semaphore, #tpu.memory_space<semaphore_mem>>)
    %scan3A = arith.constant 0 : i32
    %scan3A_78 = arith.constant 0 : i32
    %scan3A_79 = arith.constant 20 : i32
    %scan3A_80 = arith.addi %scan3A_78, %scan3A_79 : i32
    %scan3A_81 = arith.constant 1 : i32
    %scan3A_82 = scf.for %scan3A_415 = %scan3A_78 to %scan3A_80 step %scan3A_81 iter_args(%scan3A_416 = %scan3A) -> (i32)  : i32 {
      %mul3A_417 = arith.constant 2 : i32
      %mul3A_418 = arith.muli %scan3A_415, %mul3A_417 : i32
      %add3A_419 = arith.constant 1 : i32
      %add3A_420 = arith.addi %mul3A_418, %add3A_419 : i32
      %mul3A_421 = arith.constant 24 : i32
      %mul3A_422 = arith.muli %add3A_420, %mul3A_421 : i32
      %add3A_423 = arith.constant 0 : i32
      %add3A_424 = arith.addi %add3A_423, %mul3A_422 : i32
      %dma_start3A_425 = arith.constant 1 : i32
      %dma_start3A_426 = arith.constant 0 : i32
      %dma_start3A_427 = arith.constant 0 : i32
      %dma_start3A_428 = tpu.memref_slice %arg6[%dma_start3A_425, %dma_start3A_426, %dma_start3A_427] : memref<2x96x512xf32, #tpu.memory_space<vmem>> -> memref<1x96x512xf32, #tpu.memory_space<vmem>>
      %dma_start3A_429 = tpu.memref_squeeze %dma_start3A_428 : memref<1x96x512xf32, #tpu.memory_space<vmem>> -> memref<96x512xf32, #tpu.memory_space<vmem>>
      %dma_start3A_430 = arith.constant 0 : i32
      %dma_start3A_431 = arith.constant 0 : i32
      %dma_start3A_432 = tpu.memref_slice %dma_start3A_429[%dma_start3A_430, %dma_start3A_431] : memref<96x512xf32, #tpu.memory_space<vmem>> -> memref<24x512xf32, #tpu.memory_space<vmem>>
      %dma_start3A_433 = tpu.memref_slice %arg2[%add3A_424, %mul3A_2] : memref<4000x16384xf32, #tpu.memory_space<hbm>> -> memref<24x512xf32, #tpu.memory_space<hbm>>
      %dma_start3A_434 = arith.constant 0 : i32
      %dma_start3A_435 = arith.constant 0 : i32
      %dma_start3A_436 = tpu.memref_slice %arg6[%dma_start3A_425, %dma_start3A_434, %dma_start3A_435] : memref<2x96x512xf32, #tpu.memory_space<vmem>> -> memref<1x96x512xf32, #tpu.memory_space<vmem>>
      %dma_start3A_437 = tpu.memref_squeeze %dma_start3A_436 : memref<1x96x512xf32, #tpu.memory_space<vmem>> -> memref<96x512xf32, #tpu.memory_space<vmem>>
      %dma_start3A_438 = arith.constant 0 : i32
      %dma_start3A_439 = arith.constant 0 : i32
      %dma_start3A_440 = tpu.memref_slice %dma_start3A_437[%dma_start3A_438, %dma_start3A_439] : memref<96x512xf32, #tpu.memory_space<vmem>> -> memref<24x512xf32, #tpu.memory_space<vmem>>
      %dma_start3A_441 = tpu.memref_slice %arg2[%add3A_424, %mul3A_2] : memref<4000x16384xf32, #tpu.memory_space<hbm>> -> memref<24x512xf32, #tpu.memory_space<hbm>>
      tpu.enqueue_dma source(%dma_start3A_441 : memref<24x512xf32, #tpu.memory_space<hbm>>) target(%dma_start3A_440 : memref<24x512xf32, #tpu.memory_space<vmem>>) target_semaphore(%arg9 : memref<!tpu.dma_semaphore, #tpu.memory_space<semaphore_mem>>)
      %add3A_442 = arith.constant 1000 : i32
      %add3A_443 = arith.addi %add3A_442, %mul3A_422 : i32
      %dma_start3A_444 = arith.constant 1 : i32
      %dma_start3A_445 = arith.constant 0 : i32
      %dma_start3A_446 = arith.constant 0 : i32
      %dma_start3A_447 = tpu.memref_slice %arg6[%dma_start3A_444, %dma_start3A_445, %dma_start3A_446] : memref<2x96x512xf32, #tpu.memory_space<vmem>> -> memref<1x96x512xf32, #tpu.memory_space<vmem>>
      %dma_start3A_448 = tpu.memref_squeeze %dma_start3A_447 : memref<1x96x512xf32, #tpu.memory_space<vmem>> -> memref<96x512xf32, #tpu.memory_space<vmem>>
      %dma_start3A_449 = arith.constant 24 : i32
      %dma_start3A_450 = arith.constant 0 : i32
      %dma_start3A_451 = tpu.memref_slice %dma_start3A_448[%dma_start3A_449, %dma_start3A_450] : memref<96x512xf32, #tpu.memory_space<vmem>> -> memref<24x512xf32, #tpu.memory_space<vmem>>
      %dma_start3A_452 = tpu.memref_slice %arg2[%add3A_443, %mul3A_2] : memref<4000x16384xf32, #tpu.memory_space<hbm>> -> memref<24x512xf32, #tpu.memory_space<hbm>>
      %dma_start3A_453 = arith.constant 0 : i32
      %dma_start3A_454 = arith.constant 0 : i32
      %dma_start3A_455 = tpu.memref_slice %arg6[%dma_start3A_444, %dma_start3A_453, %dma_start3A_454] : memref<2x96x512xf32, #tpu.memory_space<vmem>> -> memref<1x96x512xf32, #tpu.memory_space<vmem>>
      %dma_start3A_456 = tpu.memref_squeeze %dma_start3A_455 : memref<1x96x512xf32, #tpu.memory_space<vmem>> -> memref<96x512xf32, #tpu.memory_space<vmem>>
      %dma_start3A_457 = arith.constant 24 : i32
      %dma_start3A_458 = arith.constant 0 : i32
      %dma_start3A_459 = tpu.memref_slice %dma_start3A_456[%dma_start3A_457, %dma_start3A_458] : memref<96x512xf32, #tpu.memory_space<vmem>> -> memref<24x512xf32, #tpu.memory_space<vmem>>
      %dma_start3A_460 = tpu.memref_slice %arg2[%add3A_443, %mul3A_2] : memref<4000x16384xf32, #tpu.memory_space<hbm>> -> memref<24x512xf32, #tpu.memory_space<hbm>>
      tpu.enqueue_dma source(%dma_start3A_460 : memref<24x512xf32, #tpu.memory_space<hbm>>) target(%dma_start3A_459 : memref<24x512xf32, #tpu.memory_space<vmem>>) target_semaphore(%arg9 : memref<!tpu.dma_semaphore, #tpu.memory_space<semaphore_mem>>)
      %add3A_461 = arith.constant 2000 : i32
      %add3A_462 = arith.addi %add3A_461, %mul3A_422 : i32
      %dma_start3A_463 = arith.constant 1 : i32
      %dma_start3A_464 = arith.constant 0 : i32
      %dma_start3A_465 = arith.constant 0 : i32
      %dma_start3A_466 = tpu.memref_slice %arg6[%dma_start3A_463, %dma_start3A_464, %dma_start3A_465] : memref<2x96x512xf32, #tpu.memory_space<vmem>> -> memref<1x96x512xf32, #tpu.memory_space<vmem>>
      %dma_start3A_467 = tpu.memref_squeeze %dma_start3A_466 : memref<1x96x512xf32, #tpu.memory_space<vmem>> -> memref<96x512xf32, #tpu.memory_space<vmem>>
      %dma_start3A_468 = arith.constant 48 : i32
      %dma_start3A_469 = arith.constant 0 : i32
      %dma_start3A_470 = tpu.memref_slice %dma_start3A_467[%dma_start3A_468, %dma_start3A_469] : memref<96x512xf32, #tpu.memory_space<vmem>> -> memref<24x512xf32, #tpu.memory_space<vmem>>
      %dma_start3A_471 = tpu.memref_slice %arg2[%add3A_462, %mul3A_2] : memref<4000x16384xf32, #tpu.memory_space<hbm>> -> memref<24x512xf32, #tpu.memory_space<hbm>>
      %dma_start3A_472 = arith.constant 0 : i32
      %dma_start3A_473 = arith.constant 0 : i32
      %dma_start3A_474 = tpu.memref_slice %arg6[%dma_start3A_463, %dma_start3A_472, %dma_start3A_473] : memref<2x96x512xf32, #tpu.memory_space<vmem>> -> memref<1x96x512xf32, #tpu.memory_space<vmem>>
      %dma_start3A_475 = tpu.memref_squeeze %dma_start3A_474 : memref<1x96x512xf32, #tpu.memory_space<vmem>> -> memref<96x512xf32, #tpu.memory_space<vmem>>
      %dma_start3A_476 = arith.constant 48 : i32
      %dma_start3A_477 = arith.constant 0 : i32
      %dma_start3A_478 = tpu.memref_slice %dma_start3A_475[%dma_start3A_476, %dma_start3A_477] : memref<96x512xf32, #tpu.memory_space<vmem>> -> memref<24x512xf32, #tpu.memory_space<vmem>>
      %dma_start3A_479 = tpu.memref_slice %arg2[%add3A_462, %mul3A_2] : memref<4000x16384xf32, #tpu.memory_space<hbm>> -> memref<24x512xf32, #tpu.memory_space<hbm>>
      tpu.enqueue_dma source(%dma_start3A_479 : memref<24x512xf32, #tpu.memory_space<hbm>>) target(%dma_start3A_478 : memref<24x512xf32, #tpu.memory_space<vmem>>) target_semaphore(%arg9 : memref<!tpu.dma_semaphore, #tpu.memory_space<semaphore_mem>>)
      %add3A_480 = arith.constant 3000 : i32
      %add3A_481 = arith.addi %add3A_480, %mul3A_422 : i32
      %dma_start3A_482 = arith.constant 1 : i32
      %dma_start3A_483 = arith.constant 0 : i32
      %dma_start3A_484 = arith.constant 0 : i32
      %dma_start3A_485 = tpu.memref_slice %arg6[%dma_start3A_482, %dma_start3A_483, %dma_start3A_484] : memref<2x96x512xf32, #tpu.memory_space<vmem>> -> memref<1x96x512xf32, #tpu.memory_space<vmem>>
      %dma_start3A_486 = tpu.memref_squeeze %dma_start3A_485 : memref<1x96x512xf32, #tpu.memory_space<vmem>> -> memref<96x512xf32, #tpu.memory_space<vmem>>
      %dma_start3A_487 = arith.constant 72 : i32
      %dma_start3A_488 = arith.constant 0 : i32
      %dma_start3A_489 = tpu.memref_slice %dma_start3A_486[%dma_start3A_487, %dma_start3A_488] : memref<96x512xf32, #tpu.memory_space<vmem>> -> memref<24x512xf32, #tpu.memory_space<vmem>>
      %dma_start3A_490 = tpu.memref_slice %arg2[%add3A_481, %mul3A_2] : memref<4000x16384xf32, #tpu.memory_space<hbm>> -> memref<24x512xf32, #tpu.memory_space<hbm>>
      %dma_start3A_491 = arith.constant 0 : i32
      %dma_start3A_492 = arith.constant 0 : i32
      %dma_start3A_493 = tpu.memref_slice %arg6[%dma_start3A_482, %dma_start3A_491, %dma_start3A_492] : memref<2x96x512xf32, #tpu.memory_space<vmem>> -> memref<1x96x512xf32, #tpu.memory_space<vmem>>
      %dma_start3A_494 = tpu.memref_squeeze %dma_start3A_493 : memref<1x96x512xf32, #tpu.memory_space<vmem>> -> memref<96x512xf32, #tpu.memory_space<vmem>>
      %dma_start3A_495 = arith.constant 72 : i32
      %dma_start3A_496 = arith.constant 0 : i32
      %dma_start3A_497 = tpu.memref_slice %dma_start3A_494[%dma_start3A_495, %dma_start3A_496] : memref<96x512xf32, #tpu.memory_space<vmem>> -> memref<24x512xf32, #tpu.memory_space<vmem>>
      %dma_start3A_498 = tpu.memref_slice %arg2[%add3A_481, %mul3A_2] : memref<4000x16384xf32, #tpu.memory_space<hbm>> -> memref<24x512xf32, #tpu.memory_space<hbm>>
      tpu.enqueue_dma source(%dma_start3A_498 : memref<24x512xf32, #tpu.memory_space<hbm>>) target(%dma_start3A_497 : memref<24x512xf32, #tpu.memory_space<vmem>>) target_semaphore(%arg9 : memref<!tpu.dma_semaphore, #tpu.memory_space<semaphore_mem>>)
      %dma_wait3A_499 = arith.constant 0 : i32
      %dma_wait3A_500 = arith.constant 0 : i32
      %dma_wait3A_501 = arith.constant 0 : i32
      %dma_wait3A_502 = tpu.memref_slice %arg6[%dma_wait3A_499, %dma_wait3A_500, %dma_wait3A_501] : memref<2x96x512xf32, #tpu.memory_space<vmem>> -> memref<1x96x512xf32, #tpu.memory_space<vmem>>
      %dma_wait3A_503 = tpu.memref_squeeze %dma_wait3A_502 : memref<1x96x512xf32, #tpu.memory_space<vmem>> -> memref<96x512xf32, #tpu.memory_space<vmem>>
      %dma_wait3A_504 = arith.constant 0 : i32
      %dma_wait3A_505 = arith.constant 0 : i32
      %dma_wait3A_506 = tpu.memref_slice %dma_wait3A_503[%dma_wait3A_504, %dma_wait3A_505] : memref<96x512xf32, #tpu.memory_space<vmem>> -> memref<24x512xf32, #tpu.memory_space<vmem>>
      %dma_wait3A_507 = arith.constant 0 : i32
      %dma_wait3A_508 = tpu.memref_slice %arg2[%dma_wait3A_507, %mul3A_2] : memref<4000x16384xf32, #tpu.memory_space<hbm>> -> memref<24x512xf32, #tpu.memory_space<hbm>>
      %dma_wait3A_509 = arith.constant 0 : i32
      %dma_wait3A_510 = arith.constant 0 : i32
      %dma_wait3A_511 = tpu.memref_slice %arg6[%dma_wait3A_499, %dma_wait3A_509, %dma_wait3A_510] : memref<2x96x512xf32, #tpu.memory_space<vmem>> -> memref<1x96x512xf32, #tpu.memory_space<vmem>>
      %dma_wait3A_512 = tpu.memref_squeeze %dma_wait3A_511 : memref<1x96x512xf32, #tpu.memory_space<vmem>> -> memref<96x512xf32, #tpu.memory_space<vmem>>
      %dma_wait3A_513 = arith.constant 0 : i32
      %dma_wait3A_514 = arith.constant 0 : i32
      %dma_wait3A_515 = tpu.memref_slice %dma_wait3A_512[%dma_wait3A_513, %dma_wait3A_514] : memref<96x512xf32, #tpu.memory_space<vmem>> -> memref<24x512xf32, #tpu.memory_space<vmem>>
      %dma_wait3A_516 = arith.constant 0 : i32
      %dma_wait3A_517 = tpu.memref_slice %arg2[%dma_wait3A_516, %mul3A_2] : memref<4000x16384xf32, #tpu.memory_space<hbm>> -> memref<24x512xf32, #tpu.memory_space<hbm>>
      tpu.wait_dma2 semaphore(%arg8 : memref<!tpu.dma_semaphore, #tpu.memory_space<semaphore_mem>>) src(%dma_wait3A_517 : memref<24x512xf32, #tpu.memory_space<hbm>>) dst(%dma_wait3A_515 : memref<24x512xf32, #tpu.memory_space<vmem>>)
      %dma_wait3A_518 = arith.constant 0 : i32
      %dma_wait3A_519 = arith.constant 0 : i32
      %dma_wait3A_520 = arith.constant 0 : i32
      %dma_wait3A_521 = tpu.memref_slice %arg6[%dma_wait3A_518, %dma_wait3A_519, %dma_wait3A_520] : memref<2x96x512xf32, #tpu.memory_space<vmem>> -> memref<1x96x512xf32, #tpu.memory_space<vmem>>
      %dma_wait3A_522 = tpu.memref_squeeze %dma_wait3A_521 : memref<1x96x512xf32, #tpu.memory_space<vmem>> -> memref<96x512xf32, #tpu.memory_space<vmem>>
      %dma_wait3A_523 = arith.constant 0 : i32
      %dma_wait3A_524 = arith.constant 0 : i32
      %dma_wait3A_525 = tpu.memref_slice %dma_wait3A_522[%dma_wait3A_523, %dma_wait3A_524] : memref<96x512xf32, #tpu.memory_space<vmem>> -> memref<24x512xf32, #tpu.memory_space<vmem>>
      %dma_wait3A_526 = arith.constant 0 : i32
      %dma_wait3A_527 = tpu.memref_slice %arg2[%dma_wait3A_526, %mul3A_2] : memref<4000x16384xf32, #tpu.memory_space<hbm>> -> memref<24x512xf32, #tpu.memory_space<hbm>>
      %dma_wait3A_528 = arith.constant 0 : i32
      %dma_wait3A_529 = arith.constant 0 : i32
      %dma_wait3A_530 = tpu.memref_slice %arg6[%dma_wait3A_518, %dma_wait3A_528, %dma_wait3A_529] : memref<2x96x512xf32, #tpu.memory_space<vmem>> -> memref<1x96x512xf32, #tpu.memory_space<vmem>>
      %dma_wait3A_531 = tpu.memref_squeeze %dma_wait3A_530 : memref<1x96x512xf32, #tpu.memory_space<vmem>> -> memref<96x512xf32, #tpu.memory_space<vmem>>
      %dma_wait3A_532 = arith.constant 0 : i32
      %dma_wait3A_533 = arith.constant 0 : i32
      %dma_wait3A_534 = tpu.memref_slice %dma_wait3A_531[%dma_wait3A_532, %dma_wait3A_533] : memref<96x512xf32, #tpu.memory_space<vmem>> -> memref<24x512xf32, #tpu.memory_space<vmem>>
      %dma_wait3A_535 = arith.constant 0 : i32
      %dma_wait3A_536 = tpu.memref_slice %arg2[%dma_wait3A_535, %mul3A_2] : memref<4000x16384xf32, #tpu.memory_space<hbm>> -> memref<24x512xf32, #tpu.memory_space<hbm>>
      tpu.wait_dma2 semaphore(%arg8 : memref<!tpu.dma_semaphore, #tpu.memory_space<semaphore_mem>>) src(%dma_wait3A_536 : memref<24x512xf32, #tpu.memory_space<hbm>>) dst(%dma_wait3A_534 : memref<24x512xf32, #tpu.memory_space<vmem>>)
      %dma_wait3A_537 = arith.constant 0 : i32
      %dma_wait3A_538 = arith.constant 0 : i32
      %dma_wait3A_539 = arith.constant 0 : i32
      %dma_wait3A_540 = tpu.memref_slice %arg6[%dma_wait3A_537, %dma_wait3A_538, %dma_wait3A_539] : memref<2x96x512xf32, #tpu.memory_space<vmem>> -> memref<1x96x512xf32, #tpu.memory_space<vmem>>
      %dma_wait3A_541 = tpu.memref_squeeze %dma_wait3A_540 : memref<1x96x512xf32, #tpu.memory_space<vmem>> -> memref<96x512xf32, #tpu.memory_space<vmem>>
      %dma_wait3A_542 = arith.constant 0 : i32
      %dma_wait3A_543 = arith.constant 0 : i32
      %dma_wait3A_544 = tpu.memref_slice %dma_wait3A_541[%dma_wait3A_542, %dma_wait3A_543] : memref<96x512xf32, #tpu.memory_space<vmem>> -> memref<24x512xf32, #tpu.memory_space<vmem>>
      %dma_wait3A_545 = arith.constant 0 : i32
      %dma_wait3A_546 = tpu.memref_slice %arg2[%dma_wait3A_545, %mul3A_2] : memref<4000x16384xf32, #tpu.memory_space<hbm>> -> memref<24x512xf32, #tpu.memory_space<hbm>>
      %dma_wait3A_547 = arith.constant 0 : i32
      %dma_wait3A_548 = arith.constant 0 : i32
      %dma_wait3A_549 = tpu.memref_slice %arg6[%dma_wait3A_537, %dma_wait3A_547, %dma_wait3A_548] : memref<2x96x512xf32, #tpu.memory_space<vmem>> -> memref<1x96x512xf32, #tpu.memory_space<vmem>>
      %dma_wait3A_550 = tpu.memref_squeeze %dma_wait3A_549 : memref<1x96x512xf32, #tpu.memory_space<vmem>> -> memref<96x512xf32, #tpu.memory_space<vmem>>
      %dma_wait3A_551 = arith.constant 0 : i32
      %dma_wait3A_552 = arith.constant 0 : i32
      %dma_wait3A_553 = tpu.memref_slice %dma_wait3A_550[%dma_wait3A_551, %dma_wait3A_552] : memref<96x512xf32, #tpu.memory_space<vmem>> -> memref<24x512xf32, #tpu.memory_space<vmem>>
      %dma_wait3A_554 = arith.constant 0 : i32
      %dma_wait3A_555 = tpu.memref_slice %arg2[%dma_wait3A_554, %mul3A_2] : memref<4000x16384xf32, #tpu.memory_space<hbm>> -> memref<24x512xf32, #tpu.memory_space<hbm>>
      tpu.wait_dma2 semaphore(%arg8 : memref<!tpu.dma_semaphore, #tpu.memory_space<semaphore_mem>>) src(%dma_wait3A_555 : memref<24x512xf32, #tpu.memory_space<hbm>>) dst(%dma_wait3A_553 : memref<24x512xf32, #tpu.memory_space<vmem>>)
      %dma_wait3A_556 = arith.constant 0 : i32
      %dma_wait3A_557 = arith.constant 0 : i32
      %dma_wait3A_558 = arith.constant 0 : i32
      %dma_wait3A_559 = tpu.memref_slice %arg6[%dma_wait3A_556, %dma_wait3A_557, %dma_wait3A_558] : memref<2x96x512xf32, #tpu.memory_space<vmem>> -> memref<1x96x512xf32, #tpu.memory_space<vmem>>
      %dma_wait3A_560 = tpu.memref_squeeze %dma_wait3A_559 : memref<1x96x512xf32, #tpu.memory_space<vmem>> -> memref<96x512xf32, #tpu.memory_space<vmem>>
      %dma_wait3A_561 = arith.constant 0 : i32
      %dma_wait3A_562 = arith.constant 0 : i32
      %dma_wait3A_563 = tpu.memref_slice %dma_wait3A_560[%dma_wait3A_561, %dma_wait3A_562] : memref<96x512xf32, #tpu.memory_space<vmem>> -> memref<24x512xf32, #tpu.memory_space<vmem>>
      %dma_wait3A_564 = arith.constant 0 : i32
      %dma_wait3A_565 = tpu.memref_slice %arg2[%dma_wait3A_564, %mul3A_2] : memref<4000x16384xf32, #tpu.memory_space<hbm>> -> memref<24x512xf32, #tpu.memory_space<hbm>>
      %dma_wait3A_566 = arith.constant 0 : i32
      %dma_wait3A_567 = arith.constant 0 : i32
      %dma_wait3A_568 = tpu.memref_slice %arg6[%dma_wait3A_556, %dma_wait3A_566, %dma_wait3A_567] : memref<2x96x512xf32, #tpu.memory_space<vmem>> -> memref<1x96x512xf32, #tpu.memory_space<vmem>>
      %dma_wait3A_569 = tpu.memref_squeeze %dma_wait3A_568 : memref<1x96x512xf32, #tpu.memory_space<vmem>> -> memref<96x512xf32, #tpu.memory_space<vmem>>
      %dma_wait3A_570 = arith.constant 0 : i32
      %dma_wait3A_571 = arith.constant 0 : i32
      %dma_wait3A_572 = tpu.memref_slice %dma_wait3A_569[%dma_wait3A_570, %dma_wait3A_571] : memref<96x512xf32, #tpu.memory_space<vmem>> -> memref<24x512xf32, #tpu.memory_space<vmem>>
      %dma_wait3A_573 = arith.constant 0 : i32
      %dma_wait3A_574 = tpu.memref_slice %arg2[%dma_wait3A_573, %mul3A_2] : memref<4000x16384xf32, #tpu.memory_space<hbm>> -> memref<24x512xf32, #tpu.memory_space<hbm>>
      tpu.wait_dma2 semaphore(%arg8 : memref<!tpu.dma_semaphore, #tpu.memory_space<semaphore_mem>>) src(%dma_wait3A_574 : memref<24x512xf32, #tpu.memory_space<hbm>>) dst(%dma_wait3A_572 : memref<24x512xf32, #tpu.memory_space<vmem>>)
      %gt3A = arith.constant 0 : i32
      %gt3A_575 = arith.cmpi sgt, %scan3A_415, %gt3A : i32
      %convert_element_type3A = arith.extui %gt3A_575 : i1 to i32
      %cond3A = arith.constant 0 : i32
      %cond3A_576 = arith.cmpi ne, %convert_element_type3A, %cond3A : i32
      scf.if %cond3A_576 {
        %dma_wait3A_707 = arith.constant 0 : i32
        %dma_wait3A_708 = arith.constant 0 : i32
        %dma_wait3A_709 = arith.constant 0 : i32
        %dma_wait3A_710 = tpu.memref_slice %arg7[%dma_wait3A_707, %dma_wait3A_708, %dma_wait3A_709] : memref<2x24x512xf32, #tpu.memory_space<vmem>> -> memref<1x24x512xf32, #tpu.memory_space<vmem>>
        %dma_wait3A_711 = tpu.memref_squeeze %dma_wait3A_710 : memref<1x24x512xf32, #tpu.memory_space<vmem>> -> memref<24x512xf32, #tpu.memory_space<vmem>>
        %dma_wait3A_712 = arith.constant 0 : i32
        %dma_wait3A_713 = tpu.memref_slice %arg4[%dma_wait3A_712, %mul3A_2] : memref<1000x16384xf32, #tpu.memory_space<hbm>> -> memref<24x512xf32, #tpu.memory_space<hbm>>
        %dma_wait3A_714 = arith.constant 0 : i32
        %dma_wait3A_715 = tpu.memref_slice %arg4[%dma_wait3A_714, %mul3A_2] : memref<1000x16384xf32, #tpu.memory_space<hbm>> -> memref<24x512xf32, #tpu.memory_space<hbm>>
        %dma_wait3A_716 = arith.constant 0 : i32
        %dma_wait3A_717 = arith.constant 0 : i32
        %dma_wait3A_718 = tpu.memref_slice %arg7[%dma_wait3A_707, %dma_wait3A_716, %dma_wait3A_717] : memref<2x24x512xf32, #tpu.memory_space<vmem>> -> memref<1x24x512xf32, #tpu.memory_space<vmem>>
        %dma_wait3A_719 = tpu.memref_squeeze %dma_wait3A_718 : memref<1x24x512xf32, #tpu.memory_space<vmem>> -> memref<24x512xf32, #tpu.memory_space<vmem>>
        tpu.wait_dma2 semaphore(%arg10 : memref<!tpu.dma_semaphore, #tpu.memory_space<semaphore_mem>>) src(%dma_wait3A_719 : memref<24x512xf32, #tpu.memory_space<vmem>>) dst(%dma_wait3A_715 : memref<24x512xf32, #tpu.memory_space<hbm>>)
      } else {
      }
      %scan3A_577 = arith.constant 0 : i32
      %scan3A_578 = arith.constant 0 : i32
      %scan3A_579 = arith.constant 32 : i32
      %scan3A_580 = arith.addi %scan3A_578, %scan3A_579 : i32
      %scan3A_581 = arith.constant 1 : i32
      %scan3A_582 = scf.for %scan3A_707 = %scan3A_578 to %scan3A_580 step %scan3A_581 iter_args(%scan3A_708 = %scan3A_577) -> (i32)  : i32 {
        %mul3A_709 = arith.constant 16 : i32
        %mul3A_710 = arith.muli %scan3A_707, %mul3A_709 : i32
        %get3A = arith.index_cast %mul3A_710 : i32 to index
        %get3A_711 = tpu.vector_load %arg5[%get3A] {strides = array<i32>} : memref<512xi32, #tpu.memory_space<vmem>>, vector<16xi32>,
        %get3A_712 = vector.shape_cast %get3A_711 : vector<16xi32> to vector<16xi32>
        %eq3A = arith.constant 1 : i32
        %eq3A_713 = vector.broadcast %eq3A : i32 to vector<16xi32>
        %eq3A_714 = arith.cmpi eq, %get3A_712, %eq3A_713 : vector<16xi32>
        %eq3A_715 = arith.constant 2 : i32
        %eq3A_716 = vector.broadcast %eq3A_715 : i32 to vector<16xi32>
        %eq3A_717 = arith.cmpi eq, %get3A_712, %eq3A_716 : vector<16xi32>
        %eq3A_718 = arith.constant 3 : i32
        %eq3A_719 = vector.broadcast %eq3A_718 : i32 to vector<16xi32>
        %eq3A_720 = arith.cmpi eq, %get3A_712, %eq3A_719 : vector<16xi32>
        %mul3A_721 = arith.constant 16 : i32
        %mul3A_722 = arith.muli %scan3A_707, %mul3A_721 : i32
        %get3A_723 = arith.constant 0 : i32
        %get3A_724 = arith.constant 0 : i32
        %get3A_725 = arith.index_cast %get3A_723 : i32 to index
        %get3A_726 = arith.index_cast %get3A_724 : i32 to index
        %get3A_727 = arith.index_cast %mul3A_722 : i32 to index
        %get3A_728 = tpu.vector_load %arg6[%get3A_725, %get3A_726, %get3A_727] {strides = array<i32>} : memref<2x96x512xf32, #tpu.memory_space<vmem>>, vector<1x1x16xf32>,
        %get3A_729 = vector.shape_cast %get3A_728 : vector<1x1x16xf32> to vector<16xf32>
        %mul3A_730 = arith.constant 16 : i32
        %mul3A_731 = arith.muli %scan3A_707, %mul3A_730 : i32
        %get3A_732 = arith.constant 0 : i32
        %get3A_733 = arith.constant 24 : i32
        %get3A_734 = arith.index_cast %get3A_732 : i32 to index
        %get3A_735 = arith.index_cast %get3A_733 : i32 to index
        %get3A_736 = arith.index_cast %mul3A_731 : i32 to index
        %get3A_737 = tpu.vector_load %arg6[%get3A_734, %get3A_735, %get3A_736] {strides = array<i32>} : memref<2x96x512xf32, #tpu.memory_space<vmem>>, vector<1x1x16xf32>,
        %get3A_738 = vector.shape_cast %get3A_737 : vector<1x1x16xf32> to vector<16xf32>
        %select_n3A = arith.select %eq3A_714, %get3A_738, %get3A_729 : vector<16xi1>, vector<16xf32>
        %mul3A_739 = arith.constant 16 : i32
        %mul3A_740 = arith.muli %scan3A_707, %mul3A_739 : i32
        %get3A_741 = arith.constant 0 : i32
        %get3A_742 = arith.constant 48 : i32
        %get3A_743 = arith.index_cast %get3A_741 : i32 to index
        %get3A_744 = arith.index_cast %get3A_742 : i32 to index
        %get3A_745 = arith.index_cast %mul3A_740 : i32 to index
        %get3A_746 = tpu.vector_load %arg6[%get3A_743, %get3A_744, %get3A_745] {strides = array<i32>} : memref<2x96x512xf32, #tpu.memory_space<vmem>>, vector<1x1x16xf32>,
        %get3A_747 = vector.shape_cast %get3A_746 : vector<1x1x16xf32> to vector<16xf32>
        %select_n3A_748 = arith.select %eq3A_717, %get3A_747, %select_n3A : vector<16xi1>, vector<16xf32>
        %mul3A_749 = arith.constant 16 : i32
        %mul3A_750 = arith.muli %scan3A_707, %mul3A_749 : i32
        %get3A_751 = arith.constant 0 : i32
        %get3A_752 = arith.constant 72 : i32
        %get3A_753 = arith.index_cast %get3A_751 : i32 to index
        %get3A_754 = arith.index_cast %get3A_752 : i32 to index
        %get3A_755 = arith.index_cast %mul3A_750 : i32 to index
        %get3A_756 = tpu.vector_load %arg6[%get3A_753, %get3A_754, %get3A_755] {strides = array<i32>} : memref<2x96x512xf32, #tpu.memory_space<vmem>>, vector<1x1x16xf32>,
        %get3A_757 = vector.shape_cast %get3A_756 : vector<1x1x16xf32> to vector<16xf32>
        %select_n3A_758 = arith.select %eq3A_720, %get3A_757, %select_n3A_748 : vector<16xi1>, vector<16xf32>
        %mul3A_759 = arith.constant 16 : i32
        %mul3A_760 = arith.muli %scan3A_707, %mul3A_759 : i32
        %swap3A = arith.constant 0 : i32
        %swap3A_761 = arith.constant 0 : i32
        %swap3A_762 = arith.index_cast %swap3A : i32 to index
        %swap3A_763 = arith.index_cast %swap3A_761 : i32 to index
        %swap3A_764 = arith.index_cast %mul3A_760 : i32 to index
        %swap3A_765 = tpu.vector_load %arg7[%swap3A_762, %swap3A_763, %swap3A_764] {strides = array<i32>} : memref<2x24x512xf32, #tpu.memory_space<vmem>>, vector<1x1x16xf32>,
        %swap3A_766 = vector.shape_cast %swap3A_765 : vector<1x1x16xf32> to vector<16xf32>
        %swap3A_767 = vector.shape_cast %select_n3A_758 : vector<16xf32> to vector<1x1x16xf32>
        tpu.vector_store %arg7[%swap3A_762, %swap3A_763, %swap3A_764], %swap3A_767 {strides = array<i32>} : memref<2x24x512xf32, #tpu.memory_space<vmem>>, vector<1x1x16xf32>,
        %mul3A_768 = arith.constant 16 : i32
        %mul3A_769 = arith.muli %scan3A_707, %mul3A_768 : i32
        %get3A_770 = arith.constant 0 : i32
        %get3A_771 = arith.constant 1 : i32
        %get3A_772 = arith.index_cast %get3A_770 : i32 to index
        %get3A_773 = arith.index_cast %get3A_771 : i32 to index
        %get3A_774 = arith.index_cast %mul3A_769 : i32 to index
        %get3A_775 = tpu.vector_load %arg6[%get3A_772, %get3A_773, %get3A_774] {strides = array<i32>} : memref<2x96x512xf32, #tpu.memory_space<vmem>>, vector<1x1x16xf32>,
        %get3A_776 = vector.shape_cast %get3A_775 : vector<1x1x16xf32> to vector<16xf32>
        %mul3A_777 = arith.constant 16 : i32
        %mul3A_778 = arith.muli %scan3A_707, %mul3A_777 : i32
        %get3A_779 = arith.constant 0 : i32
        %get3A_780 = arith.constant 25 : i32
        %get3A_781 = arith.index_cast %get3A_779 : i32 to index
        %get3A_782 = arith.index_cast %get3A_780 : i32 to index
        %get3A_783 = arith.index_cast %mul3A_778 : i32 to index
        %get3A_784 = tpu.vector_load %arg6[%get3A_781, %get3A_782, %get3A_783] {strides = array<i32>} : memref<2x96x512xf32, #tpu.memory_space<vmem>>, vector<1x1x16xf32>,
        %get3A_785 = vector.shape_cast %get3A_784 : vector<1x1x16xf32> to vector<16xf32>
        %select_n3A_786 = arith.select %eq3A_714, %get3A_785, %get3A_776 : vector<16xi1>, vector<16xf32>
        %mul3A_787 = arith.constant 16 : i32
        %mul3A_788 = arith.muli %scan3A_707, %mul3A_787 : i32
        %get3A_789 = arith.constant 0 : i32
        %get3A_790 = arith.constant 49 : i32
        %get3A_791 = arith.index_cast %get3A_789 : i32 to index
        %get3A_792 = arith.index_cast %get3A_790 : i32 to index
        %get3A_793 = arith.index_cast %mul3A_788 : i32 to index
        %get3A_794 = tpu.vector_load %arg6[%get3A_791, %get3A_792, %get3A_793] {strides = array<i32>} : memref<2x96x512xf32, #tpu.memory_space<vmem>>, vector<1x1x16xf32>,
        %get3A_795 = vector.shape_cast %get3A_794 : vector<1x1x16xf32> to vector<16xf32>
        %select_n3A_796 = arith.select %eq3A_717, %get3A_795, %select_n3A_786 : vector<16xi1>, vector<16xf32>
        %mul3A_797 = arith.constant 16 : i32
        %mul3A_798 = arith.muli %scan3A_707, %mul3A_797 : i32
        %get3A_799 = arith.constant 0 : i32
        %get3A_800 = arith.constant 73 : i32
        %get3A_801 = arith.index_cast %get3A_799 : i32 to index
        %get3A_802 = arith.index_cast %get3A_800 : i32 to index
        %get3A_803 = arith.index_cast %mul3A_798 : i32 to index
        %get3A_804 = tpu.vector_load %arg6[%get3A_801, %get3A_802, %get3A_803] {strides = array<i32>} : memref<2x96x512xf32, #tpu.memory_space<vmem>>, vector<1x1x16xf32>,
        %get3A_805 = vector.shape_cast %get3A_804 : vector<1x1x16xf32> to vector<16xf32>
        %select_n3A_806 = arith.select %eq3A_720, %get3A_805, %select_n3A_796 : vector<16xi1>, vector<16xf32>
        %mul3A_807 = arith.constant 16 : i32
        %mul3A_808 = arith.muli %scan3A_707, %mul3A_807 : i32
        %swap3A_809 = arith.constant 0 : i32
        %swap3A_810 = arith.constant 1 : i32
        %swap3A_811 = arith.index_cast %swap3A_809 : i32 to index
        %swap3A_812 = arith.index_cast %swap3A_810 : i32 to index
        %swap3A_813 = arith.index_cast %mul3A_808 : i32 to index
        %swap3A_814 = tpu.vector_load %arg7[%swap3A_811, %swap3A_812, %swap3A_813] {strides = array<i32>} : memref<2x24x512xf32, #tpu.memory_space<vmem>>, vector<1x1x16xf32>,
        %swap3A_815 = vector.shape_cast %swap3A_814 : vector<1x1x16xf32> to vector<16xf32>
        %swap3A_816 = vector.shape_cast %select_n3A_806 : vector<16xf32> to vector<1x1x16xf32>
        tpu.vector_store %arg7[%swap3A_811, %swap3A_812, %swap3A_813], %swap3A_816 {strides = array<i32>} : memref<2x24x512xf32, #tpu.memory_space<vmem>>, vector<1x1x16xf32>,
        %mul3A_817 = arith.constant 16 : i32
        %mul3A_818 = arith.muli %scan3A_707, %mul3A_817 : i32
        %get3A_819 = arith.constant 0 : i32
        %get3A_820 = arith.constant 2 : i32
        %get3A_821 = arith.index_cast %get3A_819 : i32 to index
        %get3A_822 = arith.index_cast %get3A_820 : i32 to index
        %get3A_823 = arith.index_cast %mul3A_818 : i32 to index
        %get3A_824 = tpu.vector_load %arg6[%get3A_821, %get3A_822, %get3A_823] {strides = array<i32>} : memref<2x96x512xf32, #tpu.memory_space<vmem>>, vector<1x1x16xf32>,
        %get3A_825 = vector.shape_cast %get3A_824 : vector<1x1x16xf32> to vector<16xf32>
        %mul3A_826 = arith.constant 16 : i32
        %mul3A_827 = arith.muli %scan3A_707, %mul3A_826 : i32
        %get3A_828 = arith.constant 0 : i32
        %get3A_829 = arith.constant 26 : i32
        %get3A_830 = arith.index_cast %get3A_828 : i32 to index
        %get3A_831 = arith.index_cast %get3A_829 : i32 to index
        %get3A_832 = arith.index_cast %mul3A_827 : i32 to index
        %get3A_833 = tpu.vector_load %arg6[%get3A_830, %get3A_831, %get3A_832] {strides = array<i32>} : memref<2x96x512xf32, #tpu.memory_space<vmem>>, vector<1x1x16xf32>,
        %get3A_834 = vector.shape_cast %get3A_833 : vector<1x1x16xf32> to vector<16xf32>
        %select_n3A_835 = arith.select %eq3A_714, %get3A_834, %get3A_825 : vector<16xi1>, vector<16xf32>
        %mul3A_836 = arith.constant 16 : i32
        %mul3A_837 = arith.muli %scan3A_707, %mul3A_836 : i32
        %get3A_838 = arith.constant 0 : i32
        %get3A_839 = arith.constant 50 : i32
        %get3A_840 = arith.index_cast %get3A_838 : i32 to index
        %get3A_841 = arith.index_cast %get3A_839 : i32 to index
        %get3A_842 = arith.index_cast %mul3A_837 : i32 to index
        %get3A_843 = tpu.vector_load %arg6[%get3A_840, %get3A_841, %get3A_842] {strides = array<i32>} : memref<2x96x512xf32, #tpu.memory_space<vmem>>, vector<1x1x16xf32>,
        %get3A_844 = vector.shape_cast %get3A_843 : vector<1x1x16xf32> to vector<16xf32>
        %select_n3A_845 = arith.select %eq3A_717, %get3A_844, %select_n3A_835 : vector<16xi1>, vector<16xf32>
        %mul3A_846 = arith.constant 16 : i32
        %mul3A_847 = arith.muli %scan3A_707, %mul3A_846 : i32
        %get3A_848 = arith.constant 0 : i32
        %get3A_849 = arith.constant 74 : i32
        %get3A_850 = arith.index_cast %get3A_848 : i32 to index
        %get3A_851 = arith.index_cast %get3A_849 : i32 to index
        %get3A_852 = arith.index_cast %mul3A_847 : i32 to index
        %get3A_853 = tpu.vector_load %arg6[%get3A_850, %get3A_851, %get3A_852] {strides = array<i32>} : memref<2x96x512xf32, #tpu.memory_space<vmem>>, vector<1x1x16xf32>,
        %get3A_854 = vector.shape_cast %get3A_853 : vector<1x1x16xf32> to vector<16xf32>
        %select_n3A_855 = arith.select %eq3A_720, %get3A_854, %select_n3A_845 : vector<16xi1>, vector<16xf32>
        %mul3A_856 = arith.constant 16 : i32
        %mul3A_857 = arith.muli %scan3A_707, %mul3A_856 : i32
        %swap3A_858 = arith.constant 0 : i32
        %swap3A_859 = arith.constant 2 : i32
        %swap3A_860 = arith.index_cast %swap3A_858 : i32 to index
        %swap3A_861 = arith.index_cast %swap3A_859 : i32 to index
        %swap3A_862 = arith.index_cast %mul3A_857 : i32 to index
        %swap3A_863 = tpu.vector_load %arg7[%swap3A_860, %swap3A_861, %swap3A_862] {strides = array<i32>} : memref<2x24x512xf32, #tpu.memory_space<vmem>>, vector<1x1x16xf32>,
        %swap3A_864 = vector.shape_cast %swap3A_863 : vector<1x1x16xf32> to vector<16xf32>
        %swap3A_865 = vector.shape_cast %select_n3A_855 : vector<16xf32> to vector<1x1x16xf32>
        tpu.vector_store %arg7[%swap3A_860, %swap3A_861, %swap3A_862], %swap3A_865 {strides = array<i32>} : memref<2x24x512xf32, #tpu.memory_space<vmem>>, vector<1x1x16xf32>,
        %mul3A_866 = arith.constant 16 : i32
        %mul3A_867 = arith.muli %scan3A_707, %mul3A_866 : i32
        %get3A_868 = arith.constant 0 : i32
        %get3A_869 = arith.constant 3 : i32
        %get3A_870 = arith.index_cast %get3A_868 : i32 to index
        %get3A_871 = arith.index_cast %get3A_869 : i32 to index
        %get3A_872 = arith.index_cast %mul3A_867 : i32 to index
        %get3A_873 = tpu.vector_load %arg6[%get3A_870, %get3A_871, %get3A_872] {strides = array<i32>} : memref<2x96x512xf32, #tpu.memory_space<vmem>>, vector<1x1x16xf32>,
        %get3A_874 = vector.shape_cast %get3A_873 : vector<1x1x16xf32> to vector<16xf32>
        %mul3A_875 = arith.constant 16 : i32
        %mul3A_876 = arith.muli %scan3A_707, %mul3A_875 : i32
        %get3A_877 = arith.constant 0 : i32
        %get3A_878 = arith.constant 27 : i32
        %get3A_879 = arith.index_cast %get3A_877 : i32 to index
        %get3A_880 = arith.index_cast %get3A_878 : i32 to index
        %get3A_881 = arith.index_cast %mul3A_876 : i32 to index
        %get3A_882 = tpu.vector_load %arg6[%get3A_879, %get3A_880, %get3A_881] {strides = array<i32>} : memref<2x96x512xf32, #tpu.memory_space<vmem>>, vector<1x1x16xf32>,
        %get3A_883 = vector.shape_cast %get3A_882 : vector<1x1x16xf32> to vector<16xf32>
        %select_n3A_884 = arith.select %eq3A_714, %get3A_883, %get3A_874 : vector<16xi1>, vector<16xf32>
        %mul3A_885 = arith.constant 16 : i32
        %mul3A_886 = arith.muli %scan3A_707, %mul3A_885 : i32
        %get3A_887 = arith.constant 0 : i32
        %get3A_888 = arith.constant 51 : i32
        %get3A_889 = arith.index_cast %get3A_887 : i32 to index
        %get3A_890 = arith.index_cast %get3A_888 : i32 to index
        %get3A_891 = arith.index_cast %mul3A_886 : i32 to index
        %get3A_892 = tpu.vector_load %arg6[%get3A_889, %get3A_890, %get3A_891] {strides = array<i32>} : memref<2x96x512xf32, #tpu.memory_space<vmem>>, vector<1x1x16xf32>,
        %get3A_893 = vector.shape_cast %get3A_892 : vector<1x1x16xf32> to vector<16xf32>
        %select_n3A_894 = arith.select %eq3A_717, %get3A_893, %select_n3A_884 : vector<16xi1>, vector<16xf32>
        %mul3A_895 = arith.constant 16 : i32
        %mul3A_896 = arith.muli %scan3A_707, %mul3A_895 : i32
        %get3A_897 = arith.constant 0 : i32
        %get3A_898 = arith.constant 75 : i32
        %get3A_899 = arith.index_cast %get3A_897 : i32 to index
        %get3A_900 = arith.index_cast %get3A_898 : i32 to index
        %get3A_901 = arith.index_cast %mul3A_896 : i32 to index
        %get3A_902 = tpu.vector_load %arg6[%get3A_899, %get3A_900, %get3A_901] {strides = array<i32>} : memref<2x96x512xf32, #tpu.memory_space<vmem>>, vector<1x1x16xf32>,
        %get3A_903 = vector.shape_cast %get3A_902 : vector<1x1x16xf32> to vector<16xf32>
        %select_n3A_904 = arith.select %eq3A_720, %get3A_903, %select_n3A_894 : vector<16xi1>, vector<16xf32>
        %mul3A_905 = arith.constant 16 : i32
        %mul3A_906 = arith.muli %scan3A_707, %mul3A_905 : i32
        %swap3A_907 = arith.constant 0 : i32
        %swap3A_908 = arith.constant 3 : i32
        %swap3A_909 = arith.index_cast %swap3A_907 : i32 to index
        %swap3A_910 = arith.index_cast %swap3A_908 : i32 to index
        %swap3A_911 = arith.index_cast %mul3A_906 : i32 to index
        %swap3A_912 = tpu.vector_load %arg7[%swap3A_909, %swap3A_910, %swap3A_911] {strides = array<i32>} : memref<2x24x512xf32, #tpu.memory_space<vmem>>, vector<1x1x16xf32>,
        %swap3A_913 = vector.shape_cast %swap3A_912 : vector<1x1x16xf32> to vector<16xf32>
        %swap3A_914 = vector.shape_cast %select_n3A_904 : vector<16xf32> to vector<1x1x16xf32>
        tpu.vector_store %arg7[%swap3A_909, %swap3A_910, %swap3A_911], %swap3A_914 {strides = array<i32>} : memref<2x24x512xf32, #tpu.memory_space<vmem>>, vector<1x1x16xf32>,
        %mul3A_915 = arith.constant 16 : i32
        %mul3A_916 = arith.muli %scan3A_707, %mul3A_915 : i32
        %get3A_917 = arith.constant 0 : i32
        %get3A_918 = arith.constant 4 : i32
        %get3A_919 = arith.index_cast %get3A_917 : i32 to index
        %get3A_920 = arith.index_cast %get3A_918 : i32 to index
        %get3A_921 = arith.index_cast %mul3A_916 : i32 to index
        %get3A_922 = tpu.vector_load %arg6[%get3A_919, %get3A_920, %get3A_921] {strides = array<i32>} : memref<2x96x512xf32, #tpu.memory_space<vmem>>, vector<1x1x16xf32>,
        %get3A_923 = vector.shape_cast %get3A_922 : vector<1x1x16xf32> to vector<16xf32>
        %mul3A_924 = arith.constant 16 : i32
        %mul3A_925 = arith.muli %scan3A_707, %mul3A_924 : i32
        %get3A_926 = arith.constant 0 : i32
        %get3A_927 = arith.constant 28 : i32
        %get3A_928 = arith.index_cast %get3A_926 : i32 to index
        %get3A_929 = arith.index_cast %get3A_927 : i32 to index
        %get3A_930 = arith.index_cast %mul3A_925 : i32 to index
        %get3A_931 = tpu.vector_load %arg6[%get3A_928, %get3A_929, %get3A_930] {strides = array<i32>} : memref<2x96x512xf32, #tpu.memory_space<vmem>>, vector<1x1x16xf32>,
        %get3A_932 = vector.shape_cast %get3A_931 : vector<1x1x16xf32> to vector<16xf32>
        %select_n3A_933 = arith.select %eq3A_714, %get3A_932, %get3A_923 : vector<16xi1>, vector<16xf32>
        %mul3A_934 = arith.constant 16 : i32
        %mul3A_935 = arith.muli %scan3A_707, %mul3A_934 : i32
        %get3A_936 = arith.constant 0 : i32
        %get3A_937 = arith.constant 52 : i32
        %get3A_938 = arith.index_cast %get3A_936 : i32 to index
        %get3A_939 = arith.index_cast %get3A_937 : i32 to index
        %get3A_940 = arith.index_cast %mul3A_935 : i32 to index
        %get3A_941 = tpu.vector_load %arg6[%get3A_938, %get3A_939, %get3A_940] {strides = array<i32>} : memref<2x96x512xf32, #tpu.memory_space<vmem>>, vector<1x1x16xf32>,
        %get3A_942 = vector.shape_cast %get3A_941 : vector<1x1x16xf32> to vector<16xf32>
        %select_n3A_943 = arith.select %eq3A_717, %get3A_942, %select_n3A_933 : vector<16xi1>, vector<16xf32>
        %mul3A_944 = arith.constant 16 : i32
        %mul3A_945 = arith.muli %scan3A_707, %mul3A_944 : i32
        %get3A_946 = arith.constant 0 : i32
        %get3A_947 = arith.constant 76 : i32
        %get3A_948 = arith.index_cast %get3A_946 : i32 to index
        %get3A_949 = arith.index_cast %get3A_947 : i32 to index
        %get3A_950 = arith.index_cast %mul3A_945 : i32 to index
        %get3A_951 = tpu.vector_load %arg6[%get3A_948, %get3A_949, %get3A_950] {strides = array<i32>} : memref<2x96x512xf32, #tpu.memory_space<vmem>>, vector<1x1x16xf32>,
        %get3A_952 = vector.shape_cast %get3A_951 : vector<1x1x16xf32> to vector<16xf32>
        %select_n3A_953 = arith.select %eq3A_720, %get3A_952, %select_n3A_943 : vector<16xi1>, vector<16xf32>
        %mul3A_954 = arith.constant 16 : i32
        %mul3A_955 = arith.muli %scan3A_707, %mul3A_954 : i32
        %swap3A_956 = arith.constant 0 : i32
        %swap3A_957 = arith.constant 4 : i32
        %swap3A_958 = arith.index_cast %swap3A_956 : i32 to index
        %swap3A_959 = arith.index_cast %swap3A_957 : i32 to index
        %swap3A_960 = arith.index_cast %mul3A_955 : i32 to index
        %swap3A_961 = tpu.vector_load %arg7[%swap3A_958, %swap3A_959, %swap3A_960] {strides = array<i32>} : memref<2x24x512xf32, #tpu.memory_space<vmem>>, vector<1x1x16xf32>,
        %swap3A_962 = vector.shape_cast %swap3A_961 : vector<1x1x16xf32> to vector<16xf32>
        %swap3A_963 = vector.shape_cast %select_n3A_953 : vector<16xf32> to vector<1x1x16xf32>
        tpu.vector_store %arg7[%swap3A_958, %swap3A_959, %swap3A_960], %swap3A_963 {strides = array<i32>} : memref<2x24x512xf32, #tpu.memory_space<vmem>>, vector<1x1x16xf32>,
        %mul3A_964 = arith.constant 16 : i32
        %mul3A_965 = arith.muli %scan3A_707, %mul3A_964 : i32
        %get3A_966 = arith.constant 0 : i32
        %get3A_967 = arith.constant 5 : i32
        %get3A_968 = arith.index_cast %get3A_966 : i32 to index
        %get3A_969 = arith.index_cast %get3A_967 : i32 to index
        %get3A_970 = arith.index_cast %mul3A_965 : i32 to index
        %get3A_971 = tpu.vector_load %arg6[%get3A_968, %get3A_969, %get3A_970] {strides = array<i32>} : memref<2x96x512xf32, #tpu.memory_space<vmem>>, vector<1x1x16xf32>,
        %get3A_972 = vector.shape_cast %get3A_971 : vector<1x1x16xf32> to vector<16xf32>
        %mul3A_973 = arith.constant 16 : i32
        %mul3A_974 = arith.muli %scan3A_707, %mul3A_973 : i32
        %get3A_975 = arith.constant 0 : i32
        %get3A_976 = arith.constant 29 : i32
        %get3A_977 = arith.index_cast %get3A_975 : i32 to index
        %get3A_978 = arith.index_cast %get3A_976 : i32 to index
        %get3A_979 = arith.index_cast %mul3A_974 : i32 to index
        %get3A_980 = tpu.vector_load %arg6[%get3A_977, %get3A_978, %get3A_979] {strides = array<i32>} : memref<2x96x512xf32, #tpu.memory_space<vmem>>, vector<1x1x16xf32>,
        %get3A_981 = vector.shape_cast %get3A_980 : vector<1x1x16xf32> to vector<16xf32>
        %select_n3A_982 = arith.select %eq3A_714, %get3A_981, %get3A_972 : vector<16xi1>, vector<16xf32>
        %mul3A_983 = arith.constant 16 : i32
        %mul3A_984 = arith.muli %scan3A_707, %mul3A_983 : i32
        %get3A_985 = arith.constant 0 : i32
        %get3A_986 = arith.constant 53 : i32
        %get3A_987 = arith.index_cast %get3A_985 : i32 to index
        %get3A_988 = arith.index_cast %get3A_986 : i32 to index
        %get3A_989 = arith.index_cast %mul3A_984 : i32 to index
        %get3A_990 = tpu.vector_load %arg6[%get3A_987, %get3A_988, %get3A_989] {strides = array<i32>} : memref<2x96x512xf32, #tpu.memory_space<vmem>>, vector<1x1x16xf32>,
        %get3A_991 = vector.shape_cast %get3A_990 : vector<1x1x16xf32> to vector<16xf32>
        %select_n3A_992 = arith.select %eq3A_717, %get3A_991, %select_n3A_982 : vector<16xi1>, vector<16xf32>
        %mul3A_993 = arith.constant 16 : i32
        %mul3A_994 = arith.muli %scan3A_707, %mul3A_993 : i32
        %get3A_995 = arith.constant 0 : i32
        %get3A_996 = arith.constant 77 : i32
        %get3A_997 = arith.index_cast %get3A_995 : i32 to index
        %get3A_998 = arith.index_cast %get3A_996 : i32 to index
        %get3A_999 = arith.index_cast %mul3A_994 : i32 to index
        %get3A_1000 = tpu.vector_load %arg6[%get3A_997, %get3A_998, %get3A_999] {strides = array<i32>} : memref<2x96x512xf32, #tpu.memory_space<vmem>>, vector<1x1x16xf32>,
        %get3A_1001 = vector.shape_cast %get3A_1000 : vector<1x1x16xf32> to vector<16xf32>
        %select_n3A_1002 = arith.select %eq3A_720, %get3A_1001, %select_n3A_992 : vector<16xi1>, vector<16xf32>
        %mul3A_1003 = arith.constant 16 : i32
        %mul3A_1004 = arith.muli %scan3A_707, %mul3A_1003 : i32
        %swap3A_1005 = arith.constant 0 : i32
        %swap3A_1006 = arith.constant 5 : i32
        %swap3A_1007 = arith.index_cast %swap3A_1005 : i32 to index
        %swap3A_1008 = arith.index_cast %swap3A_1006 : i32 to index
        %swap3A_1009 = arith.index_cast %mul3A_1004 : i32 to index
        %swap3A_1010 = tpu.vector_load %arg7[%swap3A_1007, %swap3A_1008, %swap3A_1009] {strides = array<i32>} : memref<2x24x512xf32, #tpu.memory_space<vmem>>, vector<1x1x16xf32>,
        %swap3A_1011 = vector.shape_cast %swap3A_1010 : vector<1x1x16xf32> to vector<16xf32>
        %swap3A_1012 = vector.shape_cast %select_n3A_1002 : vector<16xf32> to vector<1x1x16xf32>
        tpu.vector_store %arg7[%swap3A_1007, %swap3A_1008, %swap3A_1009], %swap3A_1012 {strides = array<i32>} : memref<2x24x512xf32, #tpu.memory_space<vmem>>, vector<1x1x16xf32>,
        %mul3A_1013 = arith.constant 16 : i32
        %mul3A_1014 = arith.muli %scan3A_707, %mul3A_1013 : i32
        %get3A_1015 = arith.constant 0 : i32
        %get3A_1016 = arith.constant 6 : i32
        %get3A_1017 = arith.index_cast %get3A_1015 : i32 to index
        %get3A_1018 = arith.index_cast %get3A_1016 : i32 to index
        %get3A_1019 = arith.index_cast %mul3A_1014 : i32 to index
        %get3A_1020 = tpu.vector_load %arg6[%get3A_1017, %get3A_1018, %get3A_1019] {strides = array<i32>} : memref<2x96x512xf32, #tpu.memory_space<vmem>>, vector<1x1x16xf32>,
        %get3A_1021 = vector.shape_cast %get3A_1020 : vector<1x1x16xf32> to vector<16xf32>
        %mul3A_1022 = arith.constant 16 : i32
        %mul3A_1023 = arith.muli %scan3A_707, %mul3A_1022 : i32
        %get3A_1024 = arith.constant 0 : i32
        %get3A_1025 = arith.constant 30 : i32
        %get3A_1026 = arith.index_cast %get3A_1024 : i32 to index
        %get3A_1027 = arith.index_cast %get3A_1025 : i32 to index
        %get3A_1028 = arith.index_cast %mul3A_1023 : i32 to index
        %get3A_1029 = tpu.vector_load %arg6[%get3A_1026, %get3A_1027, %get3A_1028] {strides = array<i32>} : memref<2x96x512xf32, #tpu.memory_space<vmem>>, vector<1x1x16xf32>,
        %get3A_1030 = vector.shape_cast %get3A_1029 : vector<1x1x16xf32> to vector<16xf32>
        %select_n3A_1031 = arith.select %eq3A_714, %get3A_1030, %get3A_1021 : vector<16xi1>, vector<16xf32>
        %mul3A_1032 = arith.constant 16 : i32
        %mul3A_1033 = arith.muli %scan3A_707, %mul3A_1032 : i32
        %get3A_1034 = arith.constant 0 : i32
        %get3A_1035 = arith.constant 54 : i32
        %get3A_1036 = arith.index_cast %get3A_1034 : i32 to index
        %get3A_1037 = arith.index_cast %get3A_1035 : i32 to index
        %get3A_1038 = arith.index_cast %mul3A_1033 : i32 to index
        %get3A_1039 = tpu.vector_load %arg6[%get3A_1036, %get3A_1037, %get3A_1038] {strides = array<i32>} : memref<2x96x512xf32, #tpu.memory_space<vmem>>, vector<1x1x16xf32>,
        %get3A_1040 = vector.shape_cast %get3A_1039 : vector<1x1x16xf32> to vector<16xf32>
        %select_n3A_1041 = arith.select %eq3A_717, %get3A_1040, %select_n3A_1031 : vector<16xi1>, vector<16xf32>
        %mul3A_1042 = arith.constant 16 : i32
        %mul3A_1043 = arith.muli %scan3A_707, %mul3A_1042 : i32
        %get3A_1044 = arith.constant 0 : i32
        %get3A_1045 = arith.constant 78 : i32
        %get3A_1046 = arith.index_cast %get3A_1044 : i32 to index
        %get3A_1047 = arith.index_cast %get3A_1045 : i32 to index
        %get3A_1048 = arith.index_cast %mul3A_1043 : i32 to index
        %get3A_1049 = tpu.vector_load %arg6[%get3A_1046, %get3A_1047, %get3A_1048] {strides = array<i32>} : memref<2x96x512xf32, #tpu.memory_space<vmem>>, vector<1x1x16xf32>,
        %get3A_1050 = vector.shape_cast %get3A_1049 : vector<1x1x16xf32> to vector<16xf32>
        %select_n3A_1051 = arith.select %eq3A_720, %get3A_1050, %select_n3A_1041 : vector<16xi1>, vector<16xf32>
        %mul3A_1052 = arith.constant 16 : i32
        %mul3A_1053 = arith.muli %scan3A_707, %mul3A_1052 : i32
        %swap3A_1054 = arith.constant 0 : i32
        %swap3A_1055 = arith.constant 6 : i32
        %swap3A_1056 = arith.index_cast %swap3A_1054 : i32 to index
        %swap3A_1057 = arith.index_cast %swap3A_1055 : i32 to index
        %swap3A_1058 = arith.index_cast %mul3A_1053 : i32 to index
        %swap3A_1059 = tpu.vector_load %arg7[%swap3A_1056, %swap3A_1057, %swap3A_1058] {strides = array<i32>} : memref<2x24x512xf32, #tpu.memory_space<vmem>>, vector<1x1x16xf32>,
        %swap3A_1060 = vector.shape_cast %swap3A_1059 : vector<1x1x16xf32> to vector<16xf32>
        %swap3A_1061 = vector.shape_cast %select_n3A_1051 : vector<16xf32> to vector<1x1x16xf32>
        tpu.vector_store %arg7[%swap3A_1056, %swap3A_1057, %swap3A_1058], %swap3A_1061 {strides = array<i32>} : memref<2x24x512xf32, #tpu.memory_space<vmem>>, vector<1x1x16xf32>,
        %mul3A_1062 = arith.constant 16 : i32
        %mul3A_1063 = arith.muli %scan3A_707, %mul3A_1062 : i32
        %get3A_1064 = arith.constant 0 : i32
        %get3A_1065 = arith.constant 7 : i32
        %get3A_1066 = arith.index_cast %get3A_1064 : i32 to index
        %get3A_1067 = arith.index_cast %get3A_1065 : i32 to index
        %get3A_1068 = arith.index_cast %mul3A_1063 : i32 to index
        %get3A_1069 = tpu.vector_load %arg6[%get3A_1066, %get3A_1067, %get3A_1068] {strides = array<i32>} : memref<2x96x512xf32, #tpu.memory_space<vmem>>, vector<1x1x16xf32>,
        %get3A_1070 = vector.shape_cast %get3A_1069 : vector<1x1x16xf32> to vector<16xf32>
        %mul3A_1071 = arith.constant 16 : i32
        %mul3A_1072 = arith.muli %scan3A_707, %mul3A_1071 : i32
        %get3A_1073 = arith.constant 0 : i32
        %get3A_1074 = arith.constant 31 : i32
        %get3A_1075 = arith.index_cast %get3A_1073 : i32 to index
        %get3A_1076 = arith.index_cast %get3A_1074 : i32 to index
        %get3A_1077 = arith.index_cast %mul3A_1072 : i32 to index
        %get3A_1078 = tpu.vector_load %arg6[%get3A_1075, %get3A_1076, %get3A_1077] {strides = array<i32>} : memref<2x96x512xf32, #tpu.memory_space<vmem>>, vector<1x1x16xf32>,
        %get3A_1079 = vector.shape_cast %get3A_1078 : vector<1x1x16xf32> to vector<16xf32>
        %select_n3A_1080 = arith.select %eq3A_714, %get3A_1079, %get3A_1070 : vector<16xi1>, vector<16xf32>
        %mul3A_1081 = arith.constant 16 : i32
        %mul3A_1082 = arith.muli %scan3A_707, %mul3A_1081 : i32
        %get3A_1083 = arith.constant 0 : i32
        %get3A_1084 = arith.constant 55 : i32
        %get3A_1085 = arith.index_cast %get3A_1083 : i32 to index
        %get3A_1086 = arith.index_cast %get3A_1084 : i32 to index
        %get3A_1087 = arith.index_cast %mul3A_1082 : i32 to index
        %get3A_1088 = tpu.vector_load %arg6[%get3A_1085, %get3A_1086, %get3A_1087] {strides = array<i32>} : memref<2x96x512xf32, #tpu.memory_space<vmem>>, vector<1x1x16xf32>,
        %get3A_1089 = vector.shape_cast %get3A_1088 : vector<1x1x16xf32> to vector<16xf32>
        %select_n3A_1090 = arith.select %eq3A_717, %get3A_1089, %select_n3A_1080 : vector<16xi1>, vector<16xf32>
        %mul3A_1091 = arith.constant 16 : i32
        %mul3A_1092 = arith.muli %scan3A_707, %mul3A_1091 : i32
        %get3A_1093 = arith.constant 0 : i32
        %get3A_1094 = arith.constant 79 : i32
        %get3A_1095 = arith.index_cast %get3A_1093 : i32 to index
        %get3A_1096 = arith.index_cast %get3A_1094 : i32 to index
        %get3A_1097 = arith.index_cast %mul3A_1092 : i32 to index
        %get3A_1098 = tpu.vector_load %arg6[%get3A_1095, %get3A_1096, %get3A_1097] {strides = array<i32>} : memref<2x96x512xf32, #tpu.memory_space<vmem>>, vector<1x1x16xf32>,
        %get3A_1099 = vector.shape_cast %get3A_1098 : vector<1x1x16xf32> to vector<16xf32>
        %select_n3A_1100 = arith.select %eq3A_720, %get3A_1099, %select_n3A_1090 : vector<16xi1>, vector<16xf32>
        %mul3A_1101 = arith.constant 16 : i32
        %mul3A_1102 = arith.muli %scan3A_707, %mul3A_1101 : i32
        %swap3A_1103 = arith.constant 0 : i32
        %swap3A_1104 = arith.constant 7 : i32
        %swap3A_1105 = arith.index_cast %swap3A_1103 : i32 to index
        %swap3A_1106 = arith.index_cast %swap3A_1104 : i32 to index
        %swap3A_1107 = arith.index_cast %mul3A_1102 : i32 to index
        %swap3A_1108 = tpu.vector_load %arg7[%swap3A_1105, %swap3A_1106, %swap3A_1107] {strides = array<i32>} : memref<2x24x512xf32, #tpu.memory_space<vmem>>, vector<1x1x16xf32>,
        %swap3A_1109 = vector.shape_cast %swap3A_1108 : vector<1x1x16xf32> to vector<16xf32>
        %swap3A_1110 = vector.shape_cast %select_n3A_1100 : vector<16xf32> to vector<1x1x16xf32>
        tpu.vector_store %arg7[%swap3A_1105, %swap3A_1106, %swap3A_1107], %swap3A_1110 {strides = array<i32>} : memref<2x24x512xf32, #tpu.memory_space<vmem>>, vector<1x1x16xf32>,
        %mul3A_1111 = arith.constant 16 : i32
        %mul3A_1112 = arith.muli %scan3A_707, %mul3A_1111 : i32
        %get3A_1113 = arith.constant 0 : i32
        %get3A_1114 = arith.constant 8 : i32
        %get3A_1115 = arith.index_cast %get3A_1113 : i32 to index
        %get3A_1116 = arith.index_cast %get3A_1114 : i32 to index
        %get3A_1117 = arith.index_cast %mul3A_1112 : i32 to index
        %get3A_1118 = tpu.vector_load %arg6[%get3A_1115, %get3A_1116, %get3A_1117] {strides = array<i32>} : memref<2x96x512xf32, #tpu.memory_space<vmem>>, vector<1x1x16xf32>,
        %get3A_1119 = vector.shape_cast %get3A_1118 : vector<1x1x16xf32> to vector<16xf32>
        %mul3A_1120 = arith.constant 16 : i32
        %mul3A_1121 = arith.muli %scan3A_707, %mul3A_1120 : i32
        %get3A_1122 = arith.constant 0 : i32
        %get3A_1123 = arith.constant 32 : i32
        %get3A_1124 = arith.index_cast %get3A_1122 : i32 to index
        %get3A_1125 = arith.index_cast %get3A_1123 : i32 to index
        %get3A_1126 = arith.index_cast %mul3A_1121 : i32 to index
        %get3A_1127 = tpu.vector_load %arg6[%get3A_1124, %get3A_1125, %get3A_1126] {strides = array<i32>} : memref<2x96x512xf32, #tpu.memory_space<vmem>>, vector<1x1x16xf32>,
        %get3A_1128 = vector.shape_cast %get3A_1127 : vector<1x1x16xf32> to vector<16xf32>
        %select_n3A_1129 = arith.select %eq3A_714, %get3A_1128, %get3A_1119 : vector<16xi1>, vector<16xf32>
        %mul3A_1130 = arith.constant 16 : i32
        %mul3A_1131 = arith.muli %scan3A_707, %mul3A_1130 : i32
        %get3A_1132 = arith.constant 0 : i32
        %get3A_1133 = arith.constant 56 : i32
        %get3A_1134 = arith.index_cast %get3A_1132 : i32 to index
        %get3A_1135 = arith.index_cast %get3A_1133 : i32 to index
        %get3A_1136 = arith.index_cast %mul3A_1131 : i32 to index
        %get3A_1137 = tpu.vector_load %arg6[%get3A_1134, %get3A_1135, %get3A_1136] {strides = array<i32>} : memref<2x96x512xf32, #tpu.memory_space<vmem>>, vector<1x1x16xf32>,
        %get3A_1138 = vector.shape_cast %get3A_1137 : vector<1x1x16xf32> to vector<16xf32>
        %select_n3A_1139 = arith.select %eq3A_717, %get3A_1138, %select_n3A_1129 : vector<16xi1>, vector<16xf32>
        %mul3A_1140 = arith.constant 16 : i32
        %mul3A_1141 = arith.muli %scan3A_707, %mul3A_1140 : i32
        %get3A_1142 = arith.constant 0 : i32
        %get3A_1143 = arith.constant 80 : i32
        %get3A_1144 = arith.index_cast %get3A_1142 : i32 to index
        %get3A_1145 = arith.index_cast %get3A_1143 : i32 to index
        %get3A_1146 = arith.index_cast %mul3A_1141 : i32 to index
        %get3A_1147 = tpu.vector_load %arg6[%get3A_1144, %get3A_1145, %get3A_1146] {strides = array<i32>} : memref<2x96x512xf32, #tpu.memory_space<vmem>>, vector<1x1x16xf32>,
        %get3A_1148 = vector.shape_cast %get3A_1147 : vector<1x1x16xf32> to vector<16xf32>
        %select_n3A_1149 = arith.select %eq3A_720, %get3A_1148, %select_n3A_1139 : vector<16xi1>, vector<16xf32>
        %mul3A_1150 = arith.constant 16 : i32
        %mul3A_1151 = arith.muli %scan3A_707, %mul3A_1150 : i32
        %swap3A_1152 = arith.constant 0 : i32
        %swap3A_1153 = arith.constant 8 : i32
        %swap3A_1154 = arith.index_cast %swap3A_1152 : i32 to index
        %swap3A_1155 = arith.index_cast %swap3A_1153 : i32 to index
        %swap3A_1156 = arith.index_cast %mul3A_1151 : i32 to index
        %swap3A_1157 = tpu.vector_load %arg7[%swap3A_1154, %swap3A_1155, %swap3A_1156] {strides = array<i32>} : memref<2x24x512xf32, #tpu.memory_space<vmem>>, vector<1x1x16xf32>,
        %swap3A_1158 = vector.shape_cast %swap3A_1157 : vector<1x1x16xf32> to vector<16xf32>
        %swap3A_1159 = vector.shape_cast %select_n3A_1149 : vector<16xf32> to vector<1x1x16xf32>
        tpu.vector_store %arg7[%swap3A_1154, %swap3A_1155, %swap3A_1156], %swap3A_1159 {strides = array<i32>} : memref<2x24x512xf32, #tpu.memory_space<vmem>>, vector<1x1x16xf32>,
        %mul3A_1160 = arith.constant 16 : i32
        %mul3A_1161 = arith.muli %scan3A_707, %mul3A_1160 : i32
        %get3A_1162 = arith.constant 0 : i32
        %get3A_1163 = arith.constant 9 : i32
        %get3A_1164 = arith.index_cast %get3A_1162 : i32 to index
        %get3A_1165 = arith.index_cast %get3A_1163 : i32 to index
        %get3A_1166 = arith.index_cast %mul3A_1161 : i32 to index
        %get3A_1167 = tpu.vector_load %arg6[%get3A_1164, %get3A_1165, %get3A_1166] {strides = array<i32>} : memref<2x96x512xf32, #tpu.memory_space<vmem>>, vector<1x1x16xf32>,
        %get3A_1168 = vector.shape_cast %get3A_1167 : vector<1x1x16xf32> to vector<16xf32>
        %mul3A_1169 = arith.constant 16 : i32
        %mul3A_1170 = arith.muli %scan3A_707, %mul3A_1169 : i32
        %get3A_1171 = arith.constant 0 : i32
        %get3A_1172 = arith.constant 33 : i32
        %get3A_1173 = arith.index_cast %get3A_1171 : i32 to index
        %get3A_1174 = arith.index_cast %get3A_1172 : i32 to index
        %get3A_1175 = arith.index_cast %mul3A_1170 : i32 to index
        %get3A_1176 = tpu.vector_load %arg6[%get3A_1173, %get3A_1174, %get3A_1175] {strides = array<i32>} : memref<2x96x512xf32, #tpu.memory_space<vmem>>, vector<1x1x16xf32>,
        %get3A_1177 = vector.shape_cast %get3A_1176 : vector<1x1x16xf32> to vector<16xf32>
        %select_n3A_1178 = arith.select %eq3A_714, %get3A_1177, %get3A_1168 : vector<16xi1>, vector<16xf32>
        %mul3A_1179 = arith.constant 16 : i32
        %mul3A_1180 = arith.muli %scan3A_707, %mul3A_1179 : i32
        %get3A_1181 = arith.constant 0 : i32
        %get3A_1182 = arith.constant 57 : i32
        %get3A_1183 = arith.index_cast %get3A_1181 : i32 to index
        %get3A_1184 = arith.index_cast %get3A_1182 : i32 to index
        %get3A_1185 = arith.index_cast %mul3A_1180 : i32 to index
        %get3A_1186 = tpu.vector_load %arg6[%get3A_1183, %get3A_1184, %get3A_1185] {strides = array<i32>} : memref<2x96x512xf32, #tpu.memory_space<vmem>>, vector<1x1x16xf32>,
        %get3A_1187 = vector.shape_cast %get3A_1186 : vector<1x1x16xf32> to vector<16xf32>
        %select_n3A_1188 = arith.select %eq3A_717, %get3A_1187, %select_n3A_1178 : vector<16xi1>, vector<16xf32>
        %mul3A_1189 = arith.constant 16 : i32
        %mul3A_1190 = arith.muli %scan3A_707, %mul3A_1189 : i32
        %get3A_1191 = arith.constant 0 : i32
        %get3A_1192 = arith.constant 81 : i32
        %get3A_1193 = arith.index_cast %get3A_1191 : i32 to index
        %get3A_1194 = arith.index_cast %get3A_1192 : i32 to index
        %get3A_1195 = arith.index_cast %mul3A_1190 : i32 to index
        %get3A_1196 = tpu.vector_load %arg6[%get3A_1193, %get3A_1194, %get3A_1195] {strides = array<i32>} : memref<2x96x512xf32, #tpu.memory_space<vmem>>, vector<1x1x16xf32>,
        %get3A_1197 = vector.shape_cast %get3A_1196 : vector<1x1x16xf32> to vector<16xf32>
        %select_n3A_1198 = arith.select %eq3A_720, %get3A_1197, %select_n3A_1188 : vector<16xi1>, vector<16xf32>
        %mul3A_1199 = arith.constant 16 : i32
        %mul3A_1200 = arith.muli %scan3A_707, %mul3A_1199 : i32
        %swap3A_1201 = arith.constant 0 : i32
        %swap3A_1202 = arith.constant 9 : i32
        %swap3A_1203 = arith.index_cast %swap3A_1201 : i32 to index
        %swap3A_1204 = arith.index_cast %swap3A_1202 : i32 to index
        %swap3A_1205 = arith.index_cast %mul3A_1200 : i32 to index
        %swap3A_1206 = tpu.vector_load %arg7[%swap3A_1203, %swap3A_1204, %swap3A_1205] {strides = array<i32>} : memref<2x24x512xf32, #tpu.memory_space<vmem>>, vector<1x1x16xf32>,
        %swap3A_1207 = vector.shape_cast %swap3A_1206 : vector<1x1x16xf32> to vector<16xf32>
        %swap3A_1208 = vector.shape_cast %select_n3A_1198 : vector<16xf32> to vector<1x1x16xf32>
        tpu.vector_store %arg7[%swap3A_1203, %swap3A_1204, %swap3A_1205], %swap3A_1208 {strides = array<i32>} : memref<2x24x512xf32, #tpu.memory_space<vmem>>, vector<1x1x16xf32>,
        %mul3A_1209 = arith.constant 16 : i32
        %mul3A_1210 = arith.muli %scan3A_707, %mul3A_1209 : i32
        %get3A_1211 = arith.constant 0 : i32
        %get3A_1212 = arith.constant 10 : i32
        %get3A_1213 = arith.index_cast %get3A_1211 : i32 to index
        %get3A_1214 = arith.index_cast %get3A_1212 : i32 to index
        %get3A_1215 = arith.index_cast %mul3A_1210 : i32 to index
        %get3A_1216 = tpu.vector_load %arg6[%get3A_1213, %get3A_1214, %get3A_1215] {strides = array<i32>} : memref<2x96x512xf32, #tpu.memory_space<vmem>>, vector<1x1x16xf32>,
        %get3A_1217 = vector.shape_cast %get3A_1216 : vector<1x1x16xf32> to vector<16xf32>
        %mul3A_1218 = arith.constant 16 : i32
        %mul3A_1219 = arith.muli %scan3A_707, %mul3A_1218 : i32
        %get3A_1220 = arith.constant 0 : i32
        %get3A_1221 = arith.constant 34 : i32
        %get3A_1222 = arith.index_cast %get3A_1220 : i32 to index
        %get3A_1223 = arith.index_cast %get3A_1221 : i32 to index
        %get3A_1224 = arith.index_cast %mul3A_1219 : i32 to index
        %get3A_1225 = tpu.vector_load %arg6[%get3A_1222, %get3A_1223, %get3A_1224] {strides = array<i32>} : memref<2x96x512xf32, #tpu.memory_space<vmem>>, vector<1x1x16xf32>,
        %get3A_1226 = vector.shape_cast %get3A_1225 : vector<1x1x16xf32> to vector<16xf32>
        %select_n3A_1227 = arith.select %eq3A_714, %get3A_1226, %get3A_1217 : vector<16xi1>, vector<16xf32>
        %mul3A_1228 = arith.constant 16 : i32
        %mul3A_1229 = arith.muli %scan3A_707, %mul3A_1228 : i32
        %get3A_1230 = arith.constant 0 : i32
        %get3A_1231 = arith.constant 58 : i32
        %get3A_1232 = arith.index_cast %get3A_1230 : i32 to index
        %get3A_1233 = arith.index_cast %get3A_1231 : i32 to index
        %get3A_1234 = arith.index_cast %mul3A_1229 : i32 to index
        %get3A_1235 = tpu.vector_load %arg6[%get3A_1232, %get3A_1233, %get3A_1234] {strides = array<i32>} : memref<2x96x512xf32, #tpu.memory_space<vmem>>, vector<1x1x16xf32>,
        %get3A_1236 = vector.shape_cast %get3A_1235 : vector<1x1x16xf32> to vector<16xf32>
        %select_n3A_1237 = arith.select %eq3A_717, %get3A_1236, %select_n3A_1227 : vector<16xi1>, vector<16xf32>
        %mul3A_1238 = arith.constant 16 : i32
        %mul3A_1239 = arith.muli %scan3A_707, %mul3A_1238 : i32
        %get3A_1240 = arith.constant 0 : i32
        %get3A_1241 = arith.constant 82 : i32
        %get3A_1242 = arith.index_cast %get3A_1240 : i32 to index
        %get3A_1243 = arith.index_cast %get3A_1241 : i32 to index
        %get3A_1244 = arith.index_cast %mul3A_1239 : i32 to index
        %get3A_1245 = tpu.vector_load %arg6[%get3A_1242, %get3A_1243, %get3A_1244] {strides = array<i32>} : memref<2x96x512xf32, #tpu.memory_space<vmem>>, vector<1x1x16xf32>,
        %get3A_1246 = vector.shape_cast %get3A_1245 : vector<1x1x16xf32> to vector<16xf32>
        %select_n3A_1247 = arith.select %eq3A_720, %get3A_1246, %select_n3A_1237 : vector<16xi1>, vector<16xf32>
        %mul3A_1248 = arith.constant 16 : i32
        %mul3A_1249 = arith.muli %scan3A_707, %mul3A_1248 : i32
        %swap3A_1250 = arith.constant 0 : i32
        %swap3A_1251 = arith.constant 10 : i32
        %swap3A_1252 = arith.index_cast %swap3A_1250 : i32 to index
        %swap3A_1253 = arith.index_cast %swap3A_1251 : i32 to index
        %swap3A_1254 = arith.index_cast %mul3A_1249 : i32 to index
        %swap3A_1255 = tpu.vector_load %arg7[%swap3A_1252, %swap3A_1253, %swap3A_1254] {strides = array<i32>} : memref<2x24x512xf32, #tpu.memory_space<vmem>>, vector<1x1x16xf32>,
        %swap3A_1256 = vector.shape_cast %swap3A_1255 : vector<1x1x16xf32> to vector<16xf32>
        %swap3A_1257 = vector.shape_cast %select_n3A_1247 : vector<16xf32> to vector<1x1x16xf32>
        tpu.vector_store %arg7[%swap3A_1252, %swap3A_1253, %swap3A_1254], %swap3A_1257 {strides = array<i32>} : memref<2x24x512xf32, #tpu.memory_space<vmem>>, vector<1x1x16xf32>,
        %mul3A_1258 = arith.constant 16 : i32
        %mul3A_1259 = arith.muli %scan3A_707, %mul3A_1258 : i32
        %get3A_1260 = arith.constant 0 : i32
        %get3A_1261 = arith.constant 11 : i32
        %get3A_1262 = arith.index_cast %get3A_1260 : i32 to index
        %get3A_1263 = arith.index_cast %get3A_1261 : i32 to index
        %get3A_1264 = arith.index_cast %mul3A_1259 : i32 to index
        %get3A_1265 = tpu.vector_load %arg6[%get3A_1262, %get3A_1263, %get3A_1264] {strides = array<i32>} : memref<2x96x512xf32, #tpu.memory_space<vmem>>, vector<1x1x16xf32>,
        %get3A_1266 = vector.shape_cast %get3A_1265 : vector<1x1x16xf32> to vector<16xf32>
        %mul3A_1267 = arith.constant 16 : i32
        %mul3A_1268 = arith.muli %scan3A_707, %mul3A_1267 : i32
        %get3A_1269 = arith.constant 0 : i32
        %get3A_1270 = arith.constant 35 : i32
        %get3A_1271 = arith.index_cast %get3A_1269 : i32 to index
        %get3A_1272 = arith.index_cast %get3A_1270 : i32 to index
        %get3A_1273 = arith.index_cast %mul3A_1268 : i32 to index
        %get3A_1274 = tpu.vector_load %arg6[%get3A_1271, %get3A_1272, %get3A_1273] {strides = array<i32>} : memref<2x96x512xf32, #tpu.memory_space<vmem>>, vector<1x1x16xf32>,
        %get3A_1275 = vector.shape_cast %get3A_1274 : vector<1x1x16xf32> to vector<16xf32>
        %select_n3A_1276 = arith.select %eq3A_714, %get3A_1275, %get3A_1266 : vector<16xi1>, vector<16xf32>
        %mul3A_1277 = arith.constant 16 : i32
        %mul3A_1278 = arith.muli %scan3A_707, %mul3A_1277 : i32
        %get3A_1279 = arith.constant 0 : i32
        %get3A_1280 = arith.constant 59 : i32
        %get3A_1281 = arith.index_cast %get3A_1279 : i32 to index
        %get3A_1282 = arith.index_cast %get3A_1280 : i32 to index
        %get3A_1283 = arith.index_cast %mul3A_1278 : i32 to index
        %get3A_1284 = tpu.vector_load %arg6[%get3A_1281, %get3A_1282, %get3A_1283] {strides = array<i32>} : memref<2x96x512xf32, #tpu.memory_space<vmem>>, vector<1x1x16xf32>,
        %get3A_1285 = vector.shape_cast %get3A_1284 : vector<1x1x16xf32> to vector<16xf32>
        %select_n3A_1286 = arith.select %eq3A_717, %get3A_1285, %select_n3A_1276 : vector<16xi1>, vector<16xf32>
        %mul3A_1287 = arith.constant 16 : i32
        %mul3A_1288 = arith.muli %scan3A_707, %mul3A_1287 : i32
        %get3A_1289 = arith.constant 0 : i32
        %get3A_1290 = arith.constant 83 : i32
        %get3A_1291 = arith.index_cast %get3A_1289 : i32 to index
        %get3A_1292 = arith.index_cast %get3A_1290 : i32 to index
        %get3A_1293 = arith.index_cast %mul3A_1288 : i32 to index
        %get3A_1294 = tpu.vector_load %arg6[%get3A_1291, %get3A_1292, %get3A_1293] {strides = array<i32>} : memref<2x96x512xf32, #tpu.memory_space<vmem>>, vector<1x1x16xf32>,
        %get3A_1295 = vector.shape_cast %get3A_1294 : vector<1x1x16xf32> to vector<16xf32>
        %select_n3A_1296 = arith.select %eq3A_720, %get3A_1295, %select_n3A_1286 : vector<16xi1>, vector<16xf32>
        %mul3A_1297 = arith.constant 16 : i32
        %mul3A_1298 = arith.muli %scan3A_707, %mul3A_1297 : i32
        %swap3A_1299 = arith.constant 0 : i32
        %swap3A_1300 = arith.constant 11 : i32
        %swap3A_1301 = arith.index_cast %swap3A_1299 : i32 to index
        %swap3A_1302 = arith.index_cast %swap3A_1300 : i32 to index
        %swap3A_1303 = arith.index_cast %mul3A_1298 : i32 to index
        %swap3A_1304 = tpu.vector_load %arg7[%swap3A_1301, %swap3A_1302, %swap3A_1303] {strides = array<i32>} : memref<2x24x512xf32, #tpu.memory_space<vmem>>, vector<1x1x16xf32>,
        %swap3A_1305 = vector.shape_cast %swap3A_1304 : vector<1x1x16xf32> to vector<16xf32>
        %swap3A_1306 = vector.shape_cast %select_n3A_1296 : vector<16xf32> to vector<1x1x16xf32>
        tpu.vector_store %arg7[%swap3A_1301, %swap3A_1302, %swap3A_1303], %swap3A_1306 {strides = array<i32>} : memref<2x24x512xf32, #tpu.memory_space<vmem>>, vector<1x1x16xf32>,
        %mul3A_1307 = arith.constant 16 : i32
        %mul3A_1308 = arith.muli %scan3A_707, %mul3A_1307 : i32
        %get3A_1309 = arith.constant 0 : i32
        %get3A_1310 = arith.constant 12 : i32
        %get3A_1311 = arith.index_cast %get3A_1309 : i32 to index
        %get3A_1312 = arith.index_cast %get3A_1310 : i32 to index
        %get3A_1313 = arith.index_cast %mul3A_1308 : i32 to index
        %get3A_1314 = tpu.vector_load %arg6[%get3A_1311, %get3A_1312, %get3A_1313] {strides = array<i32>} : memref<2x96x512xf32, #tpu.memory_space<vmem>>, vector<1x1x16xf32>,
        %get3A_1315 = vector.shape_cast %get3A_1314 : vector<1x1x16xf32> to vector<16xf32>
        %mul3A_1316 = arith.constant 16 : i32
        %mul3A_1317 = arith.muli %scan3A_707, %mul3A_1316 : i32
        %get3A_1318 = arith.constant 0 : i32
        %get3A_1319 = arith.constant 36 : i32
        %get3A_1320 = arith.index_cast %get3A_1318 : i32 to index
        %get3A_1321 = arith.index_cast %get3A_1319 : i32 to index
        %get3A_1322 = arith.index_cast %mul3A_1317 : i32 to index
        %get3A_1323 = tpu.vector_load %arg6[%get3A_1320, %get3A_1321, %get3A_1322] {strides = array<i32>} : memref<2x96x512xf32, #tpu.memory_space<vmem>>, vector<1x1x16xf32>,
        %get3A_1324 = vector.shape_cast %get3A_1323 : vector<1x1x16xf32> to vector<16xf32>
        %select_n3A_1325 = arith.select %eq3A_714, %get3A_1324, %get3A_1315 : vector<16xi1>, vector<16xf32>
        %mul3A_1326 = arith.constant 16 : i32
        %mul3A_1327 = arith.muli %scan3A_707, %mul3A_1326 : i32
        %get3A_1328 = arith.constant 0 : i32
        %get3A_1329 = arith.constant 60 : i32
        %get3A_1330 = arith.index_cast %get3A_1328 : i32 to index
        %get3A_1331 = arith.index_cast %get3A_1329 : i32 to index
        %get3A_1332 = arith.index_cast %mul3A_1327 : i32 to index
        %get3A_1333 = tpu.vector_load %arg6[%get3A_1330, %get3A_1331, %get3A_1332] {strides = array<i32>} : memref<2x96x512xf32, #tpu.memory_space<vmem>>, vector<1x1x16xf32>,
        %get3A_1334 = vector.shape_cast %get3A_1333 : vector<1x1x16xf32> to vector<16xf32>
        %select_n3A_1335 = arith.select %eq3A_717, %get3A_1334, %select_n3A_1325 : vector<16xi1>, vector<16xf32>
        %mul3A_1336 = arith.constant 16 : i32
        %mul3A_1337 = arith.muli %scan3A_707, %mul3A_1336 : i32
        %get3A_1338 = arith.constant 0 : i32
        %get3A_1339 = arith.constant 84 : i32
        %get3A_1340 = arith.index_cast %get3A_1338 : i32 to index
        %get3A_1341 = arith.index_cast %get3A_1339 : i32 to index
        %get3A_1342 = arith.index_cast %mul3A_1337 : i32 to index
        %get3A_1343 = tpu.vector_load %arg6[%get3A_1340, %get3A_1341, %get3A_1342] {strides = array<i32>} : memref<2x96x512xf32, #tpu.memory_space<vmem>>, vector<1x1x16xf32>,
        %get3A_1344 = vector.shape_cast %get3A_1343 : vector<1x1x16xf32> to vector<16xf32>
        %select_n3A_1345 = arith.select %eq3A_720, %get3A_1344, %select_n3A_1335 : vector<16xi1>, vector<16xf32>
        %mul3A_1346 = arith.constant 16 : i32
        %mul3A_1347 = arith.muli %scan3A_707, %mul3A_1346 : i32
        %swap3A_1348 = arith.constant 0 : i32
        %swap3A_1349 = arith.constant 12 : i32
        %swap3A_1350 = arith.index_cast %swap3A_1348 : i32 to index
        %swap3A_1351 = arith.index_cast %swap3A_1349 : i32 to index
        %swap3A_1352 = arith.index_cast %mul3A_1347 : i32 to index
        %swap3A_1353 = tpu.vector_load %arg7[%swap3A_1350, %swap3A_1351, %swap3A_1352] {strides = array<i32>} : memref<2x24x512xf32, #tpu.memory_space<vmem>>, vector<1x1x16xf32>,
        %swap3A_1354 = vector.shape_cast %swap3A_1353 : vector<1x1x16xf32> to vector<16xf32>
        %swap3A_1355 = vector.shape_cast %select_n3A_1345 : vector<16xf32> to vector<1x1x16xf32>
        tpu.vector_store %arg7[%swap3A_1350, %swap3A_1351, %swap3A_1352], %swap3A_1355 {strides = array<i32>} : memref<2x24x512xf32, #tpu.memory_space<vmem>>, vector<1x1x16xf32>,
        %mul3A_1356 = arith.constant 16 : i32
        %mul3A_1357 = arith.muli %scan3A_707, %mul3A_1356 : i32
        %get3A_1358 = arith.constant 0 : i32
        %get3A_1359 = arith.constant 13 : i32
        %get3A_1360 = arith.index_cast %get3A_1358 : i32 to index
        %get3A_1361 = arith.index_cast %get3A_1359 : i32 to index
        %get3A_1362 = arith.index_cast %mul3A_1357 : i32 to index
        %get3A_1363 = tpu.vector_load %arg6[%get3A_1360, %get3A_1361, %get3A_1362] {strides = array<i32>} : memref<2x96x512xf32, #tpu.memory_space<vmem>>, vector<1x1x16xf32>,
        %get3A_1364 = vector.shape_cast %get3A_1363 : vector<1x1x16xf32> to vector<16xf32>
        %mul3A_1365 = arith.constant 16 : i32
        %mul3A_1366 = arith.muli %scan3A_707, %mul3A_1365 : i32
        %get3A_1367 = arith.constant 0 : i32
        %get3A_1368 = arith.constant 37 : i32
        %get3A_1369 = arith.index_cast %get3A_1367 : i32 to index
        %get3A_1370 = arith.index_cast %get3A_1368 : i32 to index
        %get3A_1371 = arith.index_cast %mul3A_1366 : i32 to index
        %get3A_1372 = tpu.vector_load %arg6[%get3A_1369, %get3A_1370, %get3A_1371] {strides = array<i32>} : memref<2x96x512xf32, #tpu.memory_space<vmem>>, vector<1x1x16xf32>,
        %get3A_1373 = vector.shape_cast %get3A_1372 : vector<1x1x16xf32> to vector<16xf32>
        %select_n3A_1374 = arith.select %eq3A_714, %get3A_1373, %get3A_1364 : vector<16xi1>, vector<16xf32>
        %mul3A_1375 = arith.constant 16 : i32
        %mul3A_1376 = arith.muli %scan3A_707, %mul3A_1375 : i32
        %get3A_1377 = arith.constant 0 : i32
        %get3A_1378 = arith.constant 61 : i32
        %get3A_1379 = arith.index_cast %get3A_1377 : i32 to index
        %get3A_1380 = arith.index_cast %get3A_1378 : i32 to index
        %get3A_1381 = arith.index_cast %mul3A_1376 : i32 to index
        %get3A_1382 = tpu.vector_load %arg6[%get3A_1379, %get3A_1380, %get3A_1381] {strides = array<i32>} : memref<2x96x512xf32, #tpu.memory_space<vmem>>, vector<1x1x16xf32>,
        %get3A_1383 = vector.shape_cast %get3A_1382 : vector<1x1x16xf32> to vector<16xf32>
        %select_n3A_1384 = arith.select %eq3A_717, %get3A_1383, %select_n3A_1374 : vector<16xi1>, vector<16xf32>
        %mul3A_1385 = arith.constant 16 : i32
        %mul3A_1386 = arith.muli %scan3A_707, %mul3A_1385 : i32
        %get3A_1387 = arith.constant 0 : i32
        %get3A_1388 = arith.constant 85 : i32
        %get3A_1389 = arith.index_cast %get3A_1387 : i32 to index
        %get3A_1390 = arith.index_cast %get3A_1388 : i32 to index
        %get3A_1391 = arith.index_cast %mul3A_1386 : i32 to index
        %get3A_1392 = tpu.vector_load %arg6[%get3A_1389, %get3A_1390, %get3A_1391] {strides = array<i32>} : memref<2x96x512xf32, #tpu.memory_space<vmem>>, vector<1x1x16xf32>,
        %get3A_1393 = vector.shape_cast %get3A_1392 : vector<1x1x16xf32> to vector<16xf32>
        %select_n3A_1394 = arith.select %eq3A_720, %get3A_1393, %select_n3A_1384 : vector<16xi1>, vector<16xf32>
        %mul3A_1395 = arith.constant 16 : i32
        %mul3A_1396 = arith.muli %scan3A_707, %mul3A_1395 : i32
        %swap3A_1397 = arith.constant 0 : i32
        %swap3A_1398 = arith.constant 13 : i32
        %swap3A_1399 = arith.index_cast %swap3A_1397 : i32 to index
        %swap3A_1400 = arith.index_cast %swap3A_1398 : i32 to index
        %swap3A_1401 = arith.index_cast %mul3A_1396 : i32 to index
        %swap3A_1402 = tpu.vector_load %arg7[%swap3A_1399, %swap3A_1400, %swap3A_1401] {strides = array<i32>} : memref<2x24x512xf32, #tpu.memory_space<vmem>>, vector<1x1x16xf32>,
        %swap3A_1403 = vector.shape_cast %swap3A_1402 : vector<1x1x16xf32> to vector<16xf32>
        %swap3A_1404 = vector.shape_cast %select_n3A_1394 : vector<16xf32> to vector<1x1x16xf32>
        tpu.vector_store %arg7[%swap3A_1399, %swap3A_1400, %swap3A_1401], %swap3A_1404 {strides = array<i32>} : memref<2x24x512xf32, #tpu.memory_space<vmem>>, vector<1x1x16xf32>,
        %mul3A_1405 = arith.constant 16 : i32
        %mul3A_1406 = arith.muli %scan3A_707, %mul3A_1405 : i32
        %get3A_1407 = arith.constant 0 : i32
        %get3A_1408 = arith.constant 14 : i32
        %get3A_1409 = arith.index_cast %get3A_1407 : i32 to index
        %get3A_1410 = arith.index_cast %get3A_1408 : i32 to index
        %get3A_1411 = arith.index_cast %mul3A_1406 : i32 to index
        %get3A_1412 = tpu.vector_load %arg6[%get3A_1409, %get3A_1410, %get3A_1411] {strides = array<i32>} : memref<2x96x512xf32, #tpu.memory_space<vmem>>, vector<1x1x16xf32>,
        %get3A_1413 = vector.shape_cast %get3A_1412 : vector<1x1x16xf32> to vector<16xf32>
        %mul3A_1414 = arith.constant 16 : i32
        %mul3A_1415 = arith.muli %scan3A_707, %mul3A_1414 : i32
        %get3A_1416 = arith.constant 0 : i32
        %get3A_1417 = arith.constant 38 : i32
        %get3A_1418 = arith.index_cast %get3A_1416 : i32 to index
        %get3A_1419 = arith.index_cast %get3A_1417 : i32 to index
        %get3A_1420 = arith.index_cast %mul3A_1415 : i32 to index
        %get3A_1421 = tpu.vector_load %arg6[%get3A_1418, %get3A_1419, %get3A_1420] {strides = array<i32>} : memref<2x96x512xf32, #tpu.memory_space<vmem>>, vector<1x1x16xf32>,
        %get3A_1422 = vector.shape_cast %get3A_1421 : vector<1x1x16xf32> to vector<16xf32>
        %select_n3A_1423 = arith.select %eq3A_714, %get3A_1422, %get3A_1413 : vector<16xi1>, vector<16xf32>
        %mul3A_1424 = arith.constant 16 : i32
        %mul3A_1425 = arith.muli %scan3A_707, %mul3A_1424 : i32
        %get3A_1426 = arith.constant 0 : i32
        %get3A_1427 = arith.constant 62 : i32
        %get3A_1428 = arith.index_cast %get3A_1426 : i32 to index
        %get3A_1429 = arith.index_cast %get3A_1427 : i32 to index
        %get3A_1430 = arith.index_cast %mul3A_1425 : i32 to index
        %get3A_1431 = tpu.vector_load %arg6[%get3A_1428, %get3A_1429, %get3A_1430] {strides = array<i32>} : memref<2x96x512xf32, #tpu.memory_space<vmem>>, vector<1x1x16xf32>,
        %get3A_1432 = vector.shape_cast %get3A_1431 : vector<1x1x16xf32> to vector<16xf32>
        %select_n3A_1433 = arith.select %eq3A_717, %get3A_1432, %select_n3A_1423 : vector<16xi1>, vector<16xf32>
        %mul3A_1434 = arith.constant 16 : i32
        %mul3A_1435 = arith.muli %scan3A_707, %mul3A_1434 : i32
        %get3A_1436 = arith.constant 0 : i32
        %get3A_1437 = arith.constant 86 : i32
        %get3A_1438 = arith.index_cast %get3A_1436 : i32 to index
        %get3A_1439 = arith.index_cast %get3A_1437 : i32 to index
        %get3A_1440 = arith.index_cast %mul3A_1435 : i32 to index
        %get3A_1441 = tpu.vector_load %arg6[%get3A_1438, %get3A_1439, %get3A_1440] {strides = array<i32>} : memref<2x96x512xf32, #tpu.memory_space<vmem>>, vector<1x1x16xf32>,
        %get3A_1442 = vector.shape_cast %get3A_1441 : vector<1x1x16xf32> to vector<16xf32>
        %select_n3A_1443 = arith.select %eq3A_720, %get3A_1442, %select_n3A_1433 : vector<16xi1>, vector<16xf32>
        %mul3A_1444 = arith.constant 16 : i32
        %mul3A_1445 = arith.muli %scan3A_707, %mul3A_1444 : i32
        %swap3A_1446 = arith.constant 0 : i32
        %swap3A_1447 = arith.constant 14 : i32
        %swap3A_1448 = arith.index_cast %swap3A_1446 : i32 to index
        %swap3A_1449 = arith.index_cast %swap3A_1447 : i32 to index
        %swap3A_1450 = arith.index_cast %mul3A_1445 : i32 to index
        %swap3A_1451 = tpu.vector_load %arg7[%swap3A_1448, %swap3A_1449, %swap3A_1450] {strides = array<i32>} : memref<2x24x512xf32, #tpu.memory_space<vmem>>, vector<1x1x16xf32>,
        %swap3A_1452 = vector.shape_cast %swap3A_1451 : vector<1x1x16xf32> to vector<16xf32>
        %swap3A_1453 = vector.shape_cast %select_n3A_1443 : vector<16xf32> to vector<1x1x16xf32>
        tpu.vector_store %arg7[%swap3A_1448, %swap3A_1449, %swap3A_1450], %swap3A_1453 {strides = array<i32>} : memref<2x24x512xf32, #tpu.memory_space<vmem>>, vector<1x1x16xf32>,
        %mul3A_1454 = arith.constant 16 : i32
        %mul3A_1455 = arith.muli %scan3A_707, %mul3A_1454 : i32
        %get3A_1456 = arith.constant 0 : i32
        %get3A_1457 = arith.constant 15 : i32
        %get3A_1458 = arith.index_cast %get3A_1456 : i32 to index
        %get3A_1459 = arith.index_cast %get3A_1457 : i32 to index
        %get3A_1460 = arith.index_cast %mul3A_1455 : i32 to index
        %get3A_1461 = tpu.vector_load %arg6[%get3A_1458, %get3A_1459, %get3A_1460] {strides = array<i32>} : memref<2x96x512xf32, #tpu.memory_space<vmem>>, vector<1x1x16xf32>,
        %get3A_1462 = vector.shape_cast %get3A_1461 : vector<1x1x16xf32> to vector<16xf32>
        %mul3A_1463 = arith.constant 16 : i32
        %mul3A_1464 = arith.muli %scan3A_707, %mul3A_1463 : i32
        %get3A_1465 = arith.constant 0 : i32
        %get3A_1466 = arith.constant 39 : i32
        %get3A_1467 = arith.index_cast %get3A_1465 : i32 to index
        %get3A_1468 = arith.index_cast %get3A_1466 : i32 to index
        %get3A_1469 = arith.index_cast %mul3A_1464 : i32 to index
        %get3A_1470 = tpu.vector_load %arg6[%get3A_1467, %get3A_1468, %get3A_1469] {strides = array<i32>} : memref<2x96x512xf32, #tpu.memory_space<vmem>>, vector<1x1x16xf32>,
        %get3A_1471 = vector.shape_cast %get3A_1470 : vector<1x1x16xf32> to vector<16xf32>
        %select_n3A_1472 = arith.select %eq3A_714, %get3A_1471, %get3A_1462 : vector<16xi1>, vector<16xf32>
        %mul3A_1473 = arith.constant 16 : i32
        %mul3A_1474 = arith.muli %scan3A_707, %mul3A_1473 : i32
        %get3A_1475 = arith.constant 0 : i32
        %get3A_1476 = arith.constant 63 : i32
        %get3A_1477 = arith.index_cast %get3A_1475 : i32 to index
        %get3A_1478 = arith.index_cast %get3A_1476 : i32 to index
        %get3A_1479 = arith.index_cast %mul3A_1474 : i32 to index
        %get3A_1480 = tpu.vector_load %arg6[%get3A_1477, %get3A_1478, %get3A_1479] {strides = array<i32>} : memref<2x96x512xf32, #tpu.memory_space<vmem>>, vector<1x1x16xf32>,
        %get3A_1481 = vector.shape_cast %get3A_1480 : vector<1x1x16xf32> to vector<16xf32>
        %select_n3A_1482 = arith.select %eq3A_717, %get3A_1481, %select_n3A_1472 : vector<16xi1>, vector<16xf32>
        %mul3A_1483 = arith.constant 16 : i32
        %mul3A_1484 = arith.muli %scan3A_707, %mul3A_1483 : i32
        %get3A_1485 = arith.constant 0 : i32
        %get3A_1486 = arith.constant 87 : i32
        %get3A_1487 = arith.index_cast %get3A_1485 : i32 to index
        %get3A_1488 = arith.index_cast %get3A_1486 : i32 to index
        %get3A_1489 = arith.index_cast %mul3A_1484 : i32 to index
        %get3A_1490 = tpu.vector_load %arg6[%get3A_1487, %get3A_1488, %get3A_1489] {strides = array<i32>} : memref<2x96x512xf32, #tpu.memory_space<vmem>>, vector<1x1x16xf32>,
        %get3A_1491 = vector.shape_cast %get3A_1490 : vector<1x1x16xf32> to vector<16xf32>
        %select_n3A_1492 = arith.select %eq3A_720, %get3A_1491, %select_n3A_1482 : vector<16xi1>, vector<16xf32>
        %mul3A_1493 = arith.constant 16 : i32
        %mul3A_1494 = arith.muli %scan3A_707, %mul3A_1493 : i32
        %swap3A_1495 = arith.constant 0 : i32
        %swap3A_1496 = arith.constant 15 : i32
        %swap3A_1497 = arith.index_cast %swap3A_1495 : i32 to index
        %swap3A_1498 = arith.index_cast %swap3A_1496 : i32 to index
        %swap3A_1499 = arith.index_cast %mul3A_1494 : i32 to index
        %swap3A_1500 = tpu.vector_load %arg7[%swap3A_1497, %swap3A_1498, %swap3A_1499] {strides = array<i32>} : memref<2x24x512xf32, #tpu.memory_space<vmem>>, vector<1x1x16xf32>,
        %swap3A_1501 = vector.shape_cast %swap3A_1500 : vector<1x1x16xf32> to vector<16xf32>
        %swap3A_1502 = vector.shape_cast %select_n3A_1492 : vector<16xf32> to vector<1x1x16xf32>
        tpu.vector_store %arg7[%swap3A_1497, %swap3A_1498, %swap3A_1499], %swap3A_1502 {strides = array<i32>} : memref<2x24x512xf32, #tpu.memory_space<vmem>>, vector<1x1x16xf32>,
        %mul3A_1503 = arith.constant 16 : i32
        %mul3A_1504 = arith.muli %scan3A_707, %mul3A_1503 : i32
        %get3A_1505 = arith.constant 0 : i32
        %get3A_1506 = arith.constant 16 : i32
        %get3A_1507 = arith.index_cast %get3A_1505 : i32 to index
        %get3A_1508 = arith.index_cast %get3A_1506 : i32 to index
        %get3A_1509 = arith.index_cast %mul3A_1504 : i32 to index
        %get3A_1510 = tpu.vector_load %arg6[%get3A_1507, %get3A_1508, %get3A_1509] {strides = array<i32>} : memref<2x96x512xf32, #tpu.memory_space<vmem>>, vector<1x1x16xf32>,
        %get3A_1511 = vector.shape_cast %get3A_1510 : vector<1x1x16xf32> to vector<16xf32>
        %mul3A_1512 = arith.constant 16 : i32
        %mul3A_1513 = arith.muli %scan3A_707, %mul3A_1512 : i32
        %get3A_1514 = arith.constant 0 : i32
        %get3A_1515 = arith.constant 40 : i32
        %get3A_1516 = arith.index_cast %get3A_1514 : i32 to index
        %get3A_1517 = arith.index_cast %get3A_1515 : i32 to index
        %get3A_1518 = arith.index_cast %mul3A_1513 : i32 to index
        %get3A_1519 = tpu.vector_load %arg6[%get3A_1516, %get3A_1517, %get3A_1518] {strides = array<i32>} : memref<2x96x512xf32, #tpu.memory_space<vmem>>, vector<1x1x16xf32>,
        %get3A_1520 = vector.shape_cast %get3A_1519 : vector<1x1x16xf32> to vector<16xf32>
        %select_n3A_1521 = arith.select %eq3A_714, %get3A_1520, %get3A_1511 : vector<16xi1>, vector<16xf32>
        %mul3A_1522 = arith.constant 16 : i32
        %mul3A_1523 = arith.muli %scan3A_707, %mul3A_1522 : i32
        %get3A_1524 = arith.constant 0 : i32
        %get3A_1525 = arith.constant 64 : i32
        %get3A_1526 = arith.index_cast %get3A_1524 : i32 to index
        %get3A_1527 = arith.index_cast %get3A_1525 : i32 to index
        %get3A_1528 = arith.index_cast %mul3A_1523 : i32 to index
        %get3A_1529 = tpu.vector_load %arg6[%get3A_1526, %get3A_1527, %get3A_1528] {strides = array<i32>} : memref<2x96x512xf32, #tpu.memory_space<vmem>>, vector<1x1x16xf32>,
        %get3A_1530 = vector.shape_cast %get3A_1529 : vector<1x1x16xf32> to vector<16xf32>
        %select_n3A_1531 = arith.select %eq3A_717, %get3A_1530, %select_n3A_1521 : vector<16xi1>, vector<16xf32>
        %mul3A_1532 = arith.constant 16 : i32
        %mul3A_1533 = arith.muli %scan3A_707, %mul3A_1532 : i32
        %get3A_1534 = arith.constant 0 : i32
        %get3A_1535 = arith.constant 88 : i32
        %get3A_1536 = arith.index_cast %get3A_1534 : i32 to index
        %get3A_1537 = arith.index_cast %get3A_1535 : i32 to index
        %get3A_1538 = arith.index_cast %mul3A_1533 : i32 to index
        %get3A_1539 = tpu.vector_load %arg6[%get3A_1536, %get3A_1537, %get3A_1538] {strides = array<i32>} : memref<2x96x512xf32, #tpu.memory_space<vmem>>, vector<1x1x16xf32>,
        %get3A_1540 = vector.shape_cast %get3A_1539 : vector<1x1x16xf32> to vector<16xf32>
        %select_n3A_1541 = arith.select %eq3A_720, %get3A_1540, %select_n3A_1531 : vector<16xi1>, vector<16xf32>
        %mul3A_1542 = arith.constant 16 : i32
        %mul3A_1543 = arith.muli %scan3A_707, %mul3A_1542 : i32
        %swap3A_1544 = arith.constant 0 : i32
        %swap3A_1545 = arith.constant 16 : i32
        %swap3A_1546 = arith.index_cast %swap3A_1544 : i32 to index
        %swap3A_1547 = arith.index_cast %swap3A_1545 : i32 to index
        %swap3A_1548 = arith.index_cast %mul3A_1543 : i32 to index
        %swap3A_1549 = tpu.vector_load %arg7[%swap3A_1546, %swap3A_1547, %swap3A_1548] {strides = array<i32>} : memref<2x24x512xf32, #tpu.memory_space<vmem>>, vector<1x1x16xf32>,
        %swap3A_1550 = vector.shape_cast %swap3A_1549 : vector<1x1x16xf32> to vector<16xf32>
        %swap3A_1551 = vector.shape_cast %select_n3A_1541 : vector<16xf32> to vector<1x1x16xf32>
        tpu.vector_store %arg7[%swap3A_1546, %swap3A_1547, %swap3A_1548], %swap3A_1551 {strides = array<i32>} : memref<2x24x512xf32, #tpu.memory_space<vmem>>, vector<1x1x16xf32>,
        %mul3A_1552 = arith.constant 16 : i32
        %mul3A_1553 = arith.muli %scan3A_707, %mul3A_1552 : i32
        %get3A_1554 = arith.constant 0 : i32
        %get3A_1555 = arith.constant 17 : i32
        %get3A_1556 = arith.index_cast %get3A_1554 : i32 to index
        %get3A_1557 = arith.index_cast %get3A_1555 : i32 to index
        %get3A_1558 = arith.index_cast %mul3A_1553 : i32 to index
        %get3A_1559 = tpu.vector_load %arg6[%get3A_1556, %get3A_1557, %get3A_1558] {strides = array<i32>} : memref<2x96x512xf32, #tpu.memory_space<vmem>>, vector<1x1x16xf32>,
        %get3A_1560 = vector.shape_cast %get3A_1559 : vector<1x1x16xf32> to vector<16xf32>
        %mul3A_1561 = arith.constant 16 : i32
        %mul3A_1562 = arith.muli %scan3A_707, %mul3A_1561 : i32
        %get3A_1563 = arith.constant 0 : i32
        %get3A_1564 = arith.constant 41 : i32
        %get3A_1565 = arith.index_cast %get3A_1563 : i32 to index
        %get3A_1566 = arith.index_cast %get3A_1564 : i32 to index
        %get3A_1567 = arith.index_cast %mul3A_1562 : i32 to index
        %get3A_1568 = tpu.vector_load %arg6[%get3A_1565, %get3A_1566, %get3A_1567] {strides = array<i32>} : memref<2x96x512xf32, #tpu.memory_space<vmem>>, vector<1x1x16xf32>,
        %get3A_1569 = vector.shape_cast %get3A_1568 : vector<1x1x16xf32> to vector<16xf32>
        %select_n3A_1570 = arith.select %eq3A_714, %get3A_1569, %get3A_1560 : vector<16xi1>, vector<16xf32>
        %mul3A_1571 = arith.constant 16 : i32
        %mul3A_1572 = arith.muli %scan3A_707, %mul3A_1571 : i32
        %get3A_1573 = arith.constant 0 : i32
        %get3A_1574 = arith.constant 65 : i32
        %get3A_1575 = arith.index_cast %get3A_1573 : i32 to index
        %get3A_1576 = arith.index_cast %get3A_1574 : i32 to index
        %get3A_1577 = arith.index_cast %mul3A_1572 : i32 to index
        %get3A_1578 = tpu.vector_load %arg6[%get3A_1575, %get3A_1576, %get3A_1577] {strides = array<i32>} : memref<2x96x512xf32, #tpu.memory_space<vmem>>, vector<1x1x16xf32>,
        %get3A_1579 = vector.shape_cast %get3A_1578 : vector<1x1x16xf32> to vector<16xf32>
        %select_n3A_1580 = arith.select %eq3A_717, %get3A_1579, %select_n3A_1570 : vector<16xi1>, vector<16xf32>
        %mul3A_1581 = arith.constant 16 : i32
        %mul3A_1582 = arith.muli %scan3A_707, %mul3A_1581 : i32
        %get3A_1583 = arith.constant 0 : i32
        %get3A_1584 = arith.constant 89 : i32
        %get3A_1585 = arith.index_cast %get3A_1583 : i32 to index
        %get3A_1586 = arith.index_cast %get3A_1584 : i32 to index
        %get3A_1587 = arith.index_cast %mul3A_1582 : i32 to index
        %get3A_1588 = tpu.vector_load %arg6[%get3A_1585, %get3A_1586, %get3A_1587] {strides = array<i32>} : memref<2x96x512xf32, #tpu.memory_space<vmem>>, vector<1x1x16xf32>,
        %get3A_1589 = vector.shape_cast %get3A_1588 : vector<1x1x16xf32> to vector<16xf32>
        %select_n3A_1590 = arith.select %eq3A_720, %get3A_1589, %select_n3A_1580 : vector<16xi1>, vector<16xf32>
        %mul3A_1591 = arith.constant 16 : i32
        %mul3A_1592 = arith.muli %scan3A_707, %mul3A_1591 : i32
        %swap3A_1593 = arith.constant 0 : i32
        %swap3A_1594 = arith.constant 17 : i32
        %swap3A_1595 = arith.index_cast %swap3A_1593 : i32 to index
        %swap3A_1596 = arith.index_cast %swap3A_1594 : i32 to index
        %swap3A_1597 = arith.index_cast %mul3A_1592 : i32 to index
        %swap3A_1598 = tpu.vector_load %arg7[%swap3A_1595, %swap3A_1596, %swap3A_1597] {strides = array<i32>} : memref<2x24x512xf32, #tpu.memory_space<vmem>>, vector<1x1x16xf32>,
        %swap3A_1599 = vector.shape_cast %swap3A_1598 : vector<1x1x16xf32> to vector<16xf32>
        %swap3A_1600 = vector.shape_cast %select_n3A_1590 : vector<16xf32> to vector<1x1x16xf32>
        tpu.vector_store %arg7[%swap3A_1595, %swap3A_1596, %swap3A_1597], %swap3A_1600 {strides = array<i32>} : memref<2x24x512xf32, #tpu.memory_space<vmem>>, vector<1x1x16xf32>,
        %mul3A_1601 = arith.constant 16 : i32
        %mul3A_1602 = arith.muli %scan3A_707, %mul3A_1601 : i32
        %get3A_1603 = arith.constant 0 : i32
        %get3A_1604 = arith.constant 18 : i32
        %get3A_1605 = arith.index_cast %get3A_1603 : i32 to index
        %get3A_1606 = arith.index_cast %get3A_1604 : i32 to index
        %get3A_1607 = arith.index_cast %mul3A_1602 : i32 to index
        %get3A_1608 = tpu.vector_load %arg6[%get3A_1605, %get3A_1606, %get3A_1607] {strides = array<i32>} : memref<2x96x512xf32, #tpu.memory_space<vmem>>, vector<1x1x16xf32>,
        %get3A_1609 = vector.shape_cast %get3A_1608 : vector<1x1x16xf32> to vector<16xf32>
        %mul3A_1610 = arith.constant 16 : i32
        %mul3A_1611 = arith.muli %scan3A_707, %mul3A_1610 : i32
        %get3A_1612 = arith.constant 0 : i32
        %get3A_1613 = arith.constant 42 : i32
        %get3A_1614 = arith.index_cast %get3A_1612 : i32 to index
        %get3A_1615 = arith.index_cast %get3A_1613 : i32 to index
        %get3A_1616 = arith.index_cast %mul3A_1611 : i32 to index
        %get3A_1617 = tpu.vector_load %arg6[%get3A_1614, %get3A_1615, %get3A_1616] {strides = array<i32>} : memref<2x96x512xf32, #tpu.memory_space<vmem>>, vector<1x1x16xf32>,
        %get3A_1618 = vector.shape_cast %get3A_1617 : vector<1x1x16xf32> to vector<16xf32>
        %select_n3A_1619 = arith.select %eq3A_714, %get3A_1618, %get3A_1609 : vector<16xi1>, vector<16xf32>
        %mul3A_1620 = arith.constant 16 : i32
        %mul3A_1621 = arith.muli %scan3A_707, %mul3A_1620 : i32
        %get3A_1622 = arith.constant 0 : i32
        %get3A_1623 = arith.constant 66 : i32
        %get3A_1624 = arith.index_cast %get3A_1622 : i32 to index
        %get3A_1625 = arith.index_cast %get3A_1623 : i32 to index
        %get3A_1626 = arith.index_cast %mul3A_1621 : i32 to index
        %get3A_1627 = tpu.vector_load %arg6[%get3A_1624, %get3A_1625, %get3A_1626] {strides = array<i32>} : memref<2x96x512xf32, #tpu.memory_space<vmem>>, vector<1x1x16xf32>,
        %get3A_1628 = vector.shape_cast %get3A_1627 : vector<1x1x16xf32> to vector<16xf32>
        %select_n3A_1629 = arith.select %eq3A_717, %get3A_1628, %select_n3A_1619 : vector<16xi1>, vector<16xf32>
        %mul3A_1630 = arith.constant 16 : i32
        %mul3A_1631 = arith.muli %scan3A_707, %mul3A_1630 : i32
        %get3A_1632 = arith.constant 0 : i32
        %get3A_1633 = arith.constant 90 : i32
        %get3A_1634 = arith.index_cast %get3A_1632 : i32 to index
        %get3A_1635 = arith.index_cast %get3A_1633 : i32 to index
        %get3A_1636 = arith.index_cast %mul3A_1631 : i32 to index
        %get3A_1637 = tpu.vector_load %arg6[%get3A_1634, %get3A_1635, %get3A_1636] {strides = array<i32>} : memref<2x96x512xf32, #tpu.memory_space<vmem>>, vector<1x1x16xf32>,
        %get3A_1638 = vector.shape_cast %get3A_1637 : vector<1x1x16xf32> to vector<16xf32>
        %select_n3A_1639 = arith.select %eq3A_720, %get3A_1638, %select_n3A_1629 : vector<16xi1>, vector<16xf32>
        %mul3A_1640 = arith.constant 16 : i32
        %mul3A_1641 = arith.muli %scan3A_707, %mul3A_1640 : i32
        %swap3A_1642 = arith.constant 0 : i32
        %swap3A_1643 = arith.constant 18 : i32
        %swap3A_1644 = arith.index_cast %swap3A_1642 : i32 to index
        %swap3A_1645 = arith.index_cast %swap3A_1643 : i32 to index
        %swap3A_1646 = arith.index_cast %mul3A_1641 : i32 to index
        %swap3A_1647 = tpu.vector_load %arg7[%swap3A_1644, %swap3A_1645, %swap3A_1646] {strides = array<i32>} : memref<2x24x512xf32, #tpu.memory_space<vmem>>, vector<1x1x16xf32>,
        %swap3A_1648 = vector.shape_cast %swap3A_1647 : vector<1x1x16xf32> to vector<16xf32>
        %swap3A_1649 = vector.shape_cast %select_n3A_1639 : vector<16xf32> to vector<1x1x16xf32>
        tpu.vector_store %arg7[%swap3A_1644, %swap3A_1645, %swap3A_1646], %swap3A_1649 {strides = array<i32>} : memref<2x24x512xf32, #tpu.memory_space<vmem>>, vector<1x1x16xf32>,
        %mul3A_1650 = arith.constant 16 : i32
        %mul3A_1651 = arith.muli %scan3A_707, %mul3A_1650 : i32
        %get3A_1652 = arith.constant 0 : i32
        %get3A_1653 = arith.constant 19 : i32
        %get3A_1654 = arith.index_cast %get3A_1652 : i32 to index
        %get3A_1655 = arith.index_cast %get3A_1653 : i32 to index
        %get3A_1656 = arith.index_cast %mul3A_1651 : i32 to index
        %get3A_1657 = tpu.vector_load %arg6[%get3A_1654, %get3A_1655, %get3A_1656] {strides = array<i32>} : memref<2x96x512xf32, #tpu.memory_space<vmem>>, vector<1x1x16xf32>,
        %get3A_1658 = vector.shape_cast %get3A_1657 : vector<1x1x16xf32> to vector<16xf32>
        %mul3A_1659 = arith.constant 16 : i32
        %mul3A_1660 = arith.muli %scan3A_707, %mul3A_1659 : i32
        %get3A_1661 = arith.constant 0 : i32
        %get3A_1662 = arith.constant 43 : i32
        %get3A_1663 = arith.index_cast %get3A_1661 : i32 to index
        %get3A_1664 = arith.index_cast %get3A_1662 : i32 to index
        %get3A_1665 = arith.index_cast %mul3A_1660 : i32 to index
        %get3A_1666 = tpu.vector_load %arg6[%get3A_1663, %get3A_1664, %get3A_1665] {strides = array<i32>} : memref<2x96x512xf32, #tpu.memory_space<vmem>>, vector<1x1x16xf32>,
        %get3A_1667 = vector.shape_cast %get3A_1666 : vector<1x1x16xf32> to vector<16xf32>
        %select_n3A_1668 = arith.select %eq3A_714, %get3A_1667, %get3A_1658 : vector<16xi1>, vector<16xf32>
        %mul3A_1669 = arith.constant 16 : i32
        %mul3A_1670 = arith.muli %scan3A_707, %mul3A_1669 : i32
        %get3A_1671 = arith.constant 0 : i32
        %get3A_1672 = arith.constant 67 : i32
        %get3A_1673 = arith.index_cast %get3A_1671 : i32 to index
        %get3A_1674 = arith.index_cast %get3A_1672 : i32 to index
        %get3A_1675 = arith.index_cast %mul3A_1670 : i32 to index
        %get3A_1676 = tpu.vector_load %arg6[%get3A_1673, %get3A_1674, %get3A_1675] {strides = array<i32>} : memref<2x96x512xf32, #tpu.memory_space<vmem>>, vector<1x1x16xf32>,
        %get3A_1677 = vector.shape_cast %get3A_1676 : vector<1x1x16xf32> to vector<16xf32>
        %select_n3A_1678 = arith.select %eq3A_717, %get3A_1677, %select_n3A_1668 : vector<16xi1>, vector<16xf32>
        %mul3A_1679 = arith.constant 16 : i32
        %mul3A_1680 = arith.muli %scan3A_707, %mul3A_1679 : i32
        %get3A_1681 = arith.constant 0 : i32
        %get3A_1682 = arith.constant 91 : i32
        %get3A_1683 = arith.index_cast %get3A_1681 : i32 to index
        %get3A_1684 = arith.index_cast %get3A_1682 : i32 to index
        %get3A_1685 = arith.index_cast %mul3A_1680 : i32 to index
        %get3A_1686 = tpu.vector_load %arg6[%get3A_1683, %get3A_1684, %get3A_1685] {strides = array<i32>} : memref<2x96x512xf32, #tpu.memory_space<vmem>>, vector<1x1x16xf32>,
        %get3A_1687 = vector.shape_cast %get3A_1686 : vector<1x1x16xf32> to vector<16xf32>
        %select_n3A_1688 = arith.select %eq3A_720, %get3A_1687, %select_n3A_1678 : vector<16xi1>, vector<16xf32>
        %mul3A_1689 = arith.constant 16 : i32
        %mul3A_1690 = arith.muli %scan3A_707, %mul3A_1689 : i32
        %swap3A_1691 = arith.constant 0 : i32
        %swap3A_1692 = arith.constant 19 : i32
        %swap3A_1693 = arith.index_cast %swap3A_1691 : i32 to index
        %swap3A_1694 = arith.index_cast %swap3A_1692 : i32 to index
        %swap3A_1695 = arith.index_cast %mul3A_1690 : i32 to index
        %swap3A_1696 = tpu.vector_load %arg7[%swap3A_1693, %swap3A_1694, %swap3A_1695] {strides = array<i32>} : memref<2x24x512xf32, #tpu.memory_space<vmem>>, vector<1x1x16xf32>,
        %swap3A_1697 = vector.shape_cast %swap3A_1696 : vector<1x1x16xf32> to vector<16xf32>
        %swap3A_1698 = vector.shape_cast %select_n3A_1688 : vector<16xf32> to vector<1x1x16xf32>
        tpu.vector_store %arg7[%swap3A_1693, %swap3A_1694, %swap3A_1695], %swap3A_1698 {strides = array<i32>} : memref<2x24x512xf32, #tpu.memory_space<vmem>>, vector<1x1x16xf32>,
        %mul3A_1699 = arith.constant 16 : i32
        %mul3A_1700 = arith.muli %scan3A_707, %mul3A_1699 : i32
        %get3A_1701 = arith.constant 0 : i32
        %get3A_1702 = arith.constant 20 : i32
        %get3A_1703 = arith.index_cast %get3A_1701 : i32 to index
        %get3A_1704 = arith.index_cast %get3A_1702 : i32 to index
        %get3A_1705 = arith.index_cast %mul3A_1700 : i32 to index
        %get3A_1706 = tpu.vector_load %arg6[%get3A_1703, %get3A_1704, %get3A_1705] {strides = array<i32>} : memref<2x96x512xf32, #tpu.memory_space<vmem>>, vector<1x1x16xf32>,
        %get3A_1707 = vector.shape_cast %get3A_1706 : vector<1x1x16xf32> to vector<16xf32>
        %mul3A_1708 = arith.constant 16 : i32
        %mul3A_1709 = arith.muli %scan3A_707, %mul3A_1708 : i32
        %get3A_1710 = arith.constant 0 : i32
        %get3A_1711 = arith.constant 44 : i32
        %get3A_1712 = arith.index_cast %get3A_1710 : i32 to index
        %get3A_1713 = arith.index_cast %get3A_1711 : i32 to index
        %get3A_1714 = arith.index_cast %mul3A_1709 : i32 to index
        %get3A_1715 = tpu.vector_load %arg6[%get3A_1712, %get3A_1713, %get3A_1714] {strides = array<i32>} : memref<2x96x512xf32, #tpu.memory_space<vmem>>, vector<1x1x16xf32>,
        %get3A_1716 = vector.shape_cast %get3A_1715 : vector<1x1x16xf32> to vector<16xf32>
        %select_n3A_1717 = arith.select %eq3A_714, %get3A_1716, %get3A_1707 : vector<16xi1>, vector<16xf32>
        %mul3A_1718 = arith.constant 16 : i32
        %mul3A_1719 = arith.muli %scan3A_707, %mul3A_1718 : i32
        %get3A_1720 = arith.constant 0 : i32
        %get3A_1721 = arith.constant 68 : i32
        %get3A_1722 = arith.index_cast %get3A_1720 : i32 to index
        %get3A_1723 = arith.index_cast %get3A_1721 : i32 to index
        %get3A_1724 = arith.index_cast %mul3A_1719 : i32 to index
        %get3A_1725 = tpu.vector_load %arg6[%get3A_1722, %get3A_1723, %get3A_1724] {strides = array<i32>} : memref<2x96x512xf32, #tpu.memory_space<vmem>>, vector<1x1x16xf32>,
        %get3A_1726 = vector.shape_cast %get3A_1725 : vector<1x1x16xf32> to vector<16xf32>
        %select_n3A_1727 = arith.select %eq3A_717, %get3A_1726, %select_n3A_1717 : vector<16xi1>, vector<16xf32>
        %mul3A_1728 = arith.constant 16 : i32
        %mul3A_1729 = arith.muli %scan3A_707, %mul3A_1728 : i32
        %get3A_1730 = arith.constant 0 : i32
        %get3A_1731 = arith.constant 92 : i32
        %get3A_1732 = arith.index_cast %get3A_1730 : i32 to index
        %get3A_1733 = arith.index_cast %get3A_1731 : i32 to index
        %get3A_1734 = arith.index_cast %mul3A_1729 : i32 to index
        %get3A_1735 = tpu.vector_load %arg6[%get3A_1732, %get3A_1733, %get3A_1734] {strides = array<i32>} : memref<2x96x512xf32, #tpu.memory_space<vmem>>, vector<1x1x16xf32>,
        %get3A_1736 = vector.shape_cast %get3A_1735 : vector<1x1x16xf32> to vector<16xf32>
        %select_n3A_1737 = arith.select %eq3A_720, %get3A_1736, %select_n3A_1727 : vector<16xi1>, vector<16xf32>
        %mul3A_1738 = arith.constant 16 : i32
        %mul3A_1739 = arith.muli %scan3A_707, %mul3A_1738 : i32
        %swap3A_1740 = arith.constant 0 : i32
        %swap3A_1741 = arith.constant 20 : i32
        %swap3A_1742 = arith.index_cast %swap3A_1740 : i32 to index
        %swap3A_1743 = arith.index_cast %swap3A_1741 : i32 to index
        %swap3A_1744 = arith.index_cast %mul3A_1739 : i32 to index
        %swap3A_1745 = tpu.vector_load %arg7[%swap3A_1742, %swap3A_1743, %swap3A_1744] {strides = array<i32>} : memref<2x24x512xf32, #tpu.memory_space<vmem>>, vector<1x1x16xf32>,
        %swap3A_1746 = vector.shape_cast %swap3A_1745 : vector<1x1x16xf32> to vector<16xf32>
        %swap3A_1747 = vector.shape_cast %select_n3A_1737 : vector<16xf32> to vector<1x1x16xf32>
        tpu.vector_store %arg7[%swap3A_1742, %swap3A_1743, %swap3A_1744], %swap3A_1747 {strides = array<i32>} : memref<2x24x512xf32, #tpu.memory_space<vmem>>, vector<1x1x16xf32>,
        %mul3A_1748 = arith.constant 16 : i32
        %mul3A_1749 = arith.muli %scan3A_707, %mul3A_1748 : i32
        %get3A_1750 = arith.constant 0 : i32
        %get3A_1751 = arith.constant 21 : i32
        %get3A_1752 = arith.index_cast %get3A_1750 : i32 to index
        %get3A_1753 = arith.index_cast %get3A_1751 : i32 to index
        %get3A_1754 = arith.index_cast %mul3A_1749 : i32 to index
        %get3A_1755 = tpu.vector_load %arg6[%get3A_1752, %get3A_1753, %get3A_1754] {strides = array<i32>} : memref<2x96x512xf32, #tpu.memory_space<vmem>>, vector<1x1x16xf32>,
        %get3A_1756 = vector.shape_cast %get3A_1755 : vector<1x1x16xf32> to vector<16xf32>
        %mul3A_1757 = arith.constant 16 : i32
        %mul3A_1758 = arith.muli %scan3A_707, %mul3A_1757 : i32
        %get3A_1759 = arith.constant 0 : i32
        %get3A_1760 = arith.constant 45 : i32
        %get3A_1761 = arith.index_cast %get3A_1759 : i32 to index
        %get3A_1762 = arith.index_cast %get3A_1760 : i32 to index
        %get3A_1763 = arith.index_cast %mul3A_1758 : i32 to index
        %get3A_1764 = tpu.vector_load %arg6[%get3A_1761, %get3A_1762, %get3A_1763] {strides = array<i32>} : memref<2x96x512xf32, #tpu.memory_space<vmem>>, vector<1x1x16xf32>,
        %get3A_1765 = vector.shape_cast %get3A_1764 : vector<1x1x16xf32> to vector<16xf32>
        %select_n3A_1766 = arith.select %eq3A_714, %get3A_1765, %get3A_1756 : vector<16xi1>, vector<16xf32>
        %mul3A_1767 = arith.constant 16 : i32
        %mul3A_1768 = arith.muli %scan3A_707, %mul3A_1767 : i32
        %get3A_1769 = arith.constant 0 : i32
        %get3A_1770 = arith.constant 69 : i32
        %get3A_1771 = arith.index_cast %get3A_1769 : i32 to index
        %get3A_1772 = arith.index_cast %get3A_1770 : i32 to index
        %get3A_1773 = arith.index_cast %mul3A_1768 : i32 to index
        %get3A_1774 = tpu.vector_load %arg6[%get3A_1771, %get3A_1772, %get3A_1773] {strides = array<i32>} : memref<2x96x512xf32, #tpu.memory_space<vmem>>, vector<1x1x16xf32>,
        %get3A_1775 = vector.shape_cast %get3A_1774 : vector<1x1x16xf32> to vector<16xf32>
        %select_n3A_1776 = arith.select %eq3A_717, %get3A_1775, %select_n3A_1766 : vector<16xi1>, vector<16xf32>
        %mul3A_1777 = arith.constant 16 : i32
        %mul3A_1778 = arith.muli %scan3A_707, %mul3A_1777 : i32
        %get3A_1779 = arith.constant 0 : i32
        %get3A_1780 = arith.constant 93 : i32
        %get3A_1781 = arith.index_cast %get3A_1779 : i32 to index
        %get3A_1782 = arith.index_cast %get3A_1780 : i32 to index
        %get3A_1783 = arith.index_cast %mul3A_1778 : i32 to index
        %get3A_1784 = tpu.vector_load %arg6[%get3A_1781, %get3A_1782, %get3A_1783] {strides = array<i32>} : memref<2x96x512xf32, #tpu.memory_space<vmem>>, vector<1x1x16xf32>,
        %get3A_1785 = vector.shape_cast %get3A_1784 : vector<1x1x16xf32> to vector<16xf32>
        %select_n3A_1786 = arith.select %eq3A_720, %get3A_1785, %select_n3A_1776 : vector<16xi1>, vector<16xf32>
        %mul3A_1787 = arith.constant 16 : i32
        %mul3A_1788 = arith.muli %scan3A_707, %mul3A_1787 : i32
        %swap3A_1789 = arith.constant 0 : i32
        %swap3A_1790 = arith.constant 21 : i32
        %swap3A_1791 = arith.index_cast %swap3A_1789 : i32 to index
        %swap3A_1792 = arith.index_cast %swap3A_1790 : i32 to index
        %swap3A_1793 = arith.index_cast %mul3A_1788 : i32 to index
        %swap3A_1794 = tpu.vector_load %arg7[%swap3A_1791, %swap3A_1792, %swap3A_1793] {strides = array<i32>} : memref<2x24x512xf32, #tpu.memory_space<vmem>>, vector<1x1x16xf32>,
        %swap3A_1795 = vector.shape_cast %swap3A_1794 : vector<1x1x16xf32> to vector<16xf32>
        %swap3A_1796 = vector.shape_cast %select_n3A_1786 : vector<16xf32> to vector<1x1x16xf32>
        tpu.vector_store %arg7[%swap3A_1791, %swap3A_1792, %swap3A_1793], %swap3A_1796 {strides = array<i32>} : memref<2x24x512xf32, #tpu.memory_space<vmem>>, vector<1x1x16xf32>,
        %mul3A_1797 = arith.constant 16 : i32
        %mul3A_1798 = arith.muli %scan3A_707, %mul3A_1797 : i32
        %get3A_1799 = arith.constant 0 : i32
        %get3A_1800 = arith.constant 22 : i32
        %get3A_1801 = arith.index_cast %get3A_1799 : i32 to index
        %get3A_1802 = arith.index_cast %get3A_1800 : i32 to index
        %get3A_1803 = arith.index_cast %mul3A_1798 : i32 to index
        %get3A_1804 = tpu.vector_load %arg6[%get3A_1801, %get3A_1802, %get3A_1803] {strides = array<i32>} : memref<2x96x512xf32, #tpu.memory_space<vmem>>, vector<1x1x16xf32>,
        %get3A_1805 = vector.shape_cast %get3A_1804 : vector<1x1x16xf32> to vector<16xf32>
        %mul3A_1806 = arith.constant 16 : i32
        %mul3A_1807 = arith.muli %scan3A_707, %mul3A_1806 : i32
        %get3A_1808 = arith.constant 0 : i32
        %get3A_1809 = arith.constant 46 : i32
        %get3A_1810 = arith.index_cast %get3A_1808 : i32 to index
        %get3A_1811 = arith.index_cast %get3A_1809 : i32 to index
        %get3A_1812 = arith.index_cast %mul3A_1807 : i32 to index
        %get3A_1813 = tpu.vector_load %arg6[%get3A_1810, %get3A_1811, %get3A_1812] {strides = array<i32>} : memref<2x96x512xf32, #tpu.memory_space<vmem>>, vector<1x1x16xf32>,
        %get3A_1814 = vector.shape_cast %get3A_1813 : vector<1x1x16xf32> to vector<16xf32>
        %select_n3A_1815 = arith.select %eq3A_714, %get3A_1814, %get3A_1805 : vector<16xi1>, vector<16xf32>
        %mul3A_1816 = arith.constant 16 : i32
        %mul3A_1817 = arith.muli %scan3A_707, %mul3A_1816 : i32
        %get3A_1818 = arith.constant 0 : i32
        %get3A_1819 = arith.constant 70 : i32
        %get3A_1820 = arith.index_cast %get3A_1818 : i32 to index
        %get3A_1821 = arith.index_cast %get3A_1819 : i32 to index
        %get3A_1822 = arith.index_cast %mul3A_1817 : i32 to index
        %get3A_1823 = tpu.vector_load %arg6[%get3A_1820, %get3A_1821, %get3A_1822] {strides = array<i32>} : memref<2x96x512xf32, #tpu.memory_space<vmem>>, vector<1x1x16xf32>,
        %get3A_1824 = vector.shape_cast %get3A_1823 : vector<1x1x16xf32> to vector<16xf32>
        %select_n3A_1825 = arith.select %eq3A_717, %get3A_1824, %select_n3A_1815 : vector<16xi1>, vector<16xf32>
        %mul3A_1826 = arith.constant 16 : i32
        %mul3A_1827 = arith.muli %scan3A_707, %mul3A_1826 : i32
        %get3A_1828 = arith.constant 0 : i32
        %get3A_1829 = arith.constant 94 : i32
        %get3A_1830 = arith.index_cast %get3A_1828 : i32 to index
        %get3A_1831 = arith.index_cast %get3A_1829 : i32 to index
        %get3A_1832 = arith.index_cast %mul3A_1827 : i32 to index
        %get3A_1833 = tpu.vector_load %arg6[%get3A_1830, %get3A_1831, %get3A_1832] {strides = array<i32>} : memref<2x96x512xf32, #tpu.memory_space<vmem>>, vector<1x1x16xf32>,
        %get3A_1834 = vector.shape_cast %get3A_1833 : vector<1x1x16xf32> to vector<16xf32>
        %select_n3A_1835 = arith.select %eq3A_720, %get3A_1834, %select_n3A_1825 : vector<16xi1>, vector<16xf32>
        %mul3A_1836 = arith.constant 16 : i32
        %mul3A_1837 = arith.muli %scan3A_707, %mul3A_1836 : i32
        %swap3A_1838 = arith.constant 0 : i32
        %swap3A_1839 = arith.constant 22 : i32
        %swap3A_1840 = arith.index_cast %swap3A_1838 : i32 to index
        %swap3A_1841 = arith.index_cast %swap3A_1839 : i32 to index
        %swap3A_1842 = arith.index_cast %mul3A_1837 : i32 to index
        %swap3A_1843 = tpu.vector_load %arg7[%swap3A_1840, %swap3A_1841, %swap3A_1842] {strides = array<i32>} : memref<2x24x512xf32, #tpu.memory_space<vmem>>, vector<1x1x16xf32>,
        %swap3A_1844 = vector.shape_cast %swap3A_1843 : vector<1x1x16xf32> to vector<16xf32>
        %swap3A_1845 = vector.shape_cast %select_n3A_1835 : vector<16xf32> to vector<1x1x16xf32>
        tpu.vector_store %arg7[%swap3A_1840, %swap3A_1841, %swap3A_1842], %swap3A_1845 {strides = array<i32>} : memref<2x24x512xf32, #tpu.memory_space<vmem>>, vector<1x1x16xf32>,
        %mul3A_1846 = arith.constant 16 : i32
        %mul3A_1847 = arith.muli %scan3A_707, %mul3A_1846 : i32
        %get3A_1848 = arith.constant 0 : i32
        %get3A_1849 = arith.constant 23 : i32
        %get3A_1850 = arith.index_cast %get3A_1848 : i32 to index
        %get3A_1851 = arith.index_cast %get3A_1849 : i32 to index
        %get3A_1852 = arith.index_cast %mul3A_1847 : i32 to index
        %get3A_1853 = tpu.vector_load %arg6[%get3A_1850, %get3A_1851, %get3A_1852] {strides = array<i32>} : memref<2x96x512xf32, #tpu.memory_space<vmem>>, vector<1x1x16xf32>,
        %get3A_1854 = vector.shape_cast %get3A_1853 : vector<1x1x16xf32> to vector<16xf32>
        %mul3A_1855 = arith.constant 16 : i32
        %mul3A_1856 = arith.muli %scan3A_707, %mul3A_1855 : i32
        %get3A_1857 = arith.constant 0 : i32
        %get3A_1858 = arith.constant 47 : i32
        %get3A_1859 = arith.index_cast %get3A_1857 : i32 to index
        %get3A_1860 = arith.index_cast %get3A_1858 : i32 to index
        %get3A_1861 = arith.index_cast %mul3A_1856 : i32 to index
        %get3A_1862 = tpu.vector_load %arg6[%get3A_1859, %get3A_1860, %get3A_1861] {strides = array<i32>} : memref<2x96x512xf32, #tpu.memory_space<vmem>>, vector<1x1x16xf32>,
        %get3A_1863 = vector.shape_cast %get3A_1862 : vector<1x1x16xf32> to vector<16xf32>
        %select_n3A_1864 = arith.select %eq3A_714, %get3A_1863, %get3A_1854 : vector<16xi1>, vector<16xf32>
        %mul3A_1865 = arith.constant 16 : i32
        %mul3A_1866 = arith.muli %scan3A_707, %mul3A_1865 : i32
        %get3A_1867 = arith.constant 0 : i32
        %get3A_1868 = arith.constant 71 : i32
        %get3A_1869 = arith.index_cast %get3A_1867 : i32 to index
        %get3A_1870 = arith.index_cast %get3A_1868 : i32 to index
        %get3A_1871 = arith.index_cast %mul3A_1866 : i32 to index
        %get3A_1872 = tpu.vector_load %arg6[%get3A_1869, %get3A_1870, %get3A_1871] {strides = array<i32>} : memref<2x96x512xf32, #tpu.memory_space<vmem>>, vector<1x1x16xf32>,
        %get3A_1873 = vector.shape_cast %get3A_1872 : vector<1x1x16xf32> to vector<16xf32>
        %select_n3A_1874 = arith.select %eq3A_717, %get3A_1873, %select_n3A_1864 : vector<16xi1>, vector<16xf32>
        %mul3A_1875 = arith.constant 16 : i32
        %mul3A_1876 = arith.muli %scan3A_707, %mul3A_1875 : i32
        %get3A_1877 = arith.constant 0 : i32
        %get3A_1878 = arith.constant 95 : i32
        %get3A_1879 = arith.index_cast %get3A_1877 : i32 to index
        %get3A_1880 = arith.index_cast %get3A_1878 : i32 to index
        %get3A_1881 = arith.index_cast %mul3A_1876 : i32 to index
        %get3A_1882 = tpu.vector_load %arg6[%get3A_1879, %get3A_1880, %get3A_1881] {strides = array<i32>} : memref<2x96x512xf32, #tpu.memory_space<vmem>>, vector<1x1x16xf32>,
        %get3A_1883 = vector.shape_cast %get3A_1882 : vector<1x1x16xf32> to vector<16xf32>
        %select_n3A_1884 = arith.select %eq3A_720, %get3A_1883, %select_n3A_1874 : vector<16xi1>, vector<16xf32>
        %mul3A_1885 = arith.constant 16 : i32
        %mul3A_1886 = arith.muli %scan3A_707, %mul3A_1885 : i32
        %swap3A_1887 = arith.constant 0 : i32
        %swap3A_1888 = arith.constant 23 : i32
        %swap3A_1889 = arith.index_cast %swap3A_1887 : i32 to index
        %swap3A_1890 = arith.index_cast %swap3A_1888 : i32 to index
        %swap3A_1891 = arith.index_cast %mul3A_1886 : i32 to index
        %swap3A_1892 = tpu.vector_load %arg7[%swap3A_1889, %swap3A_1890, %swap3A_1891] {strides = array<i32>} : memref<2x24x512xf32, #tpu.memory_space<vmem>>, vector<1x1x16xf32>,
        %swap3A_1893 = vector.shape_cast %swap3A_1892 : vector<1x1x16xf32> to vector<16xf32>
        %swap3A_1894 = vector.shape_cast %select_n3A_1884 : vector<16xf32> to vector<1x1x16xf32>
        tpu.vector_store %arg7[%swap3A_1889, %swap3A_1890, %swap3A_1891], %swap3A_1894 {strides = array<i32>} : memref<2x24x512xf32, #tpu.memory_space<vmem>>, vector<1x1x16xf32>,
        %scan3A_1895 = arith.constant 0 : i32
        scf.yield %scan3A_1895 : i32
      }
      %scan3A_583 = arith.constant 32 : i32
      %mul3A_584 = arith.constant 24 : i32
      %mul3A_585 = arith.muli %mul3A_418, %mul3A_584 : i32
      %dma_start3A_586 = arith.constant 0 : i32
      %dma_start3A_587 = arith.constant 0 : i32
      %dma_start3A_588 = arith.constant 0 : i32
      %dma_start3A_589 = tpu.memref_slice %arg7[%dma_start3A_586, %dma_start3A_587, %dma_start3A_588] : memref<2x24x512xf32, #tpu.memory_space<vmem>> -> memref<1x24x512xf32, #tpu.memory_space<vmem>>
      %dma_start3A_590 = tpu.memref_squeeze %dma_start3A_589 : memref<1x24x512xf32, #tpu.memory_space<vmem>> -> memref<24x512xf32, #tpu.memory_space<vmem>>
      %dma_start3A_591 = tpu.memref_slice %arg4[%mul3A_585, %mul3A_2] : memref<1000x16384xf32, #tpu.memory_space<hbm>> -> memref<24x512xf32, #tpu.memory_space<hbm>>
      %dma_start3A_592 = tpu.memref_slice %arg4[%mul3A_585, %mul3A_2] : memref<1000x16384xf32, #tpu.memory_space<hbm>> -> memref<24x512xf32, #tpu.memory_space<hbm>>
      %dma_start3A_593 = arith.constant 0 : i32
      %dma_start3A_594 = arith.constant 0 : i32
      %dma_start3A_595 = tpu.memref_slice %arg7[%dma_start3A_586, %dma_start3A_593, %dma_start3A_594] : memref<2x24x512xf32, #tpu.memory_space<vmem>> -> memref<1x24x512xf32, #tpu.memory_space<vmem>>
      %dma_start3A_596 = tpu.memref_squeeze %dma_start3A_595 : memref<1x24x512xf32, #tpu.memory_space<vmem>> -> memref<24x512xf32, #tpu.memory_space<vmem>>
      tpu.enqueue_dma source(%dma_start3A_596 : memref<24x512xf32, #tpu.memory_space<vmem>>) target(%dma_start3A_592 : memref<24x512xf32, #tpu.memory_space<hbm>>) target_semaphore(%arg10 : memref<!tpu.dma_semaphore, #tpu.memory_space<semaphore_mem>>)
      %add3A_597 = arith.constant 2 : i32
      %add3A_598 = arith.addi %mul3A_418, %add3A_597 : i32
      %lt3A = arith.constant 41 : i32
      %lt3A_599 = arith.cmpi slt, %add3A_598, %lt3A : i32
      %convert_element_type3A_600 = arith.extui %lt3A_599 : i1 to i32
      %cond3A_601 = arith.constant 0 : i32
      %cond3A_602 = arith.cmpi ne, %convert_element_type3A_600, %cond3A_601 : i32
      scf.if %cond3A_602 {
        %add3A_707 = arith.constant 2 : i32
        %add3A_708 = arith.addi %mul3A_418, %add3A_707 : i32
        %mul3A_709 = arith.constant 24 : i32
        %mul3A_710 = arith.muli %add3A_708, %mul3A_709 : i32
        %add3A_711 = arith.constant 0 : i32
        %add3A_712 = arith.addi %add3A_711, %mul3A_710 : i32
        %dma_start3A_713 = arith.constant 0 : i32
        %dma_start3A_714 = arith.constant 0 : i32
        %dma_start3A_715 = arith.constant 0 : i32
        %dma_start3A_716 = tpu.memref_slice %arg6[%dma_start3A_713, %dma_start3A_714, %dma_start3A_715] : memref<2x96x512xf32, #tpu.memory_space<vmem>> -> memref<1x96x512xf32, #tpu.memory_space<vmem>>
        %dma_start3A_717 = tpu.memref_squeeze %dma_start3A_716 : memref<1x96x512xf32, #tpu.memory_space<vmem>> -> memref<96x512xf32, #tpu.memory_space<vmem>>
        %dma_start3A_718 = arith.constant 0 : i32
        %dma_start3A_719 = arith.constant 0 : i32
        %dma_start3A_720 = tpu.memref_slice %dma_start3A_717[%dma_start3A_718, %dma_start3A_719] : memref<96x512xf32, #tpu.memory_space<vmem>> -> memref<24x512xf32, #tpu.memory_space<vmem>>
        %dma_start3A_721 = tpu.memref_slice %arg2[%add3A_712, %mul3A_2] : memref<4000x16384xf32, #tpu.memory_space<hbm>> -> memref<24x512xf32, #tpu.memory_space<hbm>>
        %dma_start3A_722 = arith.constant 0 : i32
        %dma_start3A_723 = arith.constant 0 : i32
        %dma_start3A_724 = tpu.memref_slice %arg6[%dma_start3A_713, %dma_start3A_722, %dma_start3A_723] : memref<2x96x512xf32, #tpu.memory_space<vmem>> -> memref<1x96x512xf32, #tpu.memory_space<vmem>>
        %dma_start3A_725 = tpu.memref_squeeze %dma_start3A_724 : memref<1x96x512xf32, #tpu.memory_space<vmem>> -> memref<96x512xf32, #tpu.memory_space<vmem>>
        %dma_start3A_726 = arith.constant 0 : i32
        %dma_start3A_727 = arith.constant 0 : i32
        %dma_start3A_728 = tpu.memref_slice %dma_start3A_725[%dma_start3A_726, %dma_start3A_727] : memref<96x512xf32, #tpu.memory_space<vmem>> -> memref<24x512xf32, #tpu.memory_space<vmem>>
        %dma_start3A_729 = tpu.memref_slice %arg2[%add3A_712, %mul3A_2] : memref<4000x16384xf32, #tpu.memory_space<hbm>> -> memref<24x512xf32, #tpu.memory_space<hbm>>
        tpu.enqueue_dma source(%dma_start3A_729 : memref<24x512xf32, #tpu.memory_space<hbm>>) target(%dma_start3A_728 : memref<24x512xf32, #tpu.memory_space<vmem>>) target_semaphore(%arg8 : memref<!tpu.dma_semaphore, #tpu.memory_space<semaphore_mem>>)
        %add3A_730 = arith.constant 1000 : i32
        %add3A_731 = arith.addi %add3A_730, %mul3A_710 : i32
        %dma_start3A_732 = arith.constant 0 : i32
        %dma_start3A_733 = arith.constant 0 : i32
        %dma_start3A_734 = arith.constant 0 : i32
        %dma_start3A_735 = tpu.memref_slice %arg6[%dma_start3A_732, %dma_start3A_733, %dma_start3A_734] : memref<2x96x512xf32, #tpu.memory_space<vmem>> -> memref<1x96x512xf32, #tpu.memory_space<vmem>>
        %dma_start3A_736 = tpu.memref_squeeze %dma_start3A_735 : memref<1x96x512xf32, #tpu.memory_space<vmem>> -> memref<96x512xf32, #tpu.memory_space<vmem>>
        %dma_start3A_737 = arith.constant 24 : i32
        %dma_start3A_738 = arith.constant 0 : i32
        %dma_start3A_739 = tpu.memref_slice %dma_start3A_736[%dma_start3A_737, %dma_start3A_738] : memref<96x512xf32, #tpu.memory_space<vmem>> -> memref<24x512xf32, #tpu.memory_space<vmem>>
        %dma_start3A_740 = tpu.memref_slice %arg2[%add3A_731, %mul3A_2] : memref<4000x16384xf32, #tpu.memory_space<hbm>> -> memref<24x512xf32, #tpu.memory_space<hbm>>
        %dma_start3A_741 = arith.constant 0 : i32
        %dma_start3A_742 = arith.constant 0 : i32
        %dma_start3A_743 = tpu.memref_slice %arg6[%dma_start3A_732, %dma_start3A_741, %dma_start3A_742] : memref<2x96x512xf32, #tpu.memory_space<vmem>> -> memref<1x96x512xf32, #tpu.memory_space<vmem>>
        %dma_start3A_744 = tpu.memref_squeeze %dma_start3A_743 : memref<1x96x512xf32, #tpu.memory_space<vmem>> -> memref<96x512xf32, #tpu.memory_space<vmem>>
        %dma_start3A_745 = arith.constant 24 : i32
        %dma_start3A_746 = arith.constant 0 : i32
        %dma_start3A_747 = tpu.memref_slice %dma_start3A_744[%dma_start3A_745, %dma_start3A_746] : memref<96x512xf32, #tpu.memory_space<vmem>> -> memref<24x512xf32, #tpu.memory_space<vmem>>
        %dma_start3A_748 = tpu.memref_slice %arg2[%add3A_731, %mul3A_2] : memref<4000x16384xf32, #tpu.memory_space<hbm>> -> memref<24x512xf32, #tpu.memory_space<hbm>>
        tpu.enqueue_dma source(%dma_start3A_748 : memref<24x512xf32, #tpu.memory_space<hbm>>) target(%dma_start3A_747 : memref<24x512xf32, #tpu.memory_space<vmem>>) target_semaphore(%arg8 : memref<!tpu.dma_semaphore, #tpu.memory_space<semaphore_mem>>)
        %add3A_749 = arith.constant 2000 : i32
        %add3A_750 = arith.addi %add3A_749, %mul3A_710 : i32
        %dma_start3A_751 = arith.constant 0 : i32
        %dma_start3A_752 = arith.constant 0 : i32
        %dma_start3A_753 = arith.constant 0 : i32
        %dma_start3A_754 = tpu.memref_slice %arg6[%dma_start3A_751, %dma_start3A_752, %dma_start3A_753] : memref<2x96x512xf32, #tpu.memory_space<vmem>> -> memref<1x96x512xf32, #tpu.memory_space<vmem>>
        %dma_start3A_755 = tpu.memref_squeeze %dma_start3A_754 : memref<1x96x512xf32, #tpu.memory_space<vmem>> -> memref<96x512xf32, #tpu.memory_space<vmem>>
        %dma_start3A_756 = arith.constant 48 : i32
        %dma_start3A_757 = arith.constant 0 : i32
        %dma_start3A_758 = tpu.memref_slice %dma_start3A_755[%dma_start3A_756, %dma_start3A_757] : memref<96x512xf32, #tpu.memory_space<vmem>> -> memref<24x512xf32, #tpu.memory_space<vmem>>
        %dma_start3A_759 = tpu.memref_slice %arg2[%add3A_750, %mul3A_2] : memref<4000x16384xf32, #tpu.memory_space<hbm>> -> memref<24x512xf32, #tpu.memory_space<hbm>>
        %dma_start3A_760 = arith.constant 0 : i32
        %dma_start3A_761 = arith.constant 0 : i32
        %dma_start3A_762 = tpu.memref_slice %arg6[%dma_start3A_751, %dma_start3A_760, %dma_start3A_761] : memref<2x96x512xf32, #tpu.memory_space<vmem>> -> memref<1x96x512xf32, #tpu.memory_space<vmem>>
        %dma_start3A_763 = tpu.memref_squeeze %dma_start3A_762 : memref<1x96x512xf32, #tpu.memory_space<vmem>> -> memref<96x512xf32, #tpu.memory_space<vmem>>
        %dma_start3A_764 = arith.constant 48 : i32
        %dma_start3A_765 = arith.constant 0 : i32
        %dma_start3A_766 = tpu.memref_slice %dma_start3A_763[%dma_start3A_764, %dma_start3A_765] : memref<96x512xf32, #tpu.memory_space<vmem>> -> memref<24x512xf32, #tpu.memory_space<vmem>>
        %dma_start3A_767 = tpu.memref_slice %arg2[%add3A_750, %mul3A_2] : memref<4000x16384xf32, #tpu.memory_space<hbm>> -> memref<24x512xf32, #tpu.memory_space<hbm>>
        tpu.enqueue_dma source(%dma_start3A_767 : memref<24x512xf32, #tpu.memory_space<hbm>>) target(%dma_start3A_766 : memref<24x512xf32, #tpu.memory_space<vmem>>) target_semaphore(%arg8 : memref<!tpu.dma_semaphore, #tpu.memory_space<semaphore_mem>>)
        %add3A_768 = arith.constant 3000 : i32
        %add3A_769 = arith.addi %add3A_768, %mul3A_710 : i32
        %dma_start3A_770 = arith.constant 0 : i32
        %dma_start3A_771 = arith.constant 0 : i32
        %dma_start3A_772 = arith.constant 0 : i32
        %dma_start3A_773 = tpu.memref_slice %arg6[%dma_start3A_770, %dma_start3A_771, %dma_start3A_772] : memref<2x96x512xf32, #tpu.memory_space<vmem>> -> memref<1x96x512xf32, #tpu.memory_space<vmem>>
        %dma_start3A_774 = tpu.memref_squeeze %dma_start3A_773 : memref<1x96x512xf32, #tpu.memory_space<vmem>> -> memref<96x512xf32, #tpu.memory_space<vmem>>
        %dma_start3A_775 = arith.constant 72 : i32
        %dma_start3A_776 = arith.constant 0 : i32
        %dma_start3A_777 = tpu.memref_slice %dma_start3A_774[%dma_start3A_775, %dma_start3A_776] : memref<96x512xf32, #tpu.memory_space<vmem>> -> memref<24x512xf32, #tpu.memory_space<vmem>>
        %dma_start3A_778 = tpu.memref_slice %arg2[%add3A_769, %mul3A_2] : memref<4000x16384xf32, #tpu.memory_space<hbm>> -> memref<24x512xf32, #tpu.memory_space<hbm>>
        %dma_start3A_779 = arith.constant 0 : i32
        %dma_start3A_780 = arith.constant 0 : i32
        %dma_start3A_781 = tpu.memref_slice %arg6[%dma_start3A_770, %dma_start3A_779, %dma_start3A_780] : memref<2x96x512xf32, #tpu.memory_space<vmem>> -> memref<1x96x512xf32, #tpu.memory_space<vmem>>
        %dma_start3A_782 = tpu.memref_squeeze %dma_start3A_781 : memref<1x96x512xf32, #tpu.memory_space<vmem>> -> memref<96x512xf32, #tpu.memory_space<vmem>>
        %dma_start3A_783 = arith.constant 72 : i32
        %dma_start3A_784 = arith.constant 0 : i32
        %dma_start3A_785 = tpu.memref_slice %dma_start3A_782[%dma_start3A_783, %dma_start3A_784] : memref<96x512xf32, #tpu.memory_space<vmem>> -> memref<24x512xf32, #tpu.memory_space<vmem>>
        %dma_start3A_786 = tpu.memref_slice %arg2[%add3A_769, %mul3A_2] : memref<4000x16384xf32, #tpu.memory_space<hbm>> -> memref<24x512xf32, #tpu.memory_space<hbm>>
        tpu.enqueue_dma source(%dma_start3A_786 : memref<24x512xf32, #tpu.memory_space<hbm>>) target(%dma_start3A_785 : memref<24x512xf32, #tpu.memory_space<vmem>>) target_semaphore(%arg8 : memref<!tpu.dma_semaphore, #tpu.memory_space<semaphore_mem>>)
      } else {
      }
      %dma_wait3A_603 = arith.constant 1 : i32
      %dma_wait3A_604 = arith.constant 0 : i32
      %dma_wait3A_605 = arith.constant 0 : i32
      %dma_wait3A_606 = tpu.memref_slice %arg6[%dma_wait3A_603, %dma_wait3A_604, %dma_wait3A_605] : memref<2x96x512xf32, #tpu.memory_space<vmem>> -> memref<1x96x512xf32, #tpu.memory_space<vmem>>
      %dma_wait3A_607 = tpu.memref_squeeze %dma_wait3A_606 : memref<1x96x512xf32, #tpu.memory_space<vmem>> -> memref<96x512xf32, #tpu.memory_space<vmem>>
      %dma_wait3A_608 = arith.constant 0 : i32
      %dma_wait3A_609 = arith.constant 0 : i32
      %dma_wait3A_610 = tpu.memref_slice %dma_wait3A_607[%dma_wait3A_608, %dma_wait3A_609] : memref<96x512xf32, #tpu.memory_space<vmem>> -> memref<24x512xf32, #tpu.memory_space<vmem>>
      %dma_wait3A_611 = arith.constant 0 : i32
      %dma_wait3A_612 = tpu.memref_slice %arg2[%dma_wait3A_611, %mul3A_2] : memref<4000x16384xf32, #tpu.memory_space<hbm>> -> memref<24x512xf32, #tpu.memory_space<hbm>>
      %dma_wait3A_613 = arith.constant 0 : i32
      %dma_wait3A_614 = arith.constant 0 : i32
      %dma_wait3A_615 = tpu.memref_slice %arg6[%dma_wait3A_603, %dma_wait3A_613, %dma_wait3A_614] : memref<2x96x512xf32, #tpu.memory_space<vmem>> -> memref<1x96x512xf32, #tpu.memory_space<vmem>>
      %dma_wait3A_616 = tpu.memref_squeeze %dma_wait3A_615 : memref<1x96x512xf32, #tpu.memory_space<vmem>> -> memref<96x512xf32, #tpu.memory_space<vmem>>
      %dma_wait3A_617 = arith.constant 0 : i32
      %dma_wait3A_618 = arith.constant 0 : i32
      %dma_wait3A_619 = tpu.memref_slice %dma_wait3A_616[%dma_wait3A_617, %dma_wait3A_618] : memref<96x512xf32, #tpu.memory_space<vmem>> -> memref<24x512xf32, #tpu.memory_space<vmem>>
      %dma_wait3A_620 = arith.constant 0 : i32
      %dma_wait3A_621 = tpu.memref_slice %arg2[%dma_wait3A_620, %mul3A_2] : memref<4000x16384xf32, #tpu.memory_space<hbm>> -> memref<24x512xf32, #tpu.memory_space<hbm>>
      tpu.wait_dma2 semaphore(%arg9 : memref<!tpu.dma_semaphore, #tpu.memory_space<semaphore_mem>>) src(%dma_wait3A_621 : memref<24x512xf32, #tpu.memory_space<hbm>>) dst(%dma_wait3A_619 : memref<24x512xf32, #tpu.memory_space<vmem>>)
      %dma_wait3A_622 = arith.constant 1 : i32
      %dma_wait3A_623 = arith.constant 0 : i32
      %dma_wait3A_624 = arith.constant 0 : i32
      %dma_wait3A_625 = tpu.memref_slice %arg6[%dma_wait3A_622, %dma_wait3A_623, %dma_wait3A_624] : memref<2x96x512xf32, #tpu.memory_space<vmem>> -> memref<1x96x512xf32, #tpu.memory_space<vmem>>
      %dma_wait3A_626 = tpu.memref_squeeze %dma_wait3A_625 : memref<1x96x512xf32, #tpu.memory_space<vmem>> -> memref<96x512xf32, #tpu.memory_space<vmem>>
      %dma_wait3A_627 = arith.constant 0 : i32
      %dma_wait3A_628 = arith.constant 0 : i32
      %dma_wait3A_629 = tpu.memref_slice %dma_wait3A_626[%dma_wait3A_627, %dma_wait3A_628] : memref<96x512xf32, #tpu.memory_space<vmem>> -> memref<24x512xf32, #tpu.memory_space<vmem>>
      %dma_wait3A_630 = arith.constant 0 : i32
      %dma_wait3A_631 = tpu.memref_slice %arg2[%dma_wait3A_630, %mul3A_2] : memref<4000x16384xf32, #tpu.memory_space<hbm>> -> memref<24x512xf32, #tpu.memory_space<hbm>>
      %dma_wait3A_632 = arith.constant 0 : i32
      %dma_wait3A_633 = arith.constant 0 : i32
      %dma_wait3A_634 = tpu.memref_slice %arg6[%dma_wait3A_622, %dma_wait3A_632, %dma_wait3A_633] : memref<2x96x512xf32, #tpu.memory_space<vmem>> -> memref<1x96x512xf32, #tpu.memory_space<vmem>>
      %dma_wait3A_635 = tpu.memref_squeeze %dma_wait3A_634 : memref<1x96x512xf32, #tpu.memory_space<vmem>> -> memref<96x512xf32, #tpu.memory_space<vmem>>
      %dma_wait3A_636 = arith.constant 0 : i32
      %dma_wait3A_637 = arith.constant 0 : i32
      %dma_wait3A_638 = tpu.memref_slice %dma_wait3A_635[%dma_wait3A_636, %dma_wait3A_637] : memref<96x512xf32, #tpu.memory_space<vmem>> -> memref<24x512xf32, #tpu.memory_space<vmem>>
      %dma_wait3A_639 = arith.constant 0 : i32
      %dma_wait3A_640 = tpu.memref_slice %arg2[%dma_wait3A_639, %mul3A_2] : memref<4000x16384xf32, #tpu.memory_space<hbm>> -> memref<24x512xf32, #tpu.memory_space<hbm>>
      tpu.wait_dma2 semaphore(%arg9 : memref<!tpu.dma_semaphore, #tpu.memory_space<semaphore_mem>>) src(%dma_wait3A_640 : memref<24x512xf32, #tpu.memory_space<hbm>>) dst(%dma_wait3A_638 : memref<24x512xf32, #tpu.memory_space<vmem>>)
      %dma_wait3A_641 = arith.constant 1 : i32
      %dma_wait3A_642 = arith.constant 0 : i32
      %dma_wait3A_643 = arith.constant 0 : i32
      %dma_wait3A_644 = tpu.memref_slice %arg6[%dma_wait3A_641, %dma_wait3A_642, %dma_wait3A_643] : memref<2x96x512xf32, #tpu.memory_space<vmem>> -> memref<1x96x512xf32, #tpu.memory_space<vmem>>
      %dma_wait3A_645 = tpu.memref_squeeze %dma_wait3A_644 : memref<1x96x512xf32, #tpu.memory_space<vmem>> -> memref<96x512xf32, #tpu.memory_space<vmem>>
      %dma_wait3A_646 = arith.constant 0 : i32
      %dma_wait3A_647 = arith.constant 0 : i32
      %dma_wait3A_648 = tpu.memref_slice %dma_wait3A_645[%dma_wait3A_646, %dma_wait3A_647] : memref<96x512xf32, #tpu.memory_space<vmem>> -> memref<24x512xf32, #tpu.memory_space<vmem>>
      %dma_wait3A_649 = arith.constant 0 : i32
      %dma_wait3A_650 = tpu.memref_slice %arg2[%dma_wait3A_649, %mul3A_2] : memref<4000x16384xf32, #tpu.memory_space<hbm>> -> memref<24x512xf32, #tpu.memory_space<hbm>>
      %dma_wait3A_651 = arith.constant 0 : i32
      %dma_wait3A_652 = arith.constant 0 : i32
      %dma_wait3A_653 = tpu.memref_slice %arg6[%dma_wait3A_641, %dma_wait3A_651, %dma_wait3A_652] : memref<2x96x512xf32, #tpu.memory_space<vmem>> -> memref<1x96x512xf32, #tpu.memory_space<vmem>>
      %dma_wait3A_654 = tpu.memref_squeeze %dma_wait3A_653 : memref<1x96x512xf32, #tpu.memory_space<vmem>> -> memref<96x512xf32, #tpu.memory_space<vmem>>
      %dma_wait3A_655 = arith.constant 0 : i32
      %dma_wait3A_656 = arith.constant 0 : i32
      %dma_wait3A_657 = tpu.memref_slice %dma_wait3A_654[%dma_wait3A_655, %dma_wait3A_656] : memref<96x512xf32, #tpu.memory_space<vmem>> -> memref<24x512xf32, #tpu.memory_space<vmem>>
      %dma_wait3A_658 = arith.constant 0 : i32
      %dma_wait3A_659 = tpu.memref_slice %arg2[%dma_wait3A_658, %mul3A_2] : memref<4000x16384xf32, #tpu.memory_space<hbm>> -> memref<24x512xf32, #tpu.memory_space<hbm>>
      tpu.wait_dma2 semaphore(%arg9 : memref<!tpu.dma_semaphore, #tpu.memory_space<semaphore_mem>>) src(%dma_wait3A_659 : memref<24x512xf32, #tpu.memory_space<hbm>>) dst(%dma_wait3A_657 : memref<24x512xf32, #tpu.memory_space<vmem>>)
      %dma_wait3A_660 = arith.constant 1 : i32
      %dma_wait3A_661 = arith.constant 0 : i32
      %dma_wait3A_662 = arith.constant 0 : i32
      %dma_wait3A_663 = tpu.memref_slice %arg6[%dma_wait3A_660, %dma_wait3A_661, %dma_wait3A_662] : memref<2x96x512xf32, #tpu.memory_space<vmem>> -> memref<1x96x512xf32, #tpu.memory_space<vmem>>
      %dma_wait3A_664 = tpu.memref_squeeze %dma_wait3A_663 : memref<1x96x512xf32, #tpu.memory_space<vmem>> -> memref<96x512xf32, #tpu.memory_space<vmem>>
      %dma_wait3A_665 = arith.constant 0 : i32
      %dma_wait3A_666 = arith.constant 0 : i32
      %dma_wait3A_667 = tpu.memref_slice %dma_wait3A_664[%dma_wait3A_665, %dma_wait3A_666] : memref<96x512xf32, #tpu.memory_space<vmem>> -> memref<24x512xf32, #tpu.memory_space<vmem>>
      %dma_wait3A_668 = arith.constant 0 : i32
      %dma_wait3A_669 = tpu.memref_slice %arg2[%dma_wait3A_668, %mul3A_2] : memref<4000x16384xf32, #tpu.memory_space<hbm>> -> memref<24x512xf32, #tpu.memory_space<hbm>>
      %dma_wait3A_670 = arith.constant 0 : i32
      %dma_wait3A_671 = arith.constant 0 : i32
      %dma_wait3A_672 = tpu.memref_slice %arg6[%dma_wait3A_660, %dma_wait3A_670, %dma_wait3A_671] : memref<2x96x512xf32, #tpu.memory_space<vmem>> -> memref<1x96x512xf32, #tpu.memory_space<vmem>>
      %dma_wait3A_673 = tpu.memref_squeeze %dma_wait3A_672 : memref<1x96x512xf32, #tpu.memory_space<vmem>> -> memref<96x512xf32, #tpu.memory_space<vmem>>
      %dma_wait3A_674 = arith.constant 0 : i32
      %dma_wait3A_675 = arith.constant 0 : i32
      %dma_wait3A_676 = tpu.memref_slice %dma_wait3A_673[%dma_wait3A_674, %dma_wait3A_675] : memref<96x512xf32, #tpu.memory_space<vmem>> -> memref<24x512xf32, #tpu.memory_space<vmem>>
      %dma_wait3A_677 = arith.constant 0 : i32
      %dma_wait3A_678 = tpu.memref_slice %arg2[%dma_wait3A_677, %mul3A_2] : memref<4000x16384xf32, #tpu.memory_space<hbm>> -> memref<24x512xf32, #tpu.memory_space<hbm>>
      tpu.wait_dma2 semaphore(%arg9 : memref<!tpu.dma_semaphore, #tpu.memory_space<semaphore_mem>>) src(%dma_wait3A_678 : memref<24x512xf32, #tpu.memory_space<hbm>>) dst(%dma_wait3A_676 : memref<24x512xf32, #tpu.memory_space<vmem>>)
      %gt3A_679 = arith.constant 0 : i32
      %gt3A_680 = arith.cmpi sgt, %scan3A_415, %gt3A_679 : i32
      %convert_element_type3A_681 = arith.extui %gt3A_680 : i1 to i32
      %cond3A_682 = arith.constant 0 : i32
      %cond3A_683 = arith.cmpi ne, %convert_element_type3A_681, %cond3A_682 : i32
      scf.if %cond3A_683 {
        %dma_wait3A_707 = arith.constant 1 : i32
        %dma_wait3A_708 = arith.constant 0 : i32
        %dma_wait3A_709 = arith.constant 0 : i32
        %dma_wait3A_710 = tpu.memref_slice %arg7[%dma_wait3A_707, %dma_wait3A_708, %dma_wait3A_709] : memref<2x24x512xf32, #tpu.memory_space<vmem>> -> memref<1x24x512xf32, #tpu.memory_space<vmem>>
        %dma_wait3A_711 = tpu.memref_squeeze %dma_wait3A_710 : memref<1x24x512xf32, #tpu.memory_space<vmem>> -> memref<24x512xf32, #tpu.memory_space<vmem>>
        %dma_wait3A_712 = arith.constant 0 : i32
        %dma_wait3A_713 = tpu.memref_slice %arg4[%dma_wait3A_712, %mul3A_2] : memref<1000x16384xf32, #tpu.memory_space<hbm>> -> memref<24x512xf32, #tpu.memory_space<hbm>>
        %dma_wait3A_714 = arith.constant 0 : i32
        %dma_wait3A_715 = tpu.memref_slice %arg4[%dma_wait3A_714, %mul3A_2] : memref<1000x16384xf32, #tpu.memory_space<hbm>> -> memref<24x512xf32, #tpu.memory_space<hbm>>
        %dma_wait3A_716 = arith.constant 0 : i32
        %dma_wait3A_717 = arith.constant 0 : i32
        %dma_wait3A_718 = tpu.memref_slice %arg7[%dma_wait3A_707, %dma_wait3A_716, %dma_wait3A_717] : memref<2x24x512xf32, #tpu.memory_space<vmem>> -> memref<1x24x512xf32, #tpu.memory_space<vmem>>
        %dma_wait3A_719 = tpu.memref_squeeze %dma_wait3A_718 : memref<1x24x512xf32, #tpu.memory_space<vmem>> -> memref<24x512xf32, #tpu.memory_space<vmem>>
        tpu.wait_dma2 semaphore(%arg11 : memref<!tpu.dma_semaphore, #tpu.memory_space<semaphore_mem>>) src(%dma_wait3A_719 : memref<24x512xf32, #tpu.memory_space<vmem>>) dst(%dma_wait3A_715 : memref<24x512xf32, #tpu.memory_space<hbm>>)
      } else {
      }
      %scan3A_684 = arith.constant 0 : i32
      %scan3A_685 = arith.constant 0 : i32
      %scan3A_686 = arith.constant 32 : i32
      %scan3A_687 = arith.addi %scan3A_685, %scan3A_686 : i32
      %scan3A_688 = arith.constant 1 : i32
      %scan3A_689 = scf.for %scan3A_707 = %scan3A_685 to %scan3A_687 step %scan3A_688 iter_args(%scan3A_708 = %scan3A_684) -> (i32)  : i32 {
        %mul3A_709 = arith.constant 16 : i32
        %mul3A_710 = arith.muli %scan3A_707, %mul3A_709 : i32
        %get3A = arith.index_cast %mul3A_710 : i32 to index
        %get3A_711 = tpu.vector_load %arg5[%get3A] {strides = array<i32>} : memref<512xi32, #tpu.memory_space<vmem>>, vector<16xi32>,
        %get3A_712 = vector.shape_cast %get3A_711 : vector<16xi32> to vector<16xi32>
        %eq3A = arith.constant 1 : i32
        %eq3A_713 = vector.broadcast %eq3A : i32 to vector<16xi32>
        %eq3A_714 = arith.cmpi eq, %get3A_712, %eq3A_713 : vector<16xi32>
        %eq3A_715 = arith.constant 2 : i32
        %eq3A_716 = vector.broadcast %eq3A_715 : i32 to vector<16xi32>
        %eq3A_717 = arith.cmpi eq, %get3A_712, %eq3A_716 : vector<16xi32>
        %eq3A_718 = arith.constant 3 : i32
        %eq3A_719 = vector.broadcast %eq3A_718 : i32 to vector<16xi32>
        %eq3A_720 = arith.cmpi eq, %get3A_712, %eq3A_719 : vector<16xi32>
        %mul3A_721 = arith.constant 16 : i32
        %mul3A_722 = arith.muli %scan3A_707, %mul3A_721 : i32
        %get3A_723 = arith.constant 1 : i32
        %get3A_724 = arith.constant 0 : i32
        %get3A_725 = arith.index_cast %get3A_723 : i32 to index
        %get3A_726 = arith.index_cast %get3A_724 : i32 to index
        %get3A_727 = arith.index_cast %mul3A_722 : i32 to index
        %get3A_728 = tpu.vector_load %arg6[%get3A_725, %get3A_726, %get3A_727] {strides = array<i32>} : memref<2x96x512xf32, #tpu.memory_space<vmem>>, vector<1x1x16xf32>,
        %get3A_729 = vector.shape_cast %get3A_728 : vector<1x1x16xf32> to vector<16xf32>
        %mul3A_730 = arith.constant 16 : i32
        %mul3A_731 = arith.muli %scan3A_707, %mul3A_730 : i32
        %get3A_732 = arith.constant 1 : i32
        %get3A_733 = arith.constant 24 : i32
        %get3A_734 = arith.index_cast %get3A_732 : i32 to index
        %get3A_735 = arith.index_cast %get3A_733 : i32 to index
        %get3A_736 = arith.index_cast %mul3A_731 : i32 to index
        %get3A_737 = tpu.vector_load %arg6[%get3A_734, %get3A_735, %get3A_736] {strides = array<i32>} : memref<2x96x512xf32, #tpu.memory_space<vmem>>, vector<1x1x16xf32>,
        %get3A_738 = vector.shape_cast %get3A_737 : vector<1x1x16xf32> to vector<16xf32>
        %select_n3A = arith.select %eq3A_714, %get3A_738, %get3A_729 : vector<16xi1>, vector<16xf32>
        %mul3A_739 = arith.constant 16 : i32
        %mul3A_740 = arith.muli %scan3A_707, %mul3A_739 : i32
        %get3A_741 = arith.constant 1 : i32
        %get3A_742 = arith.constant 48 : i32
        %get3A_743 = arith.index_cast %get3A_741 : i32 to index
        %get3A_744 = arith.index_cast %get3A_742 : i32 to index
        %get3A_745 = arith.index_cast %mul3A_740 : i32 to index
        %get3A_746 = tpu.vector_load %arg6[%get3A_743, %get3A_744, %get3A_745] {strides = array<i32>} : memref<2x96x512xf32, #tpu.memory_space<vmem>>, vector<1x1x16xf32>,
        %get3A_747 = vector.shape_cast %get3A_746 : vector<1x1x16xf32> to vector<16xf32>
        %select_n3A_748 = arith.select %eq3A_717, %get3A_747, %select_n3A : vector<16xi1>, vector<16xf32>
        %mul3A_749 = arith.constant 16 : i32
        %mul3A_750 = arith.muli %scan3A_707, %mul3A_749 : i32
        %get3A_751 = arith.constant 1 : i32
        %get3A_752 = arith.constant 72 : i32
        %get3A_753 = arith.index_cast %get3A_751 : i32 to index
        %get3A_754 = arith.index_cast %get3A_752 : i32 to index
        %get3A_755 = arith.index_cast %mul3A_750 : i32 to index
        %get3A_756 = tpu.vector_load %arg6[%get3A_753, %get3A_754, %get3A_755] {strides = array<i32>} : memref<2x96x512xf32, #tpu.memory_space<vmem>>, vector<1x1x16xf32>,
        %get3A_757 = vector.shape_cast %get3A_756 : vector<1x1x16xf32> to vector<16xf32>
        %select_n3A_758 = arith.select %eq3A_720, %get3A_757, %select_n3A_748 : vector<16xi1>, vector<16xf32>
        %mul3A_759 = arith.constant 16 : i32
        %mul3A_760 = arith.muli %scan3A_707, %mul3A_759 : i32
        %swap3A = arith.constant 1 : i32
        %swap3A_761 = arith.constant 0 : i32
        %swap3A_762 = arith.index_cast %swap3A : i32 to index
        %swap3A_763 = arith.index_cast %swap3A_761 : i32 to index
        %swap3A_764 = arith.index_cast %mul3A_760 : i32 to index
        %swap3A_765 = tpu.vector_load %arg7[%swap3A_762, %swap3A_763, %swap3A_764] {strides = array<i32>} : memref<2x24x512xf32, #tpu.memory_space<vmem>>, vector<1x1x16xf32>,
        %swap3A_766 = vector.shape_cast %swap3A_765 : vector<1x1x16xf32> to vector<16xf32>
        %swap3A_767 = vector.shape_cast %select_n3A_758 : vector<16xf32> to vector<1x1x16xf32>
        tpu.vector_store %arg7[%swap3A_762, %swap3A_763, %swap3A_764], %swap3A_767 {strides = array<i32>} : memref<2x24x512xf32, #tpu.memory_space<vmem>>, vector<1x1x16xf32>,
        %mul3A_768 = arith.constant 16 : i32
        %mul3A_769 = arith.muli %scan3A_707, %mul3A_768 : i32
        %get3A_770 = arith.constant 1 : i32
        %get3A_771 = arith.constant 1 : i32
        %get3A_772 = arith.index_cast %get3A_770 : i32 to index
        %get3A_773 = arith.index_cast %get3A_771 : i32 to index
        %get3A_774 = arith.index_cast %mul3A_769 : i32 to index
        %get3A_775 = tpu.vector_load %arg6[%get3A_772, %get3A_773, %get3A_774] {strides = array<i32>} : memref<2x96x512xf32, #tpu.memory_space<vmem>>, vector<1x1x16xf32>,
        %get3A_776 = vector.shape_cast %get3A_775 : vector<1x1x16xf32> to vector<16xf32>
        %mul3A_777 = arith.constant 16 : i32
        %mul3A_778 = arith.muli %scan3A_707, %mul3A_777 : i32
        %get3A_779 = arith.constant 1 : i32
        %get3A_780 = arith.constant 25 : i32
        %get3A_781 = arith.index_cast %get3A_779 : i32 to index
        %get3A_782 = arith.index_cast %get3A_780 : i32 to index
        %get3A_783 = arith.index_cast %mul3A_778 : i32 to index
        %get3A_784 = tpu.vector_load %arg6[%get3A_781, %get3A_782, %get3A_783] {strides = array<i32>} : memref<2x96x512xf32, #tpu.memory_space<vmem>>, vector<1x1x16xf32>,
        %get3A_785 = vector.shape_cast %get3A_784 : vector<1x1x16xf32> to vector<16xf32>
        %select_n3A_786 = arith.select %eq3A_714, %get3A_785, %get3A_776 : vector<16xi1>, vector<16xf32>
        %mul3A_787 = arith.constant 16 : i32
        %mul3A_788 = arith.muli %scan3A_707, %mul3A_787 : i32
        %get3A_789 = arith.constant 1 : i32
        %get3A_790 = arith.constant 49 : i32
        %get3A_791 = arith.index_cast %get3A_789 : i32 to index
        %get3A_792 = arith.index_cast %get3A_790 : i32 to index
        %get3A_793 = arith.index_cast %mul3A_788 : i32 to index
        %get3A_794 = tpu.vector_load %arg6[%get3A_791, %get3A_792, %get3A_793] {strides = array<i32>} : memref<2x96x512xf32, #tpu.memory_space<vmem>>, vector<1x1x16xf32>,
        %get3A_795 = vector.shape_cast %get3A_794 : vector<1x1x16xf32> to vector<16xf32>
        %select_n3A_796 = arith.select %eq3A_717, %get3A_795, %select_n3A_786 : vector<16xi1>, vector<16xf32>
        %mul3A_797 = arith.constant 16 : i32
        %mul3A_798 = arith.muli %scan3A_707, %mul3A_797 : i32
        %get3A_799 = arith.constant 1 : i32
        %get3A_800 = arith.constant 73 : i32
        %get3A_801 = arith.index_cast %get3A_799 : i32 to index
        %get3A_802 = arith.index_cast %get3A_800 : i32 to index
        %get3A_803 = arith.index_cast %mul3A_798 : i32 to index
        %get3A_804 = tpu.vector_load %arg6[%get3A_801, %get3A_802, %get3A_803] {strides = array<i32>} : memref<2x96x512xf32, #tpu.memory_space<vmem>>, vector<1x1x16xf32>,
        %get3A_805 = vector.shape_cast %get3A_804 : vector<1x1x16xf32> to vector<16xf32>
        %select_n3A_806 = arith.select %eq3A_720, %get3A_805, %select_n3A_796 : vector<16xi1>, vector<16xf32>
        %mul3A_807 = arith.constant 16 : i32
        %mul3A_808 = arith.muli %scan3A_707, %mul3A_807 : i32
        %swap3A_809 = arith.constant 1 : i32
        %swap3A_810 = arith.constant 1 : i32
        %swap3A_811 = arith.index_cast %swap3A_809 : i32 to index
        %swap3A_812 = arith.index_cast %swap3A_810 : i32 to index
        %swap3A_813 = arith.index_cast %mul3A_808 : i32 to index
        %swap3A_814 = tpu.vector_load %arg7[%swap3A_811, %swap3A_812, %swap3A_813] {strides = array<i32>} : memref<2x24x512xf32, #tpu.memory_space<vmem>>, vector<1x1x16xf32>,
        %swap3A_815 = vector.shape_cast %swap3A_814 : vector<1x1x16xf32> to vector<16xf32>
        %swap3A_816 = vector.shape_cast %select_n3A_806 : vector<16xf32> to vector<1x1x16xf32>
        tpu.vector_store %arg7[%swap3A_811, %swap3A_812, %swap3A_813], %swap3A_816 {strides = array<i32>} : memref<2x24x512xf32, #tpu.memory_space<vmem>>, vector<1x1x16xf32>,
        %mul3A_817 = arith.constant 16 : i32
        %mul3A_818 = arith.muli %scan3A_707, %mul3A_817 : i32
        %get3A_819 = arith.constant 1 : i32
        %get3A_820 = arith.constant 2 : i32
        %get3A_821 = arith.index_cast %get3A_819 : i32 to index
        %get3A_822 = arith.index_cast %get3A_820 : i32 to index
        %get3A_823 = arith.index_cast %mul3A_818 : i32 to index
        %get3A_824 = tpu.vector_load %arg6[%get3A_821, %get3A_822, %get3A_823] {strides = array<i32>} : memref<2x96x512xf32, #tpu.memory_space<vmem>>, vector<1x1x16xf32>,
        %get3A_825 = vector.shape_cast %get3A_824 : vector<1x1x16xf32> to vector<16xf32>
        %mul3A_826 = arith.constant 16 : i32
        %mul3A_827 = arith.muli %scan3A_707, %mul3A_826 : i32
        %get3A_828 = arith.constant 1 : i32
        %get3A_829 = arith.constant 26 : i32
        %get3A_830 = arith.index_cast %get3A_828 : i32 to index
        %get3A_831 = arith.index_cast %get3A_829 : i32 to index
        %get3A_832 = arith.index_cast %mul3A_827 : i32 to index
        %get3A_833 = tpu.vector_load %arg6[%get3A_830, %get3A_831, %get3A_832] {strides = array<i32>} : memref<2x96x512xf32, #tpu.memory_space<vmem>>, vector<1x1x16xf32>,
        %get3A_834 = vector.shape_cast %get3A_833 : vector<1x1x16xf32> to vector<16xf32>
        %select_n3A_835 = arith.select %eq3A_714, %get3A_834, %get3A_825 : vector<16xi1>, vector<16xf32>
        %mul3A_836 = arith.constant 16 : i32
        %mul3A_837 = arith.muli %scan3A_707, %mul3A_836 : i32
        %get3A_838 = arith.constant 1 : i32
        %get3A_839 = arith.constant 50 : i32
        %get3A_840 = arith.index_cast %get3A_838 : i32 to index
        %get3A_841 = arith.index_cast %get3A_839 : i32 to index
        %get3A_842 = arith.index_cast %mul3A_837 : i32 to index
        %get3A_843 = tpu.vector_load %arg6[%get3A_840, %get3A_841, %get3A_842] {strides = array<i32>} : memref<2x96x512xf32, #tpu.memory_space<vmem>>, vector<1x1x16xf32>,
        %get3A_844 = vector.shape_cast %get3A_843 : vector<1x1x16xf32> to vector<16xf32>
        %select_n3A_845 = arith.select %eq3A_717, %get3A_844, %select_n3A_835 : vector<16xi1>, vector<16xf32>
        %mul3A_846 = arith.constant 16 : i32
        %mul3A_847 = arith.muli %scan3A_707, %mul3A_846 : i32
        %get3A_848 = arith.constant 1 : i32
        %get3A_849 = arith.constant 74 : i32
        %get3A_850 = arith.index_cast %get3A_848 : i32 to index
        %get3A_851 = arith.index_cast %get3A_849 : i32 to index
        %get3A_852 = arith.index_cast %mul3A_847 : i32 to index
        %get3A_853 = tpu.vector_load %arg6[%get3A_850, %get3A_851, %get3A_852] {strides = array<i32>} : memref<2x96x512xf32, #tpu.memory_space<vmem>>, vector<1x1x16xf32>,
        %get3A_854 = vector.shape_cast %get3A_853 : vector<1x1x16xf32> to vector<16xf32>
        %select_n3A_855 = arith.select %eq3A_720, %get3A_854, %select_n3A_845 : vector<16xi1>, vector<16xf32>
        %mul3A_856 = arith.constant 16 : i32
        %mul3A_857 = arith.muli %scan3A_707, %mul3A_856 : i32
        %swap3A_858 = arith.constant 1 : i32
        %swap3A_859 = arith.constant 2 : i32
        %swap3A_860 = arith.index_cast %swap3A_858 : i32 to index
        %swap3A_861 = arith.index_cast %swap3A_859 : i32 to index
        %swap3A_862 = arith.index_cast %mul3A_857 : i32 to index
        %swap3A_863 = tpu.vector_load %arg7[%swap3A_860, %swap3A_861, %swap3A_862] {strides = array<i32>} : memref<2x24x512xf32, #tpu.memory_space<vmem>>, vector<1x1x16xf32>,
        %swap3A_864 = vector.shape_cast %swap3A_863 : vector<1x1x16xf32> to vector<16xf32>
        %swap3A_865 = vector.shape_cast %select_n3A_855 : vector<16xf32> to vector<1x1x16xf32>
        tpu.vector_store %arg7[%swap3A_860, %swap3A_861, %swap3A_862], %swap3A_865 {strides = array<i32>} : memref<2x24x512xf32, #tpu.memory_space<vmem>>, vector<1x1x16xf32>,
        %mul3A_866 = arith.constant 16 : i32
        %mul3A_867 = arith.muli %scan3A_707, %mul3A_866 : i32
        %get3A_868 = arith.constant 1 : i32
        %get3A_869 = arith.constant 3 : i32
        %get3A_870 = arith.index_cast %get3A_868 : i32 to index
        %get3A_871 = arith.index_cast %get3A_869 : i32 to index
        %get3A_872 = arith.index_cast %mul3A_867 : i32 to index
        %get3A_873 = tpu.vector_load %arg6[%get3A_870, %get3A_871, %get3A_872] {strides = array<i32>} : memref<2x96x512xf32, #tpu.memory_space<vmem>>, vector<1x1x16xf32>,
        %get3A_874 = vector.shape_cast %get3A_873 : vector<1x1x16xf32> to vector<16xf32>
        %mul3A_875 = arith.constant 16 : i32
        %mul3A_876 = arith.muli %scan3A_707, %mul3A_875 : i32
        %get3A_877 = arith.constant 1 : i32
        %get3A_878 = arith.constant 27 : i32
        %get3A_879 = arith.index_cast %get3A_877 : i32 to index
        %get3A_880 = arith.index_cast %get3A_878 : i32 to index
        %get3A_881 = arith.index_cast %mul3A_876 : i32 to index
        %get3A_882 = tpu.vector_load %arg6[%get3A_879, %get3A_880, %get3A_881] {strides = array<i32>} : memref<2x96x512xf32, #tpu.memory_space<vmem>>, vector<1x1x16xf32>,
        %get3A_883 = vector.shape_cast %get3A_882 : vector<1x1x16xf32> to vector<16xf32>
        %select_n3A_884 = arith.select %eq3A_714, %get3A_883, %get3A_874 : vector<16xi1>, vector<16xf32>
        %mul3A_885 = arith.constant 16 : i32
        %mul3A_886 = arith.muli %scan3A_707, %mul3A_885 : i32
        %get3A_887 = arith.constant 1 : i32
        %get3A_888 = arith.constant 51 : i32
        %get3A_889 = arith.index_cast %get3A_887 : i32 to index
        %get3A_890 = arith.index_cast %get3A_888 : i32 to index
        %get3A_891 = arith.index_cast %mul3A_886 : i32 to index
        %get3A_892 = tpu.vector_load %arg6[%get3A_889, %get3A_890, %get3A_891] {strides = array<i32>} : memref<2x96x512xf32, #tpu.memory_space<vmem>>, vector<1x1x16xf32>,
        %get3A_893 = vector.shape_cast %get3A_892 : vector<1x1x16xf32> to vector<16xf32>
        %select_n3A_894 = arith.select %eq3A_717, %get3A_893, %select_n3A_884 : vector<16xi1>, vector<16xf32>
        %mul3A_895 = arith.constant 16 : i32
        %mul3A_896 = arith.muli %scan3A_707, %mul3A_895 : i32
        %get3A_897 = arith.constant 1 : i32
        %get3A_898 = arith.constant 75 : i32
        %get3A_899 = arith.index_cast %get3A_897 : i32 to index
        %get3A_900 = arith.index_cast %get3A_898 : i32 to index
        %get3A_901 = arith.index_cast %mul3A_896 : i32 to index
        %get3A_902 = tpu.vector_load %arg6[%get3A_899, %get3A_900, %get3A_901] {strides = array<i32>} : memref<2x96x512xf32, #tpu.memory_space<vmem>>, vector<1x1x16xf32>,
        %get3A_903 = vector.shape_cast %get3A_902 : vector<1x1x16xf32> to vector<16xf32>
        %select_n3A_904 = arith.select %eq3A_720, %get3A_903, %select_n3A_894 : vector<16xi1>, vector<16xf32>
        %mul3A_905 = arith.constant 16 : i32
        %mul3A_906 = arith.muli %scan3A_707, %mul3A_905 : i32
        %swap3A_907 = arith.constant 1 : i32
        %swap3A_908 = arith.constant 3 : i32
        %swap3A_909 = arith.index_cast %swap3A_907 : i32 to index
        %swap3A_910 = arith.index_cast %swap3A_908 : i32 to index
        %swap3A_911 = arith.index_cast %mul3A_906 : i32 to index
        %swap3A_912 = tpu.vector_load %arg7[%swap3A_909, %swap3A_910, %swap3A_911] {strides = array<i32>} : memref<2x24x512xf32, #tpu.memory_space<vmem>>, vector<1x1x16xf32>,
        %swap3A_913 = vector.shape_cast %swap3A_912 : vector<1x1x16xf32> to vector<16xf32>
        %swap3A_914 = vector.shape_cast %select_n3A_904 : vector<16xf32> to vector<1x1x16xf32>
        tpu.vector_store %arg7[%swap3A_909, %swap3A_910, %swap3A_911], %swap3A_914 {strides = array<i32>} : memref<2x24x512xf32, #tpu.memory_space<vmem>>, vector<1x1x16xf32>,
        %mul3A_915 = arith.constant 16 : i32
        %mul3A_916 = arith.muli %scan3A_707, %mul3A_915 : i32
        %get3A_917 = arith.constant 1 : i32
        %get3A_918 = arith.constant 4 : i32
        %get3A_919 = arith.index_cast %get3A_917 : i32 to index
        %get3A_920 = arith.index_cast %get3A_918 : i32 to index
        %get3A_921 = arith.index_cast %mul3A_916 : i32 to index
        %get3A_922 = tpu.vector_load %arg6[%get3A_919, %get3A_920, %get3A_921] {strides = array<i32>} : memref<2x96x512xf32, #tpu.memory_space<vmem>>, vector<1x1x16xf32>,
        %get3A_923 = vector.shape_cast %get3A_922 : vector<1x1x16xf32> to vector<16xf32>
        %mul3A_924 = arith.constant 16 : i32
        %mul3A_925 = arith.muli %scan3A_707, %mul3A_924 : i32
        %get3A_926 = arith.constant 1 : i32
        %get3A_927 = arith.constant 28 : i32
        %get3A_928 = arith.index_cast %get3A_926 : i32 to index
        %get3A_929 = arith.index_cast %get3A_927 : i32 to index
        %get3A_930 = arith.index_cast %mul3A_925 : i32 to index
        %get3A_931 = tpu.vector_load %arg6[%get3A_928, %get3A_929, %get3A_930] {strides = array<i32>} : memref<2x96x512xf32, #tpu.memory_space<vmem>>, vector<1x1x16xf32>,
        %get3A_932 = vector.shape_cast %get3A_931 : vector<1x1x16xf32> to vector<16xf32>
        %select_n3A_933 = arith.select %eq3A_714, %get3A_932, %get3A_923 : vector<16xi1>, vector<16xf32>
        %mul3A_934 = arith.constant 16 : i32
        %mul3A_935 = arith.muli %scan3A_707, %mul3A_934 : i32
        %get3A_936 = arith.constant 1 : i32
        %get3A_937 = arith.constant 52 : i32
        %get3A_938 = arith.index_cast %get3A_936 : i32 to index
        %get3A_939 = arith.index_cast %get3A_937 : i32 to index
        %get3A_940 = arith.index_cast %mul3A_935 : i32 to index
        %get3A_941 = tpu.vector_load %arg6[%get3A_938, %get3A_939, %get3A_940] {strides = array<i32>} : memref<2x96x512xf32, #tpu.memory_space<vmem>>, vector<1x1x16xf32>,
        %get3A_942 = vector.shape_cast %get3A_941 : vector<1x1x16xf32> to vector<16xf32>
        %select_n3A_943 = arith.select %eq3A_717, %get3A_942, %select_n3A_933 : vector<16xi1>, vector<16xf32>
        %mul3A_944 = arith.constant 16 : i32
        %mul3A_945 = arith.muli %scan3A_707, %mul3A_944 : i32
        %get3A_946 = arith.constant 1 : i32
        %get3A_947 = arith.constant 76 : i32
        %get3A_948 = arith.index_cast %get3A_946 : i32 to index
        %get3A_949 = arith.index_cast %get3A_947 : i32 to index
        %get3A_950 = arith.index_cast %mul3A_945 : i32 to index
        %get3A_951 = tpu.vector_load %arg6[%get3A_948, %get3A_949, %get3A_950] {strides = array<i32>} : memref<2x96x512xf32, #tpu.memory_space<vmem>>, vector<1x1x16xf32>,
        %get3A_952 = vector.shape_cast %get3A_951 : vector<1x1x16xf32> to vector<16xf32>
        %select_n3A_953 = arith.select %eq3A_720, %get3A_952, %select_n3A_943 : vector<16xi1>, vector<16xf32>
        %mul3A_954 = arith.constant 16 : i32
        %mul3A_955 = arith.muli %scan3A_707, %mul3A_954 : i32
        %swap3A_956 = arith.constant 1 : i32
        %swap3A_957 = arith.constant 4 : i32
        %swap3A_958 = arith.index_cast %swap3A_956 : i32 to index
        %swap3A_959 = arith.index_cast %swap3A_957 : i32 to index
        %swap3A_960 = arith.index_cast %mul3A_955 : i32 to index
        %swap3A_961 = tpu.vector_load %arg7[%swap3A_958, %swap3A_959, %swap3A_960] {strides = array<i32>} : memref<2x24x512xf32, #tpu.memory_space<vmem>>, vector<1x1x16xf32>,
        %swap3A_962 = vector.shape_cast %swap3A_961 : vector<1x1x16xf32> to vector<16xf32>
        %swap3A_963 = vector.shape_cast %select_n3A_953 : vector<16xf32> to vector<1x1x16xf32>
        tpu.vector_store %arg7[%swap3A_958, %swap3A_959, %swap3A_960], %swap3A_963 {strides = array<i32>} : memref<2x24x512xf32, #tpu.memory_space<vmem>>, vector<1x1x16xf32>,
        %mul3A_964 = arith.constant 16 : i32
        %mul3A_965 = arith.muli %scan3A_707, %mul3A_964 : i32
        %get3A_966 = arith.constant 1 : i32
        %get3A_967 = arith.constant 5 : i32
        %get3A_968 = arith.index_cast %get3A_966 : i32 to index
        %get3A_969 = arith.index_cast %get3A_967 : i32 to index
        %get3A_970 = arith.index_cast %mul3A_965 : i32 to index
        %get3A_971 = tpu.vector_load %arg6[%get3A_968, %get3A_969, %get3A_970] {strides = array<i32>} : memref<2x96x512xf32, #tpu.memory_space<vmem>>, vector<1x1x16xf32>,
        %get3A_972 = vector.shape_cast %get3A_971 : vector<1x1x16xf32> to vector<16xf32>
        %mul3A_973 = arith.constant 16 : i32
        %mul3A_974 = arith.muli %scan3A_707, %mul3A_973 : i32
        %get3A_975 = arith.constant 1 : i32
        %get3A_976 = arith.constant 29 : i32
        %get3A_977 = arith.index_cast %get3A_975 : i32 to index
        %get3A_978 = arith.index_cast %get3A_976 : i32 to index
        %get3A_979 = arith.index_cast %mul3A_974 : i32 to index
        %get3A_980 = tpu.vector_load %arg6[%get3A_977, %get3A_978, %get3A_979] {strides = array<i32>} : memref<2x96x512xf32, #tpu.memory_space<vmem>>, vector<1x1x16xf32>,
        %get3A_981 = vector.shape_cast %get3A_980 : vector<1x1x16xf32> to vector<16xf32>
        %select_n3A_982 = arith.select %eq3A_714, %get3A_981, %get3A_972 : vector<16xi1>, vector<16xf32>
        %mul3A_983 = arith.constant 16 : i32
        %mul3A_984 = arith.muli %scan3A_707, %mul3A_983 : i32
        %get3A_985 = arith.constant 1 : i32
        %get3A_986 = arith.constant 53 : i32
        %get3A_987 = arith.index_cast %get3A_985 : i32 to index
        %get3A_988 = arith.index_cast %get3A_986 : i32 to index
        %get3A_989 = arith.index_cast %mul3A_984 : i32 to index
        %get3A_990 = tpu.vector_load %arg6[%get3A_987, %get3A_988, %get3A_989] {strides = array<i32>} : memref<2x96x512xf32, #tpu.memory_space<vmem>>, vector<1x1x16xf32>,
        %get3A_991 = vector.shape_cast %get3A_990 : vector<1x1x16xf32> to vector<16xf32>
        %select_n3A_992 = arith.select %eq3A_717, %get3A_991, %select_n3A_982 : vector<16xi1>, vector<16xf32>
        %mul3A_993 = arith.constant 16 : i32
        %mul3A_994 = arith.muli %scan3A_707, %mul3A_993 : i32
        %get3A_995 = arith.constant 1 : i32
        %get3A_996 = arith.constant 77 : i32
        %get3A_997 = arith.index_cast %get3A_995 : i32 to index
        %get3A_998 = arith.index_cast %get3A_996 : i32 to index
        %get3A_999 = arith.index_cast %mul3A_994 : i32 to index
        %get3A_1000 = tpu.vector_load %arg6[%get3A_997, %get3A_998, %get3A_999] {strides = array<i32>} : memref<2x96x512xf32, #tpu.memory_space<vmem>>, vector<1x1x16xf32>,
        %get3A_1001 = vector.shape_cast %get3A_1000 : vector<1x1x16xf32> to vector<16xf32>
        %select_n3A_1002 = arith.select %eq3A_720, %get3A_1001, %select_n3A_992 : vector<16xi1>, vector<16xf32>
        %mul3A_1003 = arith.constant 16 : i32
        %mul3A_1004 = arith.muli %scan3A_707, %mul3A_1003 : i32
        %swap3A_1005 = arith.constant 1 : i32
        %swap3A_1006 = arith.constant 5 : i32
        %swap3A_1007 = arith.index_cast %swap3A_1005 : i32 to index
        %swap3A_1008 = arith.index_cast %swap3A_1006 : i32 to index
        %swap3A_1009 = arith.index_cast %mul3A_1004 : i32 to index
        %swap3A_1010 = tpu.vector_load %arg7[%swap3A_1007, %swap3A_1008, %swap3A_1009] {strides = array<i32>} : memref<2x24x512xf32, #tpu.memory_space<vmem>>, vector<1x1x16xf32>,
        %swap3A_1011 = vector.shape_cast %swap3A_1010 : vector<1x1x16xf32> to vector<16xf32>
        %swap3A_1012 = vector.shape_cast %select_n3A_1002 : vector<16xf32> to vector<1x1x16xf32>
        tpu.vector_store %arg7[%swap3A_1007, %swap3A_1008, %swap3A_1009], %swap3A_1012 {strides = array<i32>} : memref<2x24x512xf32, #tpu.memory_space<vmem>>, vector<1x1x16xf32>,
        %mul3A_1013 = arith.constant 16 : i32
        %mul3A_1014 = arith.muli %scan3A_707, %mul3A_1013 : i32
        %get3A_1015 = arith.constant 1 : i32
        %get3A_1016 = arith.constant 6 : i32
        %get3A_1017 = arith.index_cast %get3A_1015 : i32 to index
        %get3A_1018 = arith.index_cast %get3A_1016 : i32 to index
        %get3A_1019 = arith.index_cast %mul3A_1014 : i32 to index
        %get3A_1020 = tpu.vector_load %arg6[%get3A_1017, %get3A_1018, %get3A_1019] {strides = array<i32>} : memref<2x96x512xf32, #tpu.memory_space<vmem>>, vector<1x1x16xf32>,
        %get3A_1021 = vector.shape_cast %get3A_1020 : vector<1x1x16xf32> to vector<16xf32>
        %mul3A_1022 = arith.constant 16 : i32
        %mul3A_1023 = arith.muli %scan3A_707, %mul3A_1022 : i32
        %get3A_1024 = arith.constant 1 : i32
        %get3A_1025 = arith.constant 30 : i32
        %get3A_1026 = arith.index_cast %get3A_1024 : i32 to index
        %get3A_1027 = arith.index_cast %get3A_1025 : i32 to index
        %get3A_1028 = arith.index_cast %mul3A_1023 : i32 to index
        %get3A_1029 = tpu.vector_load %arg6[%get3A_1026, %get3A_1027, %get3A_1028] {strides = array<i32>} : memref<2x96x512xf32, #tpu.memory_space<vmem>>, vector<1x1x16xf32>,
        %get3A_1030 = vector.shape_cast %get3A_1029 : vector<1x1x16xf32> to vector<16xf32>
        %select_n3A_1031 = arith.select %eq3A_714, %get3A_1030, %get3A_1021 : vector<16xi1>, vector<16xf32>
        %mul3A_1032 = arith.constant 16 : i32
        %mul3A_1033 = arith.muli %scan3A_707, %mul3A_1032 : i32
        %get3A_1034 = arith.constant 1 : i32
        %get3A_1035 = arith.constant 54 : i32
        %get3A_1036 = arith.index_cast %get3A_1034 : i32 to index
        %get3A_1037 = arith.index_cast %get3A_1035 : i32 to index
        %get3A_1038 = arith.index_cast %mul3A_1033 : i32 to index
        %get3A_1039 = tpu.vector_load %arg6[%get3A_1036, %get3A_1037, %get3A_1038] {strides = array<i32>} : memref<2x96x512xf32, #tpu.memory_space<vmem>>, vector<1x1x16xf32>,
        %get3A_1040 = vector.shape_cast %get3A_1039 : vector<1x1x16xf32> to vector<16xf32>
        %select_n3A_1041 = arith.select %eq3A_717, %get3A_1040, %select_n3A_1031 : vector<16xi1>, vector<16xf32>
        %mul3A_1042 = arith.constant 16 : i32
        %mul3A_1043 = arith.muli %scan3A_707, %mul3A_1042 : i32
        %get3A_1044 = arith.constant 1 : i32
        %get3A_1045 = arith.constant 78 : i32
        %get3A_1046 = arith.index_cast %get3A_1044 : i32 to index
        %get3A_1047 = arith.index_cast %get3A_1045 : i32 to index
        %get3A_1048 = arith.index_cast %mul3A_1043 : i32 to index
        %get3A_1049 = tpu.vector_load %arg6[%get3A_1046, %get3A_1047, %get3A_1048] {strides = array<i32>} : memref<2x96x512xf32, #tpu.memory_space<vmem>>, vector<1x1x16xf32>,
        %get3A_1050 = vector.shape_cast %get3A_1049 : vector<1x1x16xf32> to vector<16xf32>
        %select_n3A_1051 = arith.select %eq3A_720, %get3A_1050, %select_n3A_1041 : vector<16xi1>, vector<16xf32>
        %mul3A_1052 = arith.constant 16 : i32
        %mul3A_1053 = arith.muli %scan3A_707, %mul3A_1052 : i32
        %swap3A_1054 = arith.constant 1 : i32
        %swap3A_1055 = arith.constant 6 : i32
        %swap3A_1056 = arith.index_cast %swap3A_1054 : i32 to index
        %swap3A_1057 = arith.index_cast %swap3A_1055 : i32 to index
        %swap3A_1058 = arith.index_cast %mul3A_1053 : i32 to index
        %swap3A_1059 = tpu.vector_load %arg7[%swap3A_1056, %swap3A_1057, %swap3A_1058] {strides = array<i32>} : memref<2x24x512xf32, #tpu.memory_space<vmem>>, vector<1x1x16xf32>,
        %swap3A_1060 = vector.shape_cast %swap3A_1059 : vector<1x1x16xf32> to vector<16xf32>
        %swap3A_1061 = vector.shape_cast %select_n3A_1051 : vector<16xf32> to vector<1x1x16xf32>
        tpu.vector_store %arg7[%swap3A_1056, %swap3A_1057, %swap3A_1058], %swap3A_1061 {strides = array<i32>} : memref<2x24x512xf32, #tpu.memory_space<vmem>>, vector<1x1x16xf32>,
        %mul3A_1062 = arith.constant 16 : i32
        %mul3A_1063 = arith.muli %scan3A_707, %mul3A_1062 : i32
        %get3A_1064 = arith.constant 1 : i32
        %get3A_1065 = arith.constant 7 : i32
        %get3A_1066 = arith.index_cast %get3A_1064 : i32 to index
        %get3A_1067 = arith.index_cast %get3A_1065 : i32 to index
        %get3A_1068 = arith.index_cast %mul3A_1063 : i32 to index
        %get3A_1069 = tpu.vector_load %arg6[%get3A_1066, %get3A_1067, %get3A_1068] {strides = array<i32>} : memref<2x96x512xf32, #tpu.memory_space<vmem>>, vector<1x1x16xf32>,
        %get3A_1070 = vector.shape_cast %get3A_1069 : vector<1x1x16xf32> to vector<16xf32>
        %mul3A_1071 = arith.constant 16 : i32
        %mul3A_1072 = arith.muli %scan3A_707, %mul3A_1071 : i32
        %get3A_1073 = arith.constant 1 : i32
        %get3A_1074 = arith.constant 31 : i32
        %get3A_1075 = arith.index_cast %get3A_1073 : i32 to index
        %get3A_1076 = arith.index_cast %get3A_1074 : i32 to index
        %get3A_1077 = arith.index_cast %mul3A_1072 : i32 to index
        %get3A_1078 = tpu.vector_load %arg6[%get3A_1075, %get3A_1076, %get3A_1077] {strides = array<i32>} : memref<2x96x512xf32, #tpu.memory_space<vmem>>, vector<1x1x16xf32>,
        %get3A_1079 = vector.shape_cast %get3A_1078 : vector<1x1x16xf32> to vector<16xf32>
        %select_n3A_1080 = arith.select %eq3A_714, %get3A_1079, %get3A_1070 : vector<16xi1>, vector<16xf32>
        %mul3A_1081 = arith.constant 16 : i32
        %mul3A_1082 = arith.muli %scan3A_707, %mul3A_1081 : i32
        %get3A_1083 = arith.constant 1 : i32
        %get3A_1084 = arith.constant 55 : i32
        %get3A_1085 = arith.index_cast %get3A_1083 : i32 to index
        %get3A_1086 = arith.index_cast %get3A_1084 : i32 to index
        %get3A_1087 = arith.index_cast %mul3A_1082 : i32 to index
        %get3A_1088 = tpu.vector_load %arg6[%get3A_1085, %get3A_1086, %get3A_1087] {strides = array<i32>} : memref<2x96x512xf32, #tpu.memory_space<vmem>>, vector<1x1x16xf32>,
        %get3A_1089 = vector.shape_cast %get3A_1088 : vector<1x1x16xf32> to vector<16xf32>
        %select_n3A_1090 = arith.select %eq3A_717, %get3A_1089, %select_n3A_1080 : vector<16xi1>, vector<16xf32>
        %mul3A_1091 = arith.constant 16 : i32
        %mul3A_1092 = arith.muli %scan3A_707, %mul3A_1091 : i32
        %get3A_1093 = arith.constant 1 : i32
        %get3A_1094 = arith.constant 79 : i32
        %get3A_1095 = arith.index_cast %get3A_1093 : i32 to index
        %get3A_1096 = arith.index_cast %get3A_1094 : i32 to index
        %get3A_1097 = arith.index_cast %mul3A_1092 : i32 to index
        %get3A_1098 = tpu.vector_load %arg6[%get3A_1095, %get3A_1096, %get3A_1097] {strides = array<i32>} : memref<2x96x512xf32, #tpu.memory_space<vmem>>, vector<1x1x16xf32>,
        %get3A_1099 = vector.shape_cast %get3A_1098 : vector<1x1x16xf32> to vector<16xf32>
        %select_n3A_1100 = arith.select %eq3A_720, %get3A_1099, %select_n3A_1090 : vector<16xi1>, vector<16xf32>
        %mul3A_1101 = arith.constant 16 : i32
        %mul3A_1102 = arith.muli %scan3A_707, %mul3A_1101 : i32
        %swap3A_1103 = arith.constant 1 : i32
        %swap3A_1104 = arith.constant 7 : i32
        %swap3A_1105 = arith.index_cast %swap3A_1103 : i32 to index
        %swap3A_1106 = arith.index_cast %swap3A_1104 : i32 to index
        %swap3A_1107 = arith.index_cast %mul3A_1102 : i32 to index
        %swap3A_1108 = tpu.vector_load %arg7[%swap3A_1105, %swap3A_1106, %swap3A_1107] {strides = array<i32>} : memref<2x24x512xf32, #tpu.memory_space<vmem>>, vector<1x1x16xf32>,
        %swap3A_1109 = vector.shape_cast %swap3A_1108 : vector<1x1x16xf32> to vector<16xf32>
        %swap3A_1110 = vector.shape_cast %select_n3A_1100 : vector<16xf32> to vector<1x1x16xf32>
        tpu.vector_store %arg7[%swap3A_1105, %swap3A_1106, %swap3A_1107], %swap3A_1110 {strides = array<i32>} : memref<2x24x512xf32, #tpu.memory_space<vmem>>, vector<1x1x16xf32>,
        %mul3A_1111 = arith.constant 16 : i32
        %mul3A_1112 = arith.muli %scan3A_707, %mul3A_1111 : i32
        %get3A_1113 = arith.constant 1 : i32
        %get3A_1114 = arith.constant 8 : i32
        %get3A_1115 = arith.index_cast %get3A_1113 : i32 to index
        %get3A_1116 = arith.index_cast %get3A_1114 : i32 to index
        %get3A_1117 = arith.index_cast %mul3A_1112 : i32 to index
        %get3A_1118 = tpu.vector_load %arg6[%get3A_1115, %get3A_1116, %get3A_1117] {strides = array<i32>} : memref<2x96x512xf32, #tpu.memory_space<vmem>>, vector<1x1x16xf32>,
        %get3A_1119 = vector.shape_cast %get3A_1118 : vector<1x1x16xf32> to vector<16xf32>
        %mul3A_1120 = arith.constant 16 : i32
        %mul3A_1121 = arith.muli %scan3A_707, %mul3A_1120 : i32
        %get3A_1122 = arith.constant 1 : i32
        %get3A_1123 = arith.constant 32 : i32
        %get3A_1124 = arith.index_cast %get3A_1122 : i32 to index
        %get3A_1125 = arith.index_cast %get3A_1123 : i32 to index
        %get3A_1126 = arith.index_cast %mul3A_1121 : i32 to index
        %get3A_1127 = tpu.vector_load %arg6[%get3A_1124, %get3A_1125, %get3A_1126] {strides = array<i32>} : memref<2x96x512xf32, #tpu.memory_space<vmem>>, vector<1x1x16xf32>,
        %get3A_1128 = vector.shape_cast %get3A_1127 : vector<1x1x16xf32> to vector<16xf32>
        %select_n3A_1129 = arith.select %eq3A_714, %get3A_1128, %get3A_1119 : vector<16xi1>, vector<16xf32>
        %mul3A_1130 = arith.constant 16 : i32
        %mul3A_1131 = arith.muli %scan3A_707, %mul3A_1130 : i32
        %get3A_1132 = arith.constant 1 : i32
        %get3A_1133 = arith.constant 56 : i32
        %get3A_1134 = arith.index_cast %get3A_1132 : i32 to index
        %get3A_1135 = arith.index_cast %get3A_1133 : i32 to index
        %get3A_1136 = arith.index_cast %mul3A_1131 : i32 to index
        %get3A_1137 = tpu.vector_load %arg6[%get3A_1134, %get3A_1135, %get3A_1136] {strides = array<i32>} : memref<2x96x512xf32, #tpu.memory_space<vmem>>, vector<1x1x16xf32>,
        %get3A_1138 = vector.shape_cast %get3A_1137 : vector<1x1x16xf32> to vector<16xf32>
        %select_n3A_1139 = arith.select %eq3A_717, %get3A_1138, %select_n3A_1129 : vector<16xi1>, vector<16xf32>
        %mul3A_1140 = arith.constant 16 : i32
        %mul3A_1141 = arith.muli %scan3A_707, %mul3A_1140 : i32
        %get3A_1142 = arith.constant 1 : i32
        %get3A_1143 = arith.constant 80 : i32
        %get3A_1144 = arith.index_cast %get3A_1142 : i32 to index
        %get3A_1145 = arith.index_cast %get3A_1143 : i32 to index
        %get3A_1146 = arith.index_cast %mul3A_1141 : i32 to index
        %get3A_1147 = tpu.vector_load %arg6[%get3A_1144, %get3A_1145, %get3A_1146] {strides = array<i32>} : memref<2x96x512xf32, #tpu.memory_space<vmem>>, vector<1x1x16xf32>,
        %get3A_1148 = vector.shape_cast %get3A_1147 : vector<1x1x16xf32> to vector<16xf32>
        %select_n3A_1149 = arith.select %eq3A_720, %get3A_1148, %select_n3A_1139 : vector<16xi1>, vector<16xf32>
        %mul3A_1150 = arith.constant 16 : i32
        %mul3A_1151 = arith.muli %scan3A_707, %mul3A_1150 : i32
        %swap3A_1152 = arith.constant 1 : i32
        %swap3A_1153 = arith.constant 8 : i32
        %swap3A_1154 = arith.index_cast %swap3A_1152 : i32 to index
        %swap3A_1155 = arith.index_cast %swap3A_1153 : i32 to index
        %swap3A_1156 = arith.index_cast %mul3A_1151 : i32 to index
        %swap3A_1157 = tpu.vector_load %arg7[%swap3A_1154, %swap3A_1155, %swap3A_1156] {strides = array<i32>} : memref<2x24x512xf32, #tpu.memory_space<vmem>>, vector<1x1x16xf32>,
        %swap3A_1158 = vector.shape_cast %swap3A_1157 : vector<1x1x16xf32> to vector<16xf32>
        %swap3A_1159 = vector.shape_cast %select_n3A_1149 : vector<16xf32> to vector<1x1x16xf32>
        tpu.vector_store %arg7[%swap3A_1154, %swap3A_1155, %swap3A_1156], %swap3A_1159 {strides = array<i32>} : memref<2x24x512xf32, #tpu.memory_space<vmem>>, vector<1x1x16xf32>,
        %mul3A_1160 = arith.constant 16 : i32
        %mul3A_1161 = arith.muli %scan3A_707, %mul3A_1160 : i32
        %get3A_1162 = arith.constant 1 : i32
        %get3A_1163 = arith.constant 9 : i32
        %get3A_1164 = arith.index_cast %get3A_1162 : i32 to index
        %get3A_1165 = arith.index_cast %get3A_1163 : i32 to index
        %get3A_1166 = arith.index_cast %mul3A_1161 : i32 to index
        %get3A_1167 = tpu.vector_load %arg6[%get3A_1164, %get3A_1165, %get3A_1166] {strides = array<i32>} : memref<2x96x512xf32, #tpu.memory_space<vmem>>, vector<1x1x16xf32>,
        %get3A_1168 = vector.shape_cast %get3A_1167 : vector<1x1x16xf32> to vector<16xf32>
        %mul3A_1169 = arith.constant 16 : i32
        %mul3A_1170 = arith.muli %scan3A_707, %mul3A_1169 : i32
        %get3A_1171 = arith.constant 1 : i32
        %get3A_1172 = arith.constant 33 : i32
        %get3A_1173 = arith.index_cast %get3A_1171 : i32 to index
        %get3A_1174 = arith.index_cast %get3A_1172 : i32 to index
        %get3A_1175 = arith.index_cast %mul3A_1170 : i32 to index
        %get3A_1176 = tpu.vector_load %arg6[%get3A_1173, %get3A_1174, %get3A_1175] {strides = array<i32>} : memref<2x96x512xf32, #tpu.memory_space<vmem>>, vector<1x1x16xf32>,
        %get3A_1177 = vector.shape_cast %get3A_1176 : vector<1x1x16xf32> to vector<16xf32>
        %select_n3A_1178 = arith.select %eq3A_714, %get3A_1177, %get3A_1168 : vector<16xi1>, vector<16xf32>
        %mul3A_1179 = arith.constant 16 : i32
        %mul3A_1180 = arith.muli %scan3A_707, %mul3A_1179 : i32
        %get3A_1181 = arith.constant 1 : i32
        %get3A_1182 = arith.constant 57 : i32
        %get3A_1183 = arith.index_cast %get3A_1181 : i32 to index
        %get3A_1184 = arith.index_cast %get3A_1182 : i32 to index
        %get3A_1185 = arith.index_cast %mul3A_1180 : i32 to index
        %get3A_1186 = tpu.vector_load %arg6[%get3A_1183, %get3A_1184, %get3A_1185] {strides = array<i32>} : memref<2x96x512xf32, #tpu.memory_space<vmem>>, vector<1x1x16xf32>,
        %get3A_1187 = vector.shape_cast %get3A_1186 : vector<1x1x16xf32> to vector<16xf32>
        %select_n3A_1188 = arith.select %eq3A_717, %get3A_1187, %select_n3A_1178 : vector<16xi1>, vector<16xf32>
        %mul3A_1189 = arith.constant 16 : i32
        %mul3A_1190 = arith.muli %scan3A_707, %mul3A_1189 : i32
        %get3A_1191 = arith.constant 1 : i32
        %get3A_1192 = arith.constant 81 : i32
        %get3A_1193 = arith.index_cast %get3A_1191 : i32 to index
        %get3A_1194 = arith.index_cast %get3A_1192 : i32 to index
        %get3A_1195 = arith.index_cast %mul3A_1190 : i32 to index
        %get3A_1196 = tpu.vector_load %arg6[%get3A_1193, %get3A_1194, %get3A_1195] {strides = array<i32>} : memref<2x96x512xf32, #tpu.memory_space<vmem>>, vector<1x1x16xf32>,
        %get3A_1197 = vector.shape_cast %get3A_1196 : vector<1x1x16xf32> to vector<16xf32>
        %select_n3A_1198 = arith.select %eq3A_720, %get3A_1197, %select_n3A_1188 : vector<16xi1>, vector<16xf32>
        %mul3A_1199 = arith.constant 16 : i32
        %mul3A_1200 = arith.muli %scan3A_707, %mul3A_1199 : i32
        %swap3A_1201 = arith.constant 1 : i32
        %swap3A_1202 = arith.constant 9 : i32
        %swap3A_1203 = arith.index_cast %swap3A_1201 : i32 to index
        %swap3A_1204 = arith.index_cast %swap3A_1202 : i32 to index
        %swap3A_1205 = arith.index_cast %mul3A_1200 : i32 to index
        %swap3A_1206 = tpu.vector_load %arg7[%swap3A_1203, %swap3A_1204, %swap3A_1205] {strides = array<i32>} : memref<2x24x512xf32, #tpu.memory_space<vmem>>, vector<1x1x16xf32>,
        %swap3A_1207 = vector.shape_cast %swap3A_1206 : vector<1x1x16xf32> to vector<16xf32>
        %swap3A_1208 = vector.shape_cast %select_n3A_1198 : vector<16xf32> to vector<1x1x16xf32>
        tpu.vector_store %arg7[%swap3A_1203, %swap3A_1204, %swap3A_1205], %swap3A_1208 {strides = array<i32>} : memref<2x24x512xf32, #tpu.memory_space<vmem>>, vector<1x1x16xf32>,
        %mul3A_1209 = arith.constant 16 : i32
        %mul3A_1210 = arith.muli %scan3A_707, %mul3A_1209 : i32
        %get3A_1211 = arith.constant 1 : i32
        %get3A_1212 = arith.constant 10 : i32
        %get3A_1213 = arith.index_cast %get3A_1211 : i32 to index
        %get3A_1214 = arith.index_cast %get3A_1212 : i32 to index
        %get3A_1215 = arith.index_cast %mul3A_1210 : i32 to index
        %get3A_1216 = tpu.vector_load %arg6[%get3A_1213, %get3A_1214, %get3A_1215] {strides = array<i32>} : memref<2x96x512xf32, #tpu.memory_space<vmem>>, vector<1x1x16xf32>,
        %get3A_1217 = vector.shape_cast %get3A_1216 : vector<1x1x16xf32> to vector<16xf32>
        %mul3A_1218 = arith.constant 16 : i32
        %mul3A_1219 = arith.muli %scan3A_707, %mul3A_1218 : i32
        %get3A_1220 = arith.constant 1 : i32
        %get3A_1221 = arith.constant 34 : i32
        %get3A_1222 = arith.index_cast %get3A_1220 : i32 to index
        %get3A_1223 = arith.index_cast %get3A_1221 : i32 to index
        %get3A_1224 = arith.index_cast %mul3A_1219 : i32 to index
        %get3A_1225 = tpu.vector_load %arg6[%get3A_1222, %get3A_1223, %get3A_1224] {strides = array<i32>} : memref<2x96x512xf32, #tpu.memory_space<vmem>>, vector<1x1x16xf32>,
        %get3A_1226 = vector.shape_cast %get3A_1225 : vector<1x1x16xf32> to vector<16xf32>
        %select_n3A_1227 = arith.select %eq3A_714, %get3A_1226, %get3A_1217 : vector<16xi1>, vector<16xf32>
        %mul3A_1228 = arith.constant 16 : i32
        %mul3A_1229 = arith.muli %scan3A_707, %mul3A_1228 : i32
        %get3A_1230 = arith.constant 1 : i32
        %get3A_1231 = arith.constant 58 : i32
        %get3A_1232 = arith.index_cast %get3A_1230 : i32 to index
        %get3A_1233 = arith.index_cast %get3A_1231 : i32 to index
        %get3A_1234 = arith.index_cast %mul3A_1229 : i32 to index
        %get3A_1235 = tpu.vector_load %arg6[%get3A_1232, %get3A_1233, %get3A_1234] {strides = array<i32>} : memref<2x96x512xf32, #tpu.memory_space<vmem>>, vector<1x1x16xf32>,
        %get3A_1236 = vector.shape_cast %get3A_1235 : vector<1x1x16xf32> to vector<16xf32>
        %select_n3A_1237 = arith.select %eq3A_717, %get3A_1236, %select_n3A_1227 : vector<16xi1>, vector<16xf32>
        %mul3A_1238 = arith.constant 16 : i32
        %mul3A_1239 = arith.muli %scan3A_707, %mul3A_1238 : i32
        %get3A_1240 = arith.constant 1 : i32
        %get3A_1241 = arith.constant 82 : i32
        %get3A_1242 = arith.index_cast %get3A_1240 : i32 to index
        %get3A_1243 = arith.index_cast %get3A_1241 : i32 to index
        %get3A_1244 = arith.index_cast %mul3A_1239 : i32 to index
        %get3A_1245 = tpu.vector_load %arg6[%get3A_1242, %get3A_1243, %get3A_1244] {strides = array<i32>} : memref<2x96x512xf32, #tpu.memory_space<vmem>>, vector<1x1x16xf32>,
        %get3A_1246 = vector.shape_cast %get3A_1245 : vector<1x1x16xf32> to vector<16xf32>
        %select_n3A_1247 = arith.select %eq3A_720, %get3A_1246, %select_n3A_1237 : vector<16xi1>, vector<16xf32>
        %mul3A_1248 = arith.constant 16 : i32
        %mul3A_1249 = arith.muli %scan3A_707, %mul3A_1248 : i32
        %swap3A_1250 = arith.constant 1 : i32
        %swap3A_1251 = arith.constant 10 : i32
        %swap3A_1252 = arith.index_cast %swap3A_1250 : i32 to index
        %swap3A_1253 = arith.index_cast %swap3A_1251 : i32 to index
        %swap3A_1254 = arith.index_cast %mul3A_1249 : i32 to index
        %swap3A_1255 = tpu.vector_load %arg7[%swap3A_1252, %swap3A_1253, %swap3A_1254] {strides = array<i32>} : memref<2x24x512xf32, #tpu.memory_space<vmem>>, vector<1x1x16xf32>,
        %swap3A_1256 = vector.shape_cast %swap3A_1255 : vector<1x1x16xf32> to vector<16xf32>
        %swap3A_1257 = vector.shape_cast %select_n3A_1247 : vector<16xf32> to vector<1x1x16xf32>
        tpu.vector_store %arg7[%swap3A_1252, %swap3A_1253, %swap3A_1254], %swap3A_1257 {strides = array<i32>} : memref<2x24x512xf32, #tpu.memory_space<vmem>>, vector<1x1x16xf32>,
        %mul3A_1258 = arith.constant 16 : i32
        %mul3A_1259 = arith.muli %scan3A_707, %mul3A_1258 : i32
        %get3A_1260 = arith.constant 1 : i32
        %get3A_1261 = arith.constant 11 : i32
        %get3A_1262 = arith.index_cast %get3A_1260 : i32 to index
        %get3A_1263 = arith.index_cast %get3A_1261 : i32 to index
        %get3A_1264 = arith.index_cast %mul3A_1259 : i32 to index
        %get3A_1265 = tpu.vector_load %arg6[%get3A_1262, %get3A_1263, %get3A_1264] {strides = array<i32>} : memref<2x96x512xf32, #tpu.memory_space<vmem>>, vector<1x1x16xf32>,
        %get3A_1266 = vector.shape_cast %get3A_1265 : vector<1x1x16xf32> to vector<16xf32>
        %mul3A_1267 = arith.constant 16 : i32
        %mul3A_1268 = arith.muli %scan3A_707, %mul3A_1267 : i32
        %get3A_1269 = arith.constant 1 : i32
        %get3A_1270 = arith.constant 35 : i32
        %get3A_1271 = arith.index_cast %get3A_1269 : i32 to index
        %get3A_1272 = arith.index_cast %get3A_1270 : i32 to index
        %get3A_1273 = arith.index_cast %mul3A_1268 : i32 to index
        %get3A_1274 = tpu.vector_load %arg6[%get3A_1271, %get3A_1272, %get3A_1273] {strides = array<i32>} : memref<2x96x512xf32, #tpu.memory_space<vmem>>, vector<1x1x16xf32>,
        %get3A_1275 = vector.shape_cast %get3A_1274 : vector<1x1x16xf32> to vector<16xf32>
        %select_n3A_1276 = arith.select %eq3A_714, %get3A_1275, %get3A_1266 : vector<16xi1>, vector<16xf32>
        %mul3A_1277 = arith.constant 16 : i32
        %mul3A_1278 = arith.muli %scan3A_707, %mul3A_1277 : i32
        %get3A_1279 = arith.constant 1 : i32
        %get3A_1280 = arith.constant 59 : i32
        %get3A_1281 = arith.index_cast %get3A_1279 : i32 to index
        %get3A_1282 = arith.index_cast %get3A_1280 : i32 to index
        %get3A_1283 = arith.index_cast %mul3A_1278 : i32 to index
        %get3A_1284 = tpu.vector_load %arg6[%get3A_1281, %get3A_1282, %get3A_1283] {strides = array<i32>} : memref<2x96x512xf32, #tpu.memory_space<vmem>>, vector<1x1x16xf32>,
        %get3A_1285 = vector.shape_cast %get3A_1284 : vector<1x1x16xf32> to vector<16xf32>
        %select_n3A_1286 = arith.select %eq3A_717, %get3A_1285, %select_n3A_1276 : vector<16xi1>, vector<16xf32>
        %mul3A_1287 = arith.constant 16 : i32
        %mul3A_1288 = arith.muli %scan3A_707, %mul3A_1287 : i32
        %get3A_1289 = arith.constant 1 : i32
        %get3A_1290 = arith.constant 83 : i32
        %get3A_1291 = arith.index_cast %get3A_1289 : i32 to index
        %get3A_1292 = arith.index_cast %get3A_1290 : i32 to index
        %get3A_1293 = arith.index_cast %mul3A_1288 : i32 to index
        %get3A_1294 = tpu.vector_load %arg6[%get3A_1291, %get3A_1292, %get3A_1293] {strides = array<i32>} : memref<2x96x512xf32, #tpu.memory_space<vmem>>, vector<1x1x16xf32>,
        %get3A_1295 = vector.shape_cast %get3A_1294 : vector<1x1x16xf32> to vector<16xf32>
        %select_n3A_1296 = arith.select %eq3A_720, %get3A_1295, %select_n3A_1286 : vector<16xi1>, vector<16xf32>
        %mul3A_1297 = arith.constant 16 : i32
        %mul3A_1298 = arith.muli %scan3A_707, %mul3A_1297 : i32
        %swap3A_1299 = arith.constant 1 : i32
        %swap3A_1300 = arith.constant 11 : i32
        %swap3A_1301 = arith.index_cast %swap3A_1299 : i32 to index
        %swap3A_1302 = arith.index_cast %swap3A_1300 : i32 to index
        %swap3A_1303 = arith.index_cast %mul3A_1298 : i32 to index
        %swap3A_1304 = tpu.vector_load %arg7[%swap3A_1301, %swap3A_1302, %swap3A_1303] {strides = array<i32>} : memref<2x24x512xf32, #tpu.memory_space<vmem>>, vector<1x1x16xf32>,
        %swap3A_1305 = vector.shape_cast %swap3A_1304 : vector<1x1x16xf32> to vector<16xf32>
        %swap3A_1306 = vector.shape_cast %select_n3A_1296 : vector<16xf32> to vector<1x1x16xf32>
        tpu.vector_store %arg7[%swap3A_1301, %swap3A_1302, %swap3A_1303], %swap3A_1306 {strides = array<i32>} : memref<2x24x512xf32, #tpu.memory_space<vmem>>, vector<1x1x16xf32>,
        %mul3A_1307 = arith.constant 16 : i32
        %mul3A_1308 = arith.muli %scan3A_707, %mul3A_1307 : i32
        %get3A_1309 = arith.constant 1 : i32
        %get3A_1310 = arith.constant 12 : i32
        %get3A_1311 = arith.index_cast %get3A_1309 : i32 to index
        %get3A_1312 = arith.index_cast %get3A_1310 : i32 to index
        %get3A_1313 = arith.index_cast %mul3A_1308 : i32 to index
        %get3A_1314 = tpu.vector_load %arg6[%get3A_1311, %get3A_1312, %get3A_1313] {strides = array<i32>} : memref<2x96x512xf32, #tpu.memory_space<vmem>>, vector<1x1x16xf32>,
        %get3A_1315 = vector.shape_cast %get3A_1314 : vector<1x1x16xf32> to vector<16xf32>
        %mul3A_1316 = arith.constant 16 : i32
        %mul3A_1317 = arith.muli %scan3A_707, %mul3A_1316 : i32
        %get3A_1318 = arith.constant 1 : i32
        %get3A_1319 = arith.constant 36 : i32
        %get3A_1320 = arith.index_cast %get3A_1318 : i32 to index
        %get3A_1321 = arith.index_cast %get3A_1319 : i32 to index
        %get3A_1322 = arith.index_cast %mul3A_1317 : i32 to index
        %get3A_1323 = tpu.vector_load %arg6[%get3A_1320, %get3A_1321, %get3A_1322] {strides = array<i32>} : memref<2x96x512xf32, #tpu.memory_space<vmem>>, vector<1x1x16xf32>,
        %get3A_1324 = vector.shape_cast %get3A_1323 : vector<1x1x16xf32> to vector<16xf32>
        %select_n3A_1325 = arith.select %eq3A_714, %get3A_1324, %get3A_1315 : vector<16xi1>, vector<16xf32>
        %mul3A_1326 = arith.constant 16 : i32
        %mul3A_1327 = arith.muli %scan3A_707, %mul3A_1326 : i32
        %get3A_1328 = arith.constant 1 : i32
        %get3A_1329 = arith.constant 60 : i32
        %get3A_1330 = arith.index_cast %get3A_1328 : i32 to index
        %get3A_1331 = arith.index_cast %get3A_1329 : i32 to index
        %get3A_1332 = arith.index_cast %mul3A_1327 : i32 to index
        %get3A_1333 = tpu.vector_load %arg6[%get3A_1330, %get3A_1331, %get3A_1332] {strides = array<i32>} : memref<2x96x512xf32, #tpu.memory_space<vmem>>, vector<1x1x16xf32>,
        %get3A_1334 = vector.shape_cast %get3A_1333 : vector<1x1x16xf32> to vector<16xf32>
        %select_n3A_1335 = arith.select %eq3A_717, %get3A_1334, %select_n3A_1325 : vector<16xi1>, vector<16xf32>
        %mul3A_1336 = arith.constant 16 : i32
        %mul3A_1337 = arith.muli %scan3A_707, %mul3A_1336 : i32
        %get3A_1338 = arith.constant 1 : i32
        %get3A_1339 = arith.constant 84 : i32
        %get3A_1340 = arith.index_cast %get3A_1338 : i32 to index
        %get3A_1341 = arith.index_cast %get3A_1339 : i32 to index
        %get3A_1342 = arith.index_cast %mul3A_1337 : i32 to index
        %get3A_1343 = tpu.vector_load %arg6[%get3A_1340, %get3A_1341, %get3A_1342] {strides = array<i32>} : memref<2x96x512xf32, #tpu.memory_space<vmem>>, vector<1x1x16xf32>,
        %get3A_1344 = vector.shape_cast %get3A_1343 : vector<1x1x16xf32> to vector<16xf32>
        %select_n3A_1345 = arith.select %eq3A_720, %get3A_1344, %select_n3A_1335 : vector<16xi1>, vector<16xf32>
        %mul3A_1346 = arith.constant 16 : i32
        %mul3A_1347 = arith.muli %scan3A_707, %mul3A_1346 : i32
        %swap3A_1348 = arith.constant 1 : i32
        %swap3A_1349 = arith.constant 12 : i32
        %swap3A_1350 = arith.index_cast %swap3A_1348 : i32 to index
        %swap3A_1351 = arith.index_cast %swap3A_1349 : i32 to index
        %swap3A_1352 = arith.index_cast %mul3A_1347 : i32 to index
        %swap3A_1353 = tpu.vector_load %arg7[%swap3A_1350, %swap3A_1351, %swap3A_1352] {strides = array<i32>} : memref<2x24x512xf32, #tpu.memory_space<vmem>>, vector<1x1x16xf32>,
        %swap3A_1354 = vector.shape_cast %swap3A_1353 : vector<1x1x16xf32> to vector<16xf32>
        %swap3A_1355 = vector.shape_cast %select_n3A_1345 : vector<16xf32> to vector<1x1x16xf32>
        tpu.vector_store %arg7[%swap3A_1350, %swap3A_1351, %swap3A_1352], %swap3A_1355 {strides = array<i32>} : memref<2x24x512xf32, #tpu.memory_space<vmem>>, vector<1x1x16xf32>,
        %mul3A_1356 = arith.constant 16 : i32
        %mul3A_1357 = arith.muli %scan3A_707, %mul3A_1356 : i32
        %get3A_1358 = arith.constant 1 : i32
        %get3A_1359 = arith.constant 13 : i32
        %get3A_1360 = arith.index_cast %get3A_1358 : i32 to index
        %get3A_1361 = arith.index_cast %get3A_1359 : i32 to index
        %get3A_1362 = arith.index_cast %mul3A_1357 : i32 to index
        %get3A_1363 = tpu.vector_load %arg6[%get3A_1360, %get3A_1361, %get3A_1362] {strides = array<i32>} : memref<2x96x512xf32, #tpu.memory_space<vmem>>, vector<1x1x16xf32>,
        %get3A_1364 = vector.shape_cast %get3A_1363 : vector<1x1x16xf32> to vector<16xf32>
        %mul3A_1365 = arith.constant 16 : i32
        %mul3A_1366 = arith.muli %scan3A_707, %mul3A_1365 : i32
        %get3A_1367 = arith.constant 1 : i32
        %get3A_1368 = arith.constant 37 : i32
        %get3A_1369 = arith.index_cast %get3A_1367 : i32 to index
        %get3A_1370 = arith.index_cast %get3A_1368 : i32 to index
        %get3A_1371 = arith.index_cast %mul3A_1366 : i32 to index
        %get3A_1372 = tpu.vector_load %arg6[%get3A_1369, %get3A_1370, %get3A_1371] {strides = array<i32>} : memref<2x96x512xf32, #tpu.memory_space<vmem>>, vector<1x1x16xf32>,
        %get3A_1373 = vector.shape_cast %get3A_1372 : vector<1x1x16xf32> to vector<16xf32>
        %select_n3A_1374 = arith.select %eq3A_714, %get3A_1373, %get3A_1364 : vector<16xi1>, vector<16xf32>
        %mul3A_1375 = arith.constant 16 : i32
        %mul3A_1376 = arith.muli %scan3A_707, %mul3A_1375 : i32
        %get3A_1377 = arith.constant 1 : i32
        %get3A_1378 = arith.constant 61 : i32
        %get3A_1379 = arith.index_cast %get3A_1377 : i32 to index
        %get3A_1380 = arith.index_cast %get3A_1378 : i32 to index
        %get3A_1381 = arith.index_cast %mul3A_1376 : i32 to index
        %get3A_1382 = tpu.vector_load %arg6[%get3A_1379, %get3A_1380, %get3A_1381] {strides = array<i32>} : memref<2x96x512xf32, #tpu.memory_space<vmem>>, vector<1x1x16xf32>,
        %get3A_1383 = vector.shape_cast %get3A_1382 : vector<1x1x16xf32> to vector<16xf32>
        %select_n3A_1384 = arith.select %eq3A_717, %get3A_1383, %select_n3A_1374 : vector<16xi1>, vector<16xf32>
        %mul3A_1385 = arith.constant 16 : i32
        %mul3A_1386 = arith.muli %scan3A_707, %mul3A_1385 : i32
        %get3A_1387 = arith.constant 1 : i32
        %get3A_1388 = arith.constant 85 : i32
        %get3A_1389 = arith.index_cast %get3A_1387 : i32 to index
        %get3A_1390 = arith.index_cast %get3A_1388 : i32 to index
        %get3A_1391 = arith.index_cast %mul3A_1386 : i32 to index
        %get3A_1392 = tpu.vector_load %arg6[%get3A_1389, %get3A_1390, %get3A_1391] {strides = array<i32>} : memref<2x96x512xf32, #tpu.memory_space<vmem>>, vector<1x1x16xf32>,
        %get3A_1393 = vector.shape_cast %get3A_1392 : vector<1x1x16xf32> to vector<16xf32>
        %select_n3A_1394 = arith.select %eq3A_720, %get3A_1393, %select_n3A_1384 : vector<16xi1>, vector<16xf32>
        %mul3A_1395 = arith.constant 16 : i32
        %mul3A_1396 = arith.muli %scan3A_707, %mul3A_1395 : i32
        %swap3A_1397 = arith.constant 1 : i32
        %swap3A_1398 = arith.constant 13 : i32
        %swap3A_1399 = arith.index_cast %swap3A_1397 : i32 to index
        %swap3A_1400 = arith.index_cast %swap3A_1398 : i32 to index
        %swap3A_1401 = arith.index_cast %mul3A_1396 : i32 to index
        %swap3A_1402 = tpu.vector_load %arg7[%swap3A_1399, %swap3A_1400, %swap3A_1401] {strides = array<i32>} : memref<2x24x512xf32, #tpu.memory_space<vmem>>, vector<1x1x16xf32>,
        %swap3A_1403 = vector.shape_cast %swap3A_1402 : vector<1x1x16xf32> to vector<16xf32>
        %swap3A_1404 = vector.shape_cast %select_n3A_1394 : vector<16xf32> to vector<1x1x16xf32>
        tpu.vector_store %arg7[%swap3A_1399, %swap3A_1400, %swap3A_1401], %swap3A_1404 {strides = array<i32>} : memref<2x24x512xf32, #tpu.memory_space<vmem>>, vector<1x1x16xf32>,
        %mul3A_1405 = arith.constant 16 : i32
        %mul3A_1406 = arith.muli %scan3A_707, %mul3A_1405 : i32
        %get3A_1407 = arith.constant 1 : i32
        %get3A_1408 = arith.constant 14 : i32
        %get3A_1409 = arith.index_cast %get3A_1407 : i32 to index
        %get3A_1410 = arith.index_cast %get3A_1408 : i32 to index
        %get3A_1411 = arith.index_cast %mul3A_1406 : i32 to index
        %get3A_1412 = tpu.vector_load %arg6[%get3A_1409, %get3A_1410, %get3A_1411] {strides = array<i32>} : memref<2x96x512xf32, #tpu.memory_space<vmem>>, vector<1x1x16xf32>,
        %get3A_1413 = vector.shape_cast %get3A_1412 : vector<1x1x16xf32> to vector<16xf32>
        %mul3A_1414 = arith.constant 16 : i32
        %mul3A_1415 = arith.muli %scan3A_707, %mul3A_1414 : i32
        %get3A_1416 = arith.constant 1 : i32
        %get3A_1417 = arith.constant 38 : i32
        %get3A_1418 = arith.index_cast %get3A_1416 : i32 to index
        %get3A_1419 = arith.index_cast %get3A_1417 : i32 to index
        %get3A_1420 = arith.index_cast %mul3A_1415 : i32 to index
        %get3A_1421 = tpu.vector_load %arg6[%get3A_1418, %get3A_1419, %get3A_1420] {strides = array<i32>} : memref<2x96x512xf32, #tpu.memory_space<vmem>>, vector<1x1x16xf32>,
        %get3A_1422 = vector.shape_cast %get3A_1421 : vector<1x1x16xf32> to vector<16xf32>
        %select_n3A_1423 = arith.select %eq3A_714, %get3A_1422, %get3A_1413 : vector<16xi1>, vector<16xf32>
        %mul3A_1424 = arith.constant 16 : i32
        %mul3A_1425 = arith.muli %scan3A_707, %mul3A_1424 : i32
        %get3A_1426 = arith.constant 1 : i32
        %get3A_1427 = arith.constant 62 : i32
        %get3A_1428 = arith.index_cast %get3A_1426 : i32 to index
        %get3A_1429 = arith.index_cast %get3A_1427 : i32 to index
        %get3A_1430 = arith.index_cast %mul3A_1425 : i32 to index
        %get3A_1431 = tpu.vector_load %arg6[%get3A_1428, %get3A_1429, %get3A_1430] {strides = array<i32>} : memref<2x96x512xf32, #tpu.memory_space<vmem>>, vector<1x1x16xf32>,
        %get3A_1432 = vector.shape_cast %get3A_1431 : vector<1x1x16xf32> to vector<16xf32>
        %select_n3A_1433 = arith.select %eq3A_717, %get3A_1432, %select_n3A_1423 : vector<16xi1>, vector<16xf32>
        %mul3A_1434 = arith.constant 16 : i32
        %mul3A_1435 = arith.muli %scan3A_707, %mul3A_1434 : i32
        %get3A_1436 = arith.constant 1 : i32
        %get3A_1437 = arith.constant 86 : i32
        %get3A_1438 = arith.index_cast %get3A_1436 : i32 to index
        %get3A_1439 = arith.index_cast %get3A_1437 : i32 to index
        %get3A_1440 = arith.index_cast %mul3A_1435 : i32 to index
        %get3A_1441 = tpu.vector_load %arg6[%get3A_1438, %get3A_1439, %get3A_1440] {strides = array<i32>} : memref<2x96x512xf32, #tpu.memory_space<vmem>>, vector<1x1x16xf32>,
        %get3A_1442 = vector.shape_cast %get3A_1441 : vector<1x1x16xf32> to vector<16xf32>
        %select_n3A_1443 = arith.select %eq3A_720, %get3A_1442, %select_n3A_1433 : vector<16xi1>, vector<16xf32>
        %mul3A_1444 = arith.constant 16 : i32
        %mul3A_1445 = arith.muli %scan3A_707, %mul3A_1444 : i32
        %swap3A_1446 = arith.constant 1 : i32
        %swap3A_1447 = arith.constant 14 : i32
        %swap3A_1448 = arith.index_cast %swap3A_1446 : i32 to index
        %swap3A_1449 = arith.index_cast %swap3A_1447 : i32 to index
        %swap3A_1450 = arith.index_cast %mul3A_1445 : i32 to index
        %swap3A_1451 = tpu.vector_load %arg7[%swap3A_1448, %swap3A_1449, %swap3A_1450] {strides = array<i32>} : memref<2x24x512xf32, #tpu.memory_space<vmem>>, vector<1x1x16xf32>,
        %swap3A_1452 = vector.shape_cast %swap3A_1451 : vector<1x1x16xf32> to vector<16xf32>
        %swap3A_1453 = vector.shape_cast %select_n3A_1443 : vector<16xf32> to vector<1x1x16xf32>
        tpu.vector_store %arg7[%swap3A_1448, %swap3A_1449, %swap3A_1450], %swap3A_1453 {strides = array<i32>} : memref<2x24x512xf32, #tpu.memory_space<vmem>>, vector<1x1x16xf32>,
        %mul3A_1454 = arith.constant 16 : i32
        %mul3A_1455 = arith.muli %scan3A_707, %mul3A_1454 : i32
        %get3A_1456 = arith.constant 1 : i32
        %get3A_1457 = arith.constant 15 : i32
        %get3A_1458 = arith.index_cast %get3A_1456 : i32 to index
        %get3A_1459 = arith.index_cast %get3A_1457 : i32 to index
        %get3A_1460 = arith.index_cast %mul3A_1455 : i32 to index
        %get3A_1461 = tpu.vector_load %arg6[%get3A_1458, %get3A_1459, %get3A_1460] {strides = array<i32>} : memref<2x96x512xf32, #tpu.memory_space<vmem>>, vector<1x1x16xf32>,
        %get3A_1462 = vector.shape_cast %get3A_1461 : vector<1x1x16xf32> to vector<16xf32>
        %mul3A_1463 = arith.constant 16 : i32
        %mul3A_1464 = arith.muli %scan3A_707, %mul3A_1463 : i32
        %get3A_1465 = arith.constant 1 : i32
        %get3A_1466 = arith.constant 39 : i32
        %get3A_1467 = arith.index_cast %get3A_1465 : i32 to index
        %get3A_1468 = arith.index_cast %get3A_1466 : i32 to index
        %get3A_1469 = arith.index_cast %mul3A_1464 : i32 to index
        %get3A_1470 = tpu.vector_load %arg6[%get3A_1467, %get3A_1468, %get3A_1469] {strides = array<i32>} : memref<2x96x512xf32, #tpu.memory_space<vmem>>, vector<1x1x16xf32>,
        %get3A_1471 = vector.shape_cast %get3A_1470 : vector<1x1x16xf32> to vector<16xf32>
        %select_n3A_1472 = arith.select %eq3A_714, %get3A_1471, %get3A_1462 : vector<16xi1>, vector<16xf32>
        %mul3A_1473 = arith.constant 16 : i32
        %mul3A_1474 = arith.muli %scan3A_707, %mul3A_1473 : i32
        %get3A_1475 = arith.constant 1 : i32
        %get3A_1476 = arith.constant 63 : i32
        %get3A_1477 = arith.index_cast %get3A_1475 : i32 to index
        %get3A_1478 = arith.index_cast %get3A_1476 : i32 to index
        %get3A_1479 = arith.index_cast %mul3A_1474 : i32 to index
        %get3A_1480 = tpu.vector_load %arg6[%get3A_1477, %get3A_1478, %get3A_1479] {strides = array<i32>} : memref<2x96x512xf32, #tpu.memory_space<vmem>>, vector<1x1x16xf32>,
        %get3A_1481 = vector.shape_cast %get3A_1480 : vector<1x1x16xf32> to vector<16xf32>
        %select_n3A_1482 = arith.select %eq3A_717, %get3A_1481, %select_n3A_1472 : vector<16xi1>, vector<16xf32>
        %mul3A_1483 = arith.constant 16 : i32
        %mul3A_1484 = arith.muli %scan3A_707, %mul3A_1483 : i32
        %get3A_1485 = arith.constant 1 : i32
        %get3A_1486 = arith.constant 87 : i32
        %get3A_1487 = arith.index_cast %get3A_1485 : i32 to index
        %get3A_1488 = arith.index_cast %get3A_1486 : i32 to index
        %get3A_1489 = arith.index_cast %mul3A_1484 : i32 to index
        %get3A_1490 = tpu.vector_load %arg6[%get3A_1487, %get3A_1488, %get3A_1489] {strides = array<i32>} : memref<2x96x512xf32, #tpu.memory_space<vmem>>, vector<1x1x16xf32>,
        %get3A_1491 = vector.shape_cast %get3A_1490 : vector<1x1x16xf32> to vector<16xf32>
        %select_n3A_1492 = arith.select %eq3A_720, %get3A_1491, %select_n3A_1482 : vector<16xi1>, vector<16xf32>
        %mul3A_1493 = arith.constant 16 : i32
        %mul3A_1494 = arith.muli %scan3A_707, %mul3A_1493 : i32
        %swap3A_1495 = arith.constant 1 : i32
        %swap3A_1496 = arith.constant 15 : i32
        %swap3A_1497 = arith.index_cast %swap3A_1495 : i32 to index
        %swap3A_1498 = arith.index_cast %swap3A_1496 : i32 to index
        %swap3A_1499 = arith.index_cast %mul3A_1494 : i32 to index
        %swap3A_1500 = tpu.vector_load %arg7[%swap3A_1497, %swap3A_1498, %swap3A_1499] {strides = array<i32>} : memref<2x24x512xf32, #tpu.memory_space<vmem>>, vector<1x1x16xf32>,
        %swap3A_1501 = vector.shape_cast %swap3A_1500 : vector<1x1x16xf32> to vector<16xf32>
        %swap3A_1502 = vector.shape_cast %select_n3A_1492 : vector<16xf32> to vector<1x1x16xf32>
        tpu.vector_store %arg7[%swap3A_1497, %swap3A_1498, %swap3A_1499], %swap3A_1502 {strides = array<i32>} : memref<2x24x512xf32, #tpu.memory_space<vmem>>, vector<1x1x16xf32>,
        %mul3A_1503 = arith.constant 16 : i32
        %mul3A_1504 = arith.muli %scan3A_707, %mul3A_1503 : i32
        %get3A_1505 = arith.constant 1 : i32
        %get3A_1506 = arith.constant 16 : i32
        %get3A_1507 = arith.index_cast %get3A_1505 : i32 to index
        %get3A_1508 = arith.index_cast %get3A_1506 : i32 to index
        %get3A_1509 = arith.index_cast %mul3A_1504 : i32 to index
        %get3A_1510 = tpu.vector_load %arg6[%get3A_1507, %get3A_1508, %get3A_1509] {strides = array<i32>} : memref<2x96x512xf32, #tpu.memory_space<vmem>>, vector<1x1x16xf32>,
        %get3A_1511 = vector.shape_cast %get3A_1510 : vector<1x1x16xf32> to vector<16xf32>
        %mul3A_1512 = arith.constant 16 : i32
        %mul3A_1513 = arith.muli %scan3A_707, %mul3A_1512 : i32
        %get3A_1514 = arith.constant 1 : i32
        %get3A_1515 = arith.constant 40 : i32
        %get3A_1516 = arith.index_cast %get3A_1514 : i32 to index
        %get3A_1517 = arith.index_cast %get3A_1515 : i32 to index
        %get3A_1518 = arith.index_cast %mul3A_1513 : i32 to index
        %get3A_1519 = tpu.vector_load %arg6[%get3A_1516, %get3A_1517, %get3A_1518] {strides = array<i32>} : memref<2x96x512xf32, #tpu.memory_space<vmem>>, vector<1x1x16xf32>,
        %get3A_1520 = vector.shape_cast %get3A_1519 : vector<1x1x16xf32> to vector<16xf32>
        %select_n3A_1521 = arith.select %eq3A_714, %get3A_1520, %get3A_1511 : vector<16xi1>, vector<16xf32>
        %mul3A_1522 = arith.constant 16 : i32
        %mul3A_1523 = arith.muli %scan3A_707, %mul3A_1522 : i32
        %get3A_1524 = arith.constant 1 : i32
        %get3A_1525 = arith.constant 64 : i32
        %get3A_1526 = arith.index_cast %get3A_1524 : i32 to index
        %get3A_1527 = arith.index_cast %get3A_1525 : i32 to index
        %get3A_1528 = arith.index_cast %mul3A_1523 : i32 to index
        %get3A_1529 = tpu.vector_load %arg6[%get3A_1526, %get3A_1527, %get3A_1528] {strides = array<i32>} : memref<2x96x512xf32, #tpu.memory_space<vmem>>, vector<1x1x16xf32>,
        %get3A_1530 = vector.shape_cast %get3A_1529 : vector<1x1x16xf32> to vector<16xf32>
        %select_n3A_1531 = arith.select %eq3A_717, %get3A_1530, %select_n3A_1521 : vector<16xi1>, vector<16xf32>
        %mul3A_1532 = arith.constant 16 : i32
        %mul3A_1533 = arith.muli %scan3A_707, %mul3A_1532 : i32
        %get3A_1534 = arith.constant 1 : i32
        %get3A_1535 = arith.constant 88 : i32
        %get3A_1536 = arith.index_cast %get3A_1534 : i32 to index
        %get3A_1537 = arith.index_cast %get3A_1535 : i32 to index
        %get3A_1538 = arith.index_cast %mul3A_1533 : i32 to index
        %get3A_1539 = tpu.vector_load %arg6[%get3A_1536, %get3A_1537, %get3A_1538] {strides = array<i32>} : memref<2x96x512xf32, #tpu.memory_space<vmem>>, vector<1x1x16xf32>,
        %get3A_1540 = vector.shape_cast %get3A_1539 : vector<1x1x16xf32> to vector<16xf32>
        %select_n3A_1541 = arith.select %eq3A_720, %get3A_1540, %select_n3A_1531 : vector<16xi1>, vector<16xf32>
        %mul3A_1542 = arith.constant 16 : i32
        %mul3A_1543 = arith.muli %scan3A_707, %mul3A_1542 : i32
        %swap3A_1544 = arith.constant 1 : i32
        %swap3A_1545 = arith.constant 16 : i32
        %swap3A_1546 = arith.index_cast %swap3A_1544 : i32 to index
        %swap3A_1547 = arith.index_cast %swap3A_1545 : i32 to index
        %swap3A_1548 = arith.index_cast %mul3A_1543 : i32 to index
        %swap3A_1549 = tpu.vector_load %arg7[%swap3A_1546, %swap3A_1547, %swap3A_1548] {strides = array<i32>} : memref<2x24x512xf32, #tpu.memory_space<vmem>>, vector<1x1x16xf32>,
        %swap3A_1550 = vector.shape_cast %swap3A_1549 : vector<1x1x16xf32> to vector<16xf32>
        %swap3A_1551 = vector.shape_cast %select_n3A_1541 : vector<16xf32> to vector<1x1x16xf32>
        tpu.vector_store %arg7[%swap3A_1546, %swap3A_1547, %swap3A_1548], %swap3A_1551 {strides = array<i32>} : memref<2x24x512xf32, #tpu.memory_space<vmem>>, vector<1x1x16xf32>,
        %mul3A_1552 = arith.constant 16 : i32
        %mul3A_1553 = arith.muli %scan3A_707, %mul3A_1552 : i32
        %get3A_1554 = arith.constant 1 : i32
        %get3A_1555 = arith.constant 17 : i32
        %get3A_1556 = arith.index_cast %get3A_1554 : i32 to index
        %get3A_1557 = arith.index_cast %get3A_1555 : i32 to index
        %get3A_1558 = arith.index_cast %mul3A_1553 : i32 to index
        %get3A_1559 = tpu.vector_load %arg6[%get3A_1556, %get3A_1557, %get3A_1558] {strides = array<i32>} : memref<2x96x512xf32, #tpu.memory_space<vmem>>, vector<1x1x16xf32>,
        %get3A_1560 = vector.shape_cast %get3A_1559 : vector<1x1x16xf32> to vector<16xf32>
        %mul3A_1561 = arith.constant 16 : i32
        %mul3A_1562 = arith.muli %scan3A_707, %mul3A_1561 : i32
        %get3A_1563 = arith.constant 1 : i32
        %get3A_1564 = arith.constant 41 : i32
        %get3A_1565 = arith.index_cast %get3A_1563 : i32 to index
        %get3A_1566 = arith.index_cast %get3A_1564 : i32 to index
        %get3A_1567 = arith.index_cast %mul3A_1562 : i32 to index
        %get3A_1568 = tpu.vector_load %arg6[%get3A_1565, %get3A_1566, %get3A_1567] {strides = array<i32>} : memref<2x96x512xf32, #tpu.memory_space<vmem>>, vector<1x1x16xf32>,
        %get3A_1569 = vector.shape_cast %get3A_1568 : vector<1x1x16xf32> to vector<16xf32>
        %select_n3A_1570 = arith.select %eq3A_714, %get3A_1569, %get3A_1560 : vector<16xi1>, vector<16xf32>
        %mul3A_1571 = arith.constant 16 : i32
        %mul3A_1572 = arith.muli %scan3A_707, %mul3A_1571 : i32
        %get3A_1573 = arith.constant 1 : i32
        %get3A_1574 = arith.constant 65 : i32
        %get3A_1575 = arith.index_cast %get3A_1573 : i32 to index
        %get3A_1576 = arith.index_cast %get3A_1574 : i32 to index
        %get3A_1577 = arith.index_cast %mul3A_1572 : i32 to index
        %get3A_1578 = tpu.vector_load %arg6[%get3A_1575, %get3A_1576, %get3A_1577] {strides = array<i32>} : memref<2x96x512xf32, #tpu.memory_space<vmem>>, vector<1x1x16xf32>,
        %get3A_1579 = vector.shape_cast %get3A_1578 : vector<1x1x16xf32> to vector<16xf32>
        %select_n3A_1580 = arith.select %eq3A_717, %get3A_1579, %select_n3A_1570 : vector<16xi1>, vector<16xf32>
        %mul3A_1581 = arith.constant 16 : i32
        %mul3A_1582 = arith.muli %scan3A_707, %mul3A_1581 : i32
        %get3A_1583 = arith.constant 1 : i32
        %get3A_1584 = arith.constant 89 : i32
        %get3A_1585 = arith.index_cast %get3A_1583 : i32 to index
        %get3A_1586 = arith.index_cast %get3A_1584 : i32 to index
        %get3A_1587 = arith.index_cast %mul3A_1582 : i32 to index
        %get3A_1588 = tpu.vector_load %arg6[%get3A_1585, %get3A_1586, %get3A_1587] {strides = array<i32>} : memref<2x96x512xf32, #tpu.memory_space<vmem>>, vector<1x1x16xf32>,
        %get3A_1589 = vector.shape_cast %get3A_1588 : vector<1x1x16xf32> to vector<16xf32>
        %select_n3A_1590 = arith.select %eq3A_720, %get3A_1589, %select_n3A_1580 : vector<16xi1>, vector<16xf32>
        %mul3A_1591 = arith.constant 16 : i32
        %mul3A_1592 = arith.muli %scan3A_707, %mul3A_1591 : i32
        %swap3A_1593 = arith.constant 1 : i32
        %swap3A_1594 = arith.constant 17 : i32
        %swap3A_1595 = arith.index_cast %swap3A_1593 : i32 to index
        %swap3A_1596 = arith.index_cast %swap3A_1594 : i32 to index
        %swap3A_1597 = arith.index_cast %mul3A_1592 : i32 to index
        %swap3A_1598 = tpu.vector_load %arg7[%swap3A_1595, %swap3A_1596, %swap3A_1597] {strides = array<i32>} : memref<2x24x512xf32, #tpu.memory_space<vmem>>, vector<1x1x16xf32>,
        %swap3A_1599 = vector.shape_cast %swap3A_1598 : vector<1x1x16xf32> to vector<16xf32>
        %swap3A_1600 = vector.shape_cast %select_n3A_1590 : vector<16xf32> to vector<1x1x16xf32>
        tpu.vector_store %arg7[%swap3A_1595, %swap3A_1596, %swap3A_1597], %swap3A_1600 {strides = array<i32>} : memref<2x24x512xf32, #tpu.memory_space<vmem>>, vector<1x1x16xf32>,
        %mul3A_1601 = arith.constant 16 : i32
        %mul3A_1602 = arith.muli %scan3A_707, %mul3A_1601 : i32
        %get3A_1603 = arith.constant 1 : i32
        %get3A_1604 = arith.constant 18 : i32
        %get3A_1605 = arith.index_cast %get3A_1603 : i32 to index
        %get3A_1606 = arith.index_cast %get3A_1604 : i32 to index
        %get3A_1607 = arith.index_cast %mul3A_1602 : i32 to index
        %get3A_1608 = tpu.vector_load %arg6[%get3A_1605, %get3A_1606, %get3A_1607] {strides = array<i32>} : memref<2x96x512xf32, #tpu.memory_space<vmem>>, vector<1x1x16xf32>,
        %get3A_1609 = vector.shape_cast %get3A_1608 : vector<1x1x16xf32> to vector<16xf32>
        %mul3A_1610 = arith.constant 16 : i32
        %mul3A_1611 = arith.muli %scan3A_707, %mul3A_1610 : i32
        %get3A_1612 = arith.constant 1 : i32
        %get3A_1613 = arith.constant 42 : i32
        %get3A_1614 = arith.index_cast %get3A_1612 : i32 to index
        %get3A_1615 = arith.index_cast %get3A_1613 : i32 to index
        %get3A_1616 = arith.index_cast %mul3A_1611 : i32 to index
        %get3A_1617 = tpu.vector_load %arg6[%get3A_1614, %get3A_1615, %get3A_1616] {strides = array<i32>} : memref<2x96x512xf32, #tpu.memory_space<vmem>>, vector<1x1x16xf32>,
        %get3A_1618 = vector.shape_cast %get3A_1617 : vector<1x1x16xf32> to vector<16xf32>
        %select_n3A_1619 = arith.select %eq3A_714, %get3A_1618, %get3A_1609 : vector<16xi1>, vector<16xf32>
        %mul3A_1620 = arith.constant 16 : i32
        %mul3A_1621 = arith.muli %scan3A_707, %mul3A_1620 : i32
        %get3A_1622 = arith.constant 1 : i32
        %get3A_1623 = arith.constant 66 : i32
        %get3A_1624 = arith.index_cast %get3A_1622 : i32 to index
        %get3A_1625 = arith.index_cast %get3A_1623 : i32 to index
        %get3A_1626 = arith.index_cast %mul3A_1621 : i32 to index
        %get3A_1627 = tpu.vector_load %arg6[%get3A_1624, %get3A_1625, %get3A_1626] {strides = array<i32>} : memref<2x96x512xf32, #tpu.memory_space<vmem>>, vector<1x1x16xf32>,
        %get3A_1628 = vector.shape_cast %get3A_1627 : vector<1x1x16xf32> to vector<16xf32>
        %select_n3A_1629 = arith.select %eq3A_717, %get3A_1628, %select_n3A_1619 : vector<16xi1>, vector<16xf32>
        %mul3A_1630 = arith.constant 16 : i32
        %mul3A_1631 = arith.muli %scan3A_707, %mul3A_1630 : i32
        %get3A_1632 = arith.constant 1 : i32
        %get3A_1633 = arith.constant 90 : i32
        %get3A_1634 = arith.index_cast %get3A_1632 : i32 to index
        %get3A_1635 = arith.index_cast %get3A_1633 : i32 to index
        %get3A_1636 = arith.index_cast %mul3A_1631 : i32 to index
        %get3A_1637 = tpu.vector_load %arg6[%get3A_1634, %get3A_1635, %get3A_1636] {strides = array<i32>} : memref<2x96x512xf32, #tpu.memory_space<vmem>>, vector<1x1x16xf32>,
        %get3A_1638 = vector.shape_cast %get3A_1637 : vector<1x1x16xf32> to vector<16xf32>
        %select_n3A_1639 = arith.select %eq3A_720, %get3A_1638, %select_n3A_1629 : vector<16xi1>, vector<16xf32>
        %mul3A_1640 = arith.constant 16 : i32
        %mul3A_1641 = arith.muli %scan3A_707, %mul3A_1640 : i32
        %swap3A_1642 = arith.constant 1 : i32
        %swap3A_1643 = arith.constant 18 : i32
        %swap3A_1644 = arith.index_cast %swap3A_1642 : i32 to index
        %swap3A_1645 = arith.index_cast %swap3A_1643 : i32 to index
        %swap3A_1646 = arith.index_cast %mul3A_1641 : i32 to index
        %swap3A_1647 = tpu.vector_load %arg7[%swap3A_1644, %swap3A_1645, %swap3A_1646] {strides = array<i32>} : memref<2x24x512xf32, #tpu.memory_space<vmem>>, vector<1x1x16xf32>,
        %swap3A_1648 = vector.shape_cast %swap3A_1647 : vector<1x1x16xf32> to vector<16xf32>
        %swap3A_1649 = vector.shape_cast %select_n3A_1639 : vector<16xf32> to vector<1x1x16xf32>
        tpu.vector_store %arg7[%swap3A_1644, %swap3A_1645, %swap3A_1646], %swap3A_1649 {strides = array<i32>} : memref<2x24x512xf32, #tpu.memory_space<vmem>>, vector<1x1x16xf32>,
        %mul3A_1650 = arith.constant 16 : i32
        %mul3A_1651 = arith.muli %scan3A_707, %mul3A_1650 : i32
        %get3A_1652 = arith.constant 1 : i32
        %get3A_1653 = arith.constant 19 : i32
        %get3A_1654 = arith.index_cast %get3A_1652 : i32 to index
        %get3A_1655 = arith.index_cast %get3A_1653 : i32 to index
        %get3A_1656 = arith.index_cast %mul3A_1651 : i32 to index
        %get3A_1657 = tpu.vector_load %arg6[%get3A_1654, %get3A_1655, %get3A_1656] {strides = array<i32>} : memref<2x96x512xf32, #tpu.memory_space<vmem>>, vector<1x1x16xf32>,
        %get3A_1658 = vector.shape_cast %get3A_1657 : vector<1x1x16xf32> to vector<16xf32>
        %mul3A_1659 = arith.constant 16 : i32
        %mul3A_1660 = arith.muli %scan3A_707, %mul3A_1659 : i32
        %get3A_1661 = arith.constant 1 : i32
        %get3A_1662 = arith.constant 43 : i32
        %get3A_1663 = arith.index_cast %get3A_1661 : i32 to index
        %get3A_1664 = arith.index_cast %get3A_1662 : i32 to index
        %get3A_1665 = arith.index_cast %mul3A_1660 : i32 to index
        %get3A_1666 = tpu.vector_load %arg6[%get3A_1663, %get3A_1664, %get3A_1665] {strides = array<i32>} : memref<2x96x512xf32, #tpu.memory_space<vmem>>, vector<1x1x16xf32>,
        %get3A_1667 = vector.shape_cast %get3A_1666 : vector<1x1x16xf32> to vector<16xf32>
        %select_n3A_1668 = arith.select %eq3A_714, %get3A_1667, %get3A_1658 : vector<16xi1>, vector<16xf32>
        %mul3A_1669 = arith.constant 16 : i32
        %mul3A_1670 = arith.muli %scan3A_707, %mul3A_1669 : i32
        %get3A_1671 = arith.constant 1 : i32
        %get3A_1672 = arith.constant 67 : i32
        %get3A_1673 = arith.index_cast %get3A_1671 : i32 to index
        %get3A_1674 = arith.index_cast %get3A_1672 : i32 to index
        %get3A_1675 = arith.index_cast %mul3A_1670 : i32 to index
        %get3A_1676 = tpu.vector_load %arg6[%get3A_1673, %get3A_1674, %get3A_1675] {strides = array<i32>} : memref<2x96x512xf32, #tpu.memory_space<vmem>>, vector<1x1x16xf32>,
        %get3A_1677 = vector.shape_cast %get3A_1676 : vector<1x1x16xf32> to vector<16xf32>
        %select_n3A_1678 = arith.select %eq3A_717, %get3A_1677, %select_n3A_1668 : vector<16xi1>, vector<16xf32>
        %mul3A_1679 = arith.constant 16 : i32
        %mul3A_1680 = arith.muli %scan3A_707, %mul3A_1679 : i32
        %get3A_1681 = arith.constant 1 : i32
        %get3A_1682 = arith.constant 91 : i32
        %get3A_1683 = arith.index_cast %get3A_1681 : i32 to index
        %get3A_1684 = arith.index_cast %get3A_1682 : i32 to index
        %get3A_1685 = arith.index_cast %mul3A_1680 : i32 to index
        %get3A_1686 = tpu.vector_load %arg6[%get3A_1683, %get3A_1684, %get3A_1685] {strides = array<i32>} : memref<2x96x512xf32, #tpu.memory_space<vmem>>, vector<1x1x16xf32>,
        %get3A_1687 = vector.shape_cast %get3A_1686 : vector<1x1x16xf32> to vector<16xf32>
        %select_n3A_1688 = arith.select %eq3A_720, %get3A_1687, %select_n3A_1678 : vector<16xi1>, vector<16xf32>
        %mul3A_1689 = arith.constant 16 : i32
        %mul3A_1690 = arith.muli %scan3A_707, %mul3A_1689 : i32
        %swap3A_1691 = arith.constant 1 : i32
        %swap3A_1692 = arith.constant 19 : i32
        %swap3A_1693 = arith.index_cast %swap3A_1691 : i32 to index
        %swap3A_1694 = arith.index_cast %swap3A_1692 : i32 to index
        %swap3A_1695 = arith.index_cast %mul3A_1690 : i32 to index
        %swap3A_1696 = tpu.vector_load %arg7[%swap3A_1693, %swap3A_1694, %swap3A_1695] {strides = array<i32>} : memref<2x24x512xf32, #tpu.memory_space<vmem>>, vector<1x1x16xf32>,
        %swap3A_1697 = vector.shape_cast %swap3A_1696 : vector<1x1x16xf32> to vector<16xf32>
        %swap3A_1698 = vector.shape_cast %select_n3A_1688 : vector<16xf32> to vector<1x1x16xf32>
        tpu.vector_store %arg7[%swap3A_1693, %swap3A_1694, %swap3A_1695], %swap3A_1698 {strides = array<i32>} : memref<2x24x512xf32, #tpu.memory_space<vmem>>, vector<1x1x16xf32>,
        %mul3A_1699 = arith.constant 16 : i32
        %mul3A_1700 = arith.muli %scan3A_707, %mul3A_1699 : i32
        %get3A_1701 = arith.constant 1 : i32
        %get3A_1702 = arith.constant 20 : i32
        %get3A_1703 = arith.index_cast %get3A_1701 : i32 to index
        %get3A_1704 = arith.index_cast %get3A_1702 : i32 to index
        %get3A_1705 = arith.index_cast %mul3A_1700 : i32 to index
        %get3A_1706 = tpu.vector_load %arg6[%get3A_1703, %get3A_1704, %get3A_1705] {strides = array<i32>} : memref<2x96x512xf32, #tpu.memory_space<vmem>>, vector<1x1x16xf32>,
        %get3A_1707 = vector.shape_cast %get3A_1706 : vector<1x1x16xf32> to vector<16xf32>
        %mul3A_1708 = arith.constant 16 : i32
        %mul3A_1709 = arith.muli %scan3A_707, %mul3A_1708 : i32
        %get3A_1710 = arith.constant 1 : i32
        %get3A_1711 = arith.constant 44 : i32
        %get3A_1712 = arith.index_cast %get3A_1710 : i32 to index
        %get3A_1713 = arith.index_cast %get3A_1711 : i32 to index
        %get3A_1714 = arith.index_cast %mul3A_1709 : i32 to index
        %get3A_1715 = tpu.vector_load %arg6[%get3A_1712, %get3A_1713, %get3A_1714] {strides = array<i32>} : memref<2x96x512xf32, #tpu.memory_space<vmem>>, vector<1x1x16xf32>,
        %get3A_1716 = vector.shape_cast %get3A_1715 : vector<1x1x16xf32> to vector<16xf32>
        %select_n3A_1717 = arith.select %eq3A_714, %get3A_1716, %get3A_1707 : vector<16xi1>, vector<16xf32>
        %mul3A_1718 = arith.constant 16 : i32
        %mul3A_1719 = arith.muli %scan3A_707, %mul3A_1718 : i32
        %get3A_1720 = arith.constant 1 : i32
        %get3A_1721 = arith.constant 68 : i32
        %get3A_1722 = arith.index_cast %get3A_1720 : i32 to index
        %get3A_1723 = arith.index_cast %get3A_1721 : i32 to index
        %get3A_1724 = arith.index_cast %mul3A_1719 : i32 to index
        %get3A_1725 = tpu.vector_load %arg6[%get3A_1722, %get3A_1723, %get3A_1724] {strides = array<i32>} : memref<2x96x512xf32, #tpu.memory_space<vmem>>, vector<1x1x16xf32>,
        %get3A_1726 = vector.shape_cast %get3A_1725 : vector<1x1x16xf32> to vector<16xf32>
        %select_n3A_1727 = arith.select %eq3A_717, %get3A_1726, %select_n3A_1717 : vector<16xi1>, vector<16xf32>
        %mul3A_1728 = arith.constant 16 : i32
        %mul3A_1729 = arith.muli %scan3A_707, %mul3A_1728 : i32
        %get3A_1730 = arith.constant 1 : i32
        %get3A_1731 = arith.constant 92 : i32
        %get3A_1732 = arith.index_cast %get3A_1730 : i32 to index
        %get3A_1733 = arith.index_cast %get3A_1731 : i32 to index
        %get3A_1734 = arith.index_cast %mul3A_1729 : i32 to index
        %get3A_1735 = tpu.vector_load %arg6[%get3A_1732, %get3A_1733, %get3A_1734] {strides = array<i32>} : memref<2x96x512xf32, #tpu.memory_space<vmem>>, vector<1x1x16xf32>,
        %get3A_1736 = vector.shape_cast %get3A_1735 : vector<1x1x16xf32> to vector<16xf32>
        %select_n3A_1737 = arith.select %eq3A_720, %get3A_1736, %select_n3A_1727 : vector<16xi1>, vector<16xf32>
        %mul3A_1738 = arith.constant 16 : i32
        %mul3A_1739 = arith.muli %scan3A_707, %mul3A_1738 : i32
        %swap3A_1740 = arith.constant 1 : i32
        %swap3A_1741 = arith.constant 20 : i32
        %swap3A_1742 = arith.index_cast %swap3A_1740 : i32 to index
        %swap3A_1743 = arith.index_cast %swap3A_1741 : i32 to index
        %swap3A_1744 = arith.index_cast %mul3A_1739 : i32 to index
        %swap3A_1745 = tpu.vector_load %arg7[%swap3A_1742, %swap3A_1743, %swap3A_1744] {strides = array<i32>} : memref<2x24x512xf32, #tpu.memory_space<vmem>>, vector<1x1x16xf32>,
        %swap3A_1746 = vector.shape_cast %swap3A_1745 : vector<1x1x16xf32> to vector<16xf32>
        %swap3A_1747 = vector.shape_cast %select_n3A_1737 : vector<16xf32> to vector<1x1x16xf32>
        tpu.vector_store %arg7[%swap3A_1742, %swap3A_1743, %swap3A_1744], %swap3A_1747 {strides = array<i32>} : memref<2x24x512xf32, #tpu.memory_space<vmem>>, vector<1x1x16xf32>,
        %mul3A_1748 = arith.constant 16 : i32
        %mul3A_1749 = arith.muli %scan3A_707, %mul3A_1748 : i32
        %get3A_1750 = arith.constant 1 : i32
        %get3A_1751 = arith.constant 21 : i32
        %get3A_1752 = arith.index_cast %get3A_1750 : i32 to index
        %get3A_1753 = arith.index_cast %get3A_1751 : i32 to index
        %get3A_1754 = arith.index_cast %mul3A_1749 : i32 to index
        %get3A_1755 = tpu.vector_load %arg6[%get3A_1752, %get3A_1753, %get3A_1754] {strides = array<i32>} : memref<2x96x512xf32, #tpu.memory_space<vmem>>, vector<1x1x16xf32>,
        %get3A_1756 = vector.shape_cast %get3A_1755 : vector<1x1x16xf32> to vector<16xf32>
        %mul3A_1757 = arith.constant 16 : i32
        %mul3A_1758 = arith.muli %scan3A_707, %mul3A_1757 : i32
        %get3A_1759 = arith.constant 1 : i32
        %get3A_1760 = arith.constant 45 : i32
        %get3A_1761 = arith.index_cast %get3A_1759 : i32 to index
        %get3A_1762 = arith.index_cast %get3A_1760 : i32 to index
        %get3A_1763 = arith.index_cast %mul3A_1758 : i32 to index
        %get3A_1764 = tpu.vector_load %arg6[%get3A_1761, %get3A_1762, %get3A_1763] {strides = array<i32>} : memref<2x96x512xf32, #tpu.memory_space<vmem>>, vector<1x1x16xf32>,
        %get3A_1765 = vector.shape_cast %get3A_1764 : vector<1x1x16xf32> to vector<16xf32>
        %select_n3A_1766 = arith.select %eq3A_714, %get3A_1765, %get3A_1756 : vector<16xi1>, vector<16xf32>
        %mul3A_1767 = arith.constant 16 : i32
        %mul3A_1768 = arith.muli %scan3A_707, %mul3A_1767 : i32
        %get3A_1769 = arith.constant 1 : i32
        %get3A_1770 = arith.constant 69 : i32
        %get3A_1771 = arith.index_cast %get3A_1769 : i32 to index
        %get3A_1772 = arith.index_cast %get3A_1770 : i32 to index
        %get3A_1773 = arith.index_cast %mul3A_1768 : i32 to index
        %get3A_1774 = tpu.vector_load %arg6[%get3A_1771, %get3A_1772, %get3A_1773] {strides = array<i32>} : memref<2x96x512xf32, #tpu.memory_space<vmem>>, vector<1x1x16xf32>,
        %get3A_1775 = vector.shape_cast %get3A_1774 : vector<1x1x16xf32> to vector<16xf32>
        %select_n3A_1776 = arith.select %eq3A_717, %get3A_1775, %select_n3A_1766 : vector<16xi1>, vector<16xf32>
        %mul3A_1777 = arith.constant 16 : i32
        %mul3A_1778 = arith.muli %scan3A_707, %mul3A_1777 : i32
        %get3A_1779 = arith.constant 1 : i32
        %get3A_1780 = arith.constant 93 : i32
        %get3A_1781 = arith.index_cast %get3A_1779 : i32 to index
        %get3A_1782 = arith.index_cast %get3A_1780 : i32 to index
        %get3A_1783 = arith.index_cast %mul3A_1778 : i32 to index
        %get3A_1784 = tpu.vector_load %arg6[%get3A_1781, %get3A_1782, %get3A_1783] {strides = array<i32>} : memref<2x96x512xf32, #tpu.memory_space<vmem>>, vector<1x1x16xf32>,
        %get3A_1785 = vector.shape_cast %get3A_1784 : vector<1x1x16xf32> to vector<16xf32>
        %select_n3A_1786 = arith.select %eq3A_720, %get3A_1785, %select_n3A_1776 : vector<16xi1>, vector<16xf32>
        %mul3A_1787 = arith.constant 16 : i32
        %mul3A_1788 = arith.muli %scan3A_707, %mul3A_1787 : i32
        %swap3A_1789 = arith.constant 1 : i32
        %swap3A_1790 = arith.constant 21 : i32
        %swap3A_1791 = arith.index_cast %swap3A_1789 : i32 to index
        %swap3A_1792 = arith.index_cast %swap3A_1790 : i32 to index
        %swap3A_1793 = arith.index_cast %mul3A_1788 : i32 to index
        %swap3A_1794 = tpu.vector_load %arg7[%swap3A_1791, %swap3A_1792, %swap3A_1793] {strides = array<i32>} : memref<2x24x512xf32, #tpu.memory_space<vmem>>, vector<1x1x16xf32>,
        %swap3A_1795 = vector.shape_cast %swap3A_1794 : vector<1x1x16xf32> to vector<16xf32>
        %swap3A_1796 = vector.shape_cast %select_n3A_1786 : vector<16xf32> to vector<1x1x16xf32>
        tpu.vector_store %arg7[%swap3A_1791, %swap3A_1792, %swap3A_1793], %swap3A_1796 {strides = array<i32>} : memref<2x24x512xf32, #tpu.memory_space<vmem>>, vector<1x1x16xf32>,
        %mul3A_1797 = arith.constant 16 : i32
        %mul3A_1798 = arith.muli %scan3A_707, %mul3A_1797 : i32
        %get3A_1799 = arith.constant 1 : i32
        %get3A_1800 = arith.constant 22 : i32
        %get3A_1801 = arith.index_cast %get3A_1799 : i32 to index
        %get3A_1802 = arith.index_cast %get3A_1800 : i32 to index
        %get3A_1803 = arith.index_cast %mul3A_1798 : i32 to index
        %get3A_1804 = tpu.vector_load %arg6[%get3A_1801, %get3A_1802, %get3A_1803] {strides = array<i32>} : memref<2x96x512xf32, #tpu.memory_space<vmem>>, vector<1x1x16xf32>,
        %get3A_1805 = vector.shape_cast %get3A_1804 : vector<1x1x16xf32> to vector<16xf32>
        %mul3A_1806 = arith.constant 16 : i32
        %mul3A_1807 = arith.muli %scan3A_707, %mul3A_1806 : i32
        %get3A_1808 = arith.constant 1 : i32
        %get3A_1809 = arith.constant 46 : i32
        %get3A_1810 = arith.index_cast %get3A_1808 : i32 to index
        %get3A_1811 = arith.index_cast %get3A_1809 : i32 to index
        %get3A_1812 = arith.index_cast %mul3A_1807 : i32 to index
        %get3A_1813 = tpu.vector_load %arg6[%get3A_1810, %get3A_1811, %get3A_1812] {strides = array<i32>} : memref<2x96x512xf32, #tpu.memory_space<vmem>>, vector<1x1x16xf32>,
        %get3A_1814 = vector.shape_cast %get3A_1813 : vector<1x1x16xf32> to vector<16xf32>
        %select_n3A_1815 = arith.select %eq3A_714, %get3A_1814, %get3A_1805 : vector<16xi1>, vector<16xf32>
        %mul3A_1816 = arith.constant 16 : i32
        %mul3A_1817 = arith.muli %scan3A_707, %mul3A_1816 : i32
        %get3A_1818 = arith.constant 1 : i32
        %get3A_1819 = arith.constant 70 : i32
        %get3A_1820 = arith.index_cast %get3A_1818 : i32 to index
        %get3A_1821 = arith.index_cast %get3A_1819 : i32 to index
        %get3A_1822 = arith.index_cast %mul3A_1817 : i32 to index
        %get3A_1823 = tpu.vector_load %arg6[%get3A_1820, %get3A_1821, %get3A_1822] {strides = array<i32>} : memref<2x96x512xf32, #tpu.memory_space<vmem>>, vector<1x1x16xf32>,
        %get3A_1824 = vector.shape_cast %get3A_1823 : vector<1x1x16xf32> to vector<16xf32>
        %select_n3A_1825 = arith.select %eq3A_717, %get3A_1824, %select_n3A_1815 : vector<16xi1>, vector<16xf32>
        %mul3A_1826 = arith.constant 16 : i32
        %mul3A_1827 = arith.muli %scan3A_707, %mul3A_1826 : i32
        %get3A_1828 = arith.constant 1 : i32
        %get3A_1829 = arith.constant 94 : i32
        %get3A_1830 = arith.index_cast %get3A_1828 : i32 to index
        %get3A_1831 = arith.index_cast %get3A_1829 : i32 to index
        %get3A_1832 = arith.index_cast %mul3A_1827 : i32 to index
        %get3A_1833 = tpu.vector_load %arg6[%get3A_1830, %get3A_1831, %get3A_1832] {strides = array<i32>} : memref<2x96x512xf32, #tpu.memory_space<vmem>>, vector<1x1x16xf32>,
        %get3A_1834 = vector.shape_cast %get3A_1833 : vector<1x1x16xf32> to vector<16xf32>
        %select_n3A_1835 = arith.select %eq3A_720, %get3A_1834, %select_n3A_1825 : vector<16xi1>, vector<16xf32>
        %mul3A_1836 = arith.constant 16 : i32
        %mul3A_1837 = arith.muli %scan3A_707, %mul3A_1836 : i32
        %swap3A_1838 = arith.constant 1 : i32
        %swap3A_1839 = arith.constant 22 : i32
        %swap3A_1840 = arith.index_cast %swap3A_1838 : i32 to index
        %swap3A_1841 = arith.index_cast %swap3A_1839 : i32 to index
        %swap3A_1842 = arith.index_cast %mul3A_1837 : i32 to index
        %swap3A_1843 = tpu.vector_load %arg7[%swap3A_1840, %swap3A_1841, %swap3A_1842] {strides = array<i32>} : memref<2x24x512xf32, #tpu.memory_space<vmem>>, vector<1x1x16xf32>,
        %swap3A_1844 = vector.shape_cast %swap3A_1843 : vector<1x1x16xf32> to vector<16xf32>
        %swap3A_1845 = vector.shape_cast %select_n3A_1835 : vector<16xf32> to vector<1x1x16xf32>
        tpu.vector_store %arg7[%swap3A_1840, %swap3A_1841, %swap3A_1842], %swap3A_1845 {strides = array<i32>} : memref<2x24x512xf32, #tpu.memory_space<vmem>>, vector<1x1x16xf32>,
        %mul3A_1846 = arith.constant 16 : i32
        %mul3A_1847 = arith.muli %scan3A_707, %mul3A_1846 : i32
        %get3A_1848 = arith.constant 1 : i32
        %get3A_1849 = arith.constant 23 : i32
        %get3A_1850 = arith.index_cast %get3A_1848 : i32 to index
        %get3A_1851 = arith.index_cast %get3A_1849 : i32 to index
        %get3A_1852 = arith.index_cast %mul3A_1847 : i32 to index
        %get3A_1853 = tpu.vector_load %arg6[%get3A_1850, %get3A_1851, %get3A_1852] {strides = array<i32>} : memref<2x96x512xf32, #tpu.memory_space<vmem>>, vector<1x1x16xf32>,
        %get3A_1854 = vector.shape_cast %get3A_1853 : vector<1x1x16xf32> to vector<16xf32>
        %mul3A_1855 = arith.constant 16 : i32
        %mul3A_1856 = arith.muli %scan3A_707, %mul3A_1855 : i32
        %get3A_1857 = arith.constant 1 : i32
        %get3A_1858 = arith.constant 47 : i32
        %get3A_1859 = arith.index_cast %get3A_1857 : i32 to index
        %get3A_1860 = arith.index_cast %get3A_1858 : i32 to index
        %get3A_1861 = arith.index_cast %mul3A_1856 : i32 to index
        %get3A_1862 = tpu.vector_load %arg6[%get3A_1859, %get3A_1860, %get3A_1861] {strides = array<i32>} : memref<2x96x512xf32, #tpu.memory_space<vmem>>, vector<1x1x16xf32>,
        %get3A_1863 = vector.shape_cast %get3A_1862 : vector<1x1x16xf32> to vector<16xf32>
        %select_n3A_1864 = arith.select %eq3A_714, %get3A_1863, %get3A_1854 : vector<16xi1>, vector<16xf32>
        %mul3A_1865 = arith.constant 16 : i32
        %mul3A_1866 = arith.muli %scan3A_707, %mul3A_1865 : i32
        %get3A_1867 = arith.constant 1 : i32
        %get3A_1868 = arith.constant 71 : i32
        %get3A_1869 = arith.index_cast %get3A_1867 : i32 to index
        %get3A_1870 = arith.index_cast %get3A_1868 : i32 to index
        %get3A_1871 = arith.index_cast %mul3A_1866 : i32 to index
        %get3A_1872 = tpu.vector_load %arg6[%get3A_1869, %get3A_1870, %get3A_1871] {strides = array<i32>} : memref<2x96x512xf32, #tpu.memory_space<vmem>>, vector<1x1x16xf32>,
        %get3A_1873 = vector.shape_cast %get3A_1872 : vector<1x1x16xf32> to vector<16xf32>
        %select_n3A_1874 = arith.select %eq3A_717, %get3A_1873, %select_n3A_1864 : vector<16xi1>, vector<16xf32>
        %mul3A_1875 = arith.constant 16 : i32
        %mul3A_1876 = arith.muli %scan3A_707, %mul3A_1875 : i32
        %get3A_1877 = arith.constant 1 : i32
        %get3A_1878 = arith.constant 95 : i32
        %get3A_1879 = arith.index_cast %get3A_1877 : i32 to index
        %get3A_1880 = arith.index_cast %get3A_1878 : i32 to index
        %get3A_1881 = arith.index_cast %mul3A_1876 : i32 to index
        %get3A_1882 = tpu.vector_load %arg6[%get3A_1879, %get3A_1880, %get3A_1881] {strides = array<i32>} : memref<2x96x512xf32, #tpu.memory_space<vmem>>, vector<1x1x16xf32>,
        %get3A_1883 = vector.shape_cast %get3A_1882 : vector<1x1x16xf32> to vector<16xf32>
        %select_n3A_1884 = arith.select %eq3A_720, %get3A_1883, %select_n3A_1874 : vector<16xi1>, vector<16xf32>
        %mul3A_1885 = arith.constant 16 : i32
        %mul3A_1886 = arith.muli %scan3A_707, %mul3A_1885 : i32
        %swap3A_1887 = arith.constant 1 : i32
        %swap3A_1888 = arith.constant 23 : i32
        %swap3A_1889 = arith.index_cast %swap3A_1887 : i32 to index
        %swap3A_1890 = arith.index_cast %swap3A_1888 : i32 to index
        %swap3A_1891 = arith.index_cast %mul3A_1886 : i32 to index
        %swap3A_1892 = tpu.vector_load %arg7[%swap3A_1889, %swap3A_1890, %swap3A_1891] {strides = array<i32>} : memref<2x24x512xf32, #tpu.memory_space<vmem>>, vector<1x1x16xf32>,
        %swap3A_1893 = vector.shape_cast %swap3A_1892 : vector<1x1x16xf32> to vector<16xf32>
        %swap3A_1894 = vector.shape_cast %select_n3A_1884 : vector<16xf32> to vector<1x1x16xf32>
        tpu.vector_store %arg7[%swap3A_1889, %swap3A_1890, %swap3A_1891], %swap3A_1894 {strides = array<i32>} : memref<2x24x512xf32, #tpu.memory_space<vmem>>, vector<1x1x16xf32>,
        %scan3A_1895 = arith.constant 0 : i32
        scf.yield %scan3A_1895 : i32
      }
      %scan3A_690 = arith.constant 32 : i32
      %add3A_691 = arith.constant 1 : i32
      %add3A_692 = arith.addi %mul3A_418, %add3A_691 : i32
      %mul3A_693 = arith.constant 24 : i32
      %mul3A_694 = arith.muli %add3A_692, %mul3A_693 : i32
      %dma_start3A_695 = arith.constant 1 : i32
      %dma_start3A_696 = arith.constant 0 : i32
      %dma_start3A_697 = arith.constant 0 : i32
      %dma_start3A_698 = tpu.memref_slice %arg7[%dma_start3A_695, %dma_start3A_696, %dma_start3A_697] : memref<2x24x512xf32, #tpu.memory_space<vmem>> -> memref<1x24x512xf32, #tpu.memory_space<vmem>>
      %dma_start3A_699 = tpu.memref_squeeze %dma_start3A_698 : memref<1x24x512xf32, #tpu.memory_space<vmem>> -> memref<24x512xf32, #tpu.memory_space<vmem>>
      %dma_start3A_700 = tpu.memref_slice %arg4[%mul3A_694, %mul3A_2] : memref<1000x16384xf32, #tpu.memory_space<hbm>> -> memref<24x512xf32, #tpu.memory_space<hbm>>
      %dma_start3A_701 = tpu.memref_slice %arg4[%mul3A_694, %mul3A_2] : memref<1000x16384xf32, #tpu.memory_space<hbm>> -> memref<24x512xf32, #tpu.memory_space<hbm>>
      %dma_start3A_702 = arith.constant 0 : i32
      %dma_start3A_703 = arith.constant 0 : i32
      %dma_start3A_704 = tpu.memref_slice %arg7[%dma_start3A_695, %dma_start3A_702, %dma_start3A_703] : memref<2x24x512xf32, #tpu.memory_space<vmem>> -> memref<1x24x512xf32, #tpu.memory_space<vmem>>
      %dma_start3A_705 = tpu.memref_squeeze %dma_start3A_704 : memref<1x24x512xf32, #tpu.memory_space<vmem>> -> memref<24x512xf32, #tpu.memory_space<vmem>>
      tpu.enqueue_dma source(%dma_start3A_705 : memref<24x512xf32, #tpu.memory_space<vmem>>) target(%dma_start3A_701 : memref<24x512xf32, #tpu.memory_space<hbm>>) target_semaphore(%arg11 : memref<!tpu.dma_semaphore, #tpu.memory_space<semaphore_mem>>)
      %scan3A_706 = arith.constant 0 : i32
      scf.yield %scan3A_706 : i32
    }
    %scan3A_83 = arith.constant 20 : i32
    %dma_wait3A = arith.constant 0 : i32
    %dma_wait3A_84 = arith.constant 0 : i32
    %dma_wait3A_85 = arith.constant 0 : i32
    %dma_wait3A_86 = tpu.memref_slice %arg6[%dma_wait3A, %dma_wait3A_84, %dma_wait3A_85] : memref<2x96x512xf32, #tpu.memory_space<vmem>> -> memref<1x96x512xf32, #tpu.memory_space<vmem>>
    %dma_wait3A_87 = tpu.memref_squeeze %dma_wait3A_86 : memref<1x96x512xf32, #tpu.memory_space<vmem>> -> memref<96x512xf32, #tpu.memory_space<vmem>>
    %dma_wait3A_88 = arith.constant 0 : i32
    %dma_wait3A_89 = arith.constant 0 : i32
    %dma_wait3A_90 = tpu.memref_slice %dma_wait3A_87[%dma_wait3A_88, %dma_wait3A_89] : memref<96x512xf32, #tpu.memory_space<vmem>> -> memref<24x512xf32, #tpu.memory_space<vmem>>
    %dma_wait3A_91 = arith.constant 0 : i32
    %dma_wait3A_92 = tpu.memref_slice %arg2[%dma_wait3A_91, %mul3A_2] : memref<4000x16384xf32, #tpu.memory_space<hbm>> -> memref<24x512xf32, #tpu.memory_space<hbm>>
    %dma_wait3A_93 = arith.constant 0 : i32
    %dma_wait3A_94 = arith.constant 0 : i32
    %dma_wait3A_95 = tpu.memref_slice %arg6[%dma_wait3A, %dma_wait3A_93, %dma_wait3A_94] : memref<2x96x512xf32, #tpu.memory_space<vmem>> -> memref<1x96x512xf32, #tpu.memory_space<vmem>>
    %dma_wait3A_96 = tpu.memref_squeeze %dma_wait3A_95 : memref<1x96x512xf32, #tpu.memory_space<vmem>> -> memref<96x512xf32, #tpu.memory_space<vmem>>
    %dma_wait3A_97 = arith.constant 0 : i32
    %dma_wait3A_98 = arith.constant 0 : i32
    %dma_wait3A_99 = tpu.memref_slice %dma_wait3A_96[%dma_wait3A_97, %dma_wait3A_98] : memref<96x512xf32, #tpu.memory_space<vmem>> -> memref<24x512xf32, #tpu.memory_space<vmem>>
    %dma_wait3A_100 = arith.constant 0 : i32
    %dma_wait3A_101 = tpu.memref_slice %arg2[%dma_wait3A_100, %mul3A_2] : memref<4000x16384xf32, #tpu.memory_space<hbm>> -> memref<24x512xf32, #tpu.memory_space<hbm>>
    tpu.wait_dma2 semaphore(%arg8 : memref<!tpu.dma_semaphore, #tpu.memory_space<semaphore_mem>>) src(%dma_wait3A_101 : memref<24x512xf32, #tpu.memory_space<hbm>>) dst(%dma_wait3A_99 : memref<24x512xf32, #tpu.memory_space<vmem>>)
    %dma_wait3A_102 = arith.constant 0 : i32
    %dma_wait3A_103 = arith.constant 0 : i32
    %dma_wait3A_104 = arith.constant 0 : i32
    %dma_wait3A_105 = tpu.memref_slice %arg6[%dma_wait3A_102, %dma_wait3A_103, %dma_wait3A_104] : memref<2x96x512xf32, #tpu.memory_space<vmem>> -> memref<1x96x512xf32, #tpu.memory_space<vmem>>
    %dma_wait3A_106 = tpu.memref_squeeze %dma_wait3A_105 : memref<1x96x512xf32, #tpu.memory_space<vmem>> -> memref<96x512xf32, #tpu.memory_space<vmem>>
    %dma_wait3A_107 = arith.constant 0 : i32
    %dma_wait3A_108 = arith.constant 0 : i32
    %dma_wait3A_109 = tpu.memref_slice %dma_wait3A_106[%dma_wait3A_107, %dma_wait3A_108] : memref<96x512xf32, #tpu.memory_space<vmem>> -> memref<24x512xf32, #tpu.memory_space<vmem>>
    %dma_wait3A_110 = arith.constant 0 : i32
    %dma_wait3A_111 = tpu.memref_slice %arg2[%dma_wait3A_110, %mul3A_2] : memref<4000x16384xf32, #tpu.memory_space<hbm>> -> memref<24x512xf32, #tpu.memory_space<hbm>>
    %dma_wait3A_112 = arith.constant 0 : i32
    %dma_wait3A_113 = arith.constant 0 : i32
    %dma_wait3A_114 = tpu.memref_slice %arg6[%dma_wait3A_102, %dma_wait3A_112, %dma_wait3A_113] : memref<2x96x512xf32, #tpu.memory_space<vmem>> -> memref<1x96x512xf32, #tpu.memory_space<vmem>>
    %dma_wait3A_115 = tpu.memref_squeeze %dma_wait3A_114 : memref<1x96x512xf32, #tpu.memory_space<vmem>> -> memref<96x512xf32, #tpu.memory_space<vmem>>
    %dma_wait3A_116 = arith.constant 0 : i32
    %dma_wait3A_117 = arith.constant 0 : i32
    %dma_wait3A_118 = tpu.memref_slice %dma_wait3A_115[%dma_wait3A_116, %dma_wait3A_117] : memref<96x512xf32, #tpu.memory_space<vmem>> -> memref<24x512xf32, #tpu.memory_space<vmem>>
    %dma_wait3A_119 = arith.constant 0 : i32
    %dma_wait3A_120 = tpu.memref_slice %arg2[%dma_wait3A_119, %mul3A_2] : memref<4000x16384xf32, #tpu.memory_space<hbm>> -> memref<24x512xf32, #tpu.memory_space<hbm>>
    tpu.wait_dma2 semaphore(%arg8 : memref<!tpu.dma_semaphore, #tpu.memory_space<semaphore_mem>>) src(%dma_wait3A_120 : memref<24x512xf32, #tpu.memory_space<hbm>>) dst(%dma_wait3A_118 : memref<24x512xf32, #tpu.memory_space<vmem>>)
    %dma_wait3A_121 = arith.constant 0 : i32
    %dma_wait3A_122 = arith.constant 0 : i32
    %dma_wait3A_123 = arith.constant 0 : i32
    %dma_wait3A_124 = tpu.memref_slice %arg6[%dma_wait3A_121, %dma_wait3A_122, %dma_wait3A_123] : memref<2x96x512xf32, #tpu.memory_space<vmem>> -> memref<1x96x512xf32, #tpu.memory_space<vmem>>
    %dma_wait3A_125 = tpu.memref_squeeze %dma_wait3A_124 : memref<1x96x512xf32, #tpu.memory_space<vmem>> -> memref<96x512xf32, #tpu.memory_space<vmem>>
    %dma_wait3A_126 = arith.constant 0 : i32
    %dma_wait3A_127 = arith.constant 0 : i32
    %dma_wait3A_128 = tpu.memref_slice %dma_wait3A_125[%dma_wait3A_126, %dma_wait3A_127] : memref<96x512xf32, #tpu.memory_space<vmem>> -> memref<24x512xf32, #tpu.memory_space<vmem>>
    %dma_wait3A_129 = arith.constant 0 : i32
    %dma_wait3A_130 = tpu.memref_slice %arg2[%dma_wait3A_129, %mul3A_2] : memref<4000x16384xf32, #tpu.memory_space<hbm>> -> memref<24x512xf32, #tpu.memory_space<hbm>>
    %dma_wait3A_131 = arith.constant 0 : i32
    %dma_wait3A_132 = arith.constant 0 : i32
    %dma_wait3A_133 = tpu.memref_slice %arg6[%dma_wait3A_121, %dma_wait3A_131, %dma_wait3A_132] : memref<2x96x512xf32, #tpu.memory_space<vmem>> -> memref<1x96x512xf32, #tpu.memory_space<vmem>>
    %dma_wait3A_134 = tpu.memref_squeeze %dma_wait3A_133 : memref<1x96x512xf32, #tpu.memory_space<vmem>> -> memref<96x512xf32, #tpu.memory_space<vmem>>
    %dma_wait3A_135 = arith.constant 0 : i32
    %dma_wait3A_136 = arith.constant 0 : i32
    %dma_wait3A_137 = tpu.memref_slice %dma_wait3A_134[%dma_wait3A_135, %dma_wait3A_136] : memref<96x512xf32, #tpu.memory_space<vmem>> -> memref<24x512xf32, #tpu.memory_space<vmem>>
    %dma_wait3A_138 = arith.constant 0 : i32
    %dma_wait3A_139 = tpu.memref_slice %arg2[%dma_wait3A_138, %mul3A_2] : memref<4000x16384xf32, #tpu.memory_space<hbm>> -> memref<24x512xf32, #tpu.memory_space<hbm>>
    tpu.wait_dma2 semaphore(%arg8 : memref<!tpu.dma_semaphore, #tpu.memory_space<semaphore_mem>>) src(%dma_wait3A_139 : memref<24x512xf32, #tpu.memory_space<hbm>>) dst(%dma_wait3A_137 : memref<24x512xf32, #tpu.memory_space<vmem>>)
    %dma_wait3A_140 = arith.constant 0 : i32
    %dma_wait3A_141 = arith.constant 0 : i32
    %dma_wait3A_142 = arith.constant 0 : i32
    %dma_wait3A_143 = tpu.memref_slice %arg6[%dma_wait3A_140, %dma_wait3A_141, %dma_wait3A_142] : memref<2x96x512xf32, #tpu.memory_space<vmem>> -> memref<1x96x512xf32, #tpu.memory_space<vmem>>
    %dma_wait3A_144 = tpu.memref_squeeze %dma_wait3A_143 : memref<1x96x512xf32, #tpu.memory_space<vmem>> -> memref<96x512xf32, #tpu.memory_space<vmem>>
    %dma_wait3A_145 = arith.constant 0 : i32
    %dma_wait3A_146 = arith.constant 0 : i32
    %dma_wait3A_147 = tpu.memref_slice %dma_wait3A_144[%dma_wait3A_145, %dma_wait3A_146] : memref<96x512xf32, #tpu.memory_space<vmem>> -> memref<24x512xf32, #tpu.memory_space<vmem>>
    %dma_wait3A_148 = arith.constant 0 : i32
    %dma_wait3A_149 = tpu.memref_slice %arg2[%dma_wait3A_148, %mul3A_2] : memref<4000x16384xf32, #tpu.memory_space<hbm>> -> memref<24x512xf32, #tpu.memory_space<hbm>>
    %dma_wait3A_150 = arith.constant 0 : i32
    %dma_wait3A_151 = arith.constant 0 : i32
    %dma_wait3A_152 = tpu.memref_slice %arg6[%dma_wait3A_140, %dma_wait3A_150, %dma_wait3A_151] : memref<2x96x512xf32, #tpu.memory_space<vmem>> -> memref<1x96x512xf32, #tpu.memory_space<vmem>>
    %dma_wait3A_153 = tpu.memref_squeeze %dma_wait3A_152 : memref<1x96x512xf32, #tpu.memory_space<vmem>> -> memref<96x512xf32, #tpu.memory_space<vmem>>
    %dma_wait3A_154 = arith.constant 0 : i32
    %dma_wait3A_155 = arith.constant 0 : i32
    %dma_wait3A_156 = tpu.memref_slice %dma_wait3A_153[%dma_wait3A_154, %dma_wait3A_155] : memref<96x512xf32, #tpu.memory_space<vmem>> -> memref<24x512xf32, #tpu.memory_space<vmem>>
    %dma_wait3A_157 = arith.constant 0 : i32
    %dma_wait3A_158 = tpu.memref_slice %arg2[%dma_wait3A_157, %mul3A_2] : memref<4000x16384xf32, #tpu.memory_space<hbm>> -> memref<24x512xf32, #tpu.memory_space<hbm>>
    tpu.wait_dma2 semaphore(%arg8 : memref<!tpu.dma_semaphore, #tpu.memory_space<semaphore_mem>>) src(%dma_wait3A_158 : memref<24x512xf32, #tpu.memory_space<hbm>>) dst(%dma_wait3A_156 : memref<24x512xf32, #tpu.memory_space<vmem>>)
    %dma_wait3A_159 = arith.constant 0 : i32
    %dma_wait3A_160 = arith.constant 0 : i32
    %dma_wait3A_161 = arith.constant 0 : i32
    %dma_wait3A_162 = tpu.memref_slice %arg7[%dma_wait3A_159, %dma_wait3A_160, %dma_wait3A_161] : memref<2x24x512xf32, #tpu.memory_space<vmem>> -> memref<1x24x512xf32, #tpu.memory_space<vmem>>
    %dma_wait3A_163 = tpu.memref_squeeze %dma_wait3A_162 : memref<1x24x512xf32, #tpu.memory_space<vmem>> -> memref<24x512xf32, #tpu.memory_space<vmem>>
    %dma_wait3A_164 = arith.constant 0 : i32
    %dma_wait3A_165 = tpu.memref_slice %arg4[%dma_wait3A_164, %mul3A_2] : memref<1000x16384xf32, #tpu.memory_space<hbm>> -> memref<24x512xf32, #tpu.memory_space<hbm>>
    %dma_wait3A_166 = arith.constant 0 : i32
    %dma_wait3A_167 = tpu.memref_slice %arg4[%dma_wait3A_166, %mul3A_2] : memref<1000x16384xf32, #tpu.memory_space<hbm>> -> memref<24x512xf32, #tpu.memory_space<hbm>>
    %dma_wait3A_168 = arith.constant 0 : i32
    %dma_wait3A_169 = arith.constant 0 : i32
    %dma_wait3A_170 = tpu.memref_slice %arg7[%dma_wait3A_159, %dma_wait3A_168, %dma_wait3A_169] : memref<2x24x512xf32, #tpu.memory_space<vmem>> -> memref<1x24x512xf32, #tpu.memory_space<vmem>>
    %dma_wait3A_171 = tpu.memref_squeeze %dma_wait3A_170 : memref<1x24x512xf32, #tpu.memory_space<vmem>> -> memref<24x512xf32, #tpu.memory_space<vmem>>
    tpu.wait_dma2 semaphore(%arg10 : memref<!tpu.dma_semaphore, #tpu.memory_space<semaphore_mem>>) src(%dma_wait3A_171 : memref<24x512xf32, #tpu.memory_space<vmem>>) dst(%dma_wait3A_167 : memref<24x512xf32, #tpu.memory_space<hbm>>)
    %scan3A_172 = arith.constant 0 : i32
    %scan3A_173 = arith.constant 0 : i32
    %scan3A_174 = arith.constant 32 : i32
    %scan3A_175 = arith.addi %scan3A_173, %scan3A_174 : i32
    %scan3A_176 = arith.constant 1 : i32
    %scan3A_177 = scf.for %scan3A_415 = %scan3A_173 to %scan3A_175 step %scan3A_176 iter_args(%scan3A_416 = %scan3A_172) -> (i32)  : i32 {
      %mul3A_417 = arith.constant 16 : i32
      %mul3A_418 = arith.muli %scan3A_415, %mul3A_417 : i32
      %get3A = arith.index_cast %mul3A_418 : i32 to index
      %get3A_419 = tpu.vector_load %arg5[%get3A] {strides = array<i32>} : memref<512xi32, #tpu.memory_space<vmem>>, vector<16xi32>,
      %get3A_420 = vector.shape_cast %get3A_419 : vector<16xi32> to vector<16xi32>
      %eq3A = arith.constant 1 : i32
      %eq3A_421 = vector.broadcast %eq3A : i32 to vector<16xi32>
      %eq3A_422 = arith.cmpi eq, %get3A_420, %eq3A_421 : vector<16xi32>
      %eq3A_423 = arith.constant 2 : i32
      %eq3A_424 = vector.broadcast %eq3A_423 : i32 to vector<16xi32>
      %eq3A_425 = arith.cmpi eq, %get3A_420, %eq3A_424 : vector<16xi32>
      %eq3A_426 = arith.constant 3 : i32
      %eq3A_427 = vector.broadcast %eq3A_426 : i32 to vector<16xi32>
      %eq3A_428 = arith.cmpi eq, %get3A_420, %eq3A_427 : vector<16xi32>
      %mul3A_429 = arith.constant 16 : i32
      %mul3A_430 = arith.muli %scan3A_415, %mul3A_429 : i32
      %get3A_431 = arith.constant 0 : i32
      %get3A_432 = arith.constant 0 : i32
      %get3A_433 = arith.index_cast %get3A_431 : i32 to index
      %get3A_434 = arith.index_cast %get3A_432 : i32 to index
      %get3A_435 = arith.index_cast %mul3A_430 : i32 to index
      %get3A_436 = tpu.vector_load %arg6[%get3A_433, %get3A_434, %get3A_435] {strides = array<i32>} : memref<2x96x512xf32, #tpu.memory_space<vmem>>, vector<1x1x16xf32>,
      %get3A_437 = vector.shape_cast %get3A_436 : vector<1x1x16xf32> to vector<16xf32>
      %mul3A_438 = arith.constant 16 : i32
      %mul3A_439 = arith.muli %scan3A_415, %mul3A_438 : i32
      %get3A_440 = arith.constant 0 : i32
      %get3A_441 = arith.constant 24 : i32
      %get3A_442 = arith.index_cast %get3A_440 : i32 to index
      %get3A_443 = arith.index_cast %get3A_441 : i32 to index
      %get3A_444 = arith.index_cast %mul3A_439 : i32 to index
      %get3A_445 = tpu.vector_load %arg6[%get3A_442, %get3A_443, %get3A_444] {strides = array<i32>} : memref<2x96x512xf32, #tpu.memory_space<vmem>>, vector<1x1x16xf32>,
      %get3A_446 = vector.shape_cast %get3A_445 : vector<1x1x16xf32> to vector<16xf32>
      %select_n3A = arith.select %eq3A_422, %get3A_446, %get3A_437 : vector<16xi1>, vector<16xf32>
      %mul3A_447 = arith.constant 16 : i32
      %mul3A_448 = arith.muli %scan3A_415, %mul3A_447 : i32
      %get3A_449 = arith.constant 0 : i32
      %get3A_450 = arith.constant 48 : i32
      %get3A_451 = arith.index_cast %get3A_449 : i32 to index
      %get3A_452 = arith.index_cast %get3A_450 : i32 to index
      %get3A_453 = arith.index_cast %mul3A_448 : i32 to index
      %get3A_454 = tpu.vector_load %arg6[%get3A_451, %get3A_452, %get3A_453] {strides = array<i32>} : memref<2x96x512xf32, #tpu.memory_space<vmem>>, vector<1x1x16xf32>,
      %get3A_455 = vector.shape_cast %get3A_454 : vector<1x1x16xf32> to vector<16xf32>
      %select_n3A_456 = arith.select %eq3A_425, %get3A_455, %select_n3A : vector<16xi1>, vector<16xf32>
      %mul3A_457 = arith.constant 16 : i32
      %mul3A_458 = arith.muli %scan3A_415, %mul3A_457 : i32
      %get3A_459 = arith.constant 0 : i32
      %get3A_460 = arith.constant 72 : i32
      %get3A_461 = arith.index_cast %get3A_459 : i32 to index
      %get3A_462 = arith.index_cast %get3A_460 : i32 to index
      %get3A_463 = arith.index_cast %mul3A_458 : i32 to index
      %get3A_464 = tpu.vector_load %arg6[%get3A_461, %get3A_462, %get3A_463] {strides = array<i32>} : memref<2x96x512xf32, #tpu.memory_space<vmem>>, vector<1x1x16xf32>,
      %get3A_465 = vector.shape_cast %get3A_464 : vector<1x1x16xf32> to vector<16xf32>
      %select_n3A_466 = arith.select %eq3A_428, %get3A_465, %select_n3A_456 : vector<16xi1>, vector<16xf32>
      %mul3A_467 = arith.constant 16 : i32
      %mul3A_468 = arith.muli %scan3A_415, %mul3A_467 : i32
      %swap3A = arith.constant 0 : i32
      %swap3A_469 = arith.constant 0 : i32
      %swap3A_470 = arith.index_cast %swap3A : i32 to index
      %swap3A_471 = arith.index_cast %swap3A_469 : i32 to index
      %swap3A_472 = arith.index_cast %mul3A_468 : i32 to index
      %swap3A_473 = tpu.vector_load %arg7[%swap3A_470, %swap3A_471, %swap3A_472] {strides = array<i32>} : memref<2x24x512xf32, #tpu.memory_space<vmem>>, vector<1x1x16xf32>,
      %swap3A_474 = vector.shape_cast %swap3A_473 : vector<1x1x16xf32> to vector<16xf32>
      %swap3A_475 = vector.shape_cast %select_n3A_466 : vector<16xf32> to vector<1x1x16xf32>
      tpu.vector_store %arg7[%swap3A_470, %swap3A_471, %swap3A_472], %swap3A_475 {strides = array<i32>} : memref<2x24x512xf32, #tpu.memory_space<vmem>>, vector<1x1x16xf32>,
      %mul3A_476 = arith.constant 16 : i32
      %mul3A_477 = arith.muli %scan3A_415, %mul3A_476 : i32
      %get3A_478 = arith.constant 0 : i32
      %get3A_479 = arith.constant 1 : i32
      %get3A_480 = arith.index_cast %get3A_478 : i32 to index
      %get3A_481 = arith.index_cast %get3A_479 : i32 to index
      %get3A_482 = arith.index_cast %mul3A_477 : i32 to index
      %get3A_483 = tpu.vector_load %arg6[%get3A_480, %get3A_481, %get3A_482] {strides = array<i32>} : memref<2x96x512xf32, #tpu.memory_space<vmem>>, vector<1x1x16xf32>,
      %get3A_484 = vector.shape_cast %get3A_483 : vector<1x1x16xf32> to vector<16xf32>
      %mul3A_485 = arith.constant 16 : i32
      %mul3A_486 = arith.muli %scan3A_415, %mul3A_485 : i32
      %get3A_487 = arith.constant 0 : i32
      %get3A_488 = arith.constant 25 : i32
      %get3A_489 = arith.index_cast %get3A_487 : i32 to index
      %get3A_490 = arith.index_cast %get3A_488 : i32 to index
      %get3A_491 = arith.index_cast %mul3A_486 : i32 to index
      %get3A_492 = tpu.vector_load %arg6[%get3A_489, %get3A_490, %get3A_491] {strides = array<i32>} : memref<2x96x512xf32, #tpu.memory_space<vmem>>, vector<1x1x16xf32>,
      %get3A_493 = vector.shape_cast %get3A_492 : vector<1x1x16xf32> to vector<16xf32>
      %select_n3A_494 = arith.select %eq3A_422, %get3A_493, %get3A_484 : vector<16xi1>, vector<16xf32>
      %mul3A_495 = arith.constant 16 : i32
      %mul3A_496 = arith.muli %scan3A_415, %mul3A_495 : i32
      %get3A_497 = arith.constant 0 : i32
      %get3A_498 = arith.constant 49 : i32
      %get3A_499 = arith.index_cast %get3A_497 : i32 to index
      %get3A_500 = arith.index_cast %get3A_498 : i32 to index
      %get3A_501 = arith.index_cast %mul3A_496 : i32 to index
      %get3A_502 = tpu.vector_load %arg6[%get3A_499, %get3A_500, %get3A_501] {strides = array<i32>} : memref<2x96x512xf32, #tpu.memory_space<vmem>>, vector<1x1x16xf32>,
      %get3A_503 = vector.shape_cast %get3A_502 : vector<1x1x16xf32> to vector<16xf32>
      %select_n3A_504 = arith.select %eq3A_425, %get3A_503, %select_n3A_494 : vector<16xi1>, vector<16xf32>
      %mul3A_505 = arith.constant 16 : i32
      %mul3A_506 = arith.muli %scan3A_415, %mul3A_505 : i32
      %get3A_507 = arith.constant 0 : i32
      %get3A_508 = arith.constant 73 : i32
      %get3A_509 = arith.index_cast %get3A_507 : i32 to index
      %get3A_510 = arith.index_cast %get3A_508 : i32 to index
      %get3A_511 = arith.index_cast %mul3A_506 : i32 to index
      %get3A_512 = tpu.vector_load %arg6[%get3A_509, %get3A_510, %get3A_511] {strides = array<i32>} : memref<2x96x512xf32, #tpu.memory_space<vmem>>, vector<1x1x16xf32>,
      %get3A_513 = vector.shape_cast %get3A_512 : vector<1x1x16xf32> to vector<16xf32>
      %select_n3A_514 = arith.select %eq3A_428, %get3A_513, %select_n3A_504 : vector<16xi1>, vector<16xf32>
      %mul3A_515 = arith.constant 16 : i32
      %mul3A_516 = arith.muli %scan3A_415, %mul3A_515 : i32
      %swap3A_517 = arith.constant 0 : i32
      %swap3A_518 = arith.constant 1 : i32
      %swap3A_519 = arith.index_cast %swap3A_517 : i32 to index
      %swap3A_520 = arith.index_cast %swap3A_518 : i32 to index
      %swap3A_521 = arith.index_cast %mul3A_516 : i32 to index
      %swap3A_522 = tpu.vector_load %arg7[%swap3A_519, %swap3A_520, %swap3A_521] {strides = array<i32>} : memref<2x24x512xf32, #tpu.memory_space<vmem>>, vector<1x1x16xf32>,
      %swap3A_523 = vector.shape_cast %swap3A_522 : vector<1x1x16xf32> to vector<16xf32>
      %swap3A_524 = vector.shape_cast %select_n3A_514 : vector<16xf32> to vector<1x1x16xf32>
      tpu.vector_store %arg7[%swap3A_519, %swap3A_520, %swap3A_521], %swap3A_524 {strides = array<i32>} : memref<2x24x512xf32, #tpu.memory_space<vmem>>, vector<1x1x16xf32>,
      %mul3A_525 = arith.constant 16 : i32
      %mul3A_526 = arith.muli %scan3A_415, %mul3A_525 : i32
      %get3A_527 = arith.constant 0 : i32
      %get3A_528 = arith.constant 2 : i32
      %get3A_529 = arith.index_cast %get3A_527 : i32 to index
      %get3A_530 = arith.index_cast %get3A_528 : i32 to index
      %get3A_531 = arith.index_cast %mul3A_526 : i32 to index
      %get3A_532 = tpu.vector_load %arg6[%get3A_529, %get3A_530, %get3A_531] {strides = array<i32>} : memref<2x96x512xf32, #tpu.memory_space<vmem>>, vector<1x1x16xf32>,
      %get3A_533 = vector.shape_cast %get3A_532 : vector<1x1x16xf32> to vector<16xf32>
      %mul3A_534 = arith.constant 16 : i32
      %mul3A_535 = arith.muli %scan3A_415, %mul3A_534 : i32
      %get3A_536 = arith.constant 0 : i32
      %get3A_537 = arith.constant 26 : i32
      %get3A_538 = arith.index_cast %get3A_536 : i32 to index
      %get3A_539 = arith.index_cast %get3A_537 : i32 to index
      %get3A_540 = arith.index_cast %mul3A_535 : i32 to index
      %get3A_541 = tpu.vector_load %arg6[%get3A_538, %get3A_539, %get3A_540] {strides = array<i32>} : memref<2x96x512xf32, #tpu.memory_space<vmem>>, vector<1x1x16xf32>,
      %get3A_542 = vector.shape_cast %get3A_541 : vector<1x1x16xf32> to vector<16xf32>
      %select_n3A_543 = arith.select %eq3A_422, %get3A_542, %get3A_533 : vector<16xi1>, vector<16xf32>
      %mul3A_544 = arith.constant 16 : i32
      %mul3A_545 = arith.muli %scan3A_415, %mul3A_544 : i32
      %get3A_546 = arith.constant 0 : i32
      %get3A_547 = arith.constant 50 : i32
      %get3A_548 = arith.index_cast %get3A_546 : i32 to index
      %get3A_549 = arith.index_cast %get3A_547 : i32 to index
      %get3A_550 = arith.index_cast %mul3A_545 : i32 to index
      %get3A_551 = tpu.vector_load %arg6[%get3A_548, %get3A_549, %get3A_550] {strides = array<i32>} : memref<2x96x512xf32, #tpu.memory_space<vmem>>, vector<1x1x16xf32>,
      %get3A_552 = vector.shape_cast %get3A_551 : vector<1x1x16xf32> to vector<16xf32>
      %select_n3A_553 = arith.select %eq3A_425, %get3A_552, %select_n3A_543 : vector<16xi1>, vector<16xf32>
      %mul3A_554 = arith.constant 16 : i32
      %mul3A_555 = arith.muli %scan3A_415, %mul3A_554 : i32
      %get3A_556 = arith.constant 0 : i32
      %get3A_557 = arith.constant 74 : i32
      %get3A_558 = arith.index_cast %get3A_556 : i32 to index
      %get3A_559 = arith.index_cast %get3A_557 : i32 to index
      %get3A_560 = arith.index_cast %mul3A_555 : i32 to index
      %get3A_561 = tpu.vector_load %arg6[%get3A_558, %get3A_559, %get3A_560] {strides = array<i32>} : memref<2x96x512xf32, #tpu.memory_space<vmem>>, vector<1x1x16xf32>,
      %get3A_562 = vector.shape_cast %get3A_561 : vector<1x1x16xf32> to vector<16xf32>
      %select_n3A_563 = arith.select %eq3A_428, %get3A_562, %select_n3A_553 : vector<16xi1>, vector<16xf32>
      %mul3A_564 = arith.constant 16 : i32
      %mul3A_565 = arith.muli %scan3A_415, %mul3A_564 : i32
      %swap3A_566 = arith.constant 0 : i32
      %swap3A_567 = arith.constant 2 : i32
      %swap3A_568 = arith.index_cast %swap3A_566 : i32 to index
      %swap3A_569 = arith.index_cast %swap3A_567 : i32 to index
      %swap3A_570 = arith.index_cast %mul3A_565 : i32 to index
      %swap3A_571 = tpu.vector_load %arg7[%swap3A_568, %swap3A_569, %swap3A_570] {strides = array<i32>} : memref<2x24x512xf32, #tpu.memory_space<vmem>>, vector<1x1x16xf32>,
      %swap3A_572 = vector.shape_cast %swap3A_571 : vector<1x1x16xf32> to vector<16xf32>
      %swap3A_573 = vector.shape_cast %select_n3A_563 : vector<16xf32> to vector<1x1x16xf32>
      tpu.vector_store %arg7[%swap3A_568, %swap3A_569, %swap3A_570], %swap3A_573 {strides = array<i32>} : memref<2x24x512xf32, #tpu.memory_space<vmem>>, vector<1x1x16xf32>,
      %mul3A_574 = arith.constant 16 : i32
      %mul3A_575 = arith.muli %scan3A_415, %mul3A_574 : i32
      %get3A_576 = arith.constant 0 : i32
      %get3A_577 = arith.constant 3 : i32
      %get3A_578 = arith.index_cast %get3A_576 : i32 to index
      %get3A_579 = arith.index_cast %get3A_577 : i32 to index
      %get3A_580 = arith.index_cast %mul3A_575 : i32 to index
      %get3A_581 = tpu.vector_load %arg6[%get3A_578, %get3A_579, %get3A_580] {strides = array<i32>} : memref<2x96x512xf32, #tpu.memory_space<vmem>>, vector<1x1x16xf32>,
      %get3A_582 = vector.shape_cast %get3A_581 : vector<1x1x16xf32> to vector<16xf32>
      %mul3A_583 = arith.constant 16 : i32
      %mul3A_584 = arith.muli %scan3A_415, %mul3A_583 : i32
      %get3A_585 = arith.constant 0 : i32
      %get3A_586 = arith.constant 27 : i32
      %get3A_587 = arith.index_cast %get3A_585 : i32 to index
      %get3A_588 = arith.index_cast %get3A_586 : i32 to index
      %get3A_589 = arith.index_cast %mul3A_584 : i32 to index
      %get3A_590 = tpu.vector_load %arg6[%get3A_587, %get3A_588, %get3A_589] {strides = array<i32>} : memref<2x96x512xf32, #tpu.memory_space<vmem>>, vector<1x1x16xf32>,
      %get3A_591 = vector.shape_cast %get3A_590 : vector<1x1x16xf32> to vector<16xf32>
      %select_n3A_592 = arith.select %eq3A_422, %get3A_591, %get3A_582 : vector<16xi1>, vector<16xf32>
      %mul3A_593 = arith.constant 16 : i32
      %mul3A_594 = arith.muli %scan3A_415, %mul3A_593 : i32
      %get3A_595 = arith.constant 0 : i32
      %get3A_596 = arith.constant 51 : i32
      %get3A_597 = arith.index_cast %get3A_595 : i32 to index
      %get3A_598 = arith.index_cast %get3A_596 : i32 to index
      %get3A_599 = arith.index_cast %mul3A_594 : i32 to index
      %get3A_600 = tpu.vector_load %arg6[%get3A_597, %get3A_598, %get3A_599] {strides = array<i32>} : memref<2x96x512xf32, #tpu.memory_space<vmem>>, vector<1x1x16xf32>,
      %get3A_601 = vector.shape_cast %get3A_600 : vector<1x1x16xf32> to vector<16xf32>
      %select_n3A_602 = arith.select %eq3A_425, %get3A_601, %select_n3A_592 : vector<16xi1>, vector<16xf32>
      %mul3A_603 = arith.constant 16 : i32
      %mul3A_604 = arith.muli %scan3A_415, %mul3A_603 : i32
      %get3A_605 = arith.constant 0 : i32
      %get3A_606 = arith.constant 75 : i32
      %get3A_607 = arith.index_cast %get3A_605 : i32 to index
      %get3A_608 = arith.index_cast %get3A_606 : i32 to index
      %get3A_609 = arith.index_cast %mul3A_604 : i32 to index
      %get3A_610 = tpu.vector_load %arg6[%get3A_607, %get3A_608, %get3A_609] {strides = array<i32>} : memref<2x96x512xf32, #tpu.memory_space<vmem>>, vector<1x1x16xf32>,
      %get3A_611 = vector.shape_cast %get3A_610 : vector<1x1x16xf32> to vector<16xf32>
      %select_n3A_612 = arith.select %eq3A_428, %get3A_611, %select_n3A_602 : vector<16xi1>, vector<16xf32>
      %mul3A_613 = arith.constant 16 : i32
      %mul3A_614 = arith.muli %scan3A_415, %mul3A_613 : i32
      %swap3A_615 = arith.constant 0 : i32
      %swap3A_616 = arith.constant 3 : i32
      %swap3A_617 = arith.index_cast %swap3A_615 : i32 to index
      %swap3A_618 = arith.index_cast %swap3A_616 : i32 to index
      %swap3A_619 = arith.index_cast %mul3A_614 : i32 to index
      %swap3A_620 = tpu.vector_load %arg7[%swap3A_617, %swap3A_618, %swap3A_619] {strides = array<i32>} : memref<2x24x512xf32, #tpu.memory_space<vmem>>, vector<1x1x16xf32>,
      %swap3A_621 = vector.shape_cast %swap3A_620 : vector<1x1x16xf32> to vector<16xf32>
      %swap3A_622 = vector.shape_cast %select_n3A_612 : vector<16xf32> to vector<1x1x16xf32>
      tpu.vector_store %arg7[%swap3A_617, %swap3A_618, %swap3A_619], %swap3A_622 {strides = array<i32>} : memref<2x24x512xf32, #tpu.memory_space<vmem>>, vector<1x1x16xf32>,
      %mul3A_623 = arith.constant 16 : i32
      %mul3A_624 = arith.muli %scan3A_415, %mul3A_623 : i32
      %get3A_625 = arith.constant 0 : i32
      %get3A_626 = arith.constant 4 : i32
      %get3A_627 = arith.index_cast %get3A_625 : i32 to index
      %get3A_628 = arith.index_cast %get3A_626 : i32 to index
      %get3A_629 = arith.index_cast %mul3A_624 : i32 to index
      %get3A_630 = tpu.vector_load %arg6[%get3A_627, %get3A_628, %get3A_629] {strides = array<i32>} : memref<2x96x512xf32, #tpu.memory_space<vmem>>, vector<1x1x16xf32>,
      %get3A_631 = vector.shape_cast %get3A_630 : vector<1x1x16xf32> to vector<16xf32>
      %mul3A_632 = arith.constant 16 : i32
      %mul3A_633 = arith.muli %scan3A_415, %mul3A_632 : i32
      %get3A_634 = arith.constant 0 : i32
      %get3A_635 = arith.constant 28 : i32
      %get3A_636 = arith.index_cast %get3A_634 : i32 to index
      %get3A_637 = arith.index_cast %get3A_635 : i32 to index
      %get3A_638 = arith.index_cast %mul3A_633 : i32 to index
      %get3A_639 = tpu.vector_load %arg6[%get3A_636, %get3A_637, %get3A_638] {strides = array<i32>} : memref<2x96x512xf32, #tpu.memory_space<vmem>>, vector<1x1x16xf32>,
      %get3A_640 = vector.shape_cast %get3A_639 : vector<1x1x16xf32> to vector<16xf32>
      %select_n3A_641 = arith.select %eq3A_422, %get3A_640, %get3A_631 : vector<16xi1>, vector<16xf32>
      %mul3A_642 = arith.constant 16 : i32
      %mul3A_643 = arith.muli %scan3A_415, %mul3A_642 : i32
      %get3A_644 = arith.constant 0 : i32
      %get3A_645 = arith.constant 52 : i32
      %get3A_646 = arith.index_cast %get3A_644 : i32 to index
      %get3A_647 = arith.index_cast %get3A_645 : i32 to index
      %get3A_648 = arith.index_cast %mul3A_643 : i32 to index
      %get3A_649 = tpu.vector_load %arg6[%get3A_646, %get3A_647, %get3A_648] {strides = array<i32>} : memref<2x96x512xf32, #tpu.memory_space<vmem>>, vector<1x1x16xf32>,
      %get3A_650 = vector.shape_cast %get3A_649 : vector<1x1x16xf32> to vector<16xf32>
      %select_n3A_651 = arith.select %eq3A_425, %get3A_650, %select_n3A_641 : vector<16xi1>, vector<16xf32>
      %mul3A_652 = arith.constant 16 : i32
      %mul3A_653 = arith.muli %scan3A_415, %mul3A_652 : i32
      %get3A_654 = arith.constant 0 : i32
      %get3A_655 = arith.constant 76 : i32
      %get3A_656 = arith.index_cast %get3A_654 : i32 to index
      %get3A_657 = arith.index_cast %get3A_655 : i32 to index
      %get3A_658 = arith.index_cast %mul3A_653 : i32 to index
      %get3A_659 = tpu.vector_load %arg6[%get3A_656, %get3A_657, %get3A_658] {strides = array<i32>} : memref<2x96x512xf32, #tpu.memory_space<vmem>>, vector<1x1x16xf32>,
      %get3A_660 = vector.shape_cast %get3A_659 : vector<1x1x16xf32> to vector<16xf32>
      %select_n3A_661 = arith.select %eq3A_428, %get3A_660, %select_n3A_651 : vector<16xi1>, vector<16xf32>
      %mul3A_662 = arith.constant 16 : i32
      %mul3A_663 = arith.muli %scan3A_415, %mul3A_662 : i32
      %swap3A_664 = arith.constant 0 : i32
      %swap3A_665 = arith.constant 4 : i32
      %swap3A_666 = arith.index_cast %swap3A_664 : i32 to index
      %swap3A_667 = arith.index_cast %swap3A_665 : i32 to index
      %swap3A_668 = arith.index_cast %mul3A_663 : i32 to index
      %swap3A_669 = tpu.vector_load %arg7[%swap3A_666, %swap3A_667, %swap3A_668] {strides = array<i32>} : memref<2x24x512xf32, #tpu.memory_space<vmem>>, vector<1x1x16xf32>,
      %swap3A_670 = vector.shape_cast %swap3A_669 : vector<1x1x16xf32> to vector<16xf32>
      %swap3A_671 = vector.shape_cast %select_n3A_661 : vector<16xf32> to vector<1x1x16xf32>
      tpu.vector_store %arg7[%swap3A_666, %swap3A_667, %swap3A_668], %swap3A_671 {strides = array<i32>} : memref<2x24x512xf32, #tpu.memory_space<vmem>>, vector<1x1x16xf32>,
      %mul3A_672 = arith.constant 16 : i32
      %mul3A_673 = arith.muli %scan3A_415, %mul3A_672 : i32
      %get3A_674 = arith.constant 0 : i32
      %get3A_675 = arith.constant 5 : i32
      %get3A_676 = arith.index_cast %get3A_674 : i32 to index
      %get3A_677 = arith.index_cast %get3A_675 : i32 to index
      %get3A_678 = arith.index_cast %mul3A_673 : i32 to index
      %get3A_679 = tpu.vector_load %arg6[%get3A_676, %get3A_677, %get3A_678] {strides = array<i32>} : memref<2x96x512xf32, #tpu.memory_space<vmem>>, vector<1x1x16xf32>,
      %get3A_680 = vector.shape_cast %get3A_679 : vector<1x1x16xf32> to vector<16xf32>
      %mul3A_681 = arith.constant 16 : i32
      %mul3A_682 = arith.muli %scan3A_415, %mul3A_681 : i32
      %get3A_683 = arith.constant 0 : i32
      %get3A_684 = arith.constant 29 : i32
      %get3A_685 = arith.index_cast %get3A_683 : i32 to index
      %get3A_686 = arith.index_cast %get3A_684 : i32 to index
      %get3A_687 = arith.index_cast %mul3A_682 : i32 to index
      %get3A_688 = tpu.vector_load %arg6[%get3A_685, %get3A_686, %get3A_687] {strides = array<i32>} : memref<2x96x512xf32, #tpu.memory_space<vmem>>, vector<1x1x16xf32>,
      %get3A_689 = vector.shape_cast %get3A_688 : vector<1x1x16xf32> to vector<16xf32>
      %select_n3A_690 = arith.select %eq3A_422, %get3A_689, %get3A_680 : vector<16xi1>, vector<16xf32>
      %mul3A_691 = arith.constant 16 : i32
      %mul3A_692 = arith.muli %scan3A_415, %mul3A_691 : i32
      %get3A_693 = arith.constant 0 : i32
      %get3A_694 = arith.constant 53 : i32
      %get3A_695 = arith.index_cast %get3A_693 : i32 to index
      %get3A_696 = arith.index_cast %get3A_694 : i32 to index
      %get3A_697 = arith.index_cast %mul3A_692 : i32 to index
      %get3A_698 = tpu.vector_load %arg6[%get3A_695, %get3A_696, %get3A_697] {strides = array<i32>} : memref<2x96x512xf32, #tpu.memory_space<vmem>>, vector<1x1x16xf32>,
      %get3A_699 = vector.shape_cast %get3A_698 : vector<1x1x16xf32> to vector<16xf32>
      %select_n3A_700 = arith.select %eq3A_425, %get3A_699, %select_n3A_690 : vector<16xi1>, vector<16xf32>
      %mul3A_701 = arith.constant 16 : i32
      %mul3A_702 = arith.muli %scan3A_415, %mul3A_701 : i32
      %get3A_703 = arith.constant 0 : i32
      %get3A_704 = arith.constant 77 : i32
      %get3A_705 = arith.index_cast %get3A_703 : i32 to index
      %get3A_706 = arith.index_cast %get3A_704 : i32 to index
      %get3A_707 = arith.index_cast %mul3A_702 : i32 to index
      %get3A_708 = tpu.vector_load %arg6[%get3A_705, %get3A_706, %get3A_707] {strides = array<i32>} : memref<2x96x512xf32, #tpu.memory_space<vmem>>, vector<1x1x16xf32>,
      %get3A_709 = vector.shape_cast %get3A_708 : vector<1x1x16xf32> to vector<16xf32>
      %select_n3A_710 = arith.select %eq3A_428, %get3A_709, %select_n3A_700 : vector<16xi1>, vector<16xf32>
      %mul3A_711 = arith.constant 16 : i32
      %mul3A_712 = arith.muli %scan3A_415, %mul3A_711 : i32
      %swap3A_713 = arith.constant 0 : i32
      %swap3A_714 = arith.constant 5 : i32
      %swap3A_715 = arith.index_cast %swap3A_713 : i32 to index
      %swap3A_716 = arith.index_cast %swap3A_714 : i32 to index
      %swap3A_717 = arith.index_cast %mul3A_712 : i32 to index
      %swap3A_718 = tpu.vector_load %arg7[%swap3A_715, %swap3A_716, %swap3A_717] {strides = array<i32>} : memref<2x24x512xf32, #tpu.memory_space<vmem>>, vector<1x1x16xf32>,
      %swap3A_719 = vector.shape_cast %swap3A_718 : vector<1x1x16xf32> to vector<16xf32>
      %swap3A_720 = vector.shape_cast %select_n3A_710 : vector<16xf32> to vector<1x1x16xf32>
      tpu.vector_store %arg7[%swap3A_715, %swap3A_716, %swap3A_717], %swap3A_720 {strides = array<i32>} : memref<2x24x512xf32, #tpu.memory_space<vmem>>, vector<1x1x16xf32>,
      %mul3A_721 = arith.constant 16 : i32
      %mul3A_722 = arith.muli %scan3A_415, %mul3A_721 : i32
      %get3A_723 = arith.constant 0 : i32
      %get3A_724 = arith.constant 6 : i32
      %get3A_725 = arith.index_cast %get3A_723 : i32 to index
      %get3A_726 = arith.index_cast %get3A_724 : i32 to index
      %get3A_727 = arith.index_cast %mul3A_722 : i32 to index
      %get3A_728 = tpu.vector_load %arg6[%get3A_725, %get3A_726, %get3A_727] {strides = array<i32>} : memref<2x96x512xf32, #tpu.memory_space<vmem>>, vector<1x1x16xf32>,
      %get3A_729 = vector.shape_cast %get3A_728 : vector<1x1x16xf32> to vector<16xf32>
      %mul3A_730 = arith.constant 16 : i32
      %mul3A_731 = arith.muli %scan3A_415, %mul3A_730 : i32
      %get3A_732 = arith.constant 0 : i32
      %get3A_733 = arith.constant 30 : i32
      %get3A_734 = arith.index_cast %get3A_732 : i32 to index
      %get3A_735 = arith.index_cast %get3A_733 : i32 to index
      %get3A_736 = arith.index_cast %mul3A_731 : i32 to index
      %get3A_737 = tpu.vector_load %arg6[%get3A_734, %get3A_735, %get3A_736] {strides = array<i32>} : memref<2x96x512xf32, #tpu.memory_space<vmem>>, vector<1x1x16xf32>,
      %get3A_738 = vector.shape_cast %get3A_737 : vector<1x1x16xf32> to vector<16xf32>
      %select_n3A_739 = arith.select %eq3A_422, %get3A_738, %get3A_729 : vector<16xi1>, vector<16xf32>
      %mul3A_740 = arith.constant 16 : i32
      %mul3A_741 = arith.muli %scan3A_415, %mul3A_740 : i32
      %get3A_742 = arith.constant 0 : i32
      %get3A_743 = arith.constant 54 : i32
      %get3A_744 = arith.index_cast %get3A_742 : i32 to index
      %get3A_745 = arith.index_cast %get3A_743 : i32 to index
      %get3A_746 = arith.index_cast %mul3A_741 : i32 to index
      %get3A_747 = tpu.vector_load %arg6[%get3A_744, %get3A_745, %get3A_746] {strides = array<i32>} : memref<2x96x512xf32, #tpu.memory_space<vmem>>, vector<1x1x16xf32>,
      %get3A_748 = vector.shape_cast %get3A_747 : vector<1x1x16xf32> to vector<16xf32>
      %select_n3A_749 = arith.select %eq3A_425, %get3A_748, %select_n3A_739 : vector<16xi1>, vector<16xf32>
      %mul3A_750 = arith.constant 16 : i32
      %mul3A_751 = arith.muli %scan3A_415, %mul3A_750 : i32
      %get3A_752 = arith.constant 0 : i32
      %get3A_753 = arith.constant 78 : i32
      %get3A_754 = arith.index_cast %get3A_752 : i32 to index
      %get3A_755 = arith.index_cast %get3A_753 : i32 to index
      %get3A_756 = arith.index_cast %mul3A_751 : i32 to index
      %get3A_757 = tpu.vector_load %arg6[%get3A_754, %get3A_755, %get3A_756] {strides = array<i32>} : memref<2x96x512xf32, #tpu.memory_space<vmem>>, vector<1x1x16xf32>,
      %get3A_758 = vector.shape_cast %get3A_757 : vector<1x1x16xf32> to vector<16xf32>
      %select_n3A_759 = arith.select %eq3A_428, %get3A_758, %select_n3A_749 : vector<16xi1>, vector<16xf32>
      %mul3A_760 = arith.constant 16 : i32
      %mul3A_761 = arith.muli %scan3A_415, %mul3A_760 : i32
      %swap3A_762 = arith.constant 0 : i32
      %swap3A_763 = arith.constant 6 : i32
      %swap3A_764 = arith.index_cast %swap3A_762 : i32 to index
      %swap3A_765 = arith.index_cast %swap3A_763 : i32 to index
      %swap3A_766 = arith.index_cast %mul3A_761 : i32 to index
      %swap3A_767 = tpu.vector_load %arg7[%swap3A_764, %swap3A_765, %swap3A_766] {strides = array<i32>} : memref<2x24x512xf32, #tpu.memory_space<vmem>>, vector<1x1x16xf32>,
      %swap3A_768 = vector.shape_cast %swap3A_767 : vector<1x1x16xf32> to vector<16xf32>
      %swap3A_769 = vector.shape_cast %select_n3A_759 : vector<16xf32> to vector<1x1x16xf32>
      tpu.vector_store %arg7[%swap3A_764, %swap3A_765, %swap3A_766], %swap3A_769 {strides = array<i32>} : memref<2x24x512xf32, #tpu.memory_space<vmem>>, vector<1x1x16xf32>,
      %mul3A_770 = arith.constant 16 : i32
      %mul3A_771 = arith.muli %scan3A_415, %mul3A_770 : i32
      %get3A_772 = arith.constant 0 : i32
      %get3A_773 = arith.constant 7 : i32
      %get3A_774 = arith.index_cast %get3A_772 : i32 to index
      %get3A_775 = arith.index_cast %get3A_773 : i32 to index
      %get3A_776 = arith.index_cast %mul3A_771 : i32 to index
      %get3A_777 = tpu.vector_load %arg6[%get3A_774, %get3A_775, %get3A_776] {strides = array<i32>} : memref<2x96x512xf32, #tpu.memory_space<vmem>>, vector<1x1x16xf32>,
      %get3A_778 = vector.shape_cast %get3A_777 : vector<1x1x16xf32> to vector<16xf32>
      %mul3A_779 = arith.constant 16 : i32
      %mul3A_780 = arith.muli %scan3A_415, %mul3A_779 : i32
      %get3A_781 = arith.constant 0 : i32
      %get3A_782 = arith.constant 31 : i32
      %get3A_783 = arith.index_cast %get3A_781 : i32 to index
      %get3A_784 = arith.index_cast %get3A_782 : i32 to index
      %get3A_785 = arith.index_cast %mul3A_780 : i32 to index
      %get3A_786 = tpu.vector_load %arg6[%get3A_783, %get3A_784, %get3A_785] {strides = array<i32>} : memref<2x96x512xf32, #tpu.memory_space<vmem>>, vector<1x1x16xf32>,
      %get3A_787 = vector.shape_cast %get3A_786 : vector<1x1x16xf32> to vector<16xf32>
      %select_n3A_788 = arith.select %eq3A_422, %get3A_787, %get3A_778 : vector<16xi1>, vector<16xf32>
      %mul3A_789 = arith.constant 16 : i32
      %mul3A_790 = arith.muli %scan3A_415, %mul3A_789 : i32
      %get3A_791 = arith.constant 0 : i32
      %get3A_792 = arith.constant 55 : i32
      %get3A_793 = arith.index_cast %get3A_791 : i32 to index
      %get3A_794 = arith.index_cast %get3A_792 : i32 to index
      %get3A_795 = arith.index_cast %mul3A_790 : i32 to index
      %get3A_796 = tpu.vector_load %arg6[%get3A_793, %get3A_794, %get3A_795] {strides = array<i32>} : memref<2x96x512xf32, #tpu.memory_space<vmem>>, vector<1x1x16xf32>,
      %get3A_797 = vector.shape_cast %get3A_796 : vector<1x1x16xf32> to vector<16xf32>
      %select_n3A_798 = arith.select %eq3A_425, %get3A_797, %select_n3A_788 : vector<16xi1>, vector<16xf32>
      %mul3A_799 = arith.constant 16 : i32
      %mul3A_800 = arith.muli %scan3A_415, %mul3A_799 : i32
      %get3A_801 = arith.constant 0 : i32
      %get3A_802 = arith.constant 79 : i32
      %get3A_803 = arith.index_cast %get3A_801 : i32 to index
      %get3A_804 = arith.index_cast %get3A_802 : i32 to index
      %get3A_805 = arith.index_cast %mul3A_800 : i32 to index
      %get3A_806 = tpu.vector_load %arg6[%get3A_803, %get3A_804, %get3A_805] {strides = array<i32>} : memref<2x96x512xf32, #tpu.memory_space<vmem>>, vector<1x1x16xf32>,
      %get3A_807 = vector.shape_cast %get3A_806 : vector<1x1x16xf32> to vector<16xf32>
      %select_n3A_808 = arith.select %eq3A_428, %get3A_807, %select_n3A_798 : vector<16xi1>, vector<16xf32>
      %mul3A_809 = arith.constant 16 : i32
      %mul3A_810 = arith.muli %scan3A_415, %mul3A_809 : i32
      %swap3A_811 = arith.constant 0 : i32
      %swap3A_812 = arith.constant 7 : i32
      %swap3A_813 = arith.index_cast %swap3A_811 : i32 to index
      %swap3A_814 = arith.index_cast %swap3A_812 : i32 to index
      %swap3A_815 = arith.index_cast %mul3A_810 : i32 to index
      %swap3A_816 = tpu.vector_load %arg7[%swap3A_813, %swap3A_814, %swap3A_815] {strides = array<i32>} : memref<2x24x512xf32, #tpu.memory_space<vmem>>, vector<1x1x16xf32>,
      %swap3A_817 = vector.shape_cast %swap3A_816 : vector<1x1x16xf32> to vector<16xf32>
      %swap3A_818 = vector.shape_cast %select_n3A_808 : vector<16xf32> to vector<1x1x16xf32>
      tpu.vector_store %arg7[%swap3A_813, %swap3A_814, %swap3A_815], %swap3A_818 {strides = array<i32>} : memref<2x24x512xf32, #tpu.memory_space<vmem>>, vector<1x1x16xf32>,
      %mul3A_819 = arith.constant 16 : i32
      %mul3A_820 = arith.muli %scan3A_415, %mul3A_819 : i32
      %get3A_821 = arith.constant 0 : i32
      %get3A_822 = arith.constant 8 : i32
      %get3A_823 = arith.index_cast %get3A_821 : i32 to index
      %get3A_824 = arith.index_cast %get3A_822 : i32 to index
      %get3A_825 = arith.index_cast %mul3A_820 : i32 to index
      %get3A_826 = tpu.vector_load %arg6[%get3A_823, %get3A_824, %get3A_825] {strides = array<i32>} : memref<2x96x512xf32, #tpu.memory_space<vmem>>, vector<1x1x16xf32>,
      %get3A_827 = vector.shape_cast %get3A_826 : vector<1x1x16xf32> to vector<16xf32>
      %mul3A_828 = arith.constant 16 : i32
      %mul3A_829 = arith.muli %scan3A_415, %mul3A_828 : i32
      %get3A_830 = arith.constant 0 : i32
      %get3A_831 = arith.constant 32 : i32
      %get3A_832 = arith.index_cast %get3A_830 : i32 to index
      %get3A_833 = arith.index_cast %get3A_831 : i32 to index
      %get3A_834 = arith.index_cast %mul3A_829 : i32 to index
      %get3A_835 = tpu.vector_load %arg6[%get3A_832, %get3A_833, %get3A_834] {strides = array<i32>} : memref<2x96x512xf32, #tpu.memory_space<vmem>>, vector<1x1x16xf32>,
      %get3A_836 = vector.shape_cast %get3A_835 : vector<1x1x16xf32> to vector<16xf32>
      %select_n3A_837 = arith.select %eq3A_422, %get3A_836, %get3A_827 : vector<16xi1>, vector<16xf32>
      %mul3A_838 = arith.constant 16 : i32
      %mul3A_839 = arith.muli %scan3A_415, %mul3A_838 : i32
      %get3A_840 = arith.constant 0 : i32
      %get3A_841 = arith.constant 56 : i32
      %get3A_842 = arith.index_cast %get3A_840 : i32 to index
      %get3A_843 = arith.index_cast %get3A_841 : i32 to index
      %get3A_844 = arith.index_cast %mul3A_839 : i32 to index
      %get3A_845 = tpu.vector_load %arg6[%get3A_842, %get3A_843, %get3A_844] {strides = array<i32>} : memref<2x96x512xf32, #tpu.memory_space<vmem>>, vector<1x1x16xf32>,
      %get3A_846 = vector.shape_cast %get3A_845 : vector<1x1x16xf32> to vector<16xf32>
      %select_n3A_847 = arith.select %eq3A_425, %get3A_846, %select_n3A_837 : vector<16xi1>, vector<16xf32>
      %mul3A_848 = arith.constant 16 : i32
      %mul3A_849 = arith.muli %scan3A_415, %mul3A_848 : i32
      %get3A_850 = arith.constant 0 : i32
      %get3A_851 = arith.constant 80 : i32
      %get3A_852 = arith.index_cast %get3A_850 : i32 to index
      %get3A_853 = arith.index_cast %get3A_851 : i32 to index
      %get3A_854 = arith.index_cast %mul3A_849 : i32 to index
      %get3A_855 = tpu.vector_load %arg6[%get3A_852, %get3A_853, %get3A_854] {strides = array<i32>} : memref<2x96x512xf32, #tpu.memory_space<vmem>>, vector<1x1x16xf32>,
      %get3A_856 = vector.shape_cast %get3A_855 : vector<1x1x16xf32> to vector<16xf32>
      %select_n3A_857 = arith.select %eq3A_428, %get3A_856, %select_n3A_847 : vector<16xi1>, vector<16xf32>
      %mul3A_858 = arith.constant 16 : i32
      %mul3A_859 = arith.muli %scan3A_415, %mul3A_858 : i32
      %swap3A_860 = arith.constant 0 : i32
      %swap3A_861 = arith.constant 8 : i32
      %swap3A_862 = arith.index_cast %swap3A_860 : i32 to index
      %swap3A_863 = arith.index_cast %swap3A_861 : i32 to index
      %swap3A_864 = arith.index_cast %mul3A_859 : i32 to index
      %swap3A_865 = tpu.vector_load %arg7[%swap3A_862, %swap3A_863, %swap3A_864] {strides = array<i32>} : memref<2x24x512xf32, #tpu.memory_space<vmem>>, vector<1x1x16xf32>,
      %swap3A_866 = vector.shape_cast %swap3A_865 : vector<1x1x16xf32> to vector<16xf32>
      %swap3A_867 = vector.shape_cast %select_n3A_857 : vector<16xf32> to vector<1x1x16xf32>
      tpu.vector_store %arg7[%swap3A_862, %swap3A_863, %swap3A_864], %swap3A_867 {strides = array<i32>} : memref<2x24x512xf32, #tpu.memory_space<vmem>>, vector<1x1x16xf32>,
      %mul3A_868 = arith.constant 16 : i32
      %mul3A_869 = arith.muli %scan3A_415, %mul3A_868 : i32
      %get3A_870 = arith.constant 0 : i32
      %get3A_871 = arith.constant 9 : i32
      %get3A_872 = arith.index_cast %get3A_870 : i32 to index
      %get3A_873 = arith.index_cast %get3A_871 : i32 to index
      %get3A_874 = arith.index_cast %mul3A_869 : i32 to index
      %get3A_875 = tpu.vector_load %arg6[%get3A_872, %get3A_873, %get3A_874] {strides = array<i32>} : memref<2x96x512xf32, #tpu.memory_space<vmem>>, vector<1x1x16xf32>,
      %get3A_876 = vector.shape_cast %get3A_875 : vector<1x1x16xf32> to vector<16xf32>
      %mul3A_877 = arith.constant 16 : i32
      %mul3A_878 = arith.muli %scan3A_415, %mul3A_877 : i32
      %get3A_879 = arith.constant 0 : i32
      %get3A_880 = arith.constant 33 : i32
      %get3A_881 = arith.index_cast %get3A_879 : i32 to index
      %get3A_882 = arith.index_cast %get3A_880 : i32 to index
      %get3A_883 = arith.index_cast %mul3A_878 : i32 to index
      %get3A_884 = tpu.vector_load %arg6[%get3A_881, %get3A_882, %get3A_883] {strides = array<i32>} : memref<2x96x512xf32, #tpu.memory_space<vmem>>, vector<1x1x16xf32>,
      %get3A_885 = vector.shape_cast %get3A_884 : vector<1x1x16xf32> to vector<16xf32>
      %select_n3A_886 = arith.select %eq3A_422, %get3A_885, %get3A_876 : vector<16xi1>, vector<16xf32>
      %mul3A_887 = arith.constant 16 : i32
      %mul3A_888 = arith.muli %scan3A_415, %mul3A_887 : i32
      %get3A_889 = arith.constant 0 : i32
      %get3A_890 = arith.constant 57 : i32
      %get3A_891 = arith.index_cast %get3A_889 : i32 to index
      %get3A_892 = arith.index_cast %get3A_890 : i32 to index
      %get3A_893 = arith.index_cast %mul3A_888 : i32 to index
      %get3A_894 = tpu.vector_load %arg6[%get3A_891, %get3A_892, %get3A_893] {strides = array<i32>} : memref<2x96x512xf32, #tpu.memory_space<vmem>>, vector<1x1x16xf32>,
      %get3A_895 = vector.shape_cast %get3A_894 : vector<1x1x16xf32> to vector<16xf32>
      %select_n3A_896 = arith.select %eq3A_425, %get3A_895, %select_n3A_886 : vector<16xi1>, vector<16xf32>
      %mul3A_897 = arith.constant 16 : i32
      %mul3A_898 = arith.muli %scan3A_415, %mul3A_897 : i32
      %get3A_899 = arith.constant 0 : i32
      %get3A_900 = arith.constant 81 : i32
      %get3A_901 = arith.index_cast %get3A_899 : i32 to index
      %get3A_902 = arith.index_cast %get3A_900 : i32 to index
      %get3A_903 = arith.index_cast %mul3A_898 : i32 to index
      %get3A_904 = tpu.vector_load %arg6[%get3A_901, %get3A_902, %get3A_903] {strides = array<i32>} : memref<2x96x512xf32, #tpu.memory_space<vmem>>, vector<1x1x16xf32>,
      %get3A_905 = vector.shape_cast %get3A_904 : vector<1x1x16xf32> to vector<16xf32>
      %select_n3A_906 = arith.select %eq3A_428, %get3A_905, %select_n3A_896 : vector<16xi1>, vector<16xf32>
      %mul3A_907 = arith.constant 16 : i32
      %mul3A_908 = arith.muli %scan3A_415, %mul3A_907 : i32
      %swap3A_909 = arith.constant 0 : i32
      %swap3A_910 = arith.constant 9 : i32
      %swap3A_911 = arith.index_cast %swap3A_909 : i32 to index
      %swap3A_912 = arith.index_cast %swap3A_910 : i32 to index
      %swap3A_913 = arith.index_cast %mul3A_908 : i32 to index
      %swap3A_914 = tpu.vector_load %arg7[%swap3A_911, %swap3A_912, %swap3A_913] {strides = array<i32>} : memref<2x24x512xf32, #tpu.memory_space<vmem>>, vector<1x1x16xf32>,
      %swap3A_915 = vector.shape_cast %swap3A_914 : vector<1x1x16xf32> to vector<16xf32>
      %swap3A_916 = vector.shape_cast %select_n3A_906 : vector<16xf32> to vector<1x1x16xf32>
      tpu.vector_store %arg7[%swap3A_911, %swap3A_912, %swap3A_913], %swap3A_916 {strides = array<i32>} : memref<2x24x512xf32, #tpu.memory_space<vmem>>, vector<1x1x16xf32>,
      %mul3A_917 = arith.constant 16 : i32
      %mul3A_918 = arith.muli %scan3A_415, %mul3A_917 : i32
      %get3A_919 = arith.constant 0 : i32
      %get3A_920 = arith.constant 10 : i32
      %get3A_921 = arith.index_cast %get3A_919 : i32 to index
      %get3A_922 = arith.index_cast %get3A_920 : i32 to index
      %get3A_923 = arith.index_cast %mul3A_918 : i32 to index
      %get3A_924 = tpu.vector_load %arg6[%get3A_921, %get3A_922, %get3A_923] {strides = array<i32>} : memref<2x96x512xf32, #tpu.memory_space<vmem>>, vector<1x1x16xf32>,
      %get3A_925 = vector.shape_cast %get3A_924 : vector<1x1x16xf32> to vector<16xf32>
      %mul3A_926 = arith.constant 16 : i32
      %mul3A_927 = arith.muli %scan3A_415, %mul3A_926 : i32
      %get3A_928 = arith.constant 0 : i32
      %get3A_929 = arith.constant 34 : i32
      %get3A_930 = arith.index_cast %get3A_928 : i32 to index
      %get3A_931 = arith.index_cast %get3A_929 : i32 to index
      %get3A_932 = arith.index_cast %mul3A_927 : i32 to index
      %get3A_933 = tpu.vector_load %arg6[%get3A_930, %get3A_931, %get3A_932] {strides = array<i32>} : memref<2x96x512xf32, #tpu.memory_space<vmem>>, vector<1x1x16xf32>,
      %get3A_934 = vector.shape_cast %get3A_933 : vector<1x1x16xf32> to vector<16xf32>
      %select_n3A_935 = arith.select %eq3A_422, %get3A_934, %get3A_925 : vector<16xi1>, vector<16xf32>
      %mul3A_936 = arith.constant 16 : i32
      %mul3A_937 = arith.muli %scan3A_415, %mul3A_936 : i32
      %get3A_938 = arith.constant 0 : i32
      %get3A_939 = arith.constant 58 : i32
      %get3A_940 = arith.index_cast %get3A_938 : i32 to index
      %get3A_941 = arith.index_cast %get3A_939 : i32 to index
      %get3A_942 = arith.index_cast %mul3A_937 : i32 to index
      %get3A_943 = tpu.vector_load %arg6[%get3A_940, %get3A_941, %get3A_942] {strides = array<i32>} : memref<2x96x512xf32, #tpu.memory_space<vmem>>, vector<1x1x16xf32>,
      %get3A_944 = vector.shape_cast %get3A_943 : vector<1x1x16xf32> to vector<16xf32>
      %select_n3A_945 = arith.select %eq3A_425, %get3A_944, %select_n3A_935 : vector<16xi1>, vector<16xf32>
      %mul3A_946 = arith.constant 16 : i32
      %mul3A_947 = arith.muli %scan3A_415, %mul3A_946 : i32
      %get3A_948 = arith.constant 0 : i32
      %get3A_949 = arith.constant 82 : i32
      %get3A_950 = arith.index_cast %get3A_948 : i32 to index
      %get3A_951 = arith.index_cast %get3A_949 : i32 to index
      %get3A_952 = arith.index_cast %mul3A_947 : i32 to index
      %get3A_953 = tpu.vector_load %arg6[%get3A_950, %get3A_951, %get3A_952] {strides = array<i32>} : memref<2x96x512xf32, #tpu.memory_space<vmem>>, vector<1x1x16xf32>,
      %get3A_954 = vector.shape_cast %get3A_953 : vector<1x1x16xf32> to vector<16xf32>
      %select_n3A_955 = arith.select %eq3A_428, %get3A_954, %select_n3A_945 : vector<16xi1>, vector<16xf32>
      %mul3A_956 = arith.constant 16 : i32
      %mul3A_957 = arith.muli %scan3A_415, %mul3A_956 : i32
      %swap3A_958 = arith.constant 0 : i32
      %swap3A_959 = arith.constant 10 : i32
      %swap3A_960 = arith.index_cast %swap3A_958 : i32 to index
      %swap3A_961 = arith.index_cast %swap3A_959 : i32 to index
      %swap3A_962 = arith.index_cast %mul3A_957 : i32 to index
      %swap3A_963 = tpu.vector_load %arg7[%swap3A_960, %swap3A_961, %swap3A_962] {strides = array<i32>} : memref<2x24x512xf32, #tpu.memory_space<vmem>>, vector<1x1x16xf32>,
      %swap3A_964 = vector.shape_cast %swap3A_963 : vector<1x1x16xf32> to vector<16xf32>
      %swap3A_965 = vector.shape_cast %select_n3A_955 : vector<16xf32> to vector<1x1x16xf32>
      tpu.vector_store %arg7[%swap3A_960, %swap3A_961, %swap3A_962], %swap3A_965 {strides = array<i32>} : memref<2x24x512xf32, #tpu.memory_space<vmem>>, vector<1x1x16xf32>,
      %mul3A_966 = arith.constant 16 : i32
      %mul3A_967 = arith.muli %scan3A_415, %mul3A_966 : i32
      %get3A_968 = arith.constant 0 : i32
      %get3A_969 = arith.constant 11 : i32
      %get3A_970 = arith.index_cast %get3A_968 : i32 to index
      %get3A_971 = arith.index_cast %get3A_969 : i32 to index
      %get3A_972 = arith.index_cast %mul3A_967 : i32 to index
      %get3A_973 = tpu.vector_load %arg6[%get3A_970, %get3A_971, %get3A_972] {strides = array<i32>} : memref<2x96x512xf32, #tpu.memory_space<vmem>>, vector<1x1x16xf32>,
      %get3A_974 = vector.shape_cast %get3A_973 : vector<1x1x16xf32> to vector<16xf32>
      %mul3A_975 = arith.constant 16 : i32
      %mul3A_976 = arith.muli %scan3A_415, %mul3A_975 : i32
      %get3A_977 = arith.constant 0 : i32
      %get3A_978 = arith.constant 35 : i32
      %get3A_979 = arith.index_cast %get3A_977 : i32 to index
      %get3A_980 = arith.index_cast %get3A_978 : i32 to index
      %get3A_981 = arith.index_cast %mul3A_976 : i32 to index
      %get3A_982 = tpu.vector_load %arg6[%get3A_979, %get3A_980, %get3A_981] {strides = array<i32>} : memref<2x96x512xf32, #tpu.memory_space<vmem>>, vector<1x1x16xf32>,
      %get3A_983 = vector.shape_cast %get3A_982 : vector<1x1x16xf32> to vector<16xf32>
      %select_n3A_984 = arith.select %eq3A_422, %get3A_983, %get3A_974 : vector<16xi1>, vector<16xf32>
      %mul3A_985 = arith.constant 16 : i32
      %mul3A_986 = arith.muli %scan3A_415, %mul3A_985 : i32
      %get3A_987 = arith.constant 0 : i32
      %get3A_988 = arith.constant 59 : i32
      %get3A_989 = arith.index_cast %get3A_987 : i32 to index
      %get3A_990 = arith.index_cast %get3A_988 : i32 to index
      %get3A_991 = arith.index_cast %mul3A_986 : i32 to index
      %get3A_992 = tpu.vector_load %arg6[%get3A_989, %get3A_990, %get3A_991] {strides = array<i32>} : memref<2x96x512xf32, #tpu.memory_space<vmem>>, vector<1x1x16xf32>,
      %get3A_993 = vector.shape_cast %get3A_992 : vector<1x1x16xf32> to vector<16xf32>
      %select_n3A_994 = arith.select %eq3A_425, %get3A_993, %select_n3A_984 : vector<16xi1>, vector<16xf32>
      %mul3A_995 = arith.constant 16 : i32
      %mul3A_996 = arith.muli %scan3A_415, %mul3A_995 : i32
      %get3A_997 = arith.constant 0 : i32
      %get3A_998 = arith.constant 83 : i32
      %get3A_999 = arith.index_cast %get3A_997 : i32 to index
      %get3A_1000 = arith.index_cast %get3A_998 : i32 to index
      %get3A_1001 = arith.index_cast %mul3A_996 : i32 to index
      %get3A_1002 = tpu.vector_load %arg6[%get3A_999, %get3A_1000, %get3A_1001] {strides = array<i32>} : memref<2x96x512xf32, #tpu.memory_space<vmem>>, vector<1x1x16xf32>,
      %get3A_1003 = vector.shape_cast %get3A_1002 : vector<1x1x16xf32> to vector<16xf32>
      %select_n3A_1004 = arith.select %eq3A_428, %get3A_1003, %select_n3A_994 : vector<16xi1>, vector<16xf32>
      %mul3A_1005 = arith.constant 16 : i32
      %mul3A_1006 = arith.muli %scan3A_415, %mul3A_1005 : i32
      %swap3A_1007 = arith.constant 0 : i32
      %swap3A_1008 = arith.constant 11 : i32
      %swap3A_1009 = arith.index_cast %swap3A_1007 : i32 to index
      %swap3A_1010 = arith.index_cast %swap3A_1008 : i32 to index
      %swap3A_1011 = arith.index_cast %mul3A_1006 : i32 to index
      %swap3A_1012 = tpu.vector_load %arg7[%swap3A_1009, %swap3A_1010, %swap3A_1011] {strides = array<i32>} : memref<2x24x512xf32, #tpu.memory_space<vmem>>, vector<1x1x16xf32>,
      %swap3A_1013 = vector.shape_cast %swap3A_1012 : vector<1x1x16xf32> to vector<16xf32>
      %swap3A_1014 = vector.shape_cast %select_n3A_1004 : vector<16xf32> to vector<1x1x16xf32>
      tpu.vector_store %arg7[%swap3A_1009, %swap3A_1010, %swap3A_1011], %swap3A_1014 {strides = array<i32>} : memref<2x24x512xf32, #tpu.memory_space<vmem>>, vector<1x1x16xf32>,
      %mul3A_1015 = arith.constant 16 : i32
      %mul3A_1016 = arith.muli %scan3A_415, %mul3A_1015 : i32
      %get3A_1017 = arith.constant 0 : i32
      %get3A_1018 = arith.constant 12 : i32
      %get3A_1019 = arith.index_cast %get3A_1017 : i32 to index
      %get3A_1020 = arith.index_cast %get3A_1018 : i32 to index
      %get3A_1021 = arith.index_cast %mul3A_1016 : i32 to index
      %get3A_1022 = tpu.vector_load %arg6[%get3A_1019, %get3A_1020, %get3A_1021] {strides = array<i32>} : memref<2x96x512xf32, #tpu.memory_space<vmem>>, vector<1x1x16xf32>,
      %get3A_1023 = vector.shape_cast %get3A_1022 : vector<1x1x16xf32> to vector<16xf32>
      %mul3A_1024 = arith.constant 16 : i32
      %mul3A_1025 = arith.muli %scan3A_415, %mul3A_1024 : i32
      %get3A_1026 = arith.constant 0 : i32
      %get3A_1027 = arith.constant 36 : i32
      %get3A_1028 = arith.index_cast %get3A_1026 : i32 to index
      %get3A_1029 = arith.index_cast %get3A_1027 : i32 to index
      %get3A_1030 = arith.index_cast %mul3A_1025 : i32 to index
      %get3A_1031 = tpu.vector_load %arg6[%get3A_1028, %get3A_1029, %get3A_1030] {strides = array<i32>} : memref<2x96x512xf32, #tpu.memory_space<vmem>>, vector<1x1x16xf32>,
      %get3A_1032 = vector.shape_cast %get3A_1031 : vector<1x1x16xf32> to vector<16xf32>
      %select_n3A_1033 = arith.select %eq3A_422, %get3A_1032, %get3A_1023 : vector<16xi1>, vector<16xf32>
      %mul3A_1034 = arith.constant 16 : i32
      %mul3A_1035 = arith.muli %scan3A_415, %mul3A_1034 : i32
      %get3A_1036 = arith.constant 0 : i32
      %get3A_1037 = arith.constant 60 : i32
      %get3A_1038 = arith.index_cast %get3A_1036 : i32 to index
      %get3A_1039 = arith.index_cast %get3A_1037 : i32 to index
      %get3A_1040 = arith.index_cast %mul3A_1035 : i32 to index
      %get3A_1041 = tpu.vector_load %arg6[%get3A_1038, %get3A_1039, %get3A_1040] {strides = array<i32>} : memref<2x96x512xf32, #tpu.memory_space<vmem>>, vector<1x1x16xf32>,
      %get3A_1042 = vector.shape_cast %get3A_1041 : vector<1x1x16xf32> to vector<16xf32>
      %select_n3A_1043 = arith.select %eq3A_425, %get3A_1042, %select_n3A_1033 : vector<16xi1>, vector<16xf32>
      %mul3A_1044 = arith.constant 16 : i32
      %mul3A_1045 = arith.muli %scan3A_415, %mul3A_1044 : i32
      %get3A_1046 = arith.constant 0 : i32
      %get3A_1047 = arith.constant 84 : i32
      %get3A_1048 = arith.index_cast %get3A_1046 : i32 to index
      %get3A_1049 = arith.index_cast %get3A_1047 : i32 to index
      %get3A_1050 = arith.index_cast %mul3A_1045 : i32 to index
      %get3A_1051 = tpu.vector_load %arg6[%get3A_1048, %get3A_1049, %get3A_1050] {strides = array<i32>} : memref<2x96x512xf32, #tpu.memory_space<vmem>>, vector<1x1x16xf32>,
      %get3A_1052 = vector.shape_cast %get3A_1051 : vector<1x1x16xf32> to vector<16xf32>
      %select_n3A_1053 = arith.select %eq3A_428, %get3A_1052, %select_n3A_1043 : vector<16xi1>, vector<16xf32>
      %mul3A_1054 = arith.constant 16 : i32
      %mul3A_1055 = arith.muli %scan3A_415, %mul3A_1054 : i32
      %swap3A_1056 = arith.constant 0 : i32
      %swap3A_1057 = arith.constant 12 : i32
      %swap3A_1058 = arith.index_cast %swap3A_1056 : i32 to index
      %swap3A_1059 = arith.index_cast %swap3A_1057 : i32 to index
      %swap3A_1060 = arith.index_cast %mul3A_1055 : i32 to index
      %swap3A_1061 = tpu.vector_load %arg7[%swap3A_1058, %swap3A_1059, %swap3A_1060] {strides = array<i32>} : memref<2x24x512xf32, #tpu.memory_space<vmem>>, vector<1x1x16xf32>,
      %swap3A_1062 = vector.shape_cast %swap3A_1061 : vector<1x1x16xf32> to vector<16xf32>
      %swap3A_1063 = vector.shape_cast %select_n3A_1053 : vector<16xf32> to vector<1x1x16xf32>
      tpu.vector_store %arg7[%swap3A_1058, %swap3A_1059, %swap3A_1060], %swap3A_1063 {strides = array<i32>} : memref<2x24x512xf32, #tpu.memory_space<vmem>>, vector<1x1x16xf32>,
      %mul3A_1064 = arith.constant 16 : i32
      %mul3A_1065 = arith.muli %scan3A_415, %mul3A_1064 : i32
      %get3A_1066 = arith.constant 0 : i32
      %get3A_1067 = arith.constant 13 : i32
      %get3A_1068 = arith.index_cast %get3A_1066 : i32 to index
      %get3A_1069 = arith.index_cast %get3A_1067 : i32 to index
      %get3A_1070 = arith.index_cast %mul3A_1065 : i32 to index
      %get3A_1071 = tpu.vector_load %arg6[%get3A_1068, %get3A_1069, %get3A_1070] {strides = array<i32>} : memref<2x96x512xf32, #tpu.memory_space<vmem>>, vector<1x1x16xf32>,
      %get3A_1072 = vector.shape_cast %get3A_1071 : vector<1x1x16xf32> to vector<16xf32>
      %mul3A_1073 = arith.constant 16 : i32
      %mul3A_1074 = arith.muli %scan3A_415, %mul3A_1073 : i32
      %get3A_1075 = arith.constant 0 : i32
      %get3A_1076 = arith.constant 37 : i32
      %get3A_1077 = arith.index_cast %get3A_1075 : i32 to index
      %get3A_1078 = arith.index_cast %get3A_1076 : i32 to index
      %get3A_1079 = arith.index_cast %mul3A_1074 : i32 to index
      %get3A_1080 = tpu.vector_load %arg6[%get3A_1077, %get3A_1078, %get3A_1079] {strides = array<i32>} : memref<2x96x512xf32, #tpu.memory_space<vmem>>, vector<1x1x16xf32>,
      %get3A_1081 = vector.shape_cast %get3A_1080 : vector<1x1x16xf32> to vector<16xf32>
      %select_n3A_1082 = arith.select %eq3A_422, %get3A_1081, %get3A_1072 : vector<16xi1>, vector<16xf32>
      %mul3A_1083 = arith.constant 16 : i32
      %mul3A_1084 = arith.muli %scan3A_415, %mul3A_1083 : i32
      %get3A_1085 = arith.constant 0 : i32
      %get3A_1086 = arith.constant 61 : i32
      %get3A_1087 = arith.index_cast %get3A_1085 : i32 to index
      %get3A_1088 = arith.index_cast %get3A_1086 : i32 to index
      %get3A_1089 = arith.index_cast %mul3A_1084 : i32 to index
      %get3A_1090 = tpu.vector_load %arg6[%get3A_1087, %get3A_1088, %get3A_1089] {strides = array<i32>} : memref<2x96x512xf32, #tpu.memory_space<vmem>>, vector<1x1x16xf32>,
      %get3A_1091 = vector.shape_cast %get3A_1090 : vector<1x1x16xf32> to vector<16xf32>
      %select_n3A_1092 = arith.select %eq3A_425, %get3A_1091, %select_n3A_1082 : vector<16xi1>, vector<16xf32>
      %mul3A_1093 = arith.constant 16 : i32
      %mul3A_1094 = arith.muli %scan3A_415, %mul3A_1093 : i32
      %get3A_1095 = arith.constant 0 : i32
      %get3A_1096 = arith.constant 85 : i32
      %get3A_1097 = arith.index_cast %get3A_1095 : i32 to index
      %get3A_1098 = arith.index_cast %get3A_1096 : i32 to index
      %get3A_1099 = arith.index_cast %mul3A_1094 : i32 to index
      %get3A_1100 = tpu.vector_load %arg6[%get3A_1097, %get3A_1098, %get3A_1099] {strides = array<i32>} : memref<2x96x512xf32, #tpu.memory_space<vmem>>, vector<1x1x16xf32>,
      %get3A_1101 = vector.shape_cast %get3A_1100 : vector<1x1x16xf32> to vector<16xf32>
      %select_n3A_1102 = arith.select %eq3A_428, %get3A_1101, %select_n3A_1092 : vector<16xi1>, vector<16xf32>
      %mul3A_1103 = arith.constant 16 : i32
      %mul3A_1104 = arith.muli %scan3A_415, %mul3A_1103 : i32
      %swap3A_1105 = arith.constant 0 : i32
      %swap3A_1106 = arith.constant 13 : i32
      %swap3A_1107 = arith.index_cast %swap3A_1105 : i32 to index
      %swap3A_1108 = arith.index_cast %swap3A_1106 : i32 to index
      %swap3A_1109 = arith.index_cast %mul3A_1104 : i32 to index
      %swap3A_1110 = tpu.vector_load %arg7[%swap3A_1107, %swap3A_1108, %swap3A_1109] {strides = array<i32>} : memref<2x24x512xf32, #tpu.memory_space<vmem>>, vector<1x1x16xf32>,
      %swap3A_1111 = vector.shape_cast %swap3A_1110 : vector<1x1x16xf32> to vector<16xf32>
      %swap3A_1112 = vector.shape_cast %select_n3A_1102 : vector<16xf32> to vector<1x1x16xf32>
      tpu.vector_store %arg7[%swap3A_1107, %swap3A_1108, %swap3A_1109], %swap3A_1112 {strides = array<i32>} : memref<2x24x512xf32, #tpu.memory_space<vmem>>, vector<1x1x16xf32>,
      %mul3A_1113 = arith.constant 16 : i32
      %mul3A_1114 = arith.muli %scan3A_415, %mul3A_1113 : i32
      %get3A_1115 = arith.constant 0 : i32
      %get3A_1116 = arith.constant 14 : i32
      %get3A_1117 = arith.index_cast %get3A_1115 : i32 to index
      %get3A_1118 = arith.index_cast %get3A_1116 : i32 to index
      %get3A_1119 = arith.index_cast %mul3A_1114 : i32 to index
      %get3A_1120 = tpu.vector_load %arg6[%get3A_1117, %get3A_1118, %get3A_1119] {strides = array<i32>} : memref<2x96x512xf32, #tpu.memory_space<vmem>>, vector<1x1x16xf32>,
      %get3A_1121 = vector.shape_cast %get3A_1120 : vector<1x1x16xf32> to vector<16xf32>
      %mul3A_1122 = arith.constant 16 : i32
      %mul3A_1123 = arith.muli %scan3A_415, %mul3A_1122 : i32
      %get3A_1124 = arith.constant 0 : i32
      %get3A_1125 = arith.constant 38 : i32
      %get3A_1126 = arith.index_cast %get3A_1124 : i32 to index
      %get3A_1127 = arith.index_cast %get3A_1125 : i32 to index
      %get3A_1128 = arith.index_cast %mul3A_1123 : i32 to index
      %get3A_1129 = tpu.vector_load %arg6[%get3A_1126, %get3A_1127, %get3A_1128] {strides = array<i32>} : memref<2x96x512xf32, #tpu.memory_space<vmem>>, vector<1x1x16xf32>,
      %get3A_1130 = vector.shape_cast %get3A_1129 : vector<1x1x16xf32> to vector<16xf32>
      %select_n3A_1131 = arith.select %eq3A_422, %get3A_1130, %get3A_1121 : vector<16xi1>, vector<16xf32>
      %mul3A_1132 = arith.constant 16 : i32
      %mul3A_1133 = arith.muli %scan3A_415, %mul3A_1132 : i32
      %get3A_1134 = arith.constant 0 : i32
      %get3A_1135 = arith.constant 62 : i32
      %get3A_1136 = arith.index_cast %get3A_1134 : i32 to index
      %get3A_1137 = arith.index_cast %get3A_1135 : i32 to index
      %get3A_1138 = arith.index_cast %mul3A_1133 : i32 to index
      %get3A_1139 = tpu.vector_load %arg6[%get3A_1136, %get3A_1137, %get3A_1138] {strides = array<i32>} : memref<2x96x512xf32, #tpu.memory_space<vmem>>, vector<1x1x16xf32>,
      %get3A_1140 = vector.shape_cast %get3A_1139 : vector<1x1x16xf32> to vector<16xf32>
      %select_n3A_1141 = arith.select %eq3A_425, %get3A_1140, %select_n3A_1131 : vector<16xi1>, vector<16xf32>
      %mul3A_1142 = arith.constant 16 : i32
      %mul3A_1143 = arith.muli %scan3A_415, %mul3A_1142 : i32
      %get3A_1144 = arith.constant 0 : i32
      %get3A_1145 = arith.constant 86 : i32
      %get3A_1146 = arith.index_cast %get3A_1144 : i32 to index
      %get3A_1147 = arith.index_cast %get3A_1145 : i32 to index
      %get3A_1148 = arith.index_cast %mul3A_1143 : i32 to index
      %get3A_1149 = tpu.vector_load %arg6[%get3A_1146, %get3A_1147, %get3A_1148] {strides = array<i32>} : memref<2x96x512xf32, #tpu.memory_space<vmem>>, vector<1x1x16xf32>,
      %get3A_1150 = vector.shape_cast %get3A_1149 : vector<1x1x16xf32> to vector<16xf32>
      %select_n3A_1151 = arith.select %eq3A_428, %get3A_1150, %select_n3A_1141 : vector<16xi1>, vector<16xf32>
      %mul3A_1152 = arith.constant 16 : i32
      %mul3A_1153 = arith.muli %scan3A_415, %mul3A_1152 : i32
      %swap3A_1154 = arith.constant 0 : i32
      %swap3A_1155 = arith.constant 14 : i32
      %swap3A_1156 = arith.index_cast %swap3A_1154 : i32 to index
      %swap3A_1157 = arith.index_cast %swap3A_1155 : i32 to index
      %swap3A_1158 = arith.index_cast %mul3A_1153 : i32 to index
      %swap3A_1159 = tpu.vector_load %arg7[%swap3A_1156, %swap3A_1157, %swap3A_1158] {strides = array<i32>} : memref<2x24x512xf32, #tpu.memory_space<vmem>>, vector<1x1x16xf32>,
      %swap3A_1160 = vector.shape_cast %swap3A_1159 : vector<1x1x16xf32> to vector<16xf32>
      %swap3A_1161 = vector.shape_cast %select_n3A_1151 : vector<16xf32> to vector<1x1x16xf32>
      tpu.vector_store %arg7[%swap3A_1156, %swap3A_1157, %swap3A_1158], %swap3A_1161 {strides = array<i32>} : memref<2x24x512xf32, #tpu.memory_space<vmem>>, vector<1x1x16xf32>,
      %mul3A_1162 = arith.constant 16 : i32
      %mul3A_1163 = arith.muli %scan3A_415, %mul3A_1162 : i32
      %get3A_1164 = arith.constant 0 : i32
      %get3A_1165 = arith.constant 15 : i32
      %get3A_1166 = arith.index_cast %get3A_1164 : i32 to index
      %get3A_1167 = arith.index_cast %get3A_1165 : i32 to index
      %get3A_1168 = arith.index_cast %mul3A_1163 : i32 to index
      %get3A_1169 = tpu.vector_load %arg6[%get3A_1166, %get3A_1167, %get3A_1168] {strides = array<i32>} : memref<2x96x512xf32, #tpu.memory_space<vmem>>, vector<1x1x16xf32>,
      %get3A_1170 = vector.shape_cast %get3A_1169 : vector<1x1x16xf32> to vector<16xf32>
      %mul3A_1171 = arith.constant 16 : i32
      %mul3A_1172 = arith.muli %scan3A_415, %mul3A_1171 : i32
      %get3A_1173 = arith.constant 0 : i32
      %get3A_1174 = arith.constant 39 : i32
      %get3A_1175 = arith.index_cast %get3A_1173 : i32 to index
      %get3A_1176 = arith.index_cast %get3A_1174 : i32 to index
      %get3A_1177 = arith.index_cast %mul3A_1172 : i32 to index
      %get3A_1178 = tpu.vector_load %arg6[%get3A_1175, %get3A_1176, %get3A_1177] {strides = array<i32>} : memref<2x96x512xf32, #tpu.memory_space<vmem>>, vector<1x1x16xf32>,
      %get3A_1179 = vector.shape_cast %get3A_1178 : vector<1x1x16xf32> to vector<16xf32>
      %select_n3A_1180 = arith.select %eq3A_422, %get3A_1179, %get3A_1170 : vector<16xi1>, vector<16xf32>
      %mul3A_1181 = arith.constant 16 : i32
      %mul3A_1182 = arith.muli %scan3A_415, %mul3A_1181 : i32
      %get3A_1183 = arith.constant 0 : i32
      %get3A_1184 = arith.constant 63 : i32
      %get3A_1185 = arith.index_cast %get3A_1183 : i32 to index
      %get3A_1186 = arith.index_cast %get3A_1184 : i32 to index
      %get3A_1187 = arith.index_cast %mul3A_1182 : i32 to index
      %get3A_1188 = tpu.vector_load %arg6[%get3A_1185, %get3A_1186, %get3A_1187] {strides = array<i32>} : memref<2x96x512xf32, #tpu.memory_space<vmem>>, vector<1x1x16xf32>,
      %get3A_1189 = vector.shape_cast %get3A_1188 : vector<1x1x16xf32> to vector<16xf32>
      %select_n3A_1190 = arith.select %eq3A_425, %get3A_1189, %select_n3A_1180 : vector<16xi1>, vector<16xf32>
      %mul3A_1191 = arith.constant 16 : i32
      %mul3A_1192 = arith.muli %scan3A_415, %mul3A_1191 : i32
      %get3A_1193 = arith.constant 0 : i32
      %get3A_1194 = arith.constant 87 : i32
      %get3A_1195 = arith.index_cast %get3A_1193 : i32 to index
      %get3A_1196 = arith.index_cast %get3A_1194 : i32 to index
      %get3A_1197 = arith.index_cast %mul3A_1192 : i32 to index
      %get3A_1198 = tpu.vector_load %arg6[%get3A_1195, %get3A_1196, %get3A_1197] {strides = array<i32>} : memref<2x96x512xf32, #tpu.memory_space<vmem>>, vector<1x1x16xf32>,
      %get3A_1199 = vector.shape_cast %get3A_1198 : vector<1x1x16xf32> to vector<16xf32>
      %select_n3A_1200 = arith.select %eq3A_428, %get3A_1199, %select_n3A_1190 : vector<16xi1>, vector<16xf32>
      %mul3A_1201 = arith.constant 16 : i32
      %mul3A_1202 = arith.muli %scan3A_415, %mul3A_1201 : i32
      %swap3A_1203 = arith.constant 0 : i32
      %swap3A_1204 = arith.constant 15 : i32
      %swap3A_1205 = arith.index_cast %swap3A_1203 : i32 to index
      %swap3A_1206 = arith.index_cast %swap3A_1204 : i32 to index
      %swap3A_1207 = arith.index_cast %mul3A_1202 : i32 to index
      %swap3A_1208 = tpu.vector_load %arg7[%swap3A_1205, %swap3A_1206, %swap3A_1207] {strides = array<i32>} : memref<2x24x512xf32, #tpu.memory_space<vmem>>, vector<1x1x16xf32>,
      %swap3A_1209 = vector.shape_cast %swap3A_1208 : vector<1x1x16xf32> to vector<16xf32>
      %swap3A_1210 = vector.shape_cast %select_n3A_1200 : vector<16xf32> to vector<1x1x16xf32>
      tpu.vector_store %arg7[%swap3A_1205, %swap3A_1206, %swap3A_1207], %swap3A_1210 {strides = array<i32>} : memref<2x24x512xf32, #tpu.memory_space<vmem>>, vector<1x1x16xf32>,
      %mul3A_1211 = arith.constant 16 : i32
      %mul3A_1212 = arith.muli %scan3A_415, %mul3A_1211 : i32
      %get3A_1213 = arith.constant 0 : i32
      %get3A_1214 = arith.constant 16 : i32
      %get3A_1215 = arith.index_cast %get3A_1213 : i32 to index
      %get3A_1216 = arith.index_cast %get3A_1214 : i32 to index
      %get3A_1217 = arith.index_cast %mul3A_1212 : i32 to index
      %get3A_1218 = tpu.vector_load %arg6[%get3A_1215, %get3A_1216, %get3A_1217] {strides = array<i32>} : memref<2x96x512xf32, #tpu.memory_space<vmem>>, vector<1x1x16xf32>,
      %get3A_1219 = vector.shape_cast %get3A_1218 : vector<1x1x16xf32> to vector<16xf32>
      %mul3A_1220 = arith.constant 16 : i32
      %mul3A_1221 = arith.muli %scan3A_415, %mul3A_1220 : i32
      %get3A_1222 = arith.constant 0 : i32
      %get3A_1223 = arith.constant 40 : i32
      %get3A_1224 = arith.index_cast %get3A_1222 : i32 to index
      %get3A_1225 = arith.index_cast %get3A_1223 : i32 to index
      %get3A_1226 = arith.index_cast %mul3A_1221 : i32 to index
      %get3A_1227 = tpu.vector_load %arg6[%get3A_1224, %get3A_1225, %get3A_1226] {strides = array<i32>} : memref<2x96x512xf32, #tpu.memory_space<vmem>>, vector<1x1x16xf32>,
      %get3A_1228 = vector.shape_cast %get3A_1227 : vector<1x1x16xf32> to vector<16xf32>
      %select_n3A_1229 = arith.select %eq3A_422, %get3A_1228, %get3A_1219 : vector<16xi1>, vector<16xf32>
      %mul3A_1230 = arith.constant 16 : i32
      %mul3A_1231 = arith.muli %scan3A_415, %mul3A_1230 : i32
      %get3A_1232 = arith.constant 0 : i32
      %get3A_1233 = arith.constant 64 : i32
      %get3A_1234 = arith.index_cast %get3A_1232 : i32 to index
      %get3A_1235 = arith.index_cast %get3A_1233 : i32 to index
      %get3A_1236 = arith.index_cast %mul3A_1231 : i32 to index
      %get3A_1237 = tpu.vector_load %arg6[%get3A_1234, %get3A_1235, %get3A_1236] {strides = array<i32>} : memref<2x96x512xf32, #tpu.memory_space<vmem>>, vector<1x1x16xf32>,
      %get3A_1238 = vector.shape_cast %get3A_1237 : vector<1x1x16xf32> to vector<16xf32>
      %select_n3A_1239 = arith.select %eq3A_425, %get3A_1238, %select_n3A_1229 : vector<16xi1>, vector<16xf32>
      %mul3A_1240 = arith.constant 16 : i32
      %mul3A_1241 = arith.muli %scan3A_415, %mul3A_1240 : i32
      %get3A_1242 = arith.constant 0 : i32
      %get3A_1243 = arith.constant 88 : i32
      %get3A_1244 = arith.index_cast %get3A_1242 : i32 to index
      %get3A_1245 = arith.index_cast %get3A_1243 : i32 to index
      %get3A_1246 = arith.index_cast %mul3A_1241 : i32 to index
      %get3A_1247 = tpu.vector_load %arg6[%get3A_1244, %get3A_1245, %get3A_1246] {strides = array<i32>} : memref<2x96x512xf32, #tpu.memory_space<vmem>>, vector<1x1x16xf32>,
      %get3A_1248 = vector.shape_cast %get3A_1247 : vector<1x1x16xf32> to vector<16xf32>
      %select_n3A_1249 = arith.select %eq3A_428, %get3A_1248, %select_n3A_1239 : vector<16xi1>, vector<16xf32>
      %mul3A_1250 = arith.constant 16 : i32
      %mul3A_1251 = arith.muli %scan3A_415, %mul3A_1250 : i32
      %swap3A_1252 = arith.constant 0 : i32
      %swap3A_1253 = arith.constant 16 : i32
      %swap3A_1254 = arith.index_cast %swap3A_1252 : i32 to index
      %swap3A_1255 = arith.index_cast %swap3A_1253 : i32 to index
      %swap3A_1256 = arith.index_cast %mul3A_1251 : i32 to index
      %swap3A_1257 = tpu.vector_load %arg7[%swap3A_1254, %swap3A_1255, %swap3A_1256] {strides = array<i32>} : memref<2x24x512xf32, #tpu.memory_space<vmem>>, vector<1x1x16xf32>,
      %swap3A_1258 = vector.shape_cast %swap3A_1257 : vector<1x1x16xf32> to vector<16xf32>
      %swap3A_1259 = vector.shape_cast %select_n3A_1249 : vector<16xf32> to vector<1x1x16xf32>
      tpu.vector_store %arg7[%swap3A_1254, %swap3A_1255, %swap3A_1256], %swap3A_1259 {strides = array<i32>} : memref<2x24x512xf32, #tpu.memory_space<vmem>>, vector<1x1x16xf32>,
      %mul3A_1260 = arith.constant 16 : i32
      %mul3A_1261 = arith.muli %scan3A_415, %mul3A_1260 : i32
      %get3A_1262 = arith.constant 0 : i32
      %get3A_1263 = arith.constant 17 : i32
      %get3A_1264 = arith.index_cast %get3A_1262 : i32 to index
      %get3A_1265 = arith.index_cast %get3A_1263 : i32 to index
      %get3A_1266 = arith.index_cast %mul3A_1261 : i32 to index
      %get3A_1267 = tpu.vector_load %arg6[%get3A_1264, %get3A_1265, %get3A_1266] {strides = array<i32>} : memref<2x96x512xf32, #tpu.memory_space<vmem>>, vector<1x1x16xf32>,
      %get3A_1268 = vector.shape_cast %get3A_1267 : vector<1x1x16xf32> to vector<16xf32>
      %mul3A_1269 = arith.constant 16 : i32
      %mul3A_1270 = arith.muli %scan3A_415, %mul3A_1269 : i32
      %get3A_1271 = arith.constant 0 : i32
      %get3A_1272 = arith.constant 41 : i32
      %get3A_1273 = arith.index_cast %get3A_1271 : i32 to index
      %get3A_1274 = arith.index_cast %get3A_1272 : i32 to index
      %get3A_1275 = arith.index_cast %mul3A_1270 : i32 to index
      %get3A_1276 = tpu.vector_load %arg6[%get3A_1273, %get3A_1274, %get3A_1275] {strides = array<i32>} : memref<2x96x512xf32, #tpu.memory_space<vmem>>, vector<1x1x16xf32>,
      %get3A_1277 = vector.shape_cast %get3A_1276 : vector<1x1x16xf32> to vector<16xf32>
      %select_n3A_1278 = arith.select %eq3A_422, %get3A_1277, %get3A_1268 : vector<16xi1>, vector<16xf32>
      %mul3A_1279 = arith.constant 16 : i32
      %mul3A_1280 = arith.muli %scan3A_415, %mul3A_1279 : i32
      %get3A_1281 = arith.constant 0 : i32
      %get3A_1282 = arith.constant 65 : i32
      %get3A_1283 = arith.index_cast %get3A_1281 : i32 to index
      %get3A_1284 = arith.index_cast %get3A_1282 : i32 to index
      %get3A_1285 = arith.index_cast %mul3A_1280 : i32 to index
      %get3A_1286 = tpu.vector_load %arg6[%get3A_1283, %get3A_1284, %get3A_1285] {strides = array<i32>} : memref<2x96x512xf32, #tpu.memory_space<vmem>>, vector<1x1x16xf32>,
      %get3A_1287 = vector.shape_cast %get3A_1286 : vector<1x1x16xf32> to vector<16xf32>
      %select_n3A_1288 = arith.select %eq3A_425, %get3A_1287, %select_n3A_1278 : vector<16xi1>, vector<16xf32>
      %mul3A_1289 = arith.constant 16 : i32
      %mul3A_1290 = arith.muli %scan3A_415, %mul3A_1289 : i32
      %get3A_1291 = arith.constant 0 : i32
      %get3A_1292 = arith.constant 89 : i32
      %get3A_1293 = arith.index_cast %get3A_1291 : i32 to index
      %get3A_1294 = arith.index_cast %get3A_1292 : i32 to index
      %get3A_1295 = arith.index_cast %mul3A_1290 : i32 to index
      %get3A_1296 = tpu.vector_load %arg6[%get3A_1293, %get3A_1294, %get3A_1295] {strides = array<i32>} : memref<2x96x512xf32, #tpu.memory_space<vmem>>, vector<1x1x16xf32>,
      %get3A_1297 = vector.shape_cast %get3A_1296 : vector<1x1x16xf32> to vector<16xf32>
      %select_n3A_1298 = arith.select %eq3A_428, %get3A_1297, %select_n3A_1288 : vector<16xi1>, vector<16xf32>
      %mul3A_1299 = arith.constant 16 : i32
      %mul3A_1300 = arith.muli %scan3A_415, %mul3A_1299 : i32
      %swap3A_1301 = arith.constant 0 : i32
      %swap3A_1302 = arith.constant 17 : i32
      %swap3A_1303 = arith.index_cast %swap3A_1301 : i32 to index
      %swap3A_1304 = arith.index_cast %swap3A_1302 : i32 to index
      %swap3A_1305 = arith.index_cast %mul3A_1300 : i32 to index
      %swap3A_1306 = tpu.vector_load %arg7[%swap3A_1303, %swap3A_1304, %swap3A_1305] {strides = array<i32>} : memref<2x24x512xf32, #tpu.memory_space<vmem>>, vector<1x1x16xf32>,
      %swap3A_1307 = vector.shape_cast %swap3A_1306 : vector<1x1x16xf32> to vector<16xf32>
      %swap3A_1308 = vector.shape_cast %select_n3A_1298 : vector<16xf32> to vector<1x1x16xf32>
      tpu.vector_store %arg7[%swap3A_1303, %swap3A_1304, %swap3A_1305], %swap3A_1308 {strides = array<i32>} : memref<2x24x512xf32, #tpu.memory_space<vmem>>, vector<1x1x16xf32>,
      %mul3A_1309 = arith.constant 16 : i32
      %mul3A_1310 = arith.muli %scan3A_415, %mul3A_1309 : i32
      %get3A_1311 = arith.constant 0 : i32
      %get3A_1312 = arith.constant 18 : i32
      %get3A_1313 = arith.index_cast %get3A_1311 : i32 to index
      %get3A_1314 = arith.index_cast %get3A_1312 : i32 to index
      %get3A_1315 = arith.index_cast %mul3A_1310 : i32 to index
      %get3A_1316 = tpu.vector_load %arg6[%get3A_1313, %get3A_1314, %get3A_1315] {strides = array<i32>} : memref<2x96x512xf32, #tpu.memory_space<vmem>>, vector<1x1x16xf32>,
      %get3A_1317 = vector.shape_cast %get3A_1316 : vector<1x1x16xf32> to vector<16xf32>
      %mul3A_1318 = arith.constant 16 : i32
      %mul3A_1319 = arith.muli %scan3A_415, %mul3A_1318 : i32
      %get3A_1320 = arith.constant 0 : i32
      %get3A_1321 = arith.constant 42 : i32
      %get3A_1322 = arith.index_cast %get3A_1320 : i32 to index
      %get3A_1323 = arith.index_cast %get3A_1321 : i32 to index
      %get3A_1324 = arith.index_cast %mul3A_1319 : i32 to index
      %get3A_1325 = tpu.vector_load %arg6[%get3A_1322, %get3A_1323, %get3A_1324] {strides = array<i32>} : memref<2x96x512xf32, #tpu.memory_space<vmem>>, vector<1x1x16xf32>,
      %get3A_1326 = vector.shape_cast %get3A_1325 : vector<1x1x16xf32> to vector<16xf32>
      %select_n3A_1327 = arith.select %eq3A_422, %get3A_1326, %get3A_1317 : vector<16xi1>, vector<16xf32>
      %mul3A_1328 = arith.constant 16 : i32
      %mul3A_1329 = arith.muli %scan3A_415, %mul3A_1328 : i32
      %get3A_1330 = arith.constant 0 : i32
      %get3A_1331 = arith.constant 66 : i32
      %get3A_1332 = arith.index_cast %get3A_1330 : i32 to index
      %get3A_1333 = arith.index_cast %get3A_1331 : i32 to index
      %get3A_1334 = arith.index_cast %mul3A_1329 : i32 to index
      %get3A_1335 = tpu.vector_load %arg6[%get3A_1332, %get3A_1333, %get3A_1334] {strides = array<i32>} : memref<2x96x512xf32, #tpu.memory_space<vmem>>, vector<1x1x16xf32>,
      %get3A_1336 = vector.shape_cast %get3A_1335 : vector<1x1x16xf32> to vector<16xf32>
      %select_n3A_1337 = arith.select %eq3A_425, %get3A_1336, %select_n3A_1327 : vector<16xi1>, vector<16xf32>
      %mul3A_1338 = arith.constant 16 : i32
      %mul3A_1339 = arith.muli %scan3A_415, %mul3A_1338 : i32
      %get3A_1340 = arith.constant 0 : i32
      %get3A_1341 = arith.constant 90 : i32
      %get3A_1342 = arith.index_cast %get3A_1340 : i32 to index
      %get3A_1343 = arith.index_cast %get3A_1341 : i32 to index
      %get3A_1344 = arith.index_cast %mul3A_1339 : i32 to index
      %get3A_1345 = tpu.vector_load %arg6[%get3A_1342, %get3A_1343, %get3A_1344] {strides = array<i32>} : memref<2x96x512xf32, #tpu.memory_space<vmem>>, vector<1x1x16xf32>,
      %get3A_1346 = vector.shape_cast %get3A_1345 : vector<1x1x16xf32> to vector<16xf32>
      %select_n3A_1347 = arith.select %eq3A_428, %get3A_1346, %select_n3A_1337 : vector<16xi1>, vector<16xf32>
      %mul3A_1348 = arith.constant 16 : i32
      %mul3A_1349 = arith.muli %scan3A_415, %mul3A_1348 : i32
      %swap3A_1350 = arith.constant 0 : i32
      %swap3A_1351 = arith.constant 18 : i32
      %swap3A_1352 = arith.index_cast %swap3A_1350 : i32 to index
      %swap3A_1353 = arith.index_cast %swap3A_1351 : i32 to index
      %swap3A_1354 = arith.index_cast %mul3A_1349 : i32 to index
      %swap3A_1355 = tpu.vector_load %arg7[%swap3A_1352, %swap3A_1353, %swap3A_1354] {strides = array<i32>} : memref<2x24x512xf32, #tpu.memory_space<vmem>>, vector<1x1x16xf32>,
      %swap3A_1356 = vector.shape_cast %swap3A_1355 : vector<1x1x16xf32> to vector<16xf32>
      %swap3A_1357 = vector.shape_cast %select_n3A_1347 : vector<16xf32> to vector<1x1x16xf32>
      tpu.vector_store %arg7[%swap3A_1352, %swap3A_1353, %swap3A_1354], %swap3A_1357 {strides = array<i32>} : memref<2x24x512xf32, #tpu.memory_space<vmem>>, vector<1x1x16xf32>,
      %mul3A_1358 = arith.constant 16 : i32
      %mul3A_1359 = arith.muli %scan3A_415, %mul3A_1358 : i32
      %get3A_1360 = arith.constant 0 : i32
      %get3A_1361 = arith.constant 19 : i32
      %get3A_1362 = arith.index_cast %get3A_1360 : i32 to index
      %get3A_1363 = arith.index_cast %get3A_1361 : i32 to index
      %get3A_1364 = arith.index_cast %mul3A_1359 : i32 to index
      %get3A_1365 = tpu.vector_load %arg6[%get3A_1362, %get3A_1363, %get3A_1364] {strides = array<i32>} : memref<2x96x512xf32, #tpu.memory_space<vmem>>, vector<1x1x16xf32>,
      %get3A_1366 = vector.shape_cast %get3A_1365 : vector<1x1x16xf32> to vector<16xf32>
      %mul3A_1367 = arith.constant 16 : i32
      %mul3A_1368 = arith.muli %scan3A_415, %mul3A_1367 : i32
      %get3A_1369 = arith.constant 0 : i32
      %get3A_1370 = arith.constant 43 : i32
      %get3A_1371 = arith.index_cast %get3A_1369 : i32 to index
      %get3A_1372 = arith.index_cast %get3A_1370 : i32 to index
      %get3A_1373 = arith.index_cast %mul3A_1368 : i32 to index
      %get3A_1374 = tpu.vector_load %arg6[%get3A_1371, %get3A_1372, %get3A_1373] {strides = array<i32>} : memref<2x96x512xf32, #tpu.memory_space<vmem>>, vector<1x1x16xf32>,
      %get3A_1375 = vector.shape_cast %get3A_1374 : vector<1x1x16xf32> to vector<16xf32>
      %select_n3A_1376 = arith.select %eq3A_422, %get3A_1375, %get3A_1366 : vector<16xi1>, vector<16xf32>
      %mul3A_1377 = arith.constant 16 : i32
      %mul3A_1378 = arith.muli %scan3A_415, %mul3A_1377 : i32
      %get3A_1379 = arith.constant 0 : i32
      %get3A_1380 = arith.constant 67 : i32
      %get3A_1381 = arith.index_cast %get3A_1379 : i32 to index
      %get3A_1382 = arith.index_cast %get3A_1380 : i32 to index
      %get3A_1383 = arith.index_cast %mul3A_1378 : i32 to index
      %get3A_1384 = tpu.vector_load %arg6[%get3A_1381, %get3A_1382, %get3A_1383] {strides = array<i32>} : memref<2x96x512xf32, #tpu.memory_space<vmem>>, vector<1x1x16xf32>,
      %get3A_1385 = vector.shape_cast %get3A_1384 : vector<1x1x16xf32> to vector<16xf32>
      %select_n3A_1386 = arith.select %eq3A_425, %get3A_1385, %select_n3A_1376 : vector<16xi1>, vector<16xf32>
      %mul3A_1387 = arith.constant 16 : i32
      %mul3A_1388 = arith.muli %scan3A_415, %mul3A_1387 : i32
      %get3A_1389 = arith.constant 0 : i32
      %get3A_1390 = arith.constant 91 : i32
      %get3A_1391 = arith.index_cast %get3A_1389 : i32 to index
      %get3A_1392 = arith.index_cast %get3A_1390 : i32 to index
      %get3A_1393 = arith.index_cast %mul3A_1388 : i32 to index
      %get3A_1394 = tpu.vector_load %arg6[%get3A_1391, %get3A_1392, %get3A_1393] {strides = array<i32>} : memref<2x96x512xf32, #tpu.memory_space<vmem>>, vector<1x1x16xf32>,
      %get3A_1395 = vector.shape_cast %get3A_1394 : vector<1x1x16xf32> to vector<16xf32>
      %select_n3A_1396 = arith.select %eq3A_428, %get3A_1395, %select_n3A_1386 : vector<16xi1>, vector<16xf32>
      %mul3A_1397 = arith.constant 16 : i32
      %mul3A_1398 = arith.muli %scan3A_415, %mul3A_1397 : i32
      %swap3A_1399 = arith.constant 0 : i32
      %swap3A_1400 = arith.constant 19 : i32
      %swap3A_1401 = arith.index_cast %swap3A_1399 : i32 to index
      %swap3A_1402 = arith.index_cast %swap3A_1400 : i32 to index
      %swap3A_1403 = arith.index_cast %mul3A_1398 : i32 to index
      %swap3A_1404 = tpu.vector_load %arg7[%swap3A_1401, %swap3A_1402, %swap3A_1403] {strides = array<i32>} : memref<2x24x512xf32, #tpu.memory_space<vmem>>, vector<1x1x16xf32>,
      %swap3A_1405 = vector.shape_cast %swap3A_1404 : vector<1x1x16xf32> to vector<16xf32>
      %swap3A_1406 = vector.shape_cast %select_n3A_1396 : vector<16xf32> to vector<1x1x16xf32>
      tpu.vector_store %arg7[%swap3A_1401, %swap3A_1402, %swap3A_1403], %swap3A_1406 {strides = array<i32>} : memref<2x24x512xf32, #tpu.memory_space<vmem>>, vector<1x1x16xf32>,
      %mul3A_1407 = arith.constant 16 : i32
      %mul3A_1408 = arith.muli %scan3A_415, %mul3A_1407 : i32
      %get3A_1409 = arith.constant 0 : i32
      %get3A_1410 = arith.constant 20 : i32
      %get3A_1411 = arith.index_cast %get3A_1409 : i32 to index
      %get3A_1412 = arith.index_cast %get3A_1410 : i32 to index
      %get3A_1413 = arith.index_cast %mul3A_1408 : i32 to index
      %get3A_1414 = tpu.vector_load %arg6[%get3A_1411, %get3A_1412, %get3A_1413] {strides = array<i32>} : memref<2x96x512xf32, #tpu.memory_space<vmem>>, vector<1x1x16xf32>,
      %get3A_1415 = vector.shape_cast %get3A_1414 : vector<1x1x16xf32> to vector<16xf32>
      %mul3A_1416 = arith.constant 16 : i32
      %mul3A_1417 = arith.muli %scan3A_415, %mul3A_1416 : i32
      %get3A_1418 = arith.constant 0 : i32
      %get3A_1419 = arith.constant 44 : i32
      %get3A_1420 = arith.index_cast %get3A_1418 : i32 to index
      %get3A_1421 = arith.index_cast %get3A_1419 : i32 to index
      %get3A_1422 = arith.index_cast %mul3A_1417 : i32 to index
      %get3A_1423 = tpu.vector_load %arg6[%get3A_1420, %get3A_1421, %get3A_1422] {strides = array<i32>} : memref<2x96x512xf32, #tpu.memory_space<vmem>>, vector<1x1x16xf32>,
      %get3A_1424 = vector.shape_cast %get3A_1423 : vector<1x1x16xf32> to vector<16xf32>
      %select_n3A_1425 = arith.select %eq3A_422, %get3A_1424, %get3A_1415 : vector<16xi1>, vector<16xf32>
      %mul3A_1426 = arith.constant 16 : i32
      %mul3A_1427 = arith.muli %scan3A_415, %mul3A_1426 : i32
      %get3A_1428 = arith.constant 0 : i32
      %get3A_1429 = arith.constant 68 : i32
      %get3A_1430 = arith.index_cast %get3A_1428 : i32 to index
      %get3A_1431 = arith.index_cast %get3A_1429 : i32 to index
      %get3A_1432 = arith.index_cast %mul3A_1427 : i32 to index
      %get3A_1433 = tpu.vector_load %arg6[%get3A_1430, %get3A_1431, %get3A_1432] {strides = array<i32>} : memref<2x96x512xf32, #tpu.memory_space<vmem>>, vector<1x1x16xf32>,
      %get3A_1434 = vector.shape_cast %get3A_1433 : vector<1x1x16xf32> to vector<16xf32>
      %select_n3A_1435 = arith.select %eq3A_425, %get3A_1434, %select_n3A_1425 : vector<16xi1>, vector<16xf32>
      %mul3A_1436 = arith.constant 16 : i32
      %mul3A_1437 = arith.muli %scan3A_415, %mul3A_1436 : i32
      %get3A_1438 = arith.constant 0 : i32
      %get3A_1439 = arith.constant 92 : i32
      %get3A_1440 = arith.index_cast %get3A_1438 : i32 to index
      %get3A_1441 = arith.index_cast %get3A_1439 : i32 to index
      %get3A_1442 = arith.index_cast %mul3A_1437 : i32 to index
      %get3A_1443 = tpu.vector_load %arg6[%get3A_1440, %get3A_1441, %get3A_1442] {strides = array<i32>} : memref<2x96x512xf32, #tpu.memory_space<vmem>>, vector<1x1x16xf32>,
      %get3A_1444 = vector.shape_cast %get3A_1443 : vector<1x1x16xf32> to vector<16xf32>
      %select_n3A_1445 = arith.select %eq3A_428, %get3A_1444, %select_n3A_1435 : vector<16xi1>, vector<16xf32>
      %mul3A_1446 = arith.constant 16 : i32
      %mul3A_1447 = arith.muli %scan3A_415, %mul3A_1446 : i32
      %swap3A_1448 = arith.constant 0 : i32
      %swap3A_1449 = arith.constant 20 : i32
      %swap3A_1450 = arith.index_cast %swap3A_1448 : i32 to index
      %swap3A_1451 = arith.index_cast %swap3A_1449 : i32 to index
      %swap3A_1452 = arith.index_cast %mul3A_1447 : i32 to index
      %swap3A_1453 = tpu.vector_load %arg7[%swap3A_1450, %swap3A_1451, %swap3A_1452] {strides = array<i32>} : memref<2x24x512xf32, #tpu.memory_space<vmem>>, vector<1x1x16xf32>,
      %swap3A_1454 = vector.shape_cast %swap3A_1453 : vector<1x1x16xf32> to vector<16xf32>
      %swap3A_1455 = vector.shape_cast %select_n3A_1445 : vector<16xf32> to vector<1x1x16xf32>
      tpu.vector_store %arg7[%swap3A_1450, %swap3A_1451, %swap3A_1452], %swap3A_1455 {strides = array<i32>} : memref<2x24x512xf32, #tpu.memory_space<vmem>>, vector<1x1x16xf32>,
      %mul3A_1456 = arith.constant 16 : i32
      %mul3A_1457 = arith.muli %scan3A_415, %mul3A_1456 : i32
      %get3A_1458 = arith.constant 0 : i32
      %get3A_1459 = arith.constant 21 : i32
      %get3A_1460 = arith.index_cast %get3A_1458 : i32 to index
      %get3A_1461 = arith.index_cast %get3A_1459 : i32 to index
      %get3A_1462 = arith.index_cast %mul3A_1457 : i32 to index
      %get3A_1463 = tpu.vector_load %arg6[%get3A_1460, %get3A_1461, %get3A_1462] {strides = array<i32>} : memref<2x96x512xf32, #tpu.memory_space<vmem>>, vector<1x1x16xf32>,
      %get3A_1464 = vector.shape_cast %get3A_1463 : vector<1x1x16xf32> to vector<16xf32>
      %mul3A_1465 = arith.constant 16 : i32
      %mul3A_1466 = arith.muli %scan3A_415, %mul3A_1465 : i32
      %get3A_1467 = arith.constant 0 : i32
      %get3A_1468 = arith.constant 45 : i32
      %get3A_1469 = arith.index_cast %get3A_1467 : i32 to index
      %get3A_1470 = arith.index_cast %get3A_1468 : i32 to index
      %get3A_1471 = arith.index_cast %mul3A_1466 : i32 to index
      %get3A_1472 = tpu.vector_load %arg6[%get3A_1469, %get3A_1470, %get3A_1471] {strides = array<i32>} : memref<2x96x512xf32, #tpu.memory_space<vmem>>, vector<1x1x16xf32>,
      %get3A_1473 = vector.shape_cast %get3A_1472 : vector<1x1x16xf32> to vector<16xf32>
      %select_n3A_1474 = arith.select %eq3A_422, %get3A_1473, %get3A_1464 : vector<16xi1>, vector<16xf32>
      %mul3A_1475 = arith.constant 16 : i32
      %mul3A_1476 = arith.muli %scan3A_415, %mul3A_1475 : i32
      %get3A_1477 = arith.constant 0 : i32
      %get3A_1478 = arith.constant 69 : i32
      %get3A_1479 = arith.index_cast %get3A_1477 : i32 to index
      %get3A_1480 = arith.index_cast %get3A_1478 : i32 to index
      %get3A_1481 = arith.index_cast %mul3A_1476 : i32 to index
      %get3A_1482 = tpu.vector_load %arg6[%get3A_1479, %get3A_1480, %get3A_1481] {strides = array<i32>} : memref<2x96x512xf32, #tpu.memory_space<vmem>>, vector<1x1x16xf32>,
      %get3A_1483 = vector.shape_cast %get3A_1482 : vector<1x1x16xf32> to vector<16xf32>
      %select_n3A_1484 = arith.select %eq3A_425, %get3A_1483, %select_n3A_1474 : vector<16xi1>, vector<16xf32>
      %mul3A_1485 = arith.constant 16 : i32
      %mul3A_1486 = arith.muli %scan3A_415, %mul3A_1485 : i32
      %get3A_1487 = arith.constant 0 : i32
      %get3A_1488 = arith.constant 93 : i32
      %get3A_1489 = arith.index_cast %get3A_1487 : i32 to index
      %get3A_1490 = arith.index_cast %get3A_1488 : i32 to index
      %get3A_1491 = arith.index_cast %mul3A_1486 : i32 to index
      %get3A_1492 = tpu.vector_load %arg6[%get3A_1489, %get3A_1490, %get3A_1491] {strides = array<i32>} : memref<2x96x512xf32, #tpu.memory_space<vmem>>, vector<1x1x16xf32>,
      %get3A_1493 = vector.shape_cast %get3A_1492 : vector<1x1x16xf32> to vector<16xf32>
      %select_n3A_1494 = arith.select %eq3A_428, %get3A_1493, %select_n3A_1484 : vector<16xi1>, vector<16xf32>
      %mul3A_1495 = arith.constant 16 : i32
      %mul3A_1496 = arith.muli %scan3A_415, %mul3A_1495 : i32
      %swap3A_1497 = arith.constant 0 : i32
      %swap3A_1498 = arith.constant 21 : i32
      %swap3A_1499 = arith.index_cast %swap3A_1497 : i32 to index
      %swap3A_1500 = arith.index_cast %swap3A_1498 : i32 to index
      %swap3A_1501 = arith.index_cast %mul3A_1496 : i32 to index
      %swap3A_1502 = tpu.vector_load %arg7[%swap3A_1499, %swap3A_1500, %swap3A_1501] {strides = array<i32>} : memref<2x24x512xf32, #tpu.memory_space<vmem>>, vector<1x1x16xf32>,
      %swap3A_1503 = vector.shape_cast %swap3A_1502 : vector<1x1x16xf32> to vector<16xf32>
      %swap3A_1504 = vector.shape_cast %select_n3A_1494 : vector<16xf32> to vector<1x1x16xf32>
      tpu.vector_store %arg7[%swap3A_1499, %swap3A_1500, %swap3A_1501], %swap3A_1504 {strides = array<i32>} : memref<2x24x512xf32, #tpu.memory_space<vmem>>, vector<1x1x16xf32>,
      %mul3A_1505 = arith.constant 16 : i32
      %mul3A_1506 = arith.muli %scan3A_415, %mul3A_1505 : i32
      %get3A_1507 = arith.constant 0 : i32
      %get3A_1508 = arith.constant 22 : i32
      %get3A_1509 = arith.index_cast %get3A_1507 : i32 to index
      %get3A_1510 = arith.index_cast %get3A_1508 : i32 to index
      %get3A_1511 = arith.index_cast %mul3A_1506 : i32 to index
      %get3A_1512 = tpu.vector_load %arg6[%get3A_1509, %get3A_1510, %get3A_1511] {strides = array<i32>} : memref<2x96x512xf32, #tpu.memory_space<vmem>>, vector<1x1x16xf32>,
      %get3A_1513 = vector.shape_cast %get3A_1512 : vector<1x1x16xf32> to vector<16xf32>
      %mul3A_1514 = arith.constant 16 : i32
      %mul3A_1515 = arith.muli %scan3A_415, %mul3A_1514 : i32
      %get3A_1516 = arith.constant 0 : i32
      %get3A_1517 = arith.constant 46 : i32
      %get3A_1518 = arith.index_cast %get3A_1516 : i32 to index
      %get3A_1519 = arith.index_cast %get3A_1517 : i32 to index
      %get3A_1520 = arith.index_cast %mul3A_1515 : i32 to index
      %get3A_1521 = tpu.vector_load %arg6[%get3A_1518, %get3A_1519, %get3A_1520] {strides = array<i32>} : memref<2x96x512xf32, #tpu.memory_space<vmem>>, vector<1x1x16xf32>,
      %get3A_1522 = vector.shape_cast %get3A_1521 : vector<1x1x16xf32> to vector<16xf32>
      %select_n3A_1523 = arith.select %eq3A_422, %get3A_1522, %get3A_1513 : vector<16xi1>, vector<16xf32>
      %mul3A_1524 = arith.constant 16 : i32
      %mul3A_1525 = arith.muli %scan3A_415, %mul3A_1524 : i32
      %get3A_1526 = arith.constant 0 : i32
      %get3A_1527 = arith.constant 70 : i32
      %get3A_1528 = arith.index_cast %get3A_1526 : i32 to index
      %get3A_1529 = arith.index_cast %get3A_1527 : i32 to index
      %get3A_1530 = arith.index_cast %mul3A_1525 : i32 to index
      %get3A_1531 = tpu.vector_load %arg6[%get3A_1528, %get3A_1529, %get3A_1530] {strides = array<i32>} : memref<2x96x512xf32, #tpu.memory_space<vmem>>, vector<1x1x16xf32>,
      %get3A_1532 = vector.shape_cast %get3A_1531 : vector<1x1x16xf32> to vector<16xf32>
      %select_n3A_1533 = arith.select %eq3A_425, %get3A_1532, %select_n3A_1523 : vector<16xi1>, vector<16xf32>
      %mul3A_1534 = arith.constant 16 : i32
      %mul3A_1535 = arith.muli %scan3A_415, %mul3A_1534 : i32
      %get3A_1536 = arith.constant 0 : i32
      %get3A_1537 = arith.constant 94 : i32
      %get3A_1538 = arith.index_cast %get3A_1536 : i32 to index
      %get3A_1539 = arith.index_cast %get3A_1537 : i32 to index
      %get3A_1540 = arith.index_cast %mul3A_1535 : i32 to index
      %get3A_1541 = tpu.vector_load %arg6[%get3A_1538, %get3A_1539, %get3A_1540] {strides = array<i32>} : memref<2x96x512xf32, #tpu.memory_space<vmem>>, vector<1x1x16xf32>,
      %get3A_1542 = vector.shape_cast %get3A_1541 : vector<1x1x16xf32> to vector<16xf32>
      %select_n3A_1543 = arith.select %eq3A_428, %get3A_1542, %select_n3A_1533 : vector<16xi1>, vector<16xf32>
      %mul3A_1544 = arith.constant 16 : i32
      %mul3A_1545 = arith.muli %scan3A_415, %mul3A_1544 : i32
      %swap3A_1546 = arith.constant 0 : i32
      %swap3A_1547 = arith.constant 22 : i32
      %swap3A_1548 = arith.index_cast %swap3A_1546 : i32 to index
      %swap3A_1549 = arith.index_cast %swap3A_1547 : i32 to index
      %swap3A_1550 = arith.index_cast %mul3A_1545 : i32 to index
      %swap3A_1551 = tpu.vector_load %arg7[%swap3A_1548, %swap3A_1549, %swap3A_1550] {strides = array<i32>} : memref<2x24x512xf32, #tpu.memory_space<vmem>>, vector<1x1x16xf32>,
      %swap3A_1552 = vector.shape_cast %swap3A_1551 : vector<1x1x16xf32> to vector<16xf32>
      %swap3A_1553 = vector.shape_cast %select_n3A_1543 : vector<16xf32> to vector<1x1x16xf32>
      tpu.vector_store %arg7[%swap3A_1548, %swap3A_1549, %swap3A_1550], %swap3A_1553 {strides = array<i32>} : memref<2x24x512xf32, #tpu.memory_space<vmem>>, vector<1x1x16xf32>,
      %mul3A_1554 = arith.constant 16 : i32
      %mul3A_1555 = arith.muli %scan3A_415, %mul3A_1554 : i32
      %get3A_1556 = arith.constant 0 : i32
      %get3A_1557 = arith.constant 23 : i32
      %get3A_1558 = arith.index_cast %get3A_1556 : i32 to index
      %get3A_1559 = arith.index_cast %get3A_1557 : i32 to index
      %get3A_1560 = arith.index_cast %mul3A_1555 : i32 to index
      %get3A_1561 = tpu.vector_load %arg6[%get3A_1558, %get3A_1559, %get3A_1560] {strides = array<i32>} : memref<2x96x512xf32, #tpu.memory_space<vmem>>, vector<1x1x16xf32>,
      %get3A_1562 = vector.shape_cast %get3A_1561 : vector<1x1x16xf32> to vector<16xf32>
      %mul3A_1563 = arith.constant 16 : i32
      %mul3A_1564 = arith.muli %scan3A_415, %mul3A_1563 : i32
      %get3A_1565 = arith.constant 0 : i32
      %get3A_1566 = arith.constant 47 : i32
      %get3A_1567 = arith.index_cast %get3A_1565 : i32 to index
      %get3A_1568 = arith.index_cast %get3A_1566 : i32 to index
      %get3A_1569 = arith.index_cast %mul3A_1564 : i32 to index
      %get3A_1570 = tpu.vector_load %arg6[%get3A_1567, %get3A_1568, %get3A_1569] {strides = array<i32>} : memref<2x96x512xf32, #tpu.memory_space<vmem>>, vector<1x1x16xf32>,
      %get3A_1571 = vector.shape_cast %get3A_1570 : vector<1x1x16xf32> to vector<16xf32>
      %select_n3A_1572 = arith.select %eq3A_422, %get3A_1571, %get3A_1562 : vector<16xi1>, vector<16xf32>
      %mul3A_1573 = arith.constant 16 : i32
      %mul3A_1574 = arith.muli %scan3A_415, %mul3A_1573 : i32
      %get3A_1575 = arith.constant 0 : i32
      %get3A_1576 = arith.constant 71 : i32
      %get3A_1577 = arith.index_cast %get3A_1575 : i32 to index
      %get3A_1578 = arith.index_cast %get3A_1576 : i32 to index
      %get3A_1579 = arith.index_cast %mul3A_1574 : i32 to index
      %get3A_1580 = tpu.vector_load %arg6[%get3A_1577, %get3A_1578, %get3A_1579] {strides = array<i32>} : memref<2x96x512xf32, #tpu.memory_space<vmem>>, vector<1x1x16xf32>,
      %get3A_1581 = vector.shape_cast %get3A_1580 : vector<1x1x16xf32> to vector<16xf32>
      %select_n3A_1582 = arith.select %eq3A_425, %get3A_1581, %select_n3A_1572 : vector<16xi1>, vector<16xf32>
      %mul3A_1583 = arith.constant 16 : i32
      %mul3A_1584 = arith.muli %scan3A_415, %mul3A_1583 : i32
      %get3A_1585 = arith.constant 0 : i32
      %get3A_1586 = arith.constant 95 : i32
      %get3A_1587 = arith.index_cast %get3A_1585 : i32 to index
      %get3A_1588 = arith.index_cast %get3A_1586 : i32 to index
      %get3A_1589 = arith.index_cast %mul3A_1584 : i32 to index
      %get3A_1590 = tpu.vector_load %arg6[%get3A_1587, %get3A_1588, %get3A_1589] {strides = array<i32>} : memref<2x96x512xf32, #tpu.memory_space<vmem>>, vector<1x1x16xf32>,
      %get3A_1591 = vector.shape_cast %get3A_1590 : vector<1x1x16xf32> to vector<16xf32>
      %select_n3A_1592 = arith.select %eq3A_428, %get3A_1591, %select_n3A_1582 : vector<16xi1>, vector<16xf32>
      %mul3A_1593 = arith.constant 16 : i32
      %mul3A_1594 = arith.muli %scan3A_415, %mul3A_1593 : i32
      %swap3A_1595 = arith.constant 0 : i32
      %swap3A_1596 = arith.constant 23 : i32
      %swap3A_1597 = arith.index_cast %swap3A_1595 : i32 to index
      %swap3A_1598 = arith.index_cast %swap3A_1596 : i32 to index
      %swap3A_1599 = arith.index_cast %mul3A_1594 : i32 to index
      %swap3A_1600 = tpu.vector_load %arg7[%swap3A_1597, %swap3A_1598, %swap3A_1599] {strides = array<i32>} : memref<2x24x512xf32, #tpu.memory_space<vmem>>, vector<1x1x16xf32>,
      %swap3A_1601 = vector.shape_cast %swap3A_1600 : vector<1x1x16xf32> to vector<16xf32>
      %swap3A_1602 = vector.shape_cast %select_n3A_1592 : vector<16xf32> to vector<1x1x16xf32>
      tpu.vector_store %arg7[%swap3A_1597, %swap3A_1598, %swap3A_1599], %swap3A_1602 {strides = array<i32>} : memref<2x24x512xf32, #tpu.memory_space<vmem>>, vector<1x1x16xf32>,
      %scan3A_1603 = arith.constant 0 : i32
      scf.yield %scan3A_1603 : i32
    }
    %scan3A_178 = arith.constant 32 : i32
    %dma_start3A_179 = arith.constant 0 : i32
    %dma_start3A_180 = arith.constant 0 : i32
    %dma_start3A_181 = arith.constant 0 : i32
    %dma_start3A_182 = tpu.memref_slice %arg7[%dma_start3A_179, %dma_start3A_180, %dma_start3A_181] : memref<2x24x512xf32, #tpu.memory_space<vmem>> -> memref<1x24x512xf32, #tpu.memory_space<vmem>>
    %dma_start3A_183 = tpu.memref_squeeze %dma_start3A_182 : memref<1x24x512xf32, #tpu.memory_space<vmem>> -> memref<24x512xf32, #tpu.memory_space<vmem>>
    %dma_start3A_184 = arith.constant 960 : i32
    %dma_start3A_185 = tpu.memref_slice %arg4[%dma_start3A_184, %mul3A_2] : memref<1000x16384xf32, #tpu.memory_space<hbm>> -> memref<24x512xf32, #tpu.memory_space<hbm>>
    %dma_start3A_186 = arith.constant 960 : i32
    %dma_start3A_187 = tpu.memref_slice %arg4[%dma_start3A_186, %mul3A_2] : memref<1000x16384xf32, #tpu.memory_space<hbm>> -> memref<24x512xf32, #tpu.memory_space<hbm>>
    %dma_start3A_188 = arith.constant 0 : i32
    %dma_start3A_189 = arith.constant 0 : i32
    %dma_start3A_190 = tpu.memref_slice %arg7[%dma_start3A_179, %dma_start3A_188, %dma_start3A_189] : memref<2x24x512xf32, #tpu.memory_space<vmem>> -> memref<1x24x512xf32, #tpu.memory_space<vmem>>
    %dma_start3A_191 = tpu.memref_squeeze %dma_start3A_190 : memref<1x24x512xf32, #tpu.memory_space<vmem>> -> memref<24x512xf32, #tpu.memory_space<vmem>>
    tpu.enqueue_dma source(%dma_start3A_191 : memref<24x512xf32, #tpu.memory_space<vmem>>) target(%dma_start3A_187 : memref<24x512xf32, #tpu.memory_space<hbm>>) target_semaphore(%arg10 : memref<!tpu.dma_semaphore, #tpu.memory_space<semaphore_mem>>)
    %dma_wait3A_192 = arith.constant 1 : i32
    %dma_wait3A_193 = arith.constant 0 : i32
    %dma_wait3A_194 = arith.constant 0 : i32
    %dma_wait3A_195 = tpu.memref_slice %arg7[%dma_wait3A_192, %dma_wait3A_193, %dma_wait3A_194] : memref<2x24x512xf32, #tpu.memory_space<vmem>> -> memref<1x24x512xf32, #tpu.memory_space<vmem>>
    %dma_wait3A_196 = tpu.memref_squeeze %dma_wait3A_195 : memref<1x24x512xf32, #tpu.memory_space<vmem>> -> memref<24x512xf32, #tpu.memory_space<vmem>>
    %dma_wait3A_197 = arith.constant 0 : i32
    %dma_wait3A_198 = tpu.memref_slice %arg4[%dma_wait3A_197, %mul3A_2] : memref<1000x16384xf32, #tpu.memory_space<hbm>> -> memref<24x512xf32, #tpu.memory_space<hbm>>
    %dma_wait3A_199 = arith.constant 0 : i32
    %dma_wait3A_200 = tpu.memref_slice %arg4[%dma_wait3A_199, %mul3A_2] : memref<1000x16384xf32, #tpu.memory_space<hbm>> -> memref<24x512xf32, #tpu.memory_space<hbm>>
    %dma_wait3A_201 = arith.constant 0 : i32
    %dma_wait3A_202 = arith.constant 0 : i32
    %dma_wait3A_203 = tpu.memref_slice %arg7[%dma_wait3A_192, %dma_wait3A_201, %dma_wait3A_202] : memref<2x24x512xf32, #tpu.memory_space<vmem>> -> memref<1x24x512xf32, #tpu.memory_space<vmem>>
    %dma_wait3A_204 = tpu.memref_squeeze %dma_wait3A_203 : memref<1x24x512xf32, #tpu.memory_space<vmem>> -> memref<24x512xf32, #tpu.memory_space<vmem>>
    tpu.wait_dma2 semaphore(%arg11 : memref<!tpu.dma_semaphore, #tpu.memory_space<semaphore_mem>>) src(%dma_wait3A_204 : memref<24x512xf32, #tpu.memory_space<vmem>>) dst(%dma_wait3A_200 : memref<24x512xf32, #tpu.memory_space<hbm>>)
    %dma_wait3A_205 = arith.constant 0 : i32
    %dma_wait3A_206 = arith.constant 0 : i32
    %dma_wait3A_207 = arith.constant 0 : i32
    %dma_wait3A_208 = tpu.memref_slice %arg7[%dma_wait3A_205, %dma_wait3A_206, %dma_wait3A_207] : memref<2x24x512xf32, #tpu.memory_space<vmem>> -> memref<1x24x512xf32, #tpu.memory_space<vmem>>
    %dma_wait3A_209 = tpu.memref_squeeze %dma_wait3A_208 : memref<1x24x512xf32, #tpu.memory_space<vmem>> -> memref<24x512xf32, #tpu.memory_space<vmem>>
    %dma_wait3A_210 = arith.constant 0 : i32
    %dma_wait3A_211 = tpu.memref_slice %arg4[%dma_wait3A_210, %mul3A_2] : memref<1000x16384xf32, #tpu.memory_space<hbm>> -> memref<24x512xf32, #tpu.memory_space<hbm>>
    %dma_wait3A_212 = arith.constant 0 : i32
    %dma_wait3A_213 = tpu.memref_slice %arg4[%dma_wait3A_212, %mul3A_2] : memref<1000x16384xf32, #tpu.memory_space<hbm>> -> memref<24x512xf32, #tpu.memory_space<hbm>>
    %dma_wait3A_214 = arith.constant 0 : i32
    %dma_wait3A_215 = arith.constant 0 : i32
    %dma_wait3A_216 = tpu.memref_slice %arg7[%dma_wait3A_205, %dma_wait3A_214, %dma_wait3A_215] : memref<2x24x512xf32, #tpu.memory_space<vmem>> -> memref<1x24x512xf32, #tpu.memory_space<vmem>>
    %dma_wait3A_217 = tpu.memref_squeeze %dma_wait3A_216 : memref<1x24x512xf32, #tpu.memory_space<vmem>> -> memref<24x512xf32, #tpu.memory_space<vmem>>
    tpu.wait_dma2 semaphore(%arg10 : memref<!tpu.dma_semaphore, #tpu.memory_space<semaphore_mem>>) src(%dma_wait3A_217 : memref<24x512xf32, #tpu.memory_space<vmem>>) dst(%dma_wait3A_213 : memref<24x512xf32, #tpu.memory_space<hbm>>)
    %dma_start3A_218 = arith.constant 0 : i32
    %dma_start3A_219 = arith.constant 0 : i32
    %dma_start3A_220 = arith.constant 0 : i32
    %dma_start3A_221 = tpu.memref_slice %arg6[%dma_start3A_218, %dma_start3A_219, %dma_start3A_220] : memref<2x96x512xf32, #tpu.memory_space<vmem>> -> memref<1x96x512xf32, #tpu.memory_space<vmem>>
    %dma_start3A_222 = tpu.memref_squeeze %dma_start3A_221 : memref<1x96x512xf32, #tpu.memory_space<vmem>> -> memref<96x512xf32, #tpu.memory_space<vmem>>
    %dma_start3A_223 = arith.constant 0 : i32
    %dma_start3A_224 = arith.constant 0 : i32
    %dma_start3A_225 = tpu.memref_slice %dma_start3A_222[%dma_start3A_223, %dma_start3A_224] : memref<96x512xf32, #tpu.memory_space<vmem>> -> memref<16x512xf32, #tpu.memory_space<vmem>>
    %dma_start3A_226 = arith.constant 984 : i32
    %dma_start3A_227 = tpu.memref_slice %arg2[%dma_start3A_226, %mul3A_2] : memref<4000x16384xf32, #tpu.memory_space<hbm>> -> memref<16x512xf32, #tpu.memory_space<hbm>>
    %dma_start3A_228 = arith.constant 0 : i32
    %dma_start3A_229 = arith.constant 0 : i32
    %dma_start3A_230 = tpu.memref_slice %arg6[%dma_start3A_218, %dma_start3A_228, %dma_start3A_229] : memref<2x96x512xf32, #tpu.memory_space<vmem>> -> memref<1x96x512xf32, #tpu.memory_space<vmem>>
    %dma_start3A_231 = tpu.memref_squeeze %dma_start3A_230 : memref<1x96x512xf32, #tpu.memory_space<vmem>> -> memref<96x512xf32, #tpu.memory_space<vmem>>
    %dma_start3A_232 = arith.constant 0 : i32
    %dma_start3A_233 = arith.constant 0 : i32
    %dma_start3A_234 = tpu.memref_slice %dma_start3A_231[%dma_start3A_232, %dma_start3A_233] : memref<96x512xf32, #tpu.memory_space<vmem>> -> memref<16x512xf32, #tpu.memory_space<vmem>>
    %dma_start3A_235 = arith.constant 984 : i32
    %dma_start3A_236 = tpu.memref_slice %arg2[%dma_start3A_235, %mul3A_2] : memref<4000x16384xf32, #tpu.memory_space<hbm>> -> memref<16x512xf32, #tpu.memory_space<hbm>>
    tpu.enqueue_dma source(%dma_start3A_236 : memref<16x512xf32, #tpu.memory_space<hbm>>) target(%dma_start3A_234 : memref<16x512xf32, #tpu.memory_space<vmem>>) target_semaphore(%arg8 : memref<!tpu.dma_semaphore, #tpu.memory_space<semaphore_mem>>)
    %dma_start3A_237 = arith.constant 0 : i32
    %dma_start3A_238 = arith.constant 0 : i32
    %dma_start3A_239 = arith.constant 0 : i32
    %dma_start3A_240 = tpu.memref_slice %arg6[%dma_start3A_237, %dma_start3A_238, %dma_start3A_239] : memref<2x96x512xf32, #tpu.memory_space<vmem>> -> memref<1x96x512xf32, #tpu.memory_space<vmem>>
    %dma_start3A_241 = tpu.memref_squeeze %dma_start3A_240 : memref<1x96x512xf32, #tpu.memory_space<vmem>> -> memref<96x512xf32, #tpu.memory_space<vmem>>
    %dma_start3A_242 = arith.constant 24 : i32
    %dma_start3A_243 = arith.constant 0 : i32
    %dma_start3A_244 = tpu.memref_slice %dma_start3A_241[%dma_start3A_242, %dma_start3A_243] : memref<96x512xf32, #tpu.memory_space<vmem>> -> memref<16x512xf32, #tpu.memory_space<vmem>>
    %dma_start3A_245 = arith.constant 1984 : i32
    %dma_start3A_246 = tpu.memref_slice %arg2[%dma_start3A_245, %mul3A_2] : memref<4000x16384xf32, #tpu.memory_space<hbm>> -> memref<16x512xf32, #tpu.memory_space<hbm>>
    %dma_start3A_247 = arith.constant 0 : i32
    %dma_start3A_248 = arith.constant 0 : i32
    %dma_start3A_249 = tpu.memref_slice %arg6[%dma_start3A_237, %dma_start3A_247, %dma_start3A_248] : memref<2x96x512xf32, #tpu.memory_space<vmem>> -> memref<1x96x512xf32, #tpu.memory_space<vmem>>
    %dma_start3A_250 = tpu.memref_squeeze %dma_start3A_249 : memref<1x96x512xf32, #tpu.memory_space<vmem>> -> memref<96x512xf32, #tpu.memory_space<vmem>>
    %dma_start3A_251 = arith.constant 24 : i32
    %dma_start3A_252 = arith.constant 0 : i32
    %dma_start3A_253 = tpu.memref_slice %dma_start3A_250[%dma_start3A_251, %dma_start3A_252] : memref<96x512xf32, #tpu.memory_space<vmem>> -> memref<16x512xf32, #tpu.memory_space<vmem>>
    %dma_start3A_254 = arith.constant 1984 : i32
    %dma_start3A_255 = tpu.memref_slice %arg2[%dma_start3A_254, %mul3A_2] : memref<4000x16384xf32, #tpu.memory_space<hbm>> -> memref<16x512xf32, #tpu.memory_space<hbm>>
    tpu.enqueue_dma source(%dma_start3A_255 : memref<16x512xf32, #tpu.memory_space<hbm>>) target(%dma_start3A_253 : memref<16x512xf32, #tpu.memory_space<vmem>>) target_semaphore(%arg8 : memref<!tpu.dma_semaphore, #tpu.memory_space<semaphore_mem>>)
    %dma_start3A_256 = arith.constant 0 : i32
    %dma_start3A_257 = arith.constant 0 : i32
    %dma_start3A_258 = arith.constant 0 : i32
    %dma_start3A_259 = tpu.memref_slice %arg6[%dma_start3A_256, %dma_start3A_257, %dma_start3A_258] : memref<2x96x512xf32, #tpu.memory_space<vmem>> -> memref<1x96x512xf32, #tpu.memory_space<vmem>>
    %dma_start3A_260 = tpu.memref_squeeze %dma_start3A_259 : memref<1x96x512xf32, #tpu.memory_space<vmem>> -> memref<96x512xf32, #tpu.memory_space<vmem>>
    %dma_start3A_261 = arith.constant 48 : i32
    %dma_start3A_262 = arith.constant 0 : i32
    %dma_start3A_263 = tpu.memref_slice %dma_start3A_260[%dma_start3A_261, %dma_start3A_262] : memref<96x512xf32, #tpu.memory_space<vmem>> -> memref<16x512xf32, #tpu.memory_space<vmem>>
    %dma_start3A_264 = arith.constant 2984 : i32
    %dma_start3A_265 = tpu.memref_slice %arg2[%dma_start3A_264, %mul3A_2] : memref<4000x16384xf32, #tpu.memory_space<hbm>> -> memref<16x512xf32, #tpu.memory_space<hbm>>
    %dma_start3A_266 = arith.constant 0 : i32
    %dma_start3A_267 = arith.constant 0 : i32
    %dma_start3A_268 = tpu.memref_slice %arg6[%dma_start3A_256, %dma_start3A_266, %dma_start3A_267] : memref<2x96x512xf32, #tpu.memory_space<vmem>> -> memref<1x96x512xf32, #tpu.memory_space<vmem>>
    %dma_start3A_269 = tpu.memref_squeeze %dma_start3A_268 : memref<1x96x512xf32, #tpu.memory_space<vmem>> -> memref<96x512xf32, #tpu.memory_space<vmem>>
    %dma_start3A_270 = arith.constant 48 : i32
    %dma_start3A_271 = arith.constant 0 : i32
    %dma_start3A_272 = tpu.memref_slice %dma_start3A_269[%dma_start3A_270, %dma_start3A_271] : memref<96x512xf32, #tpu.memory_space<vmem>> -> memref<16x512xf32, #tpu.memory_space<vmem>>
    %dma_start3A_273 = arith.constant 2984 : i32
    %dma_start3A_274 = tpu.memref_slice %arg2[%dma_start3A_273, %mul3A_2] : memref<4000x16384xf32, #tpu.memory_space<hbm>> -> memref<16x512xf32, #tpu.memory_space<hbm>>
    tpu.enqueue_dma source(%dma_start3A_274 : memref<16x512xf32, #tpu.memory_space<hbm>>) target(%dma_start3A_272 : memref<16x512xf32, #tpu.memory_space<vmem>>) target_semaphore(%arg8 : memref<!tpu.dma_semaphore, #tpu.memory_space<semaphore_mem>>)
    %dma_start3A_275 = arith.constant 0 : i32
    %dma_start3A_276 = arith.constant 0 : i32
    %dma_start3A_277 = arith.constant 0 : i32
    %dma_start3A_278 = tpu.memref_slice %arg6[%dma_start3A_275, %dma_start3A_276, %dma_start3A_277] : memref<2x96x512xf32, #tpu.memory_space<vmem>> -> memref<1x96x512xf32, #tpu.memory_space<vmem>>
    %dma_start3A_279 = tpu.memref_squeeze %dma_start3A_278 : memref<1x96x512xf32, #tpu.memory_space<vmem>> -> memref<96x512xf32, #tpu.memory_space<vmem>>
    %dma_start3A_280 = arith.constant 72 : i32
    %dma_start3A_281 = arith.constant 0 : i32
    %dma_start3A_282 = tpu.memref_slice %dma_start3A_279[%dma_start3A_280, %dma_start3A_281] : memref<96x512xf32, #tpu.memory_space<vmem>> -> memref<16x512xf32, #tpu.memory_space<vmem>>
    %dma_start3A_283 = arith.constant 3984 : i32
    %dma_start3A_284 = tpu.memref_slice %arg2[%dma_start3A_283, %mul3A_2] : memref<4000x16384xf32, #tpu.memory_space<hbm>> -> memref<16x512xf32, #tpu.memory_space<hbm>>
    %dma_start3A_285 = arith.constant 0 : i32
    %dma_start3A_286 = arith.constant 0 : i32
    %dma_start3A_287 = tpu.memref_slice %arg6[%dma_start3A_275, %dma_start3A_285, %dma_start3A_286] : memref<2x96x512xf32, #tpu.memory_space<vmem>> -> memref<1x96x512xf32, #tpu.memory_space<vmem>>
    %dma_start3A_288 = tpu.memref_squeeze %dma_start3A_287 : memref<1x96x512xf32, #tpu.memory_space<vmem>> -> memref<96x512xf32, #tpu.memory_space<vmem>>
    %dma_start3A_289 = arith.constant 72 : i32
    %dma_start3A_290 = arith.constant 0 : i32
    %dma_start3A_291 = tpu.memref_slice %dma_start3A_288[%dma_start3A_289, %dma_start3A_290] : memref<96x512xf32, #tpu.memory_space<vmem>> -> memref<16x512xf32, #tpu.memory_space<vmem>>
    %dma_start3A_292 = arith.constant 3984 : i32
    %dma_start3A_293 = tpu.memref_slice %arg2[%dma_start3A_292, %mul3A_2] : memref<4000x16384xf32, #tpu.memory_space<hbm>> -> memref<16x512xf32, #tpu.memory_space<hbm>>
    tpu.enqueue_dma source(%dma_start3A_293 : memref<16x512xf32, #tpu.memory_space<hbm>>) target(%dma_start3A_291 : memref<16x512xf32, #tpu.memory_space<vmem>>) target_semaphore(%arg8 : memref<!tpu.dma_semaphore, #tpu.memory_space<semaphore_mem>>)
    %dma_wait3A_294 = arith.constant 0 : i32
    %dma_wait3A_295 = arith.constant 0 : i32
    %dma_wait3A_296 = arith.constant 0 : i32
    %dma_wait3A_297 = tpu.memref_slice %arg6[%dma_wait3A_294, %dma_wait3A_295, %dma_wait3A_296] : memref<2x96x512xf32, #tpu.memory_space<vmem>> -> memref<1x96x512xf32, #tpu.memory_space<vmem>>
    %dma_wait3A_298 = tpu.memref_squeeze %dma_wait3A_297 : memref<1x96x512xf32, #tpu.memory_space<vmem>> -> memref<96x512xf32, #tpu.memory_space<vmem>>
    %dma_wait3A_299 = arith.constant 0 : i32
    %dma_wait3A_300 = arith.constant 0 : i32
    %dma_wait3A_301 = tpu.memref_slice %dma_wait3A_298[%dma_wait3A_299, %dma_wait3A_300] : memref<96x512xf32, #tpu.memory_space<vmem>> -> memref<16x512xf32, #tpu.memory_space<vmem>>
    %dma_wait3A_302 = arith.constant 984 : i32
    %dma_wait3A_303 = tpu.memref_slice %arg2[%dma_wait3A_302, %mul3A_2] : memref<4000x16384xf32, #tpu.memory_space<hbm>> -> memref<16x512xf32, #tpu.memory_space<hbm>>
    %dma_wait3A_304 = arith.constant 0 : i32
    %dma_wait3A_305 = arith.constant 0 : i32
    %dma_wait3A_306 = tpu.memref_slice %arg6[%dma_wait3A_294, %dma_wait3A_304, %dma_wait3A_305] : memref<2x96x512xf32, #tpu.memory_space<vmem>> -> memref<1x96x512xf32, #tpu.memory_space<vmem>>
    %dma_wait3A_307 = tpu.memref_squeeze %dma_wait3A_306 : memref<1x96x512xf32, #tpu.memory_space<vmem>> -> memref<96x512xf32, #tpu.memory_space<vmem>>
    %dma_wait3A_308 = arith.constant 0 : i32
    %dma_wait3A_309 = arith.constant 0 : i32
    %dma_wait3A_310 = tpu.memref_slice %dma_wait3A_307[%dma_wait3A_308, %dma_wait3A_309] : memref<96x512xf32, #tpu.memory_space<vmem>> -> memref<16x512xf32, #tpu.memory_space<vmem>>
    %dma_wait3A_311 = arith.constant 984 : i32
    %dma_wait3A_312 = tpu.memref_slice %arg2[%dma_wait3A_311, %mul3A_2] : memref<4000x16384xf32, #tpu.memory_space<hbm>> -> memref<16x512xf32, #tpu.memory_space<hbm>>
    tpu.wait_dma2 semaphore(%arg8 : memref<!tpu.dma_semaphore, #tpu.memory_space<semaphore_mem>>) src(%dma_wait3A_312 : memref<16x512xf32, #tpu.memory_space<hbm>>) dst(%dma_wait3A_310 : memref<16x512xf32, #tpu.memory_space<vmem>>)
    %dma_wait3A_313 = arith.constant 0 : i32
    %dma_wait3A_314 = arith.constant 0 : i32
    %dma_wait3A_315 = arith.constant 0 : i32
    %dma_wait3A_316 = tpu.memref_slice %arg6[%dma_wait3A_313, %dma_wait3A_314, %dma_wait3A_315] : memref<2x96x512xf32, #tpu.memory_space<vmem>> -> memref<1x96x512xf32, #tpu.memory_space<vmem>>
    %dma_wait3A_317 = tpu.memref_squeeze %dma_wait3A_316 : memref<1x96x512xf32, #tpu.memory_space<vmem>> -> memref<96x512xf32, #tpu.memory_space<vmem>>
    %dma_wait3A_318 = arith.constant 24 : i32
    %dma_wait3A_319 = arith.constant 0 : i32
    %dma_wait3A_320 = tpu.memref_slice %dma_wait3A_317[%dma_wait3A_318, %dma_wait3A_319] : memref<96x512xf32, #tpu.memory_space<vmem>> -> memref<16x512xf32, #tpu.memory_space<vmem>>
    %dma_wait3A_321 = arith.constant 1984 : i32
    %dma_wait3A_322 = tpu.memref_slice %arg2[%dma_wait3A_321, %mul3A_2] : memref<4000x16384xf32, #tpu.memory_space<hbm>> -> memref<16x512xf32, #tpu.memory_space<hbm>>
    %dma_wait3A_323 = arith.constant 0 : i32
    %dma_wait3A_324 = arith.constant 0 : i32
    %dma_wait3A_325 = tpu.memref_slice %arg6[%dma_wait3A_313, %dma_wait3A_323, %dma_wait3A_324] : memref<2x96x512xf32, #tpu.memory_space<vmem>> -> memref<1x96x512xf32, #tpu.memory_space<vmem>>
    %dma_wait3A_326 = tpu.memref_squeeze %dma_wait3A_325 : memref<1x96x512xf32, #tpu.memory_space<vmem>> -> memref<96x512xf32, #tpu.memory_space<vmem>>
    %dma_wait3A_327 = arith.constant 24 : i32
    %dma_wait3A_328 = arith.constant 0 : i32
    %dma_wait3A_329 = tpu.memref_slice %dma_wait3A_326[%dma_wait3A_327, %dma_wait3A_328] : memref<96x512xf32, #tpu.memory_space<vmem>> -> memref<16x512xf32, #tpu.memory_space<vmem>>
    %dma_wait3A_330 = arith.constant 1984 : i32
    %dma_wait3A_331 = tpu.memref_slice %arg2[%dma_wait3A_330, %mul3A_2] : memref<4000x16384xf32, #tpu.memory_space<hbm>> -> memref<16x512xf32, #tpu.memory_space<hbm>>
    tpu.wait_dma2 semaphore(%arg8 : memref<!tpu.dma_semaphore, #tpu.memory_space<semaphore_mem>>) src(%dma_wait3A_331 : memref<16x512xf32, #tpu.memory_space<hbm>>) dst(%dma_wait3A_329 : memref<16x512xf32, #tpu.memory_space<vmem>>)
    %dma_wait3A_332 = arith.constant 0 : i32
    %dma_wait3A_333 = arith.constant 0 : i32
    %dma_wait3A_334 = arith.constant 0 : i32
    %dma_wait3A_335 = tpu.memref_slice %arg6[%dma_wait3A_332, %dma_wait3A_333, %dma_wait3A_334] : memref<2x96x512xf32, #tpu.memory_space<vmem>> -> memref<1x96x512xf32, #tpu.memory_space<vmem>>
    %dma_wait3A_336 = tpu.memref_squeeze %dma_wait3A_335 : memref<1x96x512xf32, #tpu.memory_space<vmem>> -> memref<96x512xf32, #tpu.memory_space<vmem>>
    %dma_wait3A_337 = arith.constant 48 : i32
    %dma_wait3A_338 = arith.constant 0 : i32
    %dma_wait3A_339 = tpu.memref_slice %dma_wait3A_336[%dma_wait3A_337, %dma_wait3A_338] : memref<96x512xf32, #tpu.memory_space<vmem>> -> memref<16x512xf32, #tpu.memory_space<vmem>>
    %dma_wait3A_340 = arith.constant 2984 : i32
    %dma_wait3A_341 = tpu.memref_slice %arg2[%dma_wait3A_340, %mul3A_2] : memref<4000x16384xf32, #tpu.memory_space<hbm>> -> memref<16x512xf32, #tpu.memory_space<hbm>>
    %dma_wait3A_342 = arith.constant 0 : i32
    %dma_wait3A_343 = arith.constant 0 : i32
    %dma_wait3A_344 = tpu.memref_slice %arg6[%dma_wait3A_332, %dma_wait3A_342, %dma_wait3A_343] : memref<2x96x512xf32, #tpu.memory_space<vmem>> -> memref<1x96x512xf32, #tpu.memory_space<vmem>>
    %dma_wait3A_345 = tpu.memref_squeeze %dma_wait3A_344 : memref<1x96x512xf32, #tpu.memory_space<vmem>> -> memref<96x512xf32, #tpu.memory_space<vmem>>
    %dma_wait3A_346 = arith.constant 48 : i32
    %dma_wait3A_347 = arith.constant 0 : i32
    %dma_wait3A_348 = tpu.memref_slice %dma_wait3A_345[%dma_wait3A_346, %dma_wait3A_347] : memref<96x512xf32, #tpu.memory_space<vmem>> -> memref<16x512xf32, #tpu.memory_space<vmem>>
    %dma_wait3A_349 = arith.constant 2984 : i32
    %dma_wait3A_350 = tpu.memref_slice %arg2[%dma_wait3A_349, %mul3A_2] : memref<4000x16384xf32, #tpu.memory_space<hbm>> -> memref<16x512xf32, #tpu.memory_space<hbm>>
    tpu.wait_dma2 semaphore(%arg8 : memref<!tpu.dma_semaphore, #tpu.memory_space<semaphore_mem>>) src(%dma_wait3A_350 : memref<16x512xf32, #tpu.memory_space<hbm>>) dst(%dma_wait3A_348 : memref<16x512xf32, #tpu.memory_space<vmem>>)
    %dma_wait3A_351 = arith.constant 0 : i32
    %dma_wait3A_352 = arith.constant 0 : i32
    %dma_wait3A_353 = arith.constant 0 : i32
    %dma_wait3A_354 = tpu.memref_slice %arg6[%dma_wait3A_351, %dma_wait3A_352, %dma_wait3A_353] : memref<2x96x512xf32, #tpu.memory_space<vmem>> -> memref<1x96x512xf32, #tpu.memory_space<vmem>>
    %dma_wait3A_355 = tpu.memref_squeeze %dma_wait3A_354 : memref<1x96x512xf32, #tpu.memory_space<vmem>> -> memref<96x512xf32, #tpu.memory_space<vmem>>
    %dma_wait3A_356 = arith.constant 72 : i32
    %dma_wait3A_357 = arith.constant 0 : i32
    %dma_wait3A_358 = tpu.memref_slice %dma_wait3A_355[%dma_wait3A_356, %dma_wait3A_357] : memref<96x512xf32, #tpu.memory_space<vmem>> -> memref<16x512xf32, #tpu.memory_space<vmem>>
    %dma_wait3A_359 = arith.constant 3984 : i32
    %dma_wait3A_360 = tpu.memref_slice %arg2[%dma_wait3A_359, %mul3A_2] : memref<4000x16384xf32, #tpu.memory_space<hbm>> -> memref<16x512xf32, #tpu.memory_space<hbm>>
    %dma_wait3A_361 = arith.constant 0 : i32
    %dma_wait3A_362 = arith.constant 0 : i32
    %dma_wait3A_363 = tpu.memref_slice %arg6[%dma_wait3A_351, %dma_wait3A_361, %dma_wait3A_362] : memref<2x96x512xf32, #tpu.memory_space<vmem>> -> memref<1x96x512xf32, #tpu.memory_space<vmem>>
    %dma_wait3A_364 = tpu.memref_squeeze %dma_wait3A_363 : memref<1x96x512xf32, #tpu.memory_space<vmem>> -> memref<96x512xf32, #tpu.memory_space<vmem>>
    %dma_wait3A_365 = arith.constant 72 : i32
    %dma_wait3A_366 = arith.constant 0 : i32
    %dma_wait3A_367 = tpu.memref_slice %dma_wait3A_364[%dma_wait3A_365, %dma_wait3A_366] : memref<96x512xf32, #tpu.memory_space<vmem>> -> memref<16x512xf32, #tpu.memory_space<vmem>>
    %dma_wait3A_368 = arith.constant 3984 : i32
    %dma_wait3A_369 = tpu.memref_slice %arg2[%dma_wait3A_368, %mul3A_2] : memref<4000x16384xf32, #tpu.memory_space<hbm>> -> memref<16x512xf32, #tpu.memory_space<hbm>>
    tpu.wait_dma2 semaphore(%arg8 : memref<!tpu.dma_semaphore, #tpu.memory_space<semaphore_mem>>) src(%dma_wait3A_369 : memref<16x512xf32, #tpu.memory_space<hbm>>) dst(%dma_wait3A_367 : memref<16x512xf32, #tpu.memory_space<vmem>>)
    %scan3A_370 = arith.constant 0 : i32
    %scan3A_371 = arith.constant 0 : i32
    %scan3A_372 = arith.constant 32 : i32
    %scan3A_373 = arith.addi %scan3A_371, %scan3A_372 : i32
    %scan3A_374 = arith.constant 1 : i32
    %scan3A_375 = scf.for %scan3A_415 = %scan3A_371 to %scan3A_373 step %scan3A_374 iter_args(%scan3A_416 = %scan3A_370) -> (i32)  : i32 {
      %mul3A_417 = arith.constant 16 : i32
      %mul3A_418 = arith.muli %scan3A_415, %mul3A_417 : i32
      %get3A = arith.index_cast %mul3A_418 : i32 to index
      %get3A_419 = tpu.vector_load %arg5[%get3A] {strides = array<i32>} : memref<512xi32, #tpu.memory_space<vmem>>, vector<16xi32>,
      %get3A_420 = vector.shape_cast %get3A_419 : vector<16xi32> to vector<16xi32>
      %eq3A = arith.constant 1 : i32
      %eq3A_421 = vector.broadcast %eq3A : i32 to vector<16xi32>
      %eq3A_422 = arith.cmpi eq, %get3A_420, %eq3A_421 : vector<16xi32>
      %eq3A_423 = arith.constant 2 : i32
      %eq3A_424 = vector.broadcast %eq3A_423 : i32 to vector<16xi32>
      %eq3A_425 = arith.cmpi eq, %get3A_420, %eq3A_424 : vector<16xi32>
      %eq3A_426 = arith.constant 3 : i32
      %eq3A_427 = vector.broadcast %eq3A_426 : i32 to vector<16xi32>
      %eq3A_428 = arith.cmpi eq, %get3A_420, %eq3A_427 : vector<16xi32>
      %mul3A_429 = arith.constant 16 : i32
      %mul3A_430 = arith.muli %scan3A_415, %mul3A_429 : i32
      %get3A_431 = arith.constant 0 : i32
      %get3A_432 = arith.constant 0 : i32
      %get3A_433 = arith.index_cast %get3A_431 : i32 to index
      %get3A_434 = arith.index_cast %get3A_432 : i32 to index
      %get3A_435 = arith.index_cast %mul3A_430 : i32 to index
      %get3A_436 = tpu.vector_load %arg6[%get3A_433, %get3A_434, %get3A_435] {strides = array<i32>} : memref<2x96x512xf32, #tpu.memory_space<vmem>>, vector<1x1x16xf32>,
      %get3A_437 = vector.shape_cast %get3A_436 : vector<1x1x16xf32> to vector<16xf32>
      %mul3A_438 = arith.constant 16 : i32
      %mul3A_439 = arith.muli %scan3A_415, %mul3A_438 : i32
      %get3A_440 = arith.constant 0 : i32
      %get3A_441 = arith.constant 24 : i32
      %get3A_442 = arith.index_cast %get3A_440 : i32 to index
      %get3A_443 = arith.index_cast %get3A_441 : i32 to index
      %get3A_444 = arith.index_cast %mul3A_439 : i32 to index
      %get3A_445 = tpu.vector_load %arg6[%get3A_442, %get3A_443, %get3A_444] {strides = array<i32>} : memref<2x96x512xf32, #tpu.memory_space<vmem>>, vector<1x1x16xf32>,
      %get3A_446 = vector.shape_cast %get3A_445 : vector<1x1x16xf32> to vector<16xf32>
      %select_n3A = arith.select %eq3A_422, %get3A_446, %get3A_437 : vector<16xi1>, vector<16xf32>
      %mul3A_447 = arith.constant 16 : i32
      %mul3A_448 = arith.muli %scan3A_415, %mul3A_447 : i32
      %get3A_449 = arith.constant 0 : i32
      %get3A_450 = arith.constant 48 : i32
      %get3A_451 = arith.index_cast %get3A_449 : i32 to index
      %get3A_452 = arith.index_cast %get3A_450 : i32 to index
      %get3A_453 = arith.index_cast %mul3A_448 : i32 to index
      %get3A_454 = tpu.vector_load %arg6[%get3A_451, %get3A_452, %get3A_453] {strides = array<i32>} : memref<2x96x512xf32, #tpu.memory_space<vmem>>, vector<1x1x16xf32>,
      %get3A_455 = vector.shape_cast %get3A_454 : vector<1x1x16xf32> to vector<16xf32>
      %select_n3A_456 = arith.select %eq3A_425, %get3A_455, %select_n3A : vector<16xi1>, vector<16xf32>
      %mul3A_457 = arith.constant 16 : i32
      %mul3A_458 = arith.muli %scan3A_415, %mul3A_457 : i32
      %get3A_459 = arith.constant 0 : i32
      %get3A_460 = arith.constant 72 : i32
      %get3A_461 = arith.index_cast %get3A_459 : i32 to index
      %get3A_462 = arith.index_cast %get3A_460 : i32 to index
      %get3A_463 = arith.index_cast %mul3A_458 : i32 to index
      %get3A_464 = tpu.vector_load %arg6[%get3A_461, %get3A_462, %get3A_463] {strides = array<i32>} : memref<2x96x512xf32, #tpu.memory_space<vmem>>, vector<1x1x16xf32>,
      %get3A_465 = vector.shape_cast %get3A_464 : vector<1x1x16xf32> to vector<16xf32>
      %select_n3A_466 = arith.select %eq3A_428, %get3A_465, %select_n3A_456 : vector<16xi1>, vector<16xf32>
      %mul3A_467 = arith.constant 16 : i32
      %mul3A_468 = arith.muli %scan3A_415, %mul3A_467 : i32
      %swap3A = arith.constant 0 : i32
      %swap3A_469 = arith.constant 0 : i32
      %swap3A_470 = arith.index_cast %swap3A : i32 to index
      %swap3A_471 = arith.index_cast %swap3A_469 : i32 to index
      %swap3A_472 = arith.index_cast %mul3A_468 : i32 to index
      %swap3A_473 = tpu.vector_load %arg7[%swap3A_470, %swap3A_471, %swap3A_472] {strides = array<i32>} : memref<2x24x512xf32, #tpu.memory_space<vmem>>, vector<1x1x16xf32>,
      %swap3A_474 = vector.shape_cast %swap3A_473 : vector<1x1x16xf32> to vector<16xf32>
      %swap3A_475 = vector.shape_cast %select_n3A_466 : vector<16xf32> to vector<1x1x16xf32>
      tpu.vector_store %arg7[%swap3A_470, %swap3A_471, %swap3A_472], %swap3A_475 {strides = array<i32>} : memref<2x24x512xf32, #tpu.memory_space<vmem>>, vector<1x1x16xf32>,
      %mul3A_476 = arith.constant 16 : i32
      %mul3A_477 = arith.muli %scan3A_415, %mul3A_476 : i32
      %get3A_478 = arith.constant 0 : i32
      %get3A_479 = arith.constant 1 : i32
      %get3A_480 = arith.index_cast %get3A_478 : i32 to index
      %get3A_481 = arith.index_cast %get3A_479 : i32 to index
      %get3A_482 = arith.index_cast %mul3A_477 : i32 to index
      %get3A_483 = tpu.vector_load %arg6[%get3A_480, %get3A_481, %get3A_482] {strides = array<i32>} : memref<2x96x512xf32, #tpu.memory_space<vmem>>, vector<1x1x16xf32>,
      %get3A_484 = vector.shape_cast %get3A_483 : vector<1x1x16xf32> to vector<16xf32>
      %mul3A_485 = arith.constant 16 : i32
      %mul3A_486 = arith.muli %scan3A_415, %mul3A_485 : i32
      %get3A_487 = arith.constant 0 : i32
      %get3A_488 = arith.constant 25 : i32
      %get3A_489 = arith.index_cast %get3A_487 : i32 to index
      %get3A_490 = arith.index_cast %get3A_488 : i32 to index
      %get3A_491 = arith.index_cast %mul3A_486 : i32 to index
      %get3A_492 = tpu.vector_load %arg6[%get3A_489, %get3A_490, %get3A_491] {strides = array<i32>} : memref<2x96x512xf32, #tpu.memory_space<vmem>>, vector<1x1x16xf32>,
      %get3A_493 = vector.shape_cast %get3A_492 : vector<1x1x16xf32> to vector<16xf32>
      %select_n3A_494 = arith.select %eq3A_422, %get3A_493, %get3A_484 : vector<16xi1>, vector<16xf32>
      %mul3A_495 = arith.constant 16 : i32
      %mul3A_496 = arith.muli %scan3A_415, %mul3A_495 : i32
      %get3A_497 = arith.constant 0 : i32
      %get3A_498 = arith.constant 49 : i32
      %get3A_499 = arith.index_cast %get3A_497 : i32 to index
      %get3A_500 = arith.index_cast %get3A_498 : i32 to index
      %get3A_501 = arith.index_cast %mul3A_496 : i32 to index
      %get3A_502 = tpu.vector_load %arg6[%get3A_499, %get3A_500, %get3A_501] {strides = array<i32>} : memref<2x96x512xf32, #tpu.memory_space<vmem>>, vector<1x1x16xf32>,
      %get3A_503 = vector.shape_cast %get3A_502 : vector<1x1x16xf32> to vector<16xf32>
      %select_n3A_504 = arith.select %eq3A_425, %get3A_503, %select_n3A_494 : vector<16xi1>, vector<16xf32>
      %mul3A_505 = arith.constant 16 : i32
      %mul3A_506 = arith.muli %scan3A_415, %mul3A_505 : i32
      %get3A_507 = arith.constant 0 : i32
      %get3A_508 = arith.constant 73 : i32
      %get3A_509 = arith.index_cast %get3A_507 : i32 to index
      %get3A_510 = arith.index_cast %get3A_508 : i32 to index
      %get3A_511 = arith.index_cast %mul3A_506 : i32 to index
      %get3A_512 = tpu.vector_load %arg6[%get3A_509, %get3A_510, %get3A_511] {strides = array<i32>} : memref<2x96x512xf32, #tpu.memory_space<vmem>>, vector<1x1x16xf32>,
      %get3A_513 = vector.shape_cast %get3A_512 : vector<1x1x16xf32> to vector<16xf32>
      %select_n3A_514 = arith.select %eq3A_428, %get3A_513, %select_n3A_504 : vector<16xi1>, vector<16xf32>
      %mul3A_515 = arith.constant 16 : i32
      %mul3A_516 = arith.muli %scan3A_415, %mul3A_515 : i32
      %swap3A_517 = arith.constant 0 : i32
      %swap3A_518 = arith.constant 1 : i32
      %swap3A_519 = arith.index_cast %swap3A_517 : i32 to index
      %swap3A_520 = arith.index_cast %swap3A_518 : i32 to index
      %swap3A_521 = arith.index_cast %mul3A_516 : i32 to index
      %swap3A_522 = tpu.vector_load %arg7[%swap3A_519, %swap3A_520, %swap3A_521] {strides = array<i32>} : memref<2x24x512xf32, #tpu.memory_space<vmem>>, vector<1x1x16xf32>,
      %swap3A_523 = vector.shape_cast %swap3A_522 : vector<1x1x16xf32> to vector<16xf32>
      %swap3A_524 = vector.shape_cast %select_n3A_514 : vector<16xf32> to vector<1x1x16xf32>
      tpu.vector_store %arg7[%swap3A_519, %swap3A_520, %swap3A_521], %swap3A_524 {strides = array<i32>} : memref<2x24x512xf32, #tpu.memory_space<vmem>>, vector<1x1x16xf32>,
      %mul3A_525 = arith.constant 16 : i32
      %mul3A_526 = arith.muli %scan3A_415, %mul3A_525 : i32
      %get3A_527 = arith.constant 0 : i32
      %get3A_528 = arith.constant 2 : i32
      %get3A_529 = arith.index_cast %get3A_527 : i32 to index
      %get3A_530 = arith.index_cast %get3A_528 : i32 to index
      %get3A_531 = arith.index_cast %mul3A_526 : i32 to index
      %get3A_532 = tpu.vector_load %arg6[%get3A_529, %get3A_530, %get3A_531] {strides = array<i32>} : memref<2x96x512xf32, #tpu.memory_space<vmem>>, vector<1x1x16xf32>,
      %get3A_533 = vector.shape_cast %get3A_532 : vector<1x1x16xf32> to vector<16xf32>
      %mul3A_534 = arith.constant 16 : i32
      %mul3A_535 = arith.muli %scan3A_415, %mul3A_534 : i32
      %get3A_536 = arith.constant 0 : i32
      %get3A_537 = arith.constant 26 : i32
      %get3A_538 = arith.index_cast %get3A_536 : i32 to index
      %get3A_539 = arith.index_cast %get3A_537 : i32 to index
      %get3A_540 = arith.index_cast %mul3A_535 : i32 to index
      %get3A_541 = tpu.vector_load %arg6[%get3A_538, %get3A_539, %get3A_540] {strides = array<i32>} : memref<2x96x512xf32, #tpu.memory_space<vmem>>, vector<1x1x16xf32>,
      %get3A_542 = vector.shape_cast %get3A_541 : vector<1x1x16xf32> to vector<16xf32>
      %select_n3A_543 = arith.select %eq3A_422, %get3A_542, %get3A_533 : vector<16xi1>, vector<16xf32>
      %mul3A_544 = arith.constant 16 : i32
      %mul3A_545 = arith.muli %scan3A_415, %mul3A_544 : i32
      %get3A_546 = arith.constant 0 : i32
      %get3A_547 = arith.constant 50 : i32
      %get3A_548 = arith.index_cast %get3A_546 : i32 to index
      %get3A_549 = arith.index_cast %get3A_547 : i32 to index
      %get3A_550 = arith.index_cast %mul3A_545 : i32 to index
      %get3A_551 = tpu.vector_load %arg6[%get3A_548, %get3A_549, %get3A_550] {strides = array<i32>} : memref<2x96x512xf32, #tpu.memory_space<vmem>>, vector<1x1x16xf32>,
      %get3A_552 = vector.shape_cast %get3A_551 : vector<1x1x16xf32> to vector<16xf32>
      %select_n3A_553 = arith.select %eq3A_425, %get3A_552, %select_n3A_543 : vector<16xi1>, vector<16xf32>
      %mul3A_554 = arith.constant 16 : i32
      %mul3A_555 = arith.muli %scan3A_415, %mul3A_554 : i32
      %get3A_556 = arith.constant 0 : i32
      %get3A_557 = arith.constant 74 : i32
      %get3A_558 = arith.index_cast %get3A_556 : i32 to index
      %get3A_559 = arith.index_cast %get3A_557 : i32 to index
      %get3A_560 = arith.index_cast %mul3A_555 : i32 to index
      %get3A_561 = tpu.vector_load %arg6[%get3A_558, %get3A_559, %get3A_560] {strides = array<i32>} : memref<2x96x512xf32, #tpu.memory_space<vmem>>, vector<1x1x16xf32>,
      %get3A_562 = vector.shape_cast %get3A_561 : vector<1x1x16xf32> to vector<16xf32>
      %select_n3A_563 = arith.select %eq3A_428, %get3A_562, %select_n3A_553 : vector<16xi1>, vector<16xf32>
      %mul3A_564 = arith.constant 16 : i32
      %mul3A_565 = arith.muli %scan3A_415, %mul3A_564 : i32
      %swap3A_566 = arith.constant 0 : i32
      %swap3A_567 = arith.constant 2 : i32
      %swap3A_568 = arith.index_cast %swap3A_566 : i32 to index
      %swap3A_569 = arith.index_cast %swap3A_567 : i32 to index
      %swap3A_570 = arith.index_cast %mul3A_565 : i32 to index
      %swap3A_571 = tpu.vector_load %arg7[%swap3A_568, %swap3A_569, %swap3A_570] {strides = array<i32>} : memref<2x24x512xf32, #tpu.memory_space<vmem>>, vector<1x1x16xf32>,
      %swap3A_572 = vector.shape_cast %swap3A_571 : vector<1x1x16xf32> to vector<16xf32>
      %swap3A_573 = vector.shape_cast %select_n3A_563 : vector<16xf32> to vector<1x1x16xf32>
      tpu.vector_store %arg7[%swap3A_568, %swap3A_569, %swap3A_570], %swap3A_573 {strides = array<i32>} : memref<2x24x512xf32, #tpu.memory_space<vmem>>, vector<1x1x16xf32>,
      %mul3A_574 = arith.constant 16 : i32
      %mul3A_575 = arith.muli %scan3A_415, %mul3A_574 : i32
      %get3A_576 = arith.constant 0 : i32
      %get3A_577 = arith.constant 3 : i32
      %get3A_578 = arith.index_cast %get3A_576 : i32 to index
      %get3A_579 = arith.index_cast %get3A_577 : i32 to index
      %get3A_580 = arith.index_cast %mul3A_575 : i32 to index
      %get3A_581 = tpu.vector_load %arg6[%get3A_578, %get3A_579, %get3A_580] {strides = array<i32>} : memref<2x96x512xf32, #tpu.memory_space<vmem>>, vector<1x1x16xf32>,
      %get3A_582 = vector.shape_cast %get3A_581 : vector<1x1x16xf32> to vector<16xf32>
      %mul3A_583 = arith.constant 16 : i32
      %mul3A_584 = arith.muli %scan3A_415, %mul3A_583 : i32
      %get3A_585 = arith.constant 0 : i32
      %get3A_586 = arith.constant 27 : i32
      %get3A_587 = arith.index_cast %get3A_585 : i32 to index
      %get3A_588 = arith.index_cast %get3A_586 : i32 to index
      %get3A_589 = arith.index_cast %mul3A_584 : i32 to index
      %get3A_590 = tpu.vector_load %arg6[%get3A_587, %get3A_588, %get3A_589] {strides = array<i32>} : memref<2x96x512xf32, #tpu.memory_space<vmem>>, vector<1x1x16xf32>,
      %get3A_591 = vector.shape_cast %get3A_590 : vector<1x1x16xf32> to vector<16xf32>
      %select_n3A_592 = arith.select %eq3A_422, %get3A_591, %get3A_582 : vector<16xi1>, vector<16xf32>
      %mul3A_593 = arith.constant 16 : i32
      %mul3A_594 = arith.muli %scan3A_415, %mul3A_593 : i32
      %get3A_595 = arith.constant 0 : i32
      %get3A_596 = arith.constant 51 : i32
      %get3A_597 = arith.index_cast %get3A_595 : i32 to index
      %get3A_598 = arith.index_cast %get3A_596 : i32 to index
      %get3A_599 = arith.index_cast %mul3A_594 : i32 to index
      %get3A_600 = tpu.vector_load %arg6[%get3A_597, %get3A_598, %get3A_599] {strides = array<i32>} : memref<2x96x512xf32, #tpu.memory_space<vmem>>, vector<1x1x16xf32>,
      %get3A_601 = vector.shape_cast %get3A_600 : vector<1x1x16xf32> to vector<16xf32>
      %select_n3A_602 = arith.select %eq3A_425, %get3A_601, %select_n3A_592 : vector<16xi1>, vector<16xf32>
      %mul3A_603 = arith.constant 16 : i32
      %mul3A_604 = arith.muli %scan3A_415, %mul3A_603 : i32
      %get3A_605 = arith.constant 0 : i32
      %get3A_606 = arith.constant 75 : i32
      %get3A_607 = arith.index_cast %get3A_605 : i32 to index
      %get3A_608 = arith.index_cast %get3A_606 : i32 to index
      %get3A_609 = arith.index_cast %mul3A_604 : i32 to index
      %get3A_610 = tpu.vector_load %arg6[%get3A_607, %get3A_608, %get3A_609] {strides = array<i32>} : memref<2x96x512xf32, #tpu.memory_space<vmem>>, vector<1x1x16xf32>,
      %get3A_611 = vector.shape_cast %get3A_610 : vector<1x1x16xf32> to vector<16xf32>
      %select_n3A_612 = arith.select %eq3A_428, %get3A_611, %select_n3A_602 : vector<16xi1>, vector<16xf32>
      %mul3A_613 = arith.constant 16 : i32
      %mul3A_614 = arith.muli %scan3A_415, %mul3A_613 : i32
      %swap3A_615 = arith.constant 0 : i32
      %swap3A_616 = arith.constant 3 : i32
      %swap3A_617 = arith.index_cast %swap3A_615 : i32 to index
      %swap3A_618 = arith.index_cast %swap3A_616 : i32 to index
      %swap3A_619 = arith.index_cast %mul3A_614 : i32 to index
      %swap3A_620 = tpu.vector_load %arg7[%swap3A_617, %swap3A_618, %swap3A_619] {strides = array<i32>} : memref<2x24x512xf32, #tpu.memory_space<vmem>>, vector<1x1x16xf32>,
      %swap3A_621 = vector.shape_cast %swap3A_620 : vector<1x1x16xf32> to vector<16xf32>
      %swap3A_622 = vector.shape_cast %select_n3A_612 : vector<16xf32> to vector<1x1x16xf32>
      tpu.vector_store %arg7[%swap3A_617, %swap3A_618, %swap3A_619], %swap3A_622 {strides = array<i32>} : memref<2x24x512xf32, #tpu.memory_space<vmem>>, vector<1x1x16xf32>,
      %mul3A_623 = arith.constant 16 : i32
      %mul3A_624 = arith.muli %scan3A_415, %mul3A_623 : i32
      %get3A_625 = arith.constant 0 : i32
      %get3A_626 = arith.constant 4 : i32
      %get3A_627 = arith.index_cast %get3A_625 : i32 to index
      %get3A_628 = arith.index_cast %get3A_626 : i32 to index
      %get3A_629 = arith.index_cast %mul3A_624 : i32 to index
      %get3A_630 = tpu.vector_load %arg6[%get3A_627, %get3A_628, %get3A_629] {strides = array<i32>} : memref<2x96x512xf32, #tpu.memory_space<vmem>>, vector<1x1x16xf32>,
      %get3A_631 = vector.shape_cast %get3A_630 : vector<1x1x16xf32> to vector<16xf32>
      %mul3A_632 = arith.constant 16 : i32
      %mul3A_633 = arith.muli %scan3A_415, %mul3A_632 : i32
      %get3A_634 = arith.constant 0 : i32
      %get3A_635 = arith.constant 28 : i32
      %get3A_636 = arith.index_cast %get3A_634 : i32 to index
      %get3A_637 = arith.index_cast %get3A_635 : i32 to index
      %get3A_638 = arith.index_cast %mul3A_633 : i32 to index
      %get3A_639 = tpu.vector_load %arg6[%get3A_636, %get3A_637, %get3A_638] {strides = array<i32>} : memref<2x96x512xf32, #tpu.memory_space<vmem>>, vector<1x1x16xf32>,
      %get3A_640 = vector.shape_cast %get3A_639 : vector<1x1x16xf32> to vector<16xf32>
      %select_n3A_641 = arith.select %eq3A_422, %get3A_640, %get3A_631 : vector<16xi1>, vector<16xf32>
      %mul3A_642 = arith.constant 16 : i32
      %mul3A_643 = arith.muli %scan3A_415, %mul3A_642 : i32
      %get3A_644 = arith.constant 0 : i32
      %get3A_645 = arith.constant 52 : i32
      %get3A_646 = arith.index_cast %get3A_644 : i32 to index
      %get3A_647 = arith.index_cast %get3A_645 : i32 to index
      %get3A_648 = arith.index_cast %mul3A_643 : i32 to index
      %get3A_649 = tpu.vector_load %arg6[%get3A_646, %get3A_647, %get3A_648] {strides = array<i32>} : memref<2x96x512xf32, #tpu.memory_space<vmem>>, vector<1x1x16xf32>,
      %get3A_650 = vector.shape_cast %get3A_649 : vector<1x1x16xf32> to vector<16xf32>
      %select_n3A_651 = arith.select %eq3A_425, %get3A_650, %select_n3A_641 : vector<16xi1>, vector<16xf32>
      %mul3A_652 = arith.constant 16 : i32
      %mul3A_653 = arith.muli %scan3A_415, %mul3A_652 : i32
      %get3A_654 = arith.constant 0 : i32
      %get3A_655 = arith.constant 76 : i32
      %get3A_656 = arith.index_cast %get3A_654 : i32 to index
      %get3A_657 = arith.index_cast %get3A_655 : i32 to index
      %get3A_658 = arith.index_cast %mul3A_653 : i32 to index
      %get3A_659 = tpu.vector_load %arg6[%get3A_656, %get3A_657, %get3A_658] {strides = array<i32>} : memref<2x96x512xf32, #tpu.memory_space<vmem>>, vector<1x1x16xf32>,
      %get3A_660 = vector.shape_cast %get3A_659 : vector<1x1x16xf32> to vector<16xf32>
      %select_n3A_661 = arith.select %eq3A_428, %get3A_660, %select_n3A_651 : vector<16xi1>, vector<16xf32>
      %mul3A_662 = arith.constant 16 : i32
      %mul3A_663 = arith.muli %scan3A_415, %mul3A_662 : i32
      %swap3A_664 = arith.constant 0 : i32
      %swap3A_665 = arith.constant 4 : i32
      %swap3A_666 = arith.index_cast %swap3A_664 : i32 to index
      %swap3A_667 = arith.index_cast %swap3A_665 : i32 to index
      %swap3A_668 = arith.index_cast %mul3A_663 : i32 to index
      %swap3A_669 = tpu.vector_load %arg7[%swap3A_666, %swap3A_667, %swap3A_668] {strides = array<i32>} : memref<2x24x512xf32, #tpu.memory_space<vmem>>, vector<1x1x16xf32>,
      %swap3A_670 = vector.shape_cast %swap3A_669 : vector<1x1x16xf32> to vector<16xf32>
      %swap3A_671 = vector.shape_cast %select_n3A_661 : vector<16xf32> to vector<1x1x16xf32>
      tpu.vector_store %arg7[%swap3A_666, %swap3A_667, %swap3A_668], %swap3A_671 {strides = array<i32>} : memref<2x24x512xf32, #tpu.memory_space<vmem>>, vector<1x1x16xf32>,
      %mul3A_672 = arith.constant 16 : i32
      %mul3A_673 = arith.muli %scan3A_415, %mul3A_672 : i32
      %get3A_674 = arith.constant 0 : i32
      %get3A_675 = arith.constant 5 : i32
      %get3A_676 = arith.index_cast %get3A_674 : i32 to index
      %get3A_677 = arith.index_cast %get3A_675 : i32 to index
      %get3A_678 = arith.index_cast %mul3A_673 : i32 to index
      %get3A_679 = tpu.vector_load %arg6[%get3A_676, %get3A_677, %get3A_678] {strides = array<i32>} : memref<2x96x512xf32, #tpu.memory_space<vmem>>, vector<1x1x16xf32>,
      %get3A_680 = vector.shape_cast %get3A_679 : vector<1x1x16xf32> to vector<16xf32>
      %mul3A_681 = arith.constant 16 : i32
      %mul3A_682 = arith.muli %scan3A_415, %mul3A_681 : i32
      %get3A_683 = arith.constant 0 : i32
      %get3A_684 = arith.constant 29 : i32
      %get3A_685 = arith.index_cast %get3A_683 : i32 to index
      %get3A_686 = arith.index_cast %get3A_684 : i32 to index
      %get3A_687 = arith.index_cast %mul3A_682 : i32 to index
      %get3A_688 = tpu.vector_load %arg6[%get3A_685, %get3A_686, %get3A_687] {strides = array<i32>} : memref<2x96x512xf32, #tpu.memory_space<vmem>>, vector<1x1x16xf32>,
      %get3A_689 = vector.shape_cast %get3A_688 : vector<1x1x16xf32> to vector<16xf32>
      %select_n3A_690 = arith.select %eq3A_422, %get3A_689, %get3A_680 : vector<16xi1>, vector<16xf32>
      %mul3A_691 = arith.constant 16 : i32
      %mul3A_692 = arith.muli %scan3A_415, %mul3A_691 : i32
      %get3A_693 = arith.constant 0 : i32
      %get3A_694 = arith.constant 53 : i32
      %get3A_695 = arith.index_cast %get3A_693 : i32 to index
      %get3A_696 = arith.index_cast %get3A_694 : i32 to index
      %get3A_697 = arith.index_cast %mul3A_692 : i32 to index
      %get3A_698 = tpu.vector_load %arg6[%get3A_695, %get3A_696, %get3A_697] {strides = array<i32>} : memref<2x96x512xf32, #tpu.memory_space<vmem>>, vector<1x1x16xf32>,
      %get3A_699 = vector.shape_cast %get3A_698 : vector<1x1x16xf32> to vector<16xf32>
      %select_n3A_700 = arith.select %eq3A_425, %get3A_699, %select_n3A_690 : vector<16xi1>, vector<16xf32>
      %mul3A_701 = arith.constant 16 : i32
      %mul3A_702 = arith.muli %scan3A_415, %mul3A_701 : i32
      %get3A_703 = arith.constant 0 : i32
      %get3A_704 = arith.constant 77 : i32
      %get3A_705 = arith.index_cast %get3A_703 : i32 to index
      %get3A_706 = arith.index_cast %get3A_704 : i32 to index
      %get3A_707 = arith.index_cast %mul3A_702 : i32 to index
      %get3A_708 = tpu.vector_load %arg6[%get3A_705, %get3A_706, %get3A_707] {strides = array<i32>} : memref<2x96x512xf32, #tpu.memory_space<vmem>>, vector<1x1x16xf32>,
      %get3A_709 = vector.shape_cast %get3A_708 : vector<1x1x16xf32> to vector<16xf32>
      %select_n3A_710 = arith.select %eq3A_428, %get3A_709, %select_n3A_700 : vector<16xi1>, vector<16xf32>
      %mul3A_711 = arith.constant 16 : i32
      %mul3A_712 = arith.muli %scan3A_415, %mul3A_711 : i32
      %swap3A_713 = arith.constant 0 : i32
      %swap3A_714 = arith.constant 5 : i32
      %swap3A_715 = arith.index_cast %swap3A_713 : i32 to index
      %swap3A_716 = arith.index_cast %swap3A_714 : i32 to index
      %swap3A_717 = arith.index_cast %mul3A_712 : i32 to index
      %swap3A_718 = tpu.vector_load %arg7[%swap3A_715, %swap3A_716, %swap3A_717] {strides = array<i32>} : memref<2x24x512xf32, #tpu.memory_space<vmem>>, vector<1x1x16xf32>,
      %swap3A_719 = vector.shape_cast %swap3A_718 : vector<1x1x16xf32> to vector<16xf32>
      %swap3A_720 = vector.shape_cast %select_n3A_710 : vector<16xf32> to vector<1x1x16xf32>
      tpu.vector_store %arg7[%swap3A_715, %swap3A_716, %swap3A_717], %swap3A_720 {strides = array<i32>} : memref<2x24x512xf32, #tpu.memory_space<vmem>>, vector<1x1x16xf32>,
      %mul3A_721 = arith.constant 16 : i32
      %mul3A_722 = arith.muli %scan3A_415, %mul3A_721 : i32
      %get3A_723 = arith.constant 0 : i32
      %get3A_724 = arith.constant 6 : i32
      %get3A_725 = arith.index_cast %get3A_723 : i32 to index
      %get3A_726 = arith.index_cast %get3A_724 : i32 to index
      %get3A_727 = arith.index_cast %mul3A_722 : i32 to index
      %get3A_728 = tpu.vector_load %arg6[%get3A_725, %get3A_726, %get3A_727] {strides = array<i32>} : memref<2x96x512xf32, #tpu.memory_space<vmem>>, vector<1x1x16xf32>,
      %get3A_729 = vector.shape_cast %get3A_728 : vector<1x1x16xf32> to vector<16xf32>
      %mul3A_730 = arith.constant 16 : i32
      %mul3A_731 = arith.muli %scan3A_415, %mul3A_730 : i32
      %get3A_732 = arith.constant 0 : i32
      %get3A_733 = arith.constant 30 : i32
      %get3A_734 = arith.index_cast %get3A_732 : i32 to index
      %get3A_735 = arith.index_cast %get3A_733 : i32 to index
      %get3A_736 = arith.index_cast %mul3A_731 : i32 to index
      %get3A_737 = tpu.vector_load %arg6[%get3A_734, %get3A_735, %get3A_736] {strides = array<i32>} : memref<2x96x512xf32, #tpu.memory_space<vmem>>, vector<1x1x16xf32>,
      %get3A_738 = vector.shape_cast %get3A_737 : vector<1x1x16xf32> to vector<16xf32>
      %select_n3A_739 = arith.select %eq3A_422, %get3A_738, %get3A_729 : vector<16xi1>, vector<16xf32>
      %mul3A_740 = arith.constant 16 : i32
      %mul3A_741 = arith.muli %scan3A_415, %mul3A_740 : i32
      %get3A_742 = arith.constant 0 : i32
      %get3A_743 = arith.constant 54 : i32
      %get3A_744 = arith.index_cast %get3A_742 : i32 to index
      %get3A_745 = arith.index_cast %get3A_743 : i32 to index
      %get3A_746 = arith.index_cast %mul3A_741 : i32 to index
      %get3A_747 = tpu.vector_load %arg6[%get3A_744, %get3A_745, %get3A_746] {strides = array<i32>} : memref<2x96x512xf32, #tpu.memory_space<vmem>>, vector<1x1x16xf32>,
      %get3A_748 = vector.shape_cast %get3A_747 : vector<1x1x16xf32> to vector<16xf32>
      %select_n3A_749 = arith.select %eq3A_425, %get3A_748, %select_n3A_739 : vector<16xi1>, vector<16xf32>
      %mul3A_750 = arith.constant 16 : i32
      %mul3A_751 = arith.muli %scan3A_415, %mul3A_750 : i32
      %get3A_752 = arith.constant 0 : i32
      %get3A_753 = arith.constant 78 : i32
      %get3A_754 = arith.index_cast %get3A_752 : i32 to index
      %get3A_755 = arith.index_cast %get3A_753 : i32 to index
      %get3A_756 = arith.index_cast %mul3A_751 : i32 to index
      %get3A_757 = tpu.vector_load %arg6[%get3A_754, %get3A_755, %get3A_756] {strides = array<i32>} : memref<2x96x512xf32, #tpu.memory_space<vmem>>, vector<1x1x16xf32>,
      %get3A_758 = vector.shape_cast %get3A_757 : vector<1x1x16xf32> to vector<16xf32>
      %select_n3A_759 = arith.select %eq3A_428, %get3A_758, %select_n3A_749 : vector<16xi1>, vector<16xf32>
      %mul3A_760 = arith.constant 16 : i32
      %mul3A_761 = arith.muli %scan3A_415, %mul3A_760 : i32
      %swap3A_762 = arith.constant 0 : i32
      %swap3A_763 = arith.constant 6 : i32
      %swap3A_764 = arith.index_cast %swap3A_762 : i32 to index
      %swap3A_765 = arith.index_cast %swap3A_763 : i32 to index
      %swap3A_766 = arith.index_cast %mul3A_761 : i32 to index
      %swap3A_767 = tpu.vector_load %arg7[%swap3A_764, %swap3A_765, %swap3A_766] {strides = array<i32>} : memref<2x24x512xf32, #tpu.memory_space<vmem>>, vector<1x1x16xf32>,
      %swap3A_768 = vector.shape_cast %swap3A_767 : vector<1x1x16xf32> to vector<16xf32>
      %swap3A_769 = vector.shape_cast %select_n3A_759 : vector<16xf32> to vector<1x1x16xf32>
      tpu.vector_store %arg7[%swap3A_764, %swap3A_765, %swap3A_766], %swap3A_769 {strides = array<i32>} : memref<2x24x512xf32, #tpu.memory_space<vmem>>, vector<1x1x16xf32>,
      %mul3A_770 = arith.constant 16 : i32
      %mul3A_771 = arith.muli %scan3A_415, %mul3A_770 : i32
      %get3A_772 = arith.constant 0 : i32
      %get3A_773 = arith.constant 7 : i32
      %get3A_774 = arith.index_cast %get3A_772 : i32 to index
      %get3A_775 = arith.index_cast %get3A_773 : i32 to index
      %get3A_776 = arith.index_cast %mul3A_771 : i32 to index
      %get3A_777 = tpu.vector_load %arg6[%get3A_774, %get3A_775, %get3A_776] {strides = array<i32>} : memref<2x96x512xf32, #tpu.memory_space<vmem>>, vector<1x1x16xf32>,
      %get3A_778 = vector.shape_cast %get3A_777 : vector<1x1x16xf32> to vector<16xf32>
      %mul3A_779 = arith.constant 16 : i32
      %mul3A_780 = arith.muli %scan3A_415, %mul3A_779 : i32
      %get3A_781 = arith.constant 0 : i32
      %get3A_782 = arith.constant 31 : i32
      %get3A_783 = arith.index_cast %get3A_781 : i32 to index
      %get3A_784 = arith.index_cast %get3A_782 : i32 to index
      %get3A_785 = arith.index_cast %mul3A_780 : i32 to index
      %get3A_786 = tpu.vector_load %arg6[%get3A_783, %get3A_784, %get3A_785] {strides = array<i32>} : memref<2x96x512xf32, #tpu.memory_space<vmem>>, vector<1x1x16xf32>,
      %get3A_787 = vector.shape_cast %get3A_786 : vector<1x1x16xf32> to vector<16xf32>
      %select_n3A_788 = arith.select %eq3A_422, %get3A_787, %get3A_778 : vector<16xi1>, vector<16xf32>
      %mul3A_789 = arith.constant 16 : i32
      %mul3A_790 = arith.muli %scan3A_415, %mul3A_789 : i32
      %get3A_791 = arith.constant 0 : i32
      %get3A_792 = arith.constant 55 : i32
      %get3A_793 = arith.index_cast %get3A_791 : i32 to index
      %get3A_794 = arith.index_cast %get3A_792 : i32 to index
      %get3A_795 = arith.index_cast %mul3A_790 : i32 to index
      %get3A_796 = tpu.vector_load %arg6[%get3A_793, %get3A_794, %get3A_795] {strides = array<i32>} : memref<2x96x512xf32, #tpu.memory_space<vmem>>, vector<1x1x16xf32>,
      %get3A_797 = vector.shape_cast %get3A_796 : vector<1x1x16xf32> to vector<16xf32>
      %select_n3A_798 = arith.select %eq3A_425, %get3A_797, %select_n3A_788 : vector<16xi1>, vector<16xf32>
      %mul3A_799 = arith.constant 16 : i32
      %mul3A_800 = arith.muli %scan3A_415, %mul3A_799 : i32
      %get3A_801 = arith.constant 0 : i32
      %get3A_802 = arith.constant 79 : i32
      %get3A_803 = arith.index_cast %get3A_801 : i32 to index
      %get3A_804 = arith.index_cast %get3A_802 : i32 to index
      %get3A_805 = arith.index_cast %mul3A_800 : i32 to index
      %get3A_806 = tpu.vector_load %arg6[%get3A_803, %get3A_804, %get3A_805] {strides = array<i32>} : memref<2x96x512xf32, #tpu.memory_space<vmem>>, vector<1x1x16xf32>,
      %get3A_807 = vector.shape_cast %get3A_806 : vector<1x1x16xf32> to vector<16xf32>
      %select_n3A_808 = arith.select %eq3A_428, %get3A_807, %select_n3A_798 : vector<16xi1>, vector<16xf32>
      %mul3A_809 = arith.constant 16 : i32
      %mul3A_810 = arith.muli %scan3A_415, %mul3A_809 : i32
      %swap3A_811 = arith.constant 0 : i32
      %swap3A_812 = arith.constant 7 : i32
      %swap3A_813 = arith.index_cast %swap3A_811 : i32 to index
      %swap3A_814 = arith.index_cast %swap3A_812 : i32 to index
      %swap3A_815 = arith.index_cast %mul3A_810 : i32 to index
      %swap3A_816 = tpu.vector_load %arg7[%swap3A_813, %swap3A_814, %swap3A_815] {strides = array<i32>} : memref<2x24x512xf32, #tpu.memory_space<vmem>>, vector<1x1x16xf32>,
      %swap3A_817 = vector.shape_cast %swap3A_816 : vector<1x1x16xf32> to vector<16xf32>
      %swap3A_818 = vector.shape_cast %select_n3A_808 : vector<16xf32> to vector<1x1x16xf32>
      tpu.vector_store %arg7[%swap3A_813, %swap3A_814, %swap3A_815], %swap3A_818 {strides = array<i32>} : memref<2x24x512xf32, #tpu.memory_space<vmem>>, vector<1x1x16xf32>,
      %mul3A_819 = arith.constant 16 : i32
      %mul3A_820 = arith.muli %scan3A_415, %mul3A_819 : i32
      %get3A_821 = arith.constant 0 : i32
      %get3A_822 = arith.constant 8 : i32
      %get3A_823 = arith.index_cast %get3A_821 : i32 to index
      %get3A_824 = arith.index_cast %get3A_822 : i32 to index
      %get3A_825 = arith.index_cast %mul3A_820 : i32 to index
      %get3A_826 = tpu.vector_load %arg6[%get3A_823, %get3A_824, %get3A_825] {strides = array<i32>} : memref<2x96x512xf32, #tpu.memory_space<vmem>>, vector<1x1x16xf32>,
      %get3A_827 = vector.shape_cast %get3A_826 : vector<1x1x16xf32> to vector<16xf32>
      %mul3A_828 = arith.constant 16 : i32
      %mul3A_829 = arith.muli %scan3A_415, %mul3A_828 : i32
      %get3A_830 = arith.constant 0 : i32
      %get3A_831 = arith.constant 32 : i32
      %get3A_832 = arith.index_cast %get3A_830 : i32 to index
      %get3A_833 = arith.index_cast %get3A_831 : i32 to index
      %get3A_834 = arith.index_cast %mul3A_829 : i32 to index
      %get3A_835 = tpu.vector_load %arg6[%get3A_832, %get3A_833, %get3A_834] {strides = array<i32>} : memref<2x96x512xf32, #tpu.memory_space<vmem>>, vector<1x1x16xf32>,
      %get3A_836 = vector.shape_cast %get3A_835 : vector<1x1x16xf32> to vector<16xf32>
      %select_n3A_837 = arith.select %eq3A_422, %get3A_836, %get3A_827 : vector<16xi1>, vector<16xf32>
      %mul3A_838 = arith.constant 16 : i32
      %mul3A_839 = arith.muli %scan3A_415, %mul3A_838 : i32
      %get3A_840 = arith.constant 0 : i32
      %get3A_841 = arith.constant 56 : i32
      %get3A_842 = arith.index_cast %get3A_840 : i32 to index
      %get3A_843 = arith.index_cast %get3A_841 : i32 to index
      %get3A_844 = arith.index_cast %mul3A_839 : i32 to index
      %get3A_845 = tpu.vector_load %arg6[%get3A_842, %get3A_843, %get3A_844] {strides = array<i32>} : memref<2x96x512xf32, #tpu.memory_space<vmem>>, vector<1x1x16xf32>,
      %get3A_846 = vector.shape_cast %get3A_845 : vector<1x1x16xf32> to vector<16xf32>
      %select_n3A_847 = arith.select %eq3A_425, %get3A_846, %select_n3A_837 : vector<16xi1>, vector<16xf32>
      %mul3A_848 = arith.constant 16 : i32
      %mul3A_849 = arith.muli %scan3A_415, %mul3A_848 : i32
      %get3A_850 = arith.constant 0 : i32
      %get3A_851 = arith.constant 80 : i32
      %get3A_852 = arith.index_cast %get3A_850 : i32 to index
      %get3A_853 = arith.index_cast %get3A_851 : i32 to index
      %get3A_854 = arith.index_cast %mul3A_849 : i32 to index
      %get3A_855 = tpu.vector_load %arg6[%get3A_852, %get3A_853, %get3A_854] {strides = array<i32>} : memref<2x96x512xf32, #tpu.memory_space<vmem>>, vector<1x1x16xf32>,
      %get3A_856 = vector.shape_cast %get3A_855 : vector<1x1x16xf32> to vector<16xf32>
      %select_n3A_857 = arith.select %eq3A_428, %get3A_856, %select_n3A_847 : vector<16xi1>, vector<16xf32>
      %mul3A_858 = arith.constant 16 : i32
      %mul3A_859 = arith.muli %scan3A_415, %mul3A_858 : i32
      %swap3A_860 = arith.constant 0 : i32
      %swap3A_861 = arith.constant 8 : i32
      %swap3A_862 = arith.index_cast %swap3A_860 : i32 to index
      %swap3A_863 = arith.index_cast %swap3A_861 : i32 to index
      %swap3A_864 = arith.index_cast %mul3A_859 : i32 to index
      %swap3A_865 = tpu.vector_load %arg7[%swap3A_862, %swap3A_863, %swap3A_864] {strides = array<i32>} : memref<2x24x512xf32, #tpu.memory_space<vmem>>, vector<1x1x16xf32>,
      %swap3A_866 = vector.shape_cast %swap3A_865 : vector<1x1x16xf32> to vector<16xf32>
      %swap3A_867 = vector.shape_cast %select_n3A_857 : vector<16xf32> to vector<1x1x16xf32>
      tpu.vector_store %arg7[%swap3A_862, %swap3A_863, %swap3A_864], %swap3A_867 {strides = array<i32>} : memref<2x24x512xf32, #tpu.memory_space<vmem>>, vector<1x1x16xf32>,
      %mul3A_868 = arith.constant 16 : i32
      %mul3A_869 = arith.muli %scan3A_415, %mul3A_868 : i32
      %get3A_870 = arith.constant 0 : i32
      %get3A_871 = arith.constant 9 : i32
      %get3A_872 = arith.index_cast %get3A_870 : i32 to index
      %get3A_873 = arith.index_cast %get3A_871 : i32 to index
      %get3A_874 = arith.index_cast %mul3A_869 : i32 to index
      %get3A_875 = tpu.vector_load %arg6[%get3A_872, %get3A_873, %get3A_874] {strides = array<i32>} : memref<2x96x512xf32, #tpu.memory_space<vmem>>, vector<1x1x16xf32>,
      %get3A_876 = vector.shape_cast %get3A_875 : vector<1x1x16xf32> to vector<16xf32>
      %mul3A_877 = arith.constant 16 : i32
      %mul3A_878 = arith.muli %scan3A_415, %mul3A_877 : i32
      %get3A_879 = arith.constant 0 : i32
      %get3A_880 = arith.constant 33 : i32
      %get3A_881 = arith.index_cast %get3A_879 : i32 to index
      %get3A_882 = arith.index_cast %get3A_880 : i32 to index
      %get3A_883 = arith.index_cast %mul3A_878 : i32 to index
      %get3A_884 = tpu.vector_load %arg6[%get3A_881, %get3A_882, %get3A_883] {strides = array<i32>} : memref<2x96x512xf32, #tpu.memory_space<vmem>>, vector<1x1x16xf32>,
      %get3A_885 = vector.shape_cast %get3A_884 : vector<1x1x16xf32> to vector<16xf32>
      %select_n3A_886 = arith.select %eq3A_422, %get3A_885, %get3A_876 : vector<16xi1>, vector<16xf32>
      %mul3A_887 = arith.constant 16 : i32
      %mul3A_888 = arith.muli %scan3A_415, %mul3A_887 : i32
      %get3A_889 = arith.constant 0 : i32
      %get3A_890 = arith.constant 57 : i32
      %get3A_891 = arith.index_cast %get3A_889 : i32 to index
      %get3A_892 = arith.index_cast %get3A_890 : i32 to index
      %get3A_893 = arith.index_cast %mul3A_888 : i32 to index
      %get3A_894 = tpu.vector_load %arg6[%get3A_891, %get3A_892, %get3A_893] {strides = array<i32>} : memref<2x96x512xf32, #tpu.memory_space<vmem>>, vector<1x1x16xf32>,
      %get3A_895 = vector.shape_cast %get3A_894 : vector<1x1x16xf32> to vector<16xf32>
      %select_n3A_896 = arith.select %eq3A_425, %get3A_895, %select_n3A_886 : vector<16xi1>, vector<16xf32>
      %mul3A_897 = arith.constant 16 : i32
      %mul3A_898 = arith.muli %scan3A_415, %mul3A_897 : i32
      %get3A_899 = arith.constant 0 : i32
      %get3A_900 = arith.constant 81 : i32
      %get3A_901 = arith.index_cast %get3A_899 : i32 to index
      %get3A_902 = arith.index_cast %get3A_900 : i32 to index
      %get3A_903 = arith.index_cast %mul3A_898 : i32 to index
      %get3A_904 = tpu.vector_load %arg6[%get3A_901, %get3A_902, %get3A_903] {strides = array<i32>} : memref<2x96x512xf32, #tpu.memory_space<vmem>>, vector<1x1x16xf32>,
      %get3A_905 = vector.shape_cast %get3A_904 : vector<1x1x16xf32> to vector<16xf32>
      %select_n3A_906 = arith.select %eq3A_428, %get3A_905, %select_n3A_896 : vector<16xi1>, vector<16xf32>
      %mul3A_907 = arith.constant 16 : i32
      %mul3A_908 = arith.muli %scan3A_415, %mul3A_907 : i32
      %swap3A_909 = arith.constant 0 : i32
      %swap3A_910 = arith.constant 9 : i32
      %swap3A_911 = arith.index_cast %swap3A_909 : i32 to index
      %swap3A_912 = arith.index_cast %swap3A_910 : i32 to index
      %swap3A_913 = arith.index_cast %mul3A_908 : i32 to index
      %swap3A_914 = tpu.vector_load %arg7[%swap3A_911, %swap3A_912, %swap3A_913] {strides = array<i32>} : memref<2x24x512xf32, #tpu.memory_space<vmem>>, vector<1x1x16xf32>,
      %swap3A_915 = vector.shape_cast %swap3A_914 : vector<1x1x16xf32> to vector<16xf32>
      %swap3A_916 = vector.shape_cast %select_n3A_906 : vector<16xf32> to vector<1x1x16xf32>
      tpu.vector_store %arg7[%swap3A_911, %swap3A_912, %swap3A_913], %swap3A_916 {strides = array<i32>} : memref<2x24x512xf32, #tpu.memory_space<vmem>>, vector<1x1x16xf32>,
      %mul3A_917 = arith.constant 16 : i32
      %mul3A_918 = arith.muli %scan3A_415, %mul3A_917 : i32
      %get3A_919 = arith.constant 0 : i32
      %get3A_920 = arith.constant 10 : i32
      %get3A_921 = arith.index_cast %get3A_919 : i32 to index
      %get3A_922 = arith.index_cast %get3A_920 : i32 to index
      %get3A_923 = arith.index_cast %mul3A_918 : i32 to index
      %get3A_924 = tpu.vector_load %arg6[%get3A_921, %get3A_922, %get3A_923] {strides = array<i32>} : memref<2x96x512xf32, #tpu.memory_space<vmem>>, vector<1x1x16xf32>,
      %get3A_925 = vector.shape_cast %get3A_924 : vector<1x1x16xf32> to vector<16xf32>
      %mul3A_926 = arith.constant 16 : i32
      %mul3A_927 = arith.muli %scan3A_415, %mul3A_926 : i32
      %get3A_928 = arith.constant 0 : i32
      %get3A_929 = arith.constant 34 : i32
      %get3A_930 = arith.index_cast %get3A_928 : i32 to index
      %get3A_931 = arith.index_cast %get3A_929 : i32 to index
      %get3A_932 = arith.index_cast %mul3A_927 : i32 to index
      %get3A_933 = tpu.vector_load %arg6[%get3A_930, %get3A_931, %get3A_932] {strides = array<i32>} : memref<2x96x512xf32, #tpu.memory_space<vmem>>, vector<1x1x16xf32>,
      %get3A_934 = vector.shape_cast %get3A_933 : vector<1x1x16xf32> to vector<16xf32>
      %select_n3A_935 = arith.select %eq3A_422, %get3A_934, %get3A_925 : vector<16xi1>, vector<16xf32>
      %mul3A_936 = arith.constant 16 : i32
      %mul3A_937 = arith.muli %scan3A_415, %mul3A_936 : i32
      %get3A_938 = arith.constant 0 : i32
      %get3A_939 = arith.constant 58 : i32
      %get3A_940 = arith.index_cast %get3A_938 : i32 to index
      %get3A_941 = arith.index_cast %get3A_939 : i32 to index
      %get3A_942 = arith.index_cast %mul3A_937 : i32 to index
      %get3A_943 = tpu.vector_load %arg6[%get3A_940, %get3A_941, %get3A_942] {strides = array<i32>} : memref<2x96x512xf32, #tpu.memory_space<vmem>>, vector<1x1x16xf32>,
      %get3A_944 = vector.shape_cast %get3A_943 : vector<1x1x16xf32> to vector<16xf32>
      %select_n3A_945 = arith.select %eq3A_425, %get3A_944, %select_n3A_935 : vector<16xi1>, vector<16xf32>
      %mul3A_946 = arith.constant 16 : i32
      %mul3A_947 = arith.muli %scan3A_415, %mul3A_946 : i32
      %get3A_948 = arith.constant 0 : i32
      %get3A_949 = arith.constant 82 : i32
      %get3A_950 = arith.index_cast %get3A_948 : i32 to index
      %get3A_951 = arith.index_cast %get3A_949 : i32 to index
      %get3A_952 = arith.index_cast %mul3A_947 : i32 to index
      %get3A_953 = tpu.vector_load %arg6[%get3A_950, %get3A_951, %get3A_952] {strides = array<i32>} : memref<2x96x512xf32, #tpu.memory_space<vmem>>, vector<1x1x16xf32>,
      %get3A_954 = vector.shape_cast %get3A_953 : vector<1x1x16xf32> to vector<16xf32>
      %select_n3A_955 = arith.select %eq3A_428, %get3A_954, %select_n3A_945 : vector<16xi1>, vector<16xf32>
      %mul3A_956 = arith.constant 16 : i32
      %mul3A_957 = arith.muli %scan3A_415, %mul3A_956 : i32
      %swap3A_958 = arith.constant 0 : i32
      %swap3A_959 = arith.constant 10 : i32
      %swap3A_960 = arith.index_cast %swap3A_958 : i32 to index
      %swap3A_961 = arith.index_cast %swap3A_959 : i32 to index
      %swap3A_962 = arith.index_cast %mul3A_957 : i32 to index
      %swap3A_963 = tpu.vector_load %arg7[%swap3A_960, %swap3A_961, %swap3A_962] {strides = array<i32>} : memref<2x24x512xf32, #tpu.memory_space<vmem>>, vector<1x1x16xf32>,
      %swap3A_964 = vector.shape_cast %swap3A_963 : vector<1x1x16xf32> to vector<16xf32>
      %swap3A_965 = vector.shape_cast %select_n3A_955 : vector<16xf32> to vector<1x1x16xf32>
      tpu.vector_store %arg7[%swap3A_960, %swap3A_961, %swap3A_962], %swap3A_965 {strides = array<i32>} : memref<2x24x512xf32, #tpu.memory_space<vmem>>, vector<1x1x16xf32>,
      %mul3A_966 = arith.constant 16 : i32
      %mul3A_967 = arith.muli %scan3A_415, %mul3A_966 : i32
      %get3A_968 = arith.constant 0 : i32
      %get3A_969 = arith.constant 11 : i32
      %get3A_970 = arith.index_cast %get3A_968 : i32 to index
      %get3A_971 = arith.index_cast %get3A_969 : i32 to index
      %get3A_972 = arith.index_cast %mul3A_967 : i32 to index
      %get3A_973 = tpu.vector_load %arg6[%get3A_970, %get3A_971, %get3A_972] {strides = array<i32>} : memref<2x96x512xf32, #tpu.memory_space<vmem>>, vector<1x1x16xf32>,
      %get3A_974 = vector.shape_cast %get3A_973 : vector<1x1x16xf32> to vector<16xf32>
      %mul3A_975 = arith.constant 16 : i32
      %mul3A_976 = arith.muli %scan3A_415, %mul3A_975 : i32
      %get3A_977 = arith.constant 0 : i32
      %get3A_978 = arith.constant 35 : i32
      %get3A_979 = arith.index_cast %get3A_977 : i32 to index
      %get3A_980 = arith.index_cast %get3A_978 : i32 to index
      %get3A_981 = arith.index_cast %mul3A_976 : i32 to index
      %get3A_982 = tpu.vector_load %arg6[%get3A_979, %get3A_980, %get3A_981] {strides = array<i32>} : memref<2x96x512xf32, #tpu.memory_space<vmem>>, vector<1x1x16xf32>,
      %get3A_983 = vector.shape_cast %get3A_982 : vector<1x1x16xf32> to vector<16xf32>
      %select_n3A_984 = arith.select %eq3A_422, %get3A_983, %get3A_974 : vector<16xi1>, vector<16xf32>
      %mul3A_985 = arith.constant 16 : i32
      %mul3A_986 = arith.muli %scan3A_415, %mul3A_985 : i32
      %get3A_987 = arith.constant 0 : i32
      %get3A_988 = arith.constant 59 : i32
      %get3A_989 = arith.index_cast %get3A_987 : i32 to index
      %get3A_990 = arith.index_cast %get3A_988 : i32 to index
      %get3A_991 = arith.index_cast %mul3A_986 : i32 to index
      %get3A_992 = tpu.vector_load %arg6[%get3A_989, %get3A_990, %get3A_991] {strides = array<i32>} : memref<2x96x512xf32, #tpu.memory_space<vmem>>, vector<1x1x16xf32>,
      %get3A_993 = vector.shape_cast %get3A_992 : vector<1x1x16xf32> to vector<16xf32>
      %select_n3A_994 = arith.select %eq3A_425, %get3A_993, %select_n3A_984 : vector<16xi1>, vector<16xf32>
      %mul3A_995 = arith.constant 16 : i32
      %mul3A_996 = arith.muli %scan3A_415, %mul3A_995 : i32
      %get3A_997 = arith.constant 0 : i32
      %get3A_998 = arith.constant 83 : i32
      %get3A_999 = arith.index_cast %get3A_997 : i32 to index
      %get3A_1000 = arith.index_cast %get3A_998 : i32 to index
      %get3A_1001 = arith.index_cast %mul3A_996 : i32 to index
      %get3A_1002 = tpu.vector_load %arg6[%get3A_999, %get3A_1000, %get3A_1001] {strides = array<i32>} : memref<2x96x512xf32, #tpu.memory_space<vmem>>, vector<1x1x16xf32>,
      %get3A_1003 = vector.shape_cast %get3A_1002 : vector<1x1x16xf32> to vector<16xf32>
      %select_n3A_1004 = arith.select %eq3A_428, %get3A_1003, %select_n3A_994 : vector<16xi1>, vector<16xf32>
      %mul3A_1005 = arith.constant 16 : i32
      %mul3A_1006 = arith.muli %scan3A_415, %mul3A_1005 : i32
      %swap3A_1007 = arith.constant 0 : i32
      %swap3A_1008 = arith.constant 11 : i32
      %swap3A_1009 = arith.index_cast %swap3A_1007 : i32 to index
      %swap3A_1010 = arith.index_cast %swap3A_1008 : i32 to index
      %swap3A_1011 = arith.index_cast %mul3A_1006 : i32 to index
      %swap3A_1012 = tpu.vector_load %arg7[%swap3A_1009, %swap3A_1010, %swap3A_1011] {strides = array<i32>} : memref<2x24x512xf32, #tpu.memory_space<vmem>>, vector<1x1x16xf32>,
      %swap3A_1013 = vector.shape_cast %swap3A_1012 : vector<1x1x16xf32> to vector<16xf32>
      %swap3A_1014 = vector.shape_cast %select_n3A_1004 : vector<16xf32> to vector<1x1x16xf32>
      tpu.vector_store %arg7[%swap3A_1009, %swap3A_1010, %swap3A_1011], %swap3A_1014 {strides = array<i32>} : memref<2x24x512xf32, #tpu.memory_space<vmem>>, vector<1x1x16xf32>,
      %mul3A_1015 = arith.constant 16 : i32
      %mul3A_1016 = arith.muli %scan3A_415, %mul3A_1015 : i32
      %get3A_1017 = arith.constant 0 : i32
      %get3A_1018 = arith.constant 12 : i32
      %get3A_1019 = arith.index_cast %get3A_1017 : i32 to index
      %get3A_1020 = arith.index_cast %get3A_1018 : i32 to index
      %get3A_1021 = arith.index_cast %mul3A_1016 : i32 to index
      %get3A_1022 = tpu.vector_load %arg6[%get3A_1019, %get3A_1020, %get3A_1021] {strides = array<i32>} : memref<2x96x512xf32, #tpu.memory_space<vmem>>, vector<1x1x16xf32>,
      %get3A_1023 = vector.shape_cast %get3A_1022 : vector<1x1x16xf32> to vector<16xf32>
      %mul3A_1024 = arith.constant 16 : i32
      %mul3A_1025 = arith.muli %scan3A_415, %mul3A_1024 : i32
      %get3A_1026 = arith.constant 0 : i32
      %get3A_1027 = arith.constant 36 : i32
      %get3A_1028 = arith.index_cast %get3A_1026 : i32 to index
      %get3A_1029 = arith.index_cast %get3A_1027 : i32 to index
      %get3A_1030 = arith.index_cast %mul3A_1025 : i32 to index
      %get3A_1031 = tpu.vector_load %arg6[%get3A_1028, %get3A_1029, %get3A_1030] {strides = array<i32>} : memref<2x96x512xf32, #tpu.memory_space<vmem>>, vector<1x1x16xf32>,
      %get3A_1032 = vector.shape_cast %get3A_1031 : vector<1x1x16xf32> to vector<16xf32>
      %select_n3A_1033 = arith.select %eq3A_422, %get3A_1032, %get3A_1023 : vector<16xi1>, vector<16xf32>
      %mul3A_1034 = arith.constant 16 : i32
      %mul3A_1035 = arith.muli %scan3A_415, %mul3A_1034 : i32
      %get3A_1036 = arith.constant 0 : i32
      %get3A_1037 = arith.constant 60 : i32
      %get3A_1038 = arith.index_cast %get3A_1036 : i32 to index
      %get3A_1039 = arith.index_cast %get3A_1037 : i32 to index
      %get3A_1040 = arith.index_cast %mul3A_1035 : i32 to index
      %get3A_1041 = tpu.vector_load %arg6[%get3A_1038, %get3A_1039, %get3A_1040] {strides = array<i32>} : memref<2x96x512xf32, #tpu.memory_space<vmem>>, vector<1x1x16xf32>,
      %get3A_1042 = vector.shape_cast %get3A_1041 : vector<1x1x16xf32> to vector<16xf32>
      %select_n3A_1043 = arith.select %eq3A_425, %get3A_1042, %select_n3A_1033 : vector<16xi1>, vector<16xf32>
      %mul3A_1044 = arith.constant 16 : i32
      %mul3A_1045 = arith.muli %scan3A_415, %mul3A_1044 : i32
      %get3A_1046 = arith.constant 0 : i32
      %get3A_1047 = arith.constant 84 : i32
      %get3A_1048 = arith.index_cast %get3A_1046 : i32 to index
      %get3A_1049 = arith.index_cast %get3A_1047 : i32 to index
      %get3A_1050 = arith.index_cast %mul3A_1045 : i32 to index
      %get3A_1051 = tpu.vector_load %arg6[%get3A_1048, %get3A_1049, %get3A_1050] {strides = array<i32>} : memref<2x96x512xf32, #tpu.memory_space<vmem>>, vector<1x1x16xf32>,
      %get3A_1052 = vector.shape_cast %get3A_1051 : vector<1x1x16xf32> to vector<16xf32>
      %select_n3A_1053 = arith.select %eq3A_428, %get3A_1052, %select_n3A_1043 : vector<16xi1>, vector<16xf32>
      %mul3A_1054 = arith.constant 16 : i32
      %mul3A_1055 = arith.muli %scan3A_415, %mul3A_1054 : i32
      %swap3A_1056 = arith.constant 0 : i32
      %swap3A_1057 = arith.constant 12 : i32
      %swap3A_1058 = arith.index_cast %swap3A_1056 : i32 to index
      %swap3A_1059 = arith.index_cast %swap3A_1057 : i32 to index
      %swap3A_1060 = arith.index_cast %mul3A_1055 : i32 to index
      %swap3A_1061 = tpu.vector_load %arg7[%swap3A_1058, %swap3A_1059, %swap3A_1060] {strides = array<i32>} : memref<2x24x512xf32, #tpu.memory_space<vmem>>, vector<1x1x16xf32>,
      %swap3A_1062 = vector.shape_cast %swap3A_1061 : vector<1x1x16xf32> to vector<16xf32>
      %swap3A_1063 = vector.shape_cast %select_n3A_1053 : vector<16xf32> to vector<1x1x16xf32>
      tpu.vector_store %arg7[%swap3A_1058, %swap3A_1059, %swap3A_1060], %swap3A_1063 {strides = array<i32>} : memref<2x24x512xf32, #tpu.memory_space<vmem>>, vector<1x1x16xf32>,
      %mul3A_1064 = arith.constant 16 : i32
      %mul3A_1065 = arith.muli %scan3A_415, %mul3A_1064 : i32
      %get3A_1066 = arith.constant 0 : i32
      %get3A_1067 = arith.constant 13 : i32
      %get3A_1068 = arith.index_cast %get3A_1066 : i32 to index
      %get3A_1069 = arith.index_cast %get3A_1067 : i32 to index
      %get3A_1070 = arith.index_cast %mul3A_1065 : i32 to index
      %get3A_1071 = tpu.vector_load %arg6[%get3A_1068, %get3A_1069, %get3A_1070] {strides = array<i32>} : memref<2x96x512xf32, #tpu.memory_space<vmem>>, vector<1x1x16xf32>,
      %get3A_1072 = vector.shape_cast %get3A_1071 : vector<1x1x16xf32> to vector<16xf32>
      %mul3A_1073 = arith.constant 16 : i32
      %mul3A_1074 = arith.muli %scan3A_415, %mul3A_1073 : i32
      %get3A_1075 = arith.constant 0 : i32
      %get3A_1076 = arith.constant 37 : i32
      %get3A_1077 = arith.index_cast %get3A_1075 : i32 to index
      %get3A_1078 = arith.index_cast %get3A_1076 : i32 to index
      %get3A_1079 = arith.index_cast %mul3A_1074 : i32 to index
      %get3A_1080 = tpu.vector_load %arg6[%get3A_1077, %get3A_1078, %get3A_1079] {strides = array<i32>} : memref<2x96x512xf32, #tpu.memory_space<vmem>>, vector<1x1x16xf32>,
      %get3A_1081 = vector.shape_cast %get3A_1080 : vector<1x1x16xf32> to vector<16xf32>
      %select_n3A_1082 = arith.select %eq3A_422, %get3A_1081, %get3A_1072 : vector<16xi1>, vector<16xf32>
      %mul3A_1083 = arith.constant 16 : i32
      %mul3A_1084 = arith.muli %scan3A_415, %mul3A_1083 : i32
      %get3A_1085 = arith.constant 0 : i32
      %get3A_1086 = arith.constant 61 : i32
      %get3A_1087 = arith.index_cast %get3A_1085 : i32 to index
      %get3A_1088 = arith.index_cast %get3A_1086 : i32 to index
      %get3A_1089 = arith.index_cast %mul3A_1084 : i32 to index
      %get3A_1090 = tpu.vector_load %arg6[%get3A_1087, %get3A_1088, %get3A_1089] {strides = array<i32>} : memref<2x96x512xf32, #tpu.memory_space<vmem>>, vector<1x1x16xf32>,
      %get3A_1091 = vector.shape_cast %get3A_1090 : vector<1x1x16xf32> to vector<16xf32>
      %select_n3A_1092 = arith.select %eq3A_425, %get3A_1091, %select_n3A_1082 : vector<16xi1>, vector<16xf32>
      %mul3A_1093 = arith.constant 16 : i32
      %mul3A_1094 = arith.muli %scan3A_415, %mul3A_1093 : i32
      %get3A_1095 = arith.constant 0 : i32
      %get3A_1096 = arith.constant 85 : i32
      %get3A_1097 = arith.index_cast %get3A_1095 : i32 to index
      %get3A_1098 = arith.index_cast %get3A_1096 : i32 to index
      %get3A_1099 = arith.index_cast %mul3A_1094 : i32 to index
      %get3A_1100 = tpu.vector_load %arg6[%get3A_1097, %get3A_1098, %get3A_1099] {strides = array<i32>} : memref<2x96x512xf32, #tpu.memory_space<vmem>>, vector<1x1x16xf32>,
      %get3A_1101 = vector.shape_cast %get3A_1100 : vector<1x1x16xf32> to vector<16xf32>
      %select_n3A_1102 = arith.select %eq3A_428, %get3A_1101, %select_n3A_1092 : vector<16xi1>, vector<16xf32>
      %mul3A_1103 = arith.constant 16 : i32
      %mul3A_1104 = arith.muli %scan3A_415, %mul3A_1103 : i32
      %swap3A_1105 = arith.constant 0 : i32
      %swap3A_1106 = arith.constant 13 : i32
      %swap3A_1107 = arith.index_cast %swap3A_1105 : i32 to index
      %swap3A_1108 = arith.index_cast %swap3A_1106 : i32 to index
      %swap3A_1109 = arith.index_cast %mul3A_1104 : i32 to index
      %swap3A_1110 = tpu.vector_load %arg7[%swap3A_1107, %swap3A_1108, %swap3A_1109] {strides = array<i32>} : memref<2x24x512xf32, #tpu.memory_space<vmem>>, vector<1x1x16xf32>,
      %swap3A_1111 = vector.shape_cast %swap3A_1110 : vector<1x1x16xf32> to vector<16xf32>
      %swap3A_1112 = vector.shape_cast %select_n3A_1102 : vector<16xf32> to vector<1x1x16xf32>
      tpu.vector_store %arg7[%swap3A_1107, %swap3A_1108, %swap3A_1109], %swap3A_1112 {strides = array<i32>} : memref<2x24x512xf32, #tpu.memory_space<vmem>>, vector<1x1x16xf32>,
      %mul3A_1113 = arith.constant 16 : i32
      %mul3A_1114 = arith.muli %scan3A_415, %mul3A_1113 : i32
      %get3A_1115 = arith.constant 0 : i32
      %get3A_1116 = arith.constant 14 : i32
      %get3A_1117 = arith.index_cast %get3A_1115 : i32 to index
      %get3A_1118 = arith.index_cast %get3A_1116 : i32 to index
      %get3A_1119 = arith.index_cast %mul3A_1114 : i32 to index
      %get3A_1120 = tpu.vector_load %arg6[%get3A_1117, %get3A_1118, %get3A_1119] {strides = array<i32>} : memref<2x96x512xf32, #tpu.memory_space<vmem>>, vector<1x1x16xf32>,
      %get3A_1121 = vector.shape_cast %get3A_1120 : vector<1x1x16xf32> to vector<16xf32>
      %mul3A_1122 = arith.constant 16 : i32
      %mul3A_1123 = arith.muli %scan3A_415, %mul3A_1122 : i32
      %get3A_1124 = arith.constant 0 : i32
      %get3A_1125 = arith.constant 38 : i32
      %get3A_1126 = arith.index_cast %get3A_1124 : i32 to index
      %get3A_1127 = arith.index_cast %get3A_1125 : i32 to index
      %get3A_1128 = arith.index_cast %mul3A_1123 : i32 to index
      %get3A_1129 = tpu.vector_load %arg6[%get3A_1126, %get3A_1127, %get3A_1128] {strides = array<i32>} : memref<2x96x512xf32, #tpu.memory_space<vmem>>, vector<1x1x16xf32>,
      %get3A_1130 = vector.shape_cast %get3A_1129 : vector<1x1x16xf32> to vector<16xf32>
      %select_n3A_1131 = arith.select %eq3A_422, %get3A_1130, %get3A_1121 : vector<16xi1>, vector<16xf32>
      %mul3A_1132 = arith.constant 16 : i32
      %mul3A_1133 = arith.muli %scan3A_415, %mul3A_1132 : i32
      %get3A_1134 = arith.constant 0 : i32
      %get3A_1135 = arith.constant 62 : i32
      %get3A_1136 = arith.index_cast %get3A_1134 : i32 to index
      %get3A_1137 = arith.index_cast %get3A_1135 : i32 to index
      %get3A_1138 = arith.index_cast %mul3A_1133 : i32 to index
      %get3A_1139 = tpu.vector_load %arg6[%get3A_1136, %get3A_1137, %get3A_1138] {strides = array<i32>} : memref<2x96x512xf32, #tpu.memory_space<vmem>>, vector<1x1x16xf32>,
      %get3A_1140 = vector.shape_cast %get3A_1139 : vector<1x1x16xf32> to vector<16xf32>
      %select_n3A_1141 = arith.select %eq3A_425, %get3A_1140, %select_n3A_1131 : vector<16xi1>, vector<16xf32>
      %mul3A_1142 = arith.constant 16 : i32
      %mul3A_1143 = arith.muli %scan3A_415, %mul3A_1142 : i32
      %get3A_1144 = arith.constant 0 : i32
      %get3A_1145 = arith.constant 86 : i32
      %get3A_1146 = arith.index_cast %get3A_1144 : i32 to index
      %get3A_1147 = arith.index_cast %get3A_1145 : i32 to index
      %get3A_1148 = arith.index_cast %mul3A_1143 : i32 to index
      %get3A_1149 = tpu.vector_load %arg6[%get3A_1146, %get3A_1147, %get3A_1148] {strides = array<i32>} : memref<2x96x512xf32, #tpu.memory_space<vmem>>, vector<1x1x16xf32>,
      %get3A_1150 = vector.shape_cast %get3A_1149 : vector<1x1x16xf32> to vector<16xf32>
      %select_n3A_1151 = arith.select %eq3A_428, %get3A_1150, %select_n3A_1141 : vector<16xi1>, vector<16xf32>
      %mul3A_1152 = arith.constant 16 : i32
      %mul3A_1153 = arith.muli %scan3A_415, %mul3A_1152 : i32
      %swap3A_1154 = arith.constant 0 : i32
      %swap3A_1155 = arith.constant 14 : i32
      %swap3A_1156 = arith.index_cast %swap3A_1154 : i32 to index
      %swap3A_1157 = arith.index_cast %swap3A_1155 : i32 to index
      %swap3A_1158 = arith.index_cast %mul3A_1153 : i32 to index
      %swap3A_1159 = tpu.vector_load %arg7[%swap3A_1156, %swap3A_1157, %swap3A_1158] {strides = array<i32>} : memref<2x24x512xf32, #tpu.memory_space<vmem>>, vector<1x1x16xf32>,
      %swap3A_1160 = vector.shape_cast %swap3A_1159 : vector<1x1x16xf32> to vector<16xf32>
      %swap3A_1161 = vector.shape_cast %select_n3A_1151 : vector<16xf32> to vector<1x1x16xf32>
      tpu.vector_store %arg7[%swap3A_1156, %swap3A_1157, %swap3A_1158], %swap3A_1161 {strides = array<i32>} : memref<2x24x512xf32, #tpu.memory_space<vmem>>, vector<1x1x16xf32>,
      %mul3A_1162 = arith.constant 16 : i32
      %mul3A_1163 = arith.muli %scan3A_415, %mul3A_1162 : i32
      %get3A_1164 = arith.constant 0 : i32
      %get3A_1165 = arith.constant 15 : i32
      %get3A_1166 = arith.index_cast %get3A_1164 : i32 to index
      %get3A_1167 = arith.index_cast %get3A_1165 : i32 to index
      %get3A_1168 = arith.index_cast %mul3A_1163 : i32 to index
      %get3A_1169 = tpu.vector_load %arg6[%get3A_1166, %get3A_1167, %get3A_1168] {strides = array<i32>} : memref<2x96x512xf32, #tpu.memory_space<vmem>>, vector<1x1x16xf32>,
      %get3A_1170 = vector.shape_cast %get3A_1169 : vector<1x1x16xf32> to vector<16xf32>
      %mul3A_1171 = arith.constant 16 : i32
      %mul3A_1172 = arith.muli %scan3A_415, %mul3A_1171 : i32
      %get3A_1173 = arith.constant 0 : i32
      %get3A_1174 = arith.constant 39 : i32
      %get3A_1175 = arith.index_cast %get3A_1173 : i32 to index
      %get3A_1176 = arith.index_cast %get3A_1174 : i32 to index
      %get3A_1177 = arith.index_cast %mul3A_1172 : i32 to index
      %get3A_1178 = tpu.vector_load %arg6[%get3A_1175, %get3A_1176, %get3A_1177] {strides = array<i32>} : memref<2x96x512xf32, #tpu.memory_space<vmem>>, vector<1x1x16xf32>,
      %get3A_1179 = vector.shape_cast %get3A_1178 : vector<1x1x16xf32> to vector<16xf32>
      %select_n3A_1180 = arith.select %eq3A_422, %get3A_1179, %get3A_1170 : vector<16xi1>, vector<16xf32>
      %mul3A_1181 = arith.constant 16 : i32
      %mul3A_1182 = arith.muli %scan3A_415, %mul3A_1181 : i32
      %get3A_1183 = arith.constant 0 : i32
      %get3A_1184 = arith.constant 63 : i32
      %get3A_1185 = arith.index_cast %get3A_1183 : i32 to index
      %get3A_1186 = arith.index_cast %get3A_1184 : i32 to index
      %get3A_1187 = arith.index_cast %mul3A_1182 : i32 to index
      %get3A_1188 = tpu.vector_load %arg6[%get3A_1185, %get3A_1186, %get3A_1187] {strides = array<i32>} : memref<2x96x512xf32, #tpu.memory_space<vmem>>, vector<1x1x16xf32>,
      %get3A_1189 = vector.shape_cast %get3A_1188 : vector<1x1x16xf32> to vector<16xf32>
      %select_n3A_1190 = arith.select %eq3A_425, %get3A_1189, %select_n3A_1180 : vector<16xi1>, vector<16xf32>
      %mul3A_1191 = arith.constant 16 : i32
      %mul3A_1192 = arith.muli %scan3A_415, %mul3A_1191 : i32
      %get3A_1193 = arith.constant 0 : i32
      %get3A_1194 = arith.constant 87 : i32
      %get3A_1195 = arith.index_cast %get3A_1193 : i32 to index
      %get3A_1196 = arith.index_cast %get3A_1194 : i32 to index
      %get3A_1197 = arith.index_cast %mul3A_1192 : i32 to index
      %get3A_1198 = tpu.vector_load %arg6[%get3A_1195, %get3A_1196, %get3A_1197] {strides = array<i32>} : memref<2x96x512xf32, #tpu.memory_space<vmem>>, vector<1x1x16xf32>,
      %get3A_1199 = vector.shape_cast %get3A_1198 : vector<1x1x16xf32> to vector<16xf32>
      %select_n3A_1200 = arith.select %eq3A_428, %get3A_1199, %select_n3A_1190 : vector<16xi1>, vector<16xf32>
      %mul3A_1201 = arith.constant 16 : i32
      %mul3A_1202 = arith.muli %scan3A_415, %mul3A_1201 : i32
      %swap3A_1203 = arith.constant 0 : i32
      %swap3A_1204 = arith.constant 15 : i32
      %swap3A_1205 = arith.index_cast %swap3A_1203 : i32 to index
      %swap3A_1206 = arith.index_cast %swap3A_1204 : i32 to index
      %swap3A_1207 = arith.index_cast %mul3A_1202 : i32 to index
      %swap3A_1208 = tpu.vector_load %arg7[%swap3A_1205, %swap3A_1206, %swap3A_1207] {strides = array<i32>} : memref<2x24x512xf32, #tpu.memory_space<vmem>>, vector<1x1x16xf32>,
      %swap3A_1209 = vector.shape_cast %swap3A_1208 : vector<1x1x16xf32> to vector<16xf32>
      %swap3A_1210 = vector.shape_cast %select_n3A_1200 : vector<16xf32> to vector<1x1x16xf32>
      tpu.vector_store %arg7[%swap3A_1205, %swap3A_1206, %swap3A_1207], %swap3A_1210 {strides = array<i32>} : memref<2x24x512xf32, #tpu.memory_space<vmem>>, vector<1x1x16xf32>,
      %scan3A_1211 = arith.constant 0 : i32
      scf.yield %scan3A_1211 : i32
    }
    %scan3A_376 = arith.constant 32 : i32
    %dma_start3A_377 = arith.constant 0 : i32
    %dma_start3A_378 = arith.constant 0 : i32
    %dma_start3A_379 = arith.constant 0 : i32
    %dma_start3A_380 = tpu.memref_slice %arg7[%dma_start3A_377, %dma_start3A_378, %dma_start3A_379] : memref<2x24x512xf32, #tpu.memory_space<vmem>> -> memref<1x24x512xf32, #tpu.memory_space<vmem>>
    %dma_start3A_381 = tpu.memref_squeeze %dma_start3A_380 : memref<1x24x512xf32, #tpu.memory_space<vmem>> -> memref<24x512xf32, #tpu.memory_space<vmem>>
    %dma_start3A_382 = arith.constant 0 : i32
    %dma_start3A_383 = arith.constant 0 : i32
    %dma_start3A_384 = tpu.memref_slice %dma_start3A_381[%dma_start3A_382, %dma_start3A_383] : memref<24x512xf32, #tpu.memory_space<vmem>> -> memref<16x512xf32, #tpu.memory_space<vmem>>
    %dma_start3A_385 = arith.constant 984 : i32
    %dma_start3A_386 = tpu.memref_slice %arg4[%dma_start3A_385, %mul3A_2] : memref<1000x16384xf32, #tpu.memory_space<hbm>> -> memref<16x512xf32, #tpu.memory_space<hbm>>
    %dma_start3A_387 = arith.constant 984 : i32
    %dma_start3A_388 = tpu.memref_slice %arg4[%dma_start3A_387, %mul3A_2] : memref<1000x16384xf32, #tpu.memory_space<hbm>> -> memref<16x512xf32, #tpu.memory_space<hbm>>
    %dma_start3A_389 = arith.constant 0 : i32
    %dma_start3A_390 = arith.constant 0 : i32
    %dma_start3A_391 = tpu.memref_slice %arg7[%dma_start3A_377, %dma_start3A_389, %dma_start3A_390] : memref<2x24x512xf32, #tpu.memory_space<vmem>> -> memref<1x24x512xf32, #tpu.memory_space<vmem>>
    %dma_start3A_392 = tpu.memref_squeeze %dma_start3A_391 : memref<1x24x512xf32, #tpu.memory_space<vmem>> -> memref<24x512xf32, #tpu.memory_space<vmem>>
    %dma_start3A_393 = arith.constant 0 : i32
    %dma_start3A_394 = arith.constant 0 : i32
    %dma_start3A_395 = tpu.memref_slice %dma_start3A_392[%dma_start3A_393, %dma_start3A_394] : memref<24x512xf32, #tpu.memory_space<vmem>> -> memref<16x512xf32, #tpu.memory_space<vmem>>
    tpu.enqueue_dma source(%dma_start3A_395 : memref<16x512xf32, #tpu.memory_space<vmem>>) target(%dma_start3A_388 : memref<16x512xf32, #tpu.memory_space<hbm>>) target_semaphore(%arg10 : memref<!tpu.dma_semaphore, #tpu.memory_space<semaphore_mem>>)
    %dma_wait3A_396 = arith.constant 0 : i32
    %dma_wait3A_397 = arith.constant 0 : i32
    %dma_wait3A_398 = arith.constant 0 : i32
    %dma_wait3A_399 = tpu.memref_slice %arg7[%dma_wait3A_396, %dma_wait3A_397, %dma_wait3A_398] : memref<2x24x512xf32, #tpu.memory_space<vmem>> -> memref<1x24x512xf32, #tpu.memory_space<vmem>>
    %dma_wait3A_400 = tpu.memref_squeeze %dma_wait3A_399 : memref<1x24x512xf32, #tpu.memory_space<vmem>> -> memref<24x512xf32, #tpu.memory_space<vmem>>
    %dma_wait3A_401 = arith.constant 0 : i32
    %dma_wait3A_402 = arith.constant 0 : i32
    %dma_wait3A_403 = tpu.memref_slice %dma_wait3A_400[%dma_wait3A_401, %dma_wait3A_402] : memref<24x512xf32, #tpu.memory_space<vmem>> -> memref<16x512xf32, #tpu.memory_space<vmem>>
    %dma_wait3A_404 = arith.constant 984 : i32
    %dma_wait3A_405 = tpu.memref_slice %arg4[%dma_wait3A_404, %mul3A_2] : memref<1000x16384xf32, #tpu.memory_space<hbm>> -> memref<16x512xf32, #tpu.memory_space<hbm>>
    %dma_wait3A_406 = arith.constant 984 : i32
    %dma_wait3A_407 = tpu.memref_slice %arg4[%dma_wait3A_406, %mul3A_2] : memref<1000x16384xf32, #tpu.memory_space<hbm>> -> memref<16x512xf32, #tpu.memory_space<hbm>>
    %dma_wait3A_408 = arith.constant 0 : i32
    %dma_wait3A_409 = arith.constant 0 : i32
    %dma_wait3A_410 = tpu.memref_slice %arg7[%dma_wait3A_396, %dma_wait3A_408, %dma_wait3A_409] : memref<2x24x512xf32, #tpu.memory_space<vmem>> -> memref<1x24x512xf32, #tpu.memory_space<vmem>>
    %dma_wait3A_411 = tpu.memref_squeeze %dma_wait3A_410 : memref<1x24x512xf32, #tpu.memory_space<vmem>> -> memref<24x512xf32, #tpu.memory_space<vmem>>
    %dma_wait3A_412 = arith.constant 0 : i32
    %dma_wait3A_413 = arith.constant 0 : i32
    %dma_wait3A_414 = tpu.memref_slice %dma_wait3A_411[%dma_wait3A_412, %dma_wait3A_413] : memref<24x512xf32, #tpu.memory_space<vmem>> -> memref<16x512xf32, #tpu.memory_space<vmem>>
    tpu.wait_dma2 semaphore(%arg10 : memref<!tpu.dma_semaphore, #tpu.memory_space<semaphore_mem>>) src(%dma_wait3A_414 : memref<16x512xf32, #tpu.memory_space<vmem>>) dst(%dma_wait3A_407 : memref<16x512xf32, #tpu.memory_space<hbm>>)
    return
  }
}

module attributes {stable_mosaic.version = 14 : i64} {
  func.func @_stats_body(%arg0: i32, %arg1: memref<4x1000x512xf32, #tpu.memory_space<vmem>>, %arg2: memref<1x512xi32, #tpu.memory_space<vmem>>, %arg3: memref<512xi32, #tpu.memory_space<vmem>>, %arg4: memref<1x1xf32, #tpu.memory_space<vmem>>, %arg5: memref<1x1xf32, #tpu.memory_space<vmem>>) attributes {dimension_semantics = [#tpu.dimension_semantics<arbitrary>], iteration_bounds = array<i64: 32>, scalar_prefetch = 0 : i64, scratch_operands = 0 : i64, tpu.core_type = #tpu.core_type<tc>, window_params = [{transform_indices = @transform_0, window_bounds = array<i64: 4, 1000, 512>}, {transform_indices = @transform_1, window_bounds = array<i64: 1, 512>}, {transform_indices = @transform_2, window_bounds = array<i64: 512>}, {pipeline_mode = #tpu.pipeline_mode<synchronous>, transform_indices = @transform_3, window_bounds = array<i64: 1, 1>}, {pipeline_mode = #tpu.pipeline_mode<synchronous>, transform_indices = @transform_4, window_bounds = array<i64: 1, 1>}]} {
    %get3A = arith.constant 0 : index
    %get3A_0 = arith.constant 0 : index
    %get3A_1 = vector.load %arg2[%get3A, %get3A_0] : memref<1x512xi32, #tpu.memory_space<vmem>>, vector<1x512xi32>
    %iota3A = tpu.iota {dimensions = array<i32: 0>} : vector<1000x512xi32>
    %eq3A = vector.broadcast %get3A_1 : vector<1x512xi32> to vector<1000x512xi32>
    %eq3A_2 = arith.cmpi eq, %iota3A, %eq3A : vector<1000x512xi32>
    %get3A_3 = arith.constant 0 : index
    %get3A_4 = arith.constant 0 : index
    %get3A_5 = arith.constant 0 : index
    %get3A_6 = vector.load %arg1[%get3A_3, %get3A_4, %get3A_5] : memref<4x1000x512xf32, #tpu.memory_space<vmem>>, vector<1x1000x512xf32>
    %get3A_7 = vector.shape_cast %get3A_6 : vector<1x1000x512xf32> to vector<1000x512xf32>
    %reduce_max3A = arith.constant dense<0xFF800000> : vector<512xf32>
    %reduce_max3A_8 = vector.multi_reduction <maximumf>, %get3A_7, %reduce_max3A [0] : vector<1000x512xf32> to vector<512xf32>
    %broadcast_in_dim3A = vector.shape_cast %reduce_max3A_8 : vector<512xf32> to vector<1x512xf32>
    %sub3A = vector.broadcast %broadcast_in_dim3A : vector<1x512xf32> to vector<1000x512xf32>
    %sub3A_9 = arith.subf %get3A_7, %sub3A : vector<1000x512xf32>
    %exp3A = math.exp %sub3A_9 : vector<1000x512xf32>
    %reduce_sum3A = arith.constant dense<0.000000e+00> : vector<512xf32>
    %reduce_sum3A_10 = vector.multi_reduction <add>, %exp3A, %reduce_sum3A [0] : vector<1000x512xf32> to vector<512xf32>
    %broadcast_in_dim3A_11 = vector.shape_cast %reduce_sum3A_10 : vector<512xf32> to vector<1x512xf32>
    %log3A = math.log %broadcast_in_dim3A_11 : vector<1x512xf32>
    %sub3A_12 = vector.broadcast %log3A : vector<1x512xf32> to vector<1000x512xf32>
    %sub3A_13 = arith.subf %sub3A_9, %sub3A_12 : vector<1000x512xf32>
    %jit3A = arith.constant 0.000000e+00 : f32
    %broadcast_in_dim3A_14 = vector.broadcast %jit3A : f32 to vector<1000x512xf32>
    %select_n3A = arith.select %eq3A_2, %sub3A_13, %broadcast_in_dim3A_14 : vector<1000x512xi1>, vector<1000x512xf32>
    %reduce_sum3A_15 = arith.constant dense<0.000000e+00> : vector<512xf32>
    %reduce_sum3A_16 = vector.multi_reduction <add>, %select_n3A, %reduce_sum3A_15 [0] : vector<1000x512xf32> to vector<512xf32>
    %broadcast_in_dim3A_17 = vector.shape_cast %reduce_sum3A_16 : vector<512xf32> to vector<1x512xf32>
    %neg3A = arith.constant 0.000000e+00 : f32
    %neg3A_18 = vector.broadcast %neg3A : f32 to vector<1x512xf32>
    %neg3A_19 = arith.subf %neg3A_18, %broadcast_in_dim3A_17 : vector<1x512xf32>
    %reduce_sum3A_20 = arith.constant dense<0.000000e+00> : vector<512xf32>
    %reduce_sum3A_21 = vector.multi_reduction <add>, %sub3A_13, %reduce_sum3A_20 [0] : vector<1000x512xf32> to vector<512xf32>
    %broadcast_in_dim3A_22 = vector.shape_cast %reduce_sum3A_21 : vector<512xf32> to vector<1x512xf32>
    %div3A = arith.constant 1.000000e+03 : f32
    %div3A_23 = vector.broadcast %div3A : f32 to vector<1x512xf32>
    %div3A_24 = arith.divf %broadcast_in_dim3A_22, %div3A_23 : vector<1x512xf32>
    %sub3A_25 = arith.constant -6.90775537 : f32
    %sub3A_26 = vector.broadcast %sub3A_25 : f32 to vector<1x512xf32>
    %sub3A_27 = arith.subf %sub3A_26, %div3A_24 : vector<1x512xf32>
    %get3A_28 = arith.constant 1 : index
    %get3A_29 = arith.constant 0 : index
    %get3A_30 = arith.constant 0 : index
    %get3A_31 = vector.load %arg1[%get3A_28, %get3A_29, %get3A_30] : memref<4x1000x512xf32, #tpu.memory_space<vmem>>, vector<1x1000x512xf32>
    %get3A_32 = vector.shape_cast %get3A_31 : vector<1x1000x512xf32> to vector<1000x512xf32>
    %reduce_max3A_33 = arith.constant dense<0xFF800000> : vector<512xf32>
    %reduce_max3A_34 = vector.multi_reduction <maximumf>, %get3A_32, %reduce_max3A_33 [0] : vector<1000x512xf32> to vector<512xf32>
    %broadcast_in_dim3A_35 = vector.shape_cast %reduce_max3A_34 : vector<512xf32> to vector<1x512xf32>
    %sub3A_36 = vector.broadcast %broadcast_in_dim3A_35 : vector<1x512xf32> to vector<1000x512xf32>
    %sub3A_37 = arith.subf %get3A_32, %sub3A_36 : vector<1000x512xf32>
    %exp3A_38 = math.exp %sub3A_37 : vector<1000x512xf32>
    %reduce_sum3A_39 = arith.constant dense<0.000000e+00> : vector<512xf32>
    %reduce_sum3A_40 = vector.multi_reduction <add>, %exp3A_38, %reduce_sum3A_39 [0] : vector<1000x512xf32> to vector<512xf32>
    %broadcast_in_dim3A_41 = vector.shape_cast %reduce_sum3A_40 : vector<512xf32> to vector<1x512xf32>
    %log3A_42 = math.log %broadcast_in_dim3A_41 : vector<1x512xf32>
    %sub3A_43 = vector.broadcast %log3A_42 : vector<1x512xf32> to vector<1000x512xf32>
    %sub3A_44 = arith.subf %sub3A_37, %sub3A_43 : vector<1000x512xf32>
    %jit3A_45 = arith.constant 0.000000e+00 : f32
    %broadcast_in_dim3A_46 = vector.broadcast %jit3A_45 : f32 to vector<1000x512xf32>
    %select_n3A_47 = arith.select %eq3A_2, %sub3A_44, %broadcast_in_dim3A_46 : vector<1000x512xi1>, vector<1000x512xf32>
    %reduce_sum3A_48 = arith.constant dense<0.000000e+00> : vector<512xf32>
    %reduce_sum3A_49 = vector.multi_reduction <add>, %select_n3A_47, %reduce_sum3A_48 [0] : vector<1000x512xf32> to vector<512xf32>
    %broadcast_in_dim3A_50 = vector.shape_cast %reduce_sum3A_49 : vector<512xf32> to vector<1x512xf32>
    %neg3A_51 = arith.constant 0.000000e+00 : f32
    %neg3A_52 = vector.broadcast %neg3A_51 : f32 to vector<1x512xf32>
    %neg3A_53 = arith.subf %neg3A_52, %broadcast_in_dim3A_50 : vector<1x512xf32>
    %reduce_sum3A_54 = arith.constant dense<0.000000e+00> : vector<512xf32>
    %reduce_sum3A_55 = vector.multi_reduction <add>, %sub3A_44, %reduce_sum3A_54 [0] : vector<1000x512xf32> to vector<512xf32>
    %broadcast_in_dim3A_56 = vector.shape_cast %reduce_sum3A_55 : vector<512xf32> to vector<1x512xf32>
    %div3A_57 = arith.constant 1.000000e+03 : f32
    %div3A_58 = vector.broadcast %div3A_57 : f32 to vector<1x512xf32>
    %div3A_59 = arith.divf %broadcast_in_dim3A_56, %div3A_58 : vector<1x512xf32>
    %sub3A_60 = arith.constant -6.90775537 : f32
    %sub3A_61 = vector.broadcast %sub3A_60 : f32 to vector<1x512xf32>
    %sub3A_62 = arith.subf %sub3A_61, %div3A_59 : vector<1x512xf32>
    %get3A_63 = arith.constant 2 : index
    %get3A_64 = arith.constant 0 : index
    %get3A_65 = arith.constant 0 : index
    %get3A_66 = vector.load %arg1[%get3A_63, %get3A_64, %get3A_65] : memref<4x1000x512xf32, #tpu.memory_space<vmem>>, vector<1x1000x512xf32>
    %get3A_67 = vector.shape_cast %get3A_66 : vector<1x1000x512xf32> to vector<1000x512xf32>
    %reduce_max3A_68 = arith.constant dense<0xFF800000> : vector<512xf32>
    %reduce_max3A_69 = vector.multi_reduction <maximumf>, %get3A_67, %reduce_max3A_68 [0] : vector<1000x512xf32> to vector<512xf32>
    %broadcast_in_dim3A_70 = vector.shape_cast %reduce_max3A_69 : vector<512xf32> to vector<1x512xf32>
    %sub3A_71 = vector.broadcast %broadcast_in_dim3A_70 : vector<1x512xf32> to vector<1000x512xf32>
    %sub3A_72 = arith.subf %get3A_67, %sub3A_71 : vector<1000x512xf32>
    %exp3A_73 = math.exp %sub3A_72 : vector<1000x512xf32>
    %reduce_sum3A_74 = arith.constant dense<0.000000e+00> : vector<512xf32>
    %reduce_sum3A_75 = vector.multi_reduction <add>, %exp3A_73, %reduce_sum3A_74 [0] : vector<1000x512xf32> to vector<512xf32>
    %broadcast_in_dim3A_76 = vector.shape_cast %reduce_sum3A_75 : vector<512xf32> to vector<1x512xf32>
    %log3A_77 = math.log %broadcast_in_dim3A_76 : vector<1x512xf32>
    %sub3A_78 = vector.broadcast %log3A_77 : vector<1x512xf32> to vector<1000x512xf32>
    %sub3A_79 = arith.subf %sub3A_72, %sub3A_78 : vector<1000x512xf32>
    %jit3A_80 = arith.constant 0.000000e+00 : f32
    %broadcast_in_dim3A_81 = vector.broadcast %jit3A_80 : f32 to vector<1000x512xf32>
    %select_n3A_82 = arith.select %eq3A_2, %sub3A_79, %broadcast_in_dim3A_81 : vector<1000x512xi1>, vector<1000x512xf32>
    %reduce_sum3A_83 = arith.constant dense<0.000000e+00> : vector<512xf32>
    %reduce_sum3A_84 = vector.multi_reduction <add>, %select_n3A_82, %reduce_sum3A_83 [0] : vector<1000x512xf32> to vector<512xf32>
    %broadcast_in_dim3A_85 = vector.shape_cast %reduce_sum3A_84 : vector<512xf32> to vector<1x512xf32>
    %neg3A_86 = arith.constant 0.000000e+00 : f32
    %neg3A_87 = vector.broadcast %neg3A_86 : f32 to vector<1x512xf32>
    %neg3A_88 = arith.subf %neg3A_87, %broadcast_in_dim3A_85 : vector<1x512xf32>
    %reduce_sum3A_89 = arith.constant dense<0.000000e+00> : vector<512xf32>
    %reduce_sum3A_90 = vector.multi_reduction <add>, %sub3A_79, %reduce_sum3A_89 [0] : vector<1000x512xf32> to vector<512xf32>
    %broadcast_in_dim3A_91 = vector.shape_cast %reduce_sum3A_90 : vector<512xf32> to vector<1x512xf32>
    %div3A_92 = arith.constant 1.000000e+03 : f32
    %div3A_93 = vector.broadcast %div3A_92 : f32 to vector<1x512xf32>
    %div3A_94 = arith.divf %broadcast_in_dim3A_91, %div3A_93 : vector<1x512xf32>
    %sub3A_95 = arith.constant -6.90775537 : f32
    %sub3A_96 = vector.broadcast %sub3A_95 : f32 to vector<1x512xf32>
    %sub3A_97 = arith.subf %sub3A_96, %div3A_94 : vector<1x512xf32>
    %get3A_98 = arith.constant 3 : index
    %get3A_99 = arith.constant 0 : index
    %get3A_100 = arith.constant 0 : index
    %get3A_101 = vector.load %arg1[%get3A_98, %get3A_99, %get3A_100] : memref<4x1000x512xf32, #tpu.memory_space<vmem>>, vector<1x1000x512xf32>
    %get3A_102 = vector.shape_cast %get3A_101 : vector<1x1000x512xf32> to vector<1000x512xf32>
    %reduce_max3A_103 = arith.constant dense<0xFF800000> : vector<512xf32>
    %reduce_max3A_104 = vector.multi_reduction <maximumf>, %get3A_102, %reduce_max3A_103 [0] : vector<1000x512xf32> to vector<512xf32>
    %broadcast_in_dim3A_105 = vector.shape_cast %reduce_max3A_104 : vector<512xf32> to vector<1x512xf32>
    %sub3A_106 = vector.broadcast %broadcast_in_dim3A_105 : vector<1x512xf32> to vector<1000x512xf32>
    %sub3A_107 = arith.subf %get3A_102, %sub3A_106 : vector<1000x512xf32>
    %exp3A_108 = math.exp %sub3A_107 : vector<1000x512xf32>
    %reduce_sum3A_109 = arith.constant dense<0.000000e+00> : vector<512xf32>
    %reduce_sum3A_110 = vector.multi_reduction <add>, %exp3A_108, %reduce_sum3A_109 [0] : vector<1000x512xf32> to vector<512xf32>
    %broadcast_in_dim3A_111 = vector.shape_cast %reduce_sum3A_110 : vector<512xf32> to vector<1x512xf32>
    %log3A_112 = math.log %broadcast_in_dim3A_111 : vector<1x512xf32>
    %sub3A_113 = vector.broadcast %log3A_112 : vector<1x512xf32> to vector<1000x512xf32>
    %sub3A_114 = arith.subf %sub3A_107, %sub3A_113 : vector<1000x512xf32>
    %jit3A_115 = arith.constant 0.000000e+00 : f32
    %broadcast_in_dim3A_116 = vector.broadcast %jit3A_115 : f32 to vector<1000x512xf32>
    %select_n3A_117 = arith.select %eq3A_2, %sub3A_114, %broadcast_in_dim3A_116 : vector<1000x512xi1>, vector<1000x512xf32>
    %reduce_sum3A_118 = arith.constant dense<0.000000e+00> : vector<512xf32>
    %reduce_sum3A_119 = vector.multi_reduction <add>, %select_n3A_117, %reduce_sum3A_118 [0] : vector<1000x512xf32> to vector<512xf32>
    %broadcast_in_dim3A_120 = vector.shape_cast %reduce_sum3A_119 : vector<512xf32> to vector<1x512xf32>
    %neg3A_121 = arith.constant 0.000000e+00 : f32
    %neg3A_122 = vector.broadcast %neg3A_121 : f32 to vector<1x512xf32>
    %neg3A_123 = arith.subf %neg3A_122, %broadcast_in_dim3A_120 : vector<1x512xf32>
    %reduce_sum3A_124 = arith.constant dense<0.000000e+00> : vector<512xf32>
    %reduce_sum3A_125 = vector.multi_reduction <add>, %sub3A_114, %reduce_sum3A_124 [0] : vector<1000x512xf32> to vector<512xf32>
    %broadcast_in_dim3A_126 = vector.shape_cast %reduce_sum3A_125 : vector<512xf32> to vector<1x512xf32>
    %div3A_127 = arith.constant 1.000000e+03 : f32
    %div3A_128 = vector.broadcast %div3A_127 : f32 to vector<1x512xf32>
    %div3A_129 = arith.divf %broadcast_in_dim3A_126, %div3A_128 : vector<1x512xf32>
    %sub3A_130 = arith.constant -6.90775537 : f32
    %sub3A_131 = vector.broadcast %sub3A_130 : f32 to vector<1x512xf32>
    %sub3A_132 = arith.subf %sub3A_131, %div3A_129 : vector<1x512xf32>
    %add3A = arith.addf %sub3A_27, %sub3A_62 : vector<1x512xf32>
    %add3A_133 = arith.addf %add3A, %sub3A_97 : vector<1x512xf32>
    %add3A_134 = arith.addf %add3A_133, %sub3A_132 : vector<1x512xf32>
    %sub3A_135 = arith.subf %add3A_134, %sub3A_27 : vector<1x512xf32>
    %add3A_136 = arith.addf %neg3A_19, %sub3A_135 : vector<1x512xf32>
    %sub3A_137 = arith.subf %add3A_134, %sub3A_62 : vector<1x512xf32>
    %add3A_138 = arith.addf %neg3A_53, %sub3A_137 : vector<1x512xf32>
    %sub3A_139 = arith.subf %add3A_134, %sub3A_97 : vector<1x512xf32>
    %add3A_140 = arith.addf %neg3A_88, %sub3A_139 : vector<1x512xf32>
    %sub3A_141 = arith.subf %add3A_134, %sub3A_132 : vector<1x512xf32>
    %add3A_142 = arith.addf %neg3A_123, %sub3A_141 : vector<1x512xf32>
    %broadcast_in_dim3A_143 = arith.constant 0 : i32
    %broadcast_in_dim3A_144 = vector.broadcast %broadcast_in_dim3A_143 : i32 to vector<1x512xi32>
    %lt3A = arith.cmpf olt, %add3A_138, %add3A_136 : vector<1x512xf32>
    %select_n3A_145 = arith.select %lt3A, %add3A_138, %add3A_136 : vector<1x512xi1>, vector<1x512xf32>
    %jit3A_146 = arith.constant 1 : i32
    %broadcast_in_dim3A_147 = vector.broadcast %jit3A_146 : i32 to vector<1x512xi32>
    %select_n3A_148 = arith.select %lt3A, %broadcast_in_dim3A_147, %broadcast_in_dim3A_144 : vector<1x512xi1>, vector<1x512xi32>
    %lt3A_149 = arith.cmpf olt, %add3A_140, %select_n3A_145 : vector<1x512xf32>
    %select_n3A_150 = arith.select %lt3A_149, %add3A_140, %select_n3A_145 : vector<1x512xi1>, vector<1x512xf32>
    %jit3A_151 = arith.constant 2 : i32
    %broadcast_in_dim3A_152 = vector.broadcast %jit3A_151 : i32 to vector<1x512xi32>
    %select_n3A_153 = arith.select %lt3A_149, %broadcast_in_dim3A_152, %select_n3A_148 : vector<1x512xi1>, vector<1x512xi32>
    %lt3A_154 = arith.cmpf olt, %add3A_142, %select_n3A_150 : vector<1x512xf32>
    %jit3A_155 = arith.constant 3 : i32
    %broadcast_in_dim3A_156 = vector.broadcast %jit3A_155 : i32 to vector<1x512xi32>
    %select_n3A_157 = arith.select %lt3A_154, %broadcast_in_dim3A_156, %select_n3A_153 : vector<1x512xi1>, vector<1x512xi32>
    %sub3A_158 = arith.subf %neg3A_19, %sub3A_27 : vector<1x512xf32>
    %eq3A_159 = arith.constant 1 : i32
    %eq3A_160 = vector.broadcast %eq3A_159 : i32 to vector<1x512xi32>
    %eq3A_161 = arith.cmpi eq, %select_n3A_157, %eq3A_160 : vector<1x512xi32>
    %sub3A_162 = arith.subf %neg3A_53, %sub3A_62 : vector<1x512xf32>
    %select_n3A_163 = arith.select %eq3A_161, %sub3A_162, %sub3A_158 : vector<1x512xi1>, vector<1x512xf32>
    %eq3A_164 = arith.constant 2 : i32
    %eq3A_165 = vector.broadcast %eq3A_164 : i32 to vector<1x512xi32>
    %eq3A_166 = arith.cmpi eq, %select_n3A_157, %eq3A_165 : vector<1x512xi32>
    %sub3A_167 = arith.subf %neg3A_88, %sub3A_97 : vector<1x512xf32>
    %select_n3A_168 = arith.select %eq3A_166, %sub3A_167, %select_n3A_163 : vector<1x512xi1>, vector<1x512xf32>
    %eq3A_169 = arith.constant 3 : i32
    %eq3A_170 = vector.broadcast %eq3A_169 : i32 to vector<1x512xi32>
    %eq3A_171 = arith.cmpi eq, %select_n3A_157, %eq3A_170 : vector<1x512xi32>
    %sub3A_172 = arith.subf %neg3A_123, %sub3A_132 : vector<1x512xf32>
    %select_n3A_173 = arith.select %eq3A_171, %sub3A_172, %select_n3A_168 : vector<1x512xi1>, vector<1x512xf32>
    %reshape3A = vector.shape_cast %select_n3A_157 : vector<1x512xi32> to vector<512xi32>
    %swap3A = arith.constant 0 : index
    %swap3A_174 = vector.load %arg3[%swap3A] : memref<512xi32, #tpu.memory_space<vmem>>, vector<512xi32>
    tpu.vector_store %arg3[%swap3A], %reshape3A {strides = array<i32>} : memref<512xi32, #tpu.memory_space<vmem>>, vector<512xi32>,
    %eq3A_175 = arith.constant 0 : i32
    %eq3A_176 = arith.cmpi eq, %arg0, %eq3A_175 : i32
    %convert_element_type3A = arith.extui %eq3A_176 : i1 to i32
    %cond3A = arith.constant 0 : i32
    %cond3A_177 = arith.cmpi ne, %convert_element_type3A, %cond3A : i32
    scf.if %cond3A_177 {
      %broadcast_in_dim3A_204 = arith.constant 0.000000e+00 : f32
      %broadcast_in_dim3A_205 = vector.broadcast %broadcast_in_dim3A_204 : f32 to vector<1x1xf32>
      %swap3A_206 = arith.constant 0 : index
      %swap3A_207 = arith.constant 0 : index
      %swap3A_208 = vector.load %arg4[%swap3A_206, %swap3A_207] : memref<1x1xf32, #tpu.memory_space<vmem>>, vector<1x1xf32>
      tpu.vector_store %arg4[%swap3A_206, %swap3A_207], %broadcast_in_dim3A_205 {strides = array<i32>} : memref<1x1xf32, #tpu.memory_space<vmem>>, vector<1x1xf32>,
      %broadcast_in_dim3A_209 = arith.constant 0.000000e+00 : f32
      %broadcast_in_dim3A_210 = vector.broadcast %broadcast_in_dim3A_209 : f32 to vector<1x1xf32>
      %swap3A_211 = arith.constant 0 : index
      %swap3A_212 = arith.constant 0 : index
      %swap3A_213 = vector.load %arg5[%swap3A_211, %swap3A_212] : memref<1x1xf32, #tpu.memory_space<vmem>>, vector<1x1xf32>
      tpu.vector_store %arg5[%swap3A_211, %swap3A_212], %broadcast_in_dim3A_210 {strides = array<i32>} : memref<1x1xf32, #tpu.memory_space<vmem>>, vector<1x1xf32>,
    } else {
    }
    %get3A_178 = arith.constant 0 : index
    %get3A_179 = arith.constant 0 : index
    %get3A_180 = vector.load %arg4[%get3A_178, %get3A_179] : memref<1x1xf32, #tpu.memory_space<vmem>>, vector<1x1xf32>
    %reduce_sum3A_181 = vector.shape_cast %select_n3A_173 : vector<1x512xf32> to vector<1x1x512xf32>
    %reduce_sum3A_182 = arith.constant dense<0.000000e+00> : vector<1xf32>
    %reduce_sum3A_183 = vector.multi_reduction <add>, %reduce_sum3A_181, %reduce_sum3A_182 [1, 2] : vector<1x1x512xf32> to vector<1xf32>
    %reduce_sum3A_184 = vector.shape_cast %reduce_sum3A_183 : vector<1xf32> to vector<1x1x1xf32>
    %reduce_sum3A_185 = vector.extract %reduce_sum3A_184[0, 0, 0] : f32 from vector<1x1x1xf32>
    %reshape3A_186 = vector.broadcast %reduce_sum3A_185 : f32 to vector<1x1xf32>
    %add3A_187 = arith.addf %get3A_180, %reshape3A_186 : vector<1x1xf32>
    %swap3A_188 = arith.constant 0 : index
    %swap3A_189 = arith.constant 0 : index
    %swap3A_190 = vector.load %arg4[%swap3A_188, %swap3A_189] : memref<1x1xf32, #tpu.memory_space<vmem>>, vector<1x1xf32>
    tpu.vector_store %arg4[%swap3A_188, %swap3A_189], %add3A_187 {strides = array<i32>} : memref<1x1xf32, #tpu.memory_space<vmem>>, vector<1x1xf32>,
    %get3A_191 = arith.constant 0 : index
    %get3A_192 = arith.constant 0 : index
    %get3A_193 = vector.load %arg5[%get3A_191, %get3A_192] : memref<1x1xf32, #tpu.memory_space<vmem>>, vector<1x1xf32>
    %reduce_sum3A_194 = vector.shape_cast %add3A_134 : vector<1x512xf32> to vector<1x1x512xf32>
    %reduce_sum3A_195 = arith.constant dense<0.000000e+00> : vector<1xf32>
    %reduce_sum3A_196 = vector.multi_reduction <add>, %reduce_sum3A_194, %reduce_sum3A_195 [1, 2] : vector<1x1x512xf32> to vector<1xf32>
    %reduce_sum3A_197 = vector.shape_cast %reduce_sum3A_196 : vector<1xf32> to vector<1x1x1xf32>
    %reduce_sum3A_198 = vector.extract %reduce_sum3A_197[0, 0, 0] : f32 from vector<1x1x1xf32>
    %reshape3A_199 = vector.broadcast %reduce_sum3A_198 : f32 to vector<1x1xf32>
    %add3A_200 = arith.addf %get3A_193, %reshape3A_199 : vector<1x1xf32>
    %swap3A_201 = arith.constant 0 : index
    %swap3A_202 = arith.constant 0 : index
    %swap3A_203 = vector.load %arg5[%swap3A_201, %swap3A_202] : memref<1x1xf32, #tpu.memory_space<vmem>>, vector<1x1xf32>
    tpu.vector_store %arg5[%swap3A_201, %swap3A_202], %add3A_200 {strides = array<i32>} : memref<1x1xf32, #tpu.memory_space<vmem>>, vector<1x1xf32>,
    return
  }
  func.func @transform_0(%arg0: i32) -> (i32, i32, i32) {
    %c0_i32 = arith.constant 0 : i32
    %c0_i32_0 = arith.constant 0 : i32
    %c0_i32_1 = arith.constant 0 : i32
    return %c0_i32, %c0_i32_0, %arg0 : i32, i32, i32
  }
  func.func @transform_1(%arg0: i32) -> (i32, i32) {
    %c0_i32 = arith.constant 0 : i32
    %c0_i32_0 = arith.constant 0 : i32
    return %c0_i32, %arg0 : i32, i32
  }
  func.func @transform_2(%arg0: i32) -> i32 {
    %c0_i32 = arith.constant 0 : i32
    return %arg0 : i32
  }
  func.func @transform_3(%arg0: i32) -> (i32, i32) {
    %c0_i32 = arith.constant 0 : i32
    %c0_i32_0 = arith.constant 0 : i32
    %c0_i32_1 = arith.constant 0 : i32
    return %c0_i32, %c0_i32_0 : i32, i32
  }
  func.func @transform_4(%arg0: i32) -> (i32, i32) {
    %c0_i32 = arith.constant 0 : i32
    %c0_i32_0 = arith.constant 0 : i32
    %c0_i32_1 = arith.constant 0 : i32
    return %c0_i32, %c0_i32_0 : i32, i32
  }
}

</mosaic_0001>

<sc_bundles>
// kernel: kernel.4.cloned.1.call-start
scs
__scs_entry_jumppad:
0x0: {  	(pc) =	sbr.rel $0x88, $3  }
0x1: {  	(tag) =	ssettag $0x0;
	lr =	simm.s32 $0x1  }
0x2: {  	[smem:$0x3F9F] =	sst lr;
	_ =	strace $0xD0000000  }
0x3: {  	_ = 	snop  }
0x4: {  	_ = 	snop  }
0x5: {  	_ = 	snop  }
0x6: {  	_ = 	snop  }
0x7: {  	_ = 	snop  }
__scs_overlays_trampoline_lowered:
0x8: {  	[smem:$0x3FAE] =	sst s0  }
0x9: {  	[smem:$0x3FAF] =	sst s1  }
0xa: {  	[smem:$0x3FB0] =	sst s2  }
0xb: {  	[smem:$0x3FB1] =	sst s3  }
0xc: {  	[smem:$0x3FB2] =	sst s4  }
0xd: {  	[smem:$0x3FB3] =	sst s5  }
0xe: {  	[smem:$0x3FB4] =	sst s6  }
0xf: {  	[smem:$0x3FB5] =	sst s7  }
0x10: {  	[smem:$0x3FB6] =	sst s8  }
0x11: {  	[smem:$0x3FB7] =	sst s9;
	s0 =	simm.s32 @!p0 $0x0  }
0x12: {  	s1 =	sld [smem:$0x3F9D];
	s0 =	simm.s32 @p0 $0x1  }
0x13: {  	[smem:$0x3FB8] =	sst s0;
	s0 =	simm.s32 @!p1 $0x0  }
0x14: {  	s2 =	sld [smem:$0x3F9C];
	s0 =	simm.s32 @p1 $0x1  }
0x15: {  	[smem:$0x3FB9] =	sst s0;
	s0 =	simm.s32 @!p2 $0x0  }
0x16: {  	s3 =	sld [smem:$0x3FDB];
	s0 =	simm.s32 @p2 $0x1  }
0x17: {  	s4 =	simm.s32 $0x1BF5;
	[smem:$0x3FBB] =	sst s0  }
0x18: {  	s0 =	sld [smem:$0x3F9E];
	_ =	swait.ge [sflag:s4], $0x0  }
0x19: {  	s7 =	sld [smem:$0x3F9F]  }
0x1a: {  	s8 =	sadd.s32 $0xFFFFE003, lr  }
0x1b: {  	s9 =	sadd.s32 $0xFFFFFEF7, lr;
	s5 =	simm.s32 $0xFFFFFFFF;
	p2 =	slt.u32 s8, $0xFFFFF086  }
0x1c: {  	p1 =	slt.u32 s9, $0xF7A;
	s5 =	simm.s32 @!p2 $0x0  }
0x1d: {  	s5 =	simm.s32 @p1 $0x1;
	p0 =	seq.s32 s7, s2  }
0x1e: {  	s7 =	smul.u32 @!p0 $0xF7A, s2;
	p2 =	seq.s32 @!p0 s5, $0x0  }
0x1f: {  	s9 =	smul.u32 $0xF7A, s1;
	s8 =	simm.s32 @!p0 $0x1BF5;
	p2 =	por !p2, p0  }
0x20: {  	[sflag:s8] =	ssyncset.s32 @!p0 $0xFFFFF086;
	s6 =	sadd.s32 @!p0 s3, s7;
	s7 =	simm.s32 @!p0 $0x108  }
0x21: {  	s3 =	sadd.s32 s3, s9;
	s6 =	sadd.s32 @!p0 $0x88, s6;
	s7 =	simm.s32 @p2 $0x1082  }
0x22: {  	[simem:s7], [sflag:s8] =	dma.local @!p0 [hbm:s6], $0xF7A  }
0x23: {  	s9 =	sor.u32 $0xD0000000, s2;
	s6 =	simm.s32 $0x108;
	_ =	swait.ge @!p0 [sflag:s8], $0x0  }
0x24: {  	s3 =	sadd.s32 $0x88, s3;
	s6 =	simm.s32 @!p1 $0x1082;
	[sflag:s4] =	ssyncset.s32 $0xFFFFF086  }
0x25: {  	[simem:s6], [sflag:s4] =	dma.local [hbm:s3], $0xF7A  }
0x26: {  	[smem:$0x3F9F] =	sst s1;
	(tag) =	ssettag s2;
	_ =	strace s9  }
0x27: {  	s1 =	sld [smem:$0x3FAF]  }
0x28: {  	s2 =	sld [smem:$0x3FB0]  }
0x29: {  	s4 =	sld [smem:$0x3FB2]  }
0x2a: {  	p0 =	seq.s32 s5, $0x0;
	s5 =	sld [smem:$0x3FB3]  }
0x2b: {  	s6 =	sld [smem:$0x3FB4]  }
0x2c: {  	s7 =	sld [smem:$0x3FB5]  }
0x2d: {  	s3 =	simm.s32 $0x108;
	s8 =	sld [smem:$0x3FB6]  }
0x2e: {  	s3 =	simm.s32 @!p0 $0x1082;
	s9 =	sld [smem:$0x3FB7]  }
0x2f: {  	lr =	sadd.s32 s0, s3;
	s0 =	sld [smem:$0x3FAE]  }
0x30: {  	s3 =	sld [smem:$0x3FB1]  }
0x31: {  	[smem:$0x3FBA] =	sst s10  }
0x32: {  	s10 =	sld [smem:$0x3FB8];
	_ =	sdelay $0x3  }
0x33: {  	p0 =	seq.s32 s10, $0x1;
	s10 =	sld [smem:$0x3FBA];
	_ =	sdelay $0x3  }
0x34: {  	[smem:$0x3FBA] =	sst s10  }
0x35: {  	s10 =	sld [smem:$0x3FB9];
	_ =	sdelay $0x3  }
0x36: {  	p1 =	seq.s32 s10, $0x1;
	s10 =	sld [smem:$0x3FBA];
	_ =	sdelay $0x3  }
0x37: {  	[smem:$0x3FBA] =	sst s10  }
0x38: {  	s10 =	sld [smem:$0x3FBB]  }
0x39: {  	_ = 	snop;
	(pc) =	sbr.ind lr, $3  }
0x3a: {  	_ = 	snop  }
0x3b: {  	_ = 	snop  }
0x3c: {  	p2 =	seq.s32 s10, $0x1;
	s10 =	sld [smem:$0x3FBA]  }
0x3d: {  	_ =	shalt  }
0x3e: {  	_ =	shalt  }
0x3f: {  	_ =	shalt  }
0x40: {  	_ =	shalt  }
0x41: {  	_ =	shalt  }
0x42: {  	_ =	shalt  }
0x43: {  	_ =	shalt  }
0x44: {  	_ =	shalt  }
0x45: {  	_ =	shalt  }
0x46: {  	_ =	shalt  }
0x47: {  	_ =	shalt  }
0x48: {  	_ =	shalt  }
0x49: {  	_ =	shalt  }
0x4a: {  	_ =	shalt  }
0x4b: {  	_ =	shalt  }
0x4c: {  	_ =	shalt  }
0x4d: {  	_ =	shalt  }
0x4e: {  	_ =	shalt  }
0x4f: {  	_ =	shalt  }
0x50: {  	_ =	shalt  }
0x51: {  	_ =	shalt  }
0x52: {  	_ =	shalt  }
0x53: {  	_ =	shalt  }
0x54: {  	_ =	shalt  }
0x55: {  	_ =	shalt  }
0x56: {  	_ =	shalt  }
0x57: {  	_ =	shalt  }
0x58: {  	_ =	shalt  }
0x59: {  	_ =	shalt  }
0x5a: {  	_ =	shalt  }
0x5b: {  	_ =	shalt  }
0x5c: {  	_ =	shalt  }
0x5d: {  	_ =	shalt  }
0x5e: {  	_ =	shalt  }
0x5f: {  	_ =	shalt  }
0x60: {  	_ =	shalt  }
0x61: {  	_ =	shalt  }
0x62: {  	_ =	shalt  }
0x63: {  	_ =	shalt  }
0x64: {  	_ =	shalt  }
0x65: {  	_ =	shalt  }
0x66: {  	_ =	shalt  }
0x67: {  	_ =	shalt  }
0x68: {  	_ =	shalt  }
0x69: {  	_ =	shalt  }
0x6a: {  	_ =	shalt  }
0x6b: {  	_ =	shalt  }
0x6c: {  	_ =	shalt  }
0x6d: {  	_ =	shalt  }
0x6e: {  	_ =	shalt  }
0x6f: {  	_ =	shalt  }
0x70: {  	_ =	shalt  }
0x71: {  	_ =	shalt  }
0x72: {  	_ =	shalt  }
0x73: {  	_ =	shalt  }
0x74: {  	_ =	shalt  }
0x75: {  	_ =	shalt  }
0x76: {  	_ =	shalt  }
0x77: {  	_ =	shalt  }
0x78: {  	_ =	shalt  }
0x79: {  	_ =	shalt  }
0x7a: {  	_ =	shalt  }
0x7b: {  	_ =	shalt  }
0x7c: {  	_ =	shalt  }
0x7d: {  	_ =	shalt  }
0x7e: {  	_ =	shalt  }
0x7f: {  	_ =	shalt  }
0x80: {  	_ =	shalt  }
0x81: {  	_ =	shalt  }
0x82: {  	_ =	shalt  }
0x83: {  	_ =	shalt  }
0x84: {  	_ =	shalt  }
0x85: {  	_ =	shalt  }
0x86: {  	_ =	shalt  }
0x87: {  	_ =	shalt  }
.Lfunc_end0:
.L_simem_size_0:
called_computation_lowered:
.L_overlay_start_0:
0x88: {  	s2 =	sld [smem:$0x3FD9]  }
0x89: {  	s3 =	sld [smem:$0x3FFE];
	_ =	sdelay $0x1  }
0x8a: {  	s1 =	srdreg.scid  }
0x8b: {  	s0 =	sand.u32 $0x1, s1  }
0x8c: {  	s15 =	sshll.u32 s0, $0xA;
	s2 =	sadd.s32 s3, s2  }
0x8d: {  	s2 =	sadd.s32 s2, s15  }
0x8e: {  	[smem:$0x3FC6] =	sst s2  }
0x8f: {  	_ = 	snop  }
0x90: {  	s2 =	sld [smem:$0x3FD0];
	_ =	sdelay $0x2  }
0x91: {  	s4 =	simm.s32 $0xA;
	s5 =	simm.s32 $0x10;
	s16 =	sld [smem:$0x3FC9]  }
0x92: {  	[smem:s5], [sflag:s4] =	dma.local [hbm:s2], $0x1  }
0x93: {  	_ =	swait.eq [sflag:s4], $0x1  }
0x94: {  	[sflag:s4] =	ssyncset.done $0x0  }
0x95: {  	s17 =	sld [smem:$0x11];
	[sflag:s4] =	ssyncadd.s32 $0xFFFFFFFF  }
0x96: {  	s18 =	sld [smem:$0x12];
	(tm) =	ssettm $0x1  }
0x97: {  	s19 =	sld [smem:$0x3FFB];
	_ =	sdelay $0x3  }
0x98: {  	_ =	strace s19  }
0x99: {  	s5 =	sld [smem:$0x3FFC];
	_ =	sdelay $0x3  }
0x9a: {  	_ =	strace s5  }
0x9b: {  	s5 =	sld [smem:$0x3FFD];
	_ =	sdelay $0x3  }
0x9c: {  	_ =	strace s5  }
0x9d: {  	_ =	strace $0x8FFFFFFF  }
0x9e: {  	s20 =	sld [smem:$0x3FDB];
	_ =	sdelay $0x1  }
0x9f: {  	s6 =	simm.s32 $_scs_section_size  }
0xa0: {  	s7 =	simm.s32 $_size__tile_overlayer_lowered;
	s8 =	simm.s32 $_tile_overlayer_lowered  }
0xa1: {  	s23 =	simm.s32 $0x1BFF;
	s22 =	sshll.u32 s8, $0x1;
	s5 =	sadd.s32 s6, s20  }
0xa2: {  	s9 =	simm.s32 $0x0;
	s21 =	sshll.u32 s7, $0x1;
	s7 =	sadd.s32 s22, s5  }
0xa3: {  	[timem:s9], [sflag:s23] =	dma.local [hbm:s7], s21  }
0xa4: {  	_ =	swait.ge [sflag:s23], s21  }
0xa5: {  	s6 =	ssub.s32 $0x0, s21;
	[sflag:s23] =	ssyncset.done $0x0  }
0xa6: {  	[sflag:s23] =	ssyncadd.s32 s6;
	_ =	sdelay $0x1  }
0xa7: {  	s24 =	simm.s32 $0x1B8B  }
0xa8: {  	_ =	swait.ge [sflag:s24], $0x1  }
0xa9: {  	[sflag:s24] =	ssyncset.done $0x0  }
0xaa: {  	s25 =	simm.s32 $0x1B8E;
	[sflag:s24] =	ssyncadd.s32 $0xFFFFFFFF  }
0xab: {  	s26 =	simm.s32 $execute0_lowered;
	[smem:$0x3FD2] =	sst s25  }
0xac: {  	s6 =	sshll.u32 s26, $0x1;
	_ =	strace $0x80000046;
	[dreg:$0x1] =	wrdreg $0xFFFFFFFF  }
0xad: {  	s28 =	simm.s32 $_size_execute0_lowered;
	s5 =	sadd.s32 s5, s6;
	[dreg:$0x0] =	wrdreg $0x0  }
0xae: {  	s6 =	sshll.u32 s28, $0x1;
	[dreg:$0x2] =	wrdreg s5  }
0xaf: {  	[dreg:$0x3] =	wrdreg s6  }
0xb0: {  	[dreg:$0x4] =	wrdreg $0xC0  }
0xb1: {  	_ =	task [dreg:s9], $0x5FFFF  }
0xb2: {  	[dreg:$0x1] =	wrdreg $0xFFFFFFFF  }
0xb3: {  	[dreg:$0x0] =	wrdreg $0x60  }
0xb4: {  	[dreg:$0x2] =	wrdreg s16  }
0xb5: {  	[dreg:$0x3] =	wrdreg s18  }
0xb6: {  	[dreg:$0x4] =	wrdreg s17  }
0xb7: {  	[dreg:$0x5] =	wrdreg $0x9  }
0xb8: {  	_ =	task.clear_ibuf [dreg:s9], $0x6FFFF;
	_ =	strace $0x90000046  }
0xb9: {  	s29 =	simm.s32 $0x9;
	_ =	strace $0x80000048  }
0xba: {  	_ =	swait.ge [sflag:s29], $0x1  }
0xbb: {  	[sflag:s29] =	ssyncadd.s32 $0xFFFFFFFF  }
0xbc: {  	_ =	strace $0x90000048  }
0xbd: {  	_ =	sfence  }
0xbe: {  	s30 =	sld [smem:$0x0];
	_ =	sdelay $0x2  }
0xbf: {  	s31 =	sshll.u32 s1, $0xD;
	s1 =	sshrl.u32 s1, $0x2  }
0xc0: {  	s3 =	sand.u32 $0x4000, s31;
	s1 =	sadd.s32 s1, s30  }
0xc1: {  	s0 =	sor.u32 s3, s0;
	s1 =	sshll.u32 s1, $0x11  }
0xc2: {  	s0 =	sor.u32 s1, s0  }
0xc3: {  	s0 =	sadd.s32 $0x8F2B, s0  }
0xc4: {  	[sflag:s0] =	ssyncadd.remote.s32 $0x1  }
0xc5: {  	_ =	sfence.sel $0xFFFF  }
0xc6: {  	[dreg:$0x0] =	wrdreg $0xFFFFFFFF;
	(pc) =	sbr.abs _section_cstart, $3  }
0xc7: {  	[dreg:$0x1] =	wrdreg $0xFFFFFFFF  }
0xc8: {  	_ =	task.clear_ibuf [dreg:s9], $0x2FFFF;
	_ =	strace $0x9FFFFFFF  }
0xc9: {  	(tm) =	ssettm $0x7FFFFFFF  }
tec
execute0_lowered:
.L_overlay_start_1:
0x0: {  	(tag) =	ssettag $0x1  }
0x1: {  	s1 =	rddreg [dreg:$0x0]  }
0x2: {  	s0 =	rddreg [dreg:$0x1];
	s2 =	srdreg.scid  }
0x3: {  	s3 =	rddreg [dreg:$0x2];
	s4 =	stileid.u32;
	s2 =	sand.u32 $0x1, s2  }
0x4: {  	s5 =	simm.s32 $0x0;
	s4 =	sshll.u32 s4, $0xA;
	s17 =	sshll.u32 s2, $0x9  }
0x5: {  	s28 =	simm.s32 $0xF200;
	s29 =	simm.s32 $0x12200;
	s4 =	sor.u32 s17, s4  }
0x6: {  	s30 =	simm.s32 $0x15200;
	s31 =	simm.s32 $0x1;
	s7 =	sshrl.u32 s4, $0x3  }
0x7: {  	[smem:$0x7FF] =	sst s5;
	s5 =	sadd.s32 s1, s4;
	s0 =	sadd.s32 s0, s7  }
0x8: {  	_ =	strace $0x80000047;
	s18 =	sadd.s32 $0x1F4000, s5;
	[dreg:$0x4] =	wrdreg s0  }
0x9: {  	s8 =	simm.s32 $0x0;
	s19 =	sadd.s32 $0x3E8000, s5;
	[dreg:$0x5] =	wrdreg s18  }
0xa: {  	s10 =	sadd.s32 s3, s4;
	s20 =	sadd.s32 $0x5DC000, s5;
	[dreg:$0x6] =	wrdreg s19  }
0xb: {  	s22 =	sor.u32 $0x1EC000, s4;
	s21 =	sadd.s32 $0x1E0000, s10;
	[dreg:$0x7] =	wrdreg s20  }
0xc: {  	s11 =	sor.u32 $0xC000, s4;
	s4 =	sadd.s32 s1, s22;
	[dreg:$0x8] =	wrdreg s21  }
0xd: {  	s2 =	ssub.s32 $0x2, s2;
	s23 =	sadd.s32 $0x3E0000, s5;
	[dreg:$0x9] =	wrdreg s4  }
0xe: {  	s6 =	sshrl.u32 s2, $0x1;
	s24 =	sadd.s32 $0x5D4000, s5;
	[dreg:$0xa] =	wrdreg s23  }
0xf: {  	s2 =	ssub.s32 s2, s6;
	s25 =	sadd.s32 $0x7C8000, s5;
	[dreg:$0xb] =	wrdreg s24  }
0x10: {  	s26 =	smax.u32 s2, $0x1;
	s2 =	simm.s32 $0x2;
	[dreg:$0xc] =	wrdreg s25  }
0x11: {  	s0 =	sadd.s32 s3, s22;
	[dreg:$0xe] =	wrdreg s26;
	s20 =	simm.s32 $0x1000  }
0x12: {  	s21 =	simm.s32 $0x20000;
	s22 =	simm.s32 $0x200;
	s23 =	simm.s32 $0x3200  }
0x13: {  	s24 =	simm.s32 $0x6200;
	s25 =	simm.s32 $0x9200;
	s26 =	simm.s32 $0xC200  }
0x14: {  	s4 =	simm.s32 $0x1B200;
	[dreg:$0xd] =	wrdreg s0;
	s0 =	simm.s32 $0x18200  }
.LBB2_1:
0x15: {  	s6 =	simm.s32 $0x0;
	s7 =	rddreg [dreg:$0x4];
	s16 =	simm.s32 $0x5  }
0x16: {  	[tilespmem:s6], [sflag:$0x5] =	stream.linear.gather [hbm4b:s7+s6], $0x200, $0x38;
	[tilespmem:$0x1E200] =	vst v63  }
0x17: {  	_ =	swait.ge [sflag:s16], $0x200  }
0x18: {  	[sflag:s16] =	ssyncset.done $0x0  }
0x19: {  	[sflag:s16] =	ssyncadd.s32 $0xFFFFFE00  }
0x1a: {  	[tilespmem:s22], [sflag:$0x1] =	stream.strided.gather [hbm4b:s5+s20], $0x3000, s21, s20, $0x38;
	[tilespmem:$0x1E200] =	vst v63  }
0x1b: {  	s17 =	rddreg [dreg:$0x5]  }
0x1c: {  	[tilespmem:s23], [sflag:$0x1] =	stream.strided.gather [hbm4b:s17+s20], $0x3000, s21, s20, $0x38;
	[tilespmem:$0x1E200] =	vst v63  }
0x1d: {  	s18 =	rddreg [dreg:$0x6]  }
0x1e: {  	[tilespmem:s24], [sflag:$0x1] =	stream.strided.gather [hbm4b:s18+s20], $0x3000, s21, s20, $0x38;
	[tilespmem:$0x1E200] =	vst v63  }
0x1f: {  	s9 =	simm.s32 $0x0;
	s19 =	rddreg [dreg:$0x7]  }
0x20: {  	[tilespmem:s25], [sflag:$0x1] =	stream.strided.gather [hbm4b:s19+s20], $0x3000, s21, s20, $0x38;
	[tilespmem:$0x1E200] =	vst v63  }
.LBB2_2:
0x21: {  	s13 =	smul.u32 $0x18000, s9  }
0x22: {  	s14 =	smul.u32 $0xC0000, s9  }
0x23: {  	s12 =	sadd.s32 s11, s13  }
0x24: {  	s17 =	sshrl.u32 s14, $0x3;
	s7 =	sadd.s32 s1, s12  }
0x25: {  	[tilespmem:s26], [sflag:$0x2] =	stream.strided.gather [hbm4b:s7+s20], $0x3000, s21, s20, $0x38;
	[tilespmem:$0x1E200] =	vst v63  }
0x26: {  	s7 =	sadd.s32 s5, s17  }
0x27: {  	s18 =	sadd.s32 $0x200000, s7  }
0x28: {  	[tilespmem:s28], [sflag:$0x2] =	stream.strided.gather [hbm4b:s18+s20], $0x3000, s21, s20, $0x38;
	[tilespmem:$0x1E200] =	vst v63  }
0x29: {  	s19 =	sadd.s32 $0x3F4000, s7  }
0x2a: {  	[tilespmem:s29], [sflag:$0x2] =	stream.strided.gather [hbm4b:s19+s20], $0x3000, s21, s20, $0x38;
	[tilespmem:$0x1E200] =	vst v63  }
0x2b: {  	s7 =	sadd.s32 $0x5E8000, s7  }
0x2c: {  	[tilespmem:s30], [sflag:$0x2] =	stream.strided.gather [hbm4b:s7+s20], $0x3000, s21, s20, $0x38;
	[tilespmem:$0x1E200] =	vst v63  }
0x2d: {  	_ =	swait.ge [sflag:s31], $0x3000  }
0x2e: {  	[sflag:s31] =	ssyncset.done $0x0  }
0x2f: {  	[sflag:s31] =	ssyncadd.s32 $0xFFFFD000  }
0x30: {  	_ =	swait.ge [sflag:s31], $0x3000  }
0x31: {  	[sflag:s31] =	ssyncset.done $0x0  }
0x32: {  	[sflag:s31] =	ssyncadd.s32 $0xFFFFD000  }
0x33: {  	_ =	swait.ge [sflag:s31], $0x3000  }
0x34: {  	[sflag:s31] =	ssyncset.done $0x0  }
0x35: {  	[sflag:s31] =	ssyncadd.s32 $0xFFFFD000  }
0x36: {  	_ =	swait.ge [sflag:s31], $0x3000  }
0x37: {  	p0 =	seq.s32 s9, $0x0;
	[sflag:s31] =	ssyncset.done $0x0  }
0x38: {  	s7 =	simm.s32 @!p0 $0x3;
	[sflag:s31] =	ssyncadd.s32 $0xFFFFD000  }
0x39: {  	_ =	swait.ge @!p0 [sflag:s7], $0x3000  }
0x3a: {  	s15 =	simm.s32 $0x0;
	s16 =	simm.s32 $0x0;
	[sflag:s7] =	ssyncset.done @!p0 $0x0  }
0x3b: {  	s14 =	sshll.u32 s9, $0x1;
	s17 =	simm.s32 $0x0;
	[sflag:s7] =	ssyncadd.s32 @!p0 $0xFFFFD000  }
.LBB2_3:
0x3c: {  	s7 =	sand.u32 $0x70, s17;
	s18 =	sand.u32 $0xC00, s16  }
0x3d: {  	v0 =	vld [tilespmem:s15+$0x0];
	s18 =	sor.u32 s7, s18  }
0x3e: {  	v1 =	vld [tilespmem:s18+$0x200]  }
0x3f: {  	v2 =	vld [tilespmem:s18+$0x3200]  }
0x40: {  	v3 =	vld [tilespmem:s18+$0x6200]  }
0x41: {  	v4 =	vld [tilespmem:s18+$0x9200]  }
0x42: {  	v5 =	vld [tilespmem:s18+$0x280]  }
0x43: {  	v6 =	vld [tilespmem:s18+$0x3280]  }
0x44: {  	v7 =	vld [tilespmem:s18+$0x6280]  }
0x45: {  	v8 =	vld [tilespmem:s18+$0x9280]  }
0x46: {  	v9 =	vld [tilespmem:s18+$0x300]  }
0x47: {  	v10 =	vld [tilespmem:s18+$0x3300]  }
0x48: {  	v11 =	vld [tilespmem:s18+$0x6300]  }
0x49: {  	v12 =	vld [tilespmem:s18+$0x9300];
	vm0 =	veq.s32 v0, $0x1  }
0x4a: {  	vm1 =	veq.s32 v0, $0x2;
	v1 =	vsel vm0, v2, v1  }
0x4b: {  	vm2 =	veq.s32 v0, $0x3;
	v13 =	vsel vm0, v6, v5;
	v63 =	vsel vm1, v3, v1  }
0x4c: {  	v14 =	vsel vm0, v10, v9;
	v1 =	vsel vm1, v7, v13;
	v0 =	vsel vm2, v4, v63  }
0x4d: {  	s6 =	sand.u32 $0xFFFFFC00, s16;
	v16 =	vsel vm1, v11, v14;
	v15 =	vsel vm2, v8, v1;
	[tilespmem:s18+$0x18200] =	vst v0  }
0x4e: {  	s19 =	sadd.s32 s6, s17;
	v17 =	vsel vm2, v12, v16;
	[tilespmem:s18+$0x18280] =	vst v15  }
0x4f: {  	s7 =	sor.u32 $0x180, s19;
	v18 =	vld [tilespmem:s18+$0x3380];
	[tilespmem:s18+$0x18300] =	vst v17  }
0x50: {  	v0 =	vld [tilespmem:s7+$0x200]  }
0x51: {  	v19 =	vld [tilespmem:s18+$0x6380]  }
0x52: {  	v20 =	vld [tilespmem:s18+$0x9380];
	_ =	sdelay $0x2  }
0x53: {  	v0 =	vsel vm0, v18, v0  }
0x54: {  	v0 =	vsel vm1, v19, v0  }
0x55: {  	v0 =	vsel vm2, v20, v0  }
0x56: {  	[tilespmem:s7+$0x18200] =	vst v0  }
0x57: {  	v0 =	vld [tilespmem:s18+$0x400]  }
0x58: {  	v21 =	vld [tilespmem:s18+$0x3400]  }
0x59: {  	v22 =	vld [tilespmem:s18+$0x6400]  }
0x5a: {  	v23 =	vld [tilespmem:s18+$0x9400]  }
0x5b: {  	v24 =	vld [tilespmem:s18+$0x480]  }
0x5c: {  	v25 =	vld [tilespmem:s18+$0x3480]  }
0x5d: {  	v26 =	vld [tilespmem:s18+$0x6480]  }
0x5e: {  	v27 =	vld [tilespmem:s18+$0x9480]  }
0x5f: {  	v28 =	vld [tilespmem:s18+$0x500]  }
0x60: {  	v29 =	vld [tilespmem:s18+$0x3500]  }
0x61: {  	v30 =	vld [tilespmem:s18+$0x6500]  }
0x62: {  	v31 =	vld [tilespmem:s18+$0x9500]  }
0x63: {  	v0 =	vsel vm0, v21, v0  }
0x64: {  	v32 =	vsel vm0, v25, v24;
	v0 =	vsel vm1, v22, v0  }
0x65: {  	v33 =	vsel vm0, v29, v28;
	v1 =	vsel vm1, v26, v32;
	v0 =	vsel vm2, v23, v0  }
0x66: {  	v35 =	vsel vm1, v30, v33;
	v34 =	vsel vm2, v27, v1;
	[tilespmem:s18+$0x18400] =	vst v0  }
0x67: {  	s7 =	sor.u32 s17, s16;
	v36 =	vsel vm2, v31, v35;
	[tilespmem:s18+$0x18480] =	vst v34  }
0x68: {  	s6 =	sor.u32 $0x380, s7;
	v37 =	vld [tilespmem:s18+$0x3580];
	[tilespmem:s18+$0x18500] =	vst v36  }
0x69: {  	v0 =	vld [tilespmem:s6+$0x200]  }
0x6a: {  	v38 =	vld [tilespmem:s18+$0x6580]  }
0x6b: {  	v39 =	vld [tilespmem:s18+$0x9580];
	_ =	sdelay $0x2  }
0x6c: {  	v0 =	vsel vm0, v37, v0  }
0x6d: {  	v0 =	vsel vm1, v38, v0  }
0x6e: {  	v0 =	vsel vm2, v39, v0  }
0x6f: {  	[tilespmem:s6+$0x18200] =	vst v0  }
0x70: {  	v0 =	vld [tilespmem:s18+$0x1200]  }
0x71: {  	v40 =	vld [tilespmem:s18+$0x4200]  }
0x72: {  	v41 =	vld [tilespmem:s18+$0x7200]  }
0x73: {  	v42 =	vld [tilespmem:s18+$0xA200]  }
0x74: {  	v43 =	vld [tilespmem:s18+$0x1280]  }
0x75: {  	v44 =	vld [tilespmem:s18+$0x4280]  }
0x76: {  	v45 =	vld [tilespmem:s18+$0x7280]  }
0x77: {  	v46 =	vld [tilespmem:s18+$0xA280]  }
0x78: {  	v47 =	vld [tilespmem:s18+$0x1300]  }
0x79: {  	v48 =	vld [tilespmem:s18+$0x4300]  }
0x7a: {  	v49 =	vld [tilespmem:s18+$0x7300]  }
0x7b: {  	v50 =	vld [tilespmem:s18+$0xA300]  }
0x7c: {  	v0 =	vsel vm0, v40, v0  }
0x7d: {  	v51 =	vsel vm0, v44, v43;
	v0 =	vsel vm1, v41, v0  }
0x7e: {  	v52 =	vsel vm0, v48, v47;
	v1 =	vsel vm1, v45, v51;
	v0 =	vsel vm2, v42, v0  }
0x7f: {  	v54 =	vsel vm1, v49, v52;
	v53 =	vsel vm2, v46, v1;
	[tilespmem:s18+$0x19200] =	vst v0  }
0x80: {  	v55 =	vsel vm2, v50, v54;
	[tilespmem:s18+$0x19280] =	vst v53  }
0x81: {  	s6 =	sor.u32 $0x1180, s19;
	v56 =	vld [tilespmem:s18+$0x4380];
	[tilespmem:s18+$0x19300] =	vst v55  }
0x82: {  	v0 =	vld [tilespmem:s6+$0x200]  }
0x83: {  	v57 =	vld [tilespmem:s18+$0x7380]  }
0x84: {  	v58 =	vld [tilespmem:s18+$0xA380];
	_ =	sdelay $0x2  }
0x85: {  	v0 =	vsel vm0, v56, v0  }
0x86: {  	v0 =	vsel vm1, v57, v0  }
0x87: {  	v0 =	vsel vm2, v58, v0  }
0x88: {  	[tilespmem:s6+$0x18200] =	vst v0  }
0x89: {  	v0 =	vld [tilespmem:s18+$0x1400]  }
0x8a: {  	v59 =	vld [tilespmem:s18+$0x4400]  }
0x8b: {  	v60 =	vld [tilespmem:s18+$0x7400]  }
0x8c: {  	v61 =	vld [tilespmem:s18+$0xA400]  }
0x8d: {  	v62 =	vld [tilespmem:s18+$0x1480]  }
0x8e: {  	v63 =	vld [tilespmem:s18+$0x4480]  }
0x8f: {  	v12 =	vld [tilespmem:s18+$0x7480]  }
0x90: {  	v13 =	vld [tilespmem:s18+$0xA480]  }
0x91: {  	v14 =	vld [tilespmem:s18+$0x1500]  }
0x92: {  	v15 =	vld [tilespmem:s18+$0x4500]  }
0x93: {  	v16 =	vld [tilespmem:s18+$0x7500]  }
0x94: {  	v17 =	vld [tilespmem:s18+$0xA500]  }
0x95: {  	v0 =	vsel vm0, v59, v0  }
0x96: {  	v18 =	vsel vm0, v63, v62;
	v0 =	vsel vm1, v60, v0  }
0x97: {  	v19 =	vsel vm0, v15, v14;
	v1 =	vsel vm1, v12, v18;
	v0 =	vsel vm2, v61, v0  }
0x98: {  	v21 =	vsel vm1, v16, v19;
	v20 =	vsel vm2, v13, v1;
	[tilespmem:s18+$0x19400] =	vst v0  }
0x99: {  	v22 =	vsel vm2, v17, v21;
	[tilespmem:s18+$0x19480] =	vst v20  }
0x9a: {  	s6 =	sor.u32 $0x1380, s7;
	v23 =	vld [tilespmem:s18+$0x4580];
	[tilespmem:s18+$0x19500] =	vst v22  }
0x9b: {  	v0 =	vld [tilespmem:s6+$0x200]  }
0x9c: {  	v24 =	vld [tilespmem:s18+$0x7580]  }
0x9d: {  	v25 =	vld [tilespmem:s18+$0xA580];
	_ =	sdelay $0x2  }
0x9e: {  	v0 =	vsel vm0, v23, v0  }
0x9f: {  	v0 =	vsel vm1, v24, v0  }
0xa0: {  	v0 =	vsel vm2, v25, v0  }
0xa1: {  	[tilespmem:s6+$0x18200] =	vst v0  }
0xa2: {  	v0 =	vld [tilespmem:s18+$0x2200]  }
0xa3: {  	v26 =	vld [tilespmem:s18+$0x5200]  }
0xa4: {  	v27 =	vld [tilespmem:s18+$0x8200]  }
0xa5: {  	v28 =	vld [tilespmem:s18+$0xB200]  }
0xa6: {  	v29 =	vld [tilespmem:s18+$0x2280]  }
0xa7: {  	v30 =	vld [tilespmem:s18+$0x5280]  }
0xa8: {  	v31 =	vld [tilespmem:s18+$0x8280]  }
0xa9: {  	v32 =	vld [tilespmem:s18+$0xB280]  }
0xaa: {  	v33 =	vld [tilespmem:s18+$0x2300]  }
0xab: {  	v34 =	vld [tilespmem:s18+$0x5300]  }
0xac: {  	v35 =	vld [tilespmem:s18+$0x8300]  }
0xad: {  	v36 =	vld [tilespmem:s18+$0xB300]  }
0xae: {  	v0 =	vsel vm0, v26, v0  }
0xaf: {  	v37 =	vsel vm0, v30, v29;
	v0 =	vsel vm1, v27, v0  }
0xb0: {  	v38 =	vsel vm0, v34, v33;
	v1 =	vsel vm1, v31, v37;
	v0 =	vsel vm2, v28, v0  }
0xb1: {  	v40 =	vsel vm1, v35, v38;
	v39 =	vsel vm2, v32, v1;
	[tilespmem:s18+$0x1A200] =	vst v0  }
0xb2: {  	v41 =	vsel vm2, v36, v40;
	[tilespmem:s18+$0x1A280] =	vst v39  }
0xb3: {  	s19 =	sor.u32 $0x2180, s19;
	v42 =	vld [tilespmem:s18+$0x5380];
	[tilespmem:s18+$0x1A300] =	vst v41  }
0xb4: {  	v0 =	vld [tilespmem:s19+$0x200]  }
0xb5: {  	v43 =	vld [tilespmem:s18+$0x8380]  }
0xb6: {  	v44 =	vld [tilespmem:s18+$0xB380];
	_ =	sdelay $0x2  }
0xb7: {  	v0 =	vsel vm0, v42, v0  }
0xb8: {  	v0 =	vsel vm1, v43, v0  }
0xb9: {  	v0 =	vsel vm2, v44, v0  }
0xba: {  	[tilespmem:s19+$0x18200] =	vst v0  }
0xbb: {  	v0 =	vld [tilespmem:s18+$0x2400]  }
0xbc: {  	v45 =	vld [tilespmem:s18+$0x5400]  }
0xbd: {  	v46 =	vld [tilespmem:s18+$0x8400]  }
0xbe: {  	v47 =	vld [tilespmem:s18+$0xB400]  }
0xbf: {  	v48 =	vld [tilespmem:s18+$0x2480]  }
0xc0: {  	v49 =	vld [tilespmem:s18+$0x5480]  }
0xc1: {  	v50 =	vld [tilespmem:s18+$0x8480]  }
0xc2: {  	v51 =	vld [tilespmem:s18+$0xB480]  }
0xc3: {  	v52 =	vld [tilespmem:s18+$0x2500]  }
0xc4: {  	v53 =	vld [tilespmem:s18+$0x5500]  }
0xc5: {  	v54 =	vld [tilespmem:s18+$0x8500]  }
0xc6: {  	v55 =	vld [tilespmem:s18+$0xB500]  }
0xc7: {  	v0 =	vsel vm0, v45, v0  }
0xc8: {  	v56 =	vsel vm0, v49, v48;
	v0 =	vsel vm1, v46, v0  }
0xc9: {  	v57 =	vsel vm0, v53, v52;
	v1 =	vsel vm1, v50, v56;
	v0 =	vsel vm2, v47, v0  }
0xca: {  	v59 =	vsel vm1, v54, v57;
	v58 =	vsel vm2, v51, v1;
	[tilespmem:s18+$0x1A400] =	vst v0  }
0xcb: {  	v60 =	vsel vm2, v55, v59;
	[tilespmem:s18+$0x1A480] =	vst v58  }
0xcc: {  	s19 =	sor.u32 $0x2380, s7;
	v61 =	vld [tilespmem:s18+$0x5580];
	[tilespmem:s18+$0x1A500] =	vst v60  }
0xcd: {  	v0 =	vld [tilespmem:s19+$0x200]  }
0xce: {  	v62 =	vld [tilespmem:s18+$0x8580]  }
0xcf: {  	v63 =	vld [tilespmem:s18+$0xB580]  }
0xd0: {  	p1 =	sne.s32 s17, $0x1F0  }
.Ltmp0:
0xd1: {  	_ = 	snop;
	(pc) =	sbr.rel @p1 .LBB2_3-.Ltmp0, $4  }
0xd2: {  	v0 =	vsel vm0, v61, v0  }
0xd3: {  	v0 =	vsel vm1, v62, v0  }
0xd4: {  	v0 =	vsel vm2, v63, v0  }
0xd5: {  	s15 =	sadd.s32 $0x10, s15;
	s16 =	sadd.s32 $0x80, s16;
	s17 =	sadd.s32 $0x10, s17;
	[tilespmem:s19+$0x18200] =	vst v0  }
0xd6: {  	s6 =	sadd.s32 $0x2, s14  }
0xd7: {  	s14 =	smul.u32 $0xC000, s6  }
0xd8: {  	s7 =	sadd.s32 s13, s10;
	s6 =	smul.u32 $0x60000, s6  }
0xd9: {  	[hbm4b:s7+s20] =	stream.strided.scatter [tilespmem:s0], [sflag:$0x3], $0x3000, s21, s20, $0x38;
	[tilespmem:$0x1E200] =	vst v63  }
0xda: {  	s15 =	sadd.s32 s14, s5;
	s6 =	sshrl.u32 s6, $0x3  }
0xdb: {  	[tilespmem:s22], [sflag:$0x1] =	stream.strided.gather [hbm4b:s15+s20], $0x3000, s21, s20, $0x38;
	[tilespmem:$0x1E200] =	vst v63  }
0xdc: {  	s6 =	sadd.s32 s5, s6  }
0xdd: {  	s16 =	sadd.s32 $0x1F4000, s6  }
0xde: {  	[tilespmem:s23], [sflag:$0x1] =	stream.strided.gather [hbm4b:s16+s20], $0x3000, s21, s20, $0x38;
	[tilespmem:$0x1E200] =	vst v63  }
0xdf: {  	s17 =	sadd.s32 $0x3E8000, s6  }
0xe0: {  	[tilespmem:s24], [sflag:$0x1] =	stream.strided.gather [hbm4b:s17+s20], $0x3000, s21, s20, $0x38;
	[tilespmem:$0x1E200] =	vst v63  }
0xe1: {  	s6 =	sadd.s32 $0x5DC000, s6  }
0xe2: {  	[tilespmem:s25], [sflag:$0x1] =	stream.strided.gather [hbm4b:s6+s20], $0x3000, s21, s20, $0x38;
	[tilespmem:$0x1E200] =	vst v63  }
0xe3: {  	_ =	swait.ge [sflag:s2], $0x3000  }
0xe4: {  	[sflag:s2] =	ssyncset.done $0x0  }
0xe5: {  	[sflag:s2] =	ssyncadd.s32 $0xFFFFD000  }
0xe6: {  	_ =	swait.ge [sflag:s2], $0x3000  }
0xe7: {  	[sflag:s2] =	ssyncset.done $0x0  }
0xe8: {  	[sflag:s2] =	ssyncadd.s32 $0xFFFFD000  }
0xe9: {  	_ =	swait.ge [sflag:s2], $0x3000  }
0xea: {  	[sflag:s2] =	ssyncset.done $0x0  }
0xeb: {  	[sflag:s2] =	ssyncadd.s32 $0xFFFFD000  }
0xec: {  	_ =	swait.ge [sflag:s2], $0x3000  }
0xed: {  	[sflag:s2] =	ssyncset.done $0x0  }
0xee: {  	s6 =	simm.s32 @!p0 $0x4;
	[sflag:s2] =	ssyncadd.s32 $0xFFFFD000  }
0xef: {  	s14 =	simm.s32 $0x0;
	_ =	swait.ge @!p0 [sflag:s6], $0x3000  }
0xf0: {  	s18 =	sand.u32 $0x70, s14;
	s19 =	sand.u32 $0xC00, s14;
	[sflag:s6] =	ssyncset.done @!p0 $0x0  }
0xf1: {  	s13 =	sor.u32 s18, s19;
	[sflag:s6] =	ssyncadd.s32 @!p0 $0xFFFFD000  }
0xf2: {  	v32 =	vld [tilespmem:s13+$0x15200]  }
0xf3: {  	v33 =	vld [tilespmem:s13+$0x15280]  }
0xf4: {  	v29 =	vld [tilespmem:s13+$0x15300]  }
0xf5: {  	v27 =	vld [tilespmem:s13+$0x15380]  }
0xf6: {  	v28 =	vld [tilespmem:s13+$0x15400]  }
0xf7: {  	v25 =	vld [tilespmem:s13+$0x15480]  }
0xf8: {  	v22 =	vld [tilespmem:s13+$0x15500]  }
0xf9: {  	v21 =	vld [tilespmem:s13+$0x15580]  }
0xfa: {  	v19 =	vld [tilespmem:s13+$0x16200]  }
0xfb: {  	v0 =	vld [tilespmem:s13+$0x16400]  }
0xfc: {  	v16 =	vld [tilespmem:s13+$0x16280]  }
0xfd: {  	v15 =	vld [tilespmem:s13+$0x16300]  }
0xfe: {  	v13 =	vld [tilespmem:s13+$0x16380]  }
0xff: {  	v45 =	vld [tilespmem:s13+$0x12200]  }
0x100: {  	[tilespmem:$0x1FF40] =	vst v0;
	v0 =	vld [tilespmem:s13+$0x16480]  }
0x101: {  	v44 =	vld [tilespmem:s13+$0x12280]  }
0x102: {  	v43 =	vld [tilespmem:s13+$0x12300]  }
0x103: {  	v42 =	vld [tilespmem:s13+$0x12380]  }
0x104: {  	v41 =	vld [tilespmem:s13+$0x12400]  }
0x105: {  	[tilespmem:$0x1FF50] =	vst v0;
	v0 =	vld [tilespmem:s13+$0x16500]  }
0x106: {  	v40 =	vld [tilespmem:s13+$0x12480]  }
0x107: {  	v39 =	vld [tilespmem:s13+$0x12500]  }
0x108: {  	v38 =	vld [tilespmem:s13+$0x12580]  }
0x109: {  	v37 =	vld [tilespmem:s13+$0x13200]  }
0x10a: {  	[tilespmem:$0x1FF60] =	vst v0;
	v0 =	vld [tilespmem:s13+$0x16580]  }
0x10b: {  	v36 =	vld [tilespmem:s13+$0x13280]  }
0x10c: {  	v35 =	vld [tilespmem:s13+$0x13300]  }
0x10d: {  	v34 =	vld [tilespmem:s13+$0x13380]  }
0x10e: {  	v31 =	vld [tilespmem:s13+$0x13400]  }
0x10f: {  	[tilespmem:$0x1FF70] =	vst v0;
	v0 =	vld [tilespmem:s13+$0x17200]  }
0x110: {  	v30 =	vld [tilespmem:s13+$0x13480]  }
0x111: {  	v26 =	vld [tilespmem:s13+$0x13500]  }
0x112: {  	v24 =	vld [tilespmem:s13+$0x13580]  }
0x113: {  	v23 =	vld [tilespmem:s13+$0x14200]  }
0x114: {  	[tilespmem:$0x1FF80] =	vst v0;
	v0 =	vld [tilespmem:s13+$0x17280]  }
0x115: {  	v20 =	vld [tilespmem:s13+$0x14280]  }
0x116: {  	v17 =	vld [tilespmem:s13+$0x14300]  }
0x117: {  	v18 =	vld [tilespmem:s13+$0x14380]  }
0x118: {  	v14 =	vld [tilespmem:s13+$0x14400]  }
0x119: {  	[tilespmem:$0x1FF90] =	vst v0;
	v0 =	vld [tilespmem:s13+$0x17300]  }
0x11a: {  	v12 =	vld [tilespmem:s13+$0x14500]  }
0x11b: {  	v3 =	vld [tilespmem:s13+$0xC200]  }
0x11c: {  	v5 =	vld [tilespmem:s13+$0xF200]  }
0x11d: {  	v2 =	vld [tilespmem:s13+$0xC280]  }
0x11e: {  	[tilespmem:$0x1FFA0] =	vst v0;
	v0 =	vld [tilespmem:s13+$0x17380]  }
0x11f: {  	v4 =	vld [tilespmem:s13+$0xF280]  }
0x120: {  	v62 =	vld [tilespmem:s13+$0xC300]  }
0x121: {  	v1 =	vld [tilespmem:s13+$0xF300]  }
0x122: {  	v60 =	vld [tilespmem:s13+$0xC380]  }
0x123: {  	[tilespmem:$0x1FFB0] =	vst v0;
	v0 =	vld [tilespmem:s13+$0x17400]  }
0x124: {  	v63 =	vld [tilespmem:s13+$0xF380]  }
0x125: {  	v61 =	vld [tilespmem:s13+$0xC400]  }
0x126: {  	v56 =	vld [tilespmem:s13+$0xC480]  }
0x127: {  	v59 =	vld [tilespmem:s13+$0xF480]  }
0x128: {  	[tilespmem:$0x1FFC0] =	vst v0;
	v0 =	vld [tilespmem:s13+$0x17480]  }
0x129: {  	v54 =	vld [tilespmem:s13+$0xC500]  }
0x12a: {  	v57 =	vld [tilespmem:s13+$0xF500]  }
0x12b: {  	v55 =	vld [tilespmem:s13+$0xC580]  }
0x12c: {  	v58 =	vld [tilespmem:s13+$0xF580]  }
0x12d: {  	[tilespmem:$0x1FFD0] =	vst v0;
	v0 =	vld [tilespmem:s13+$0x17500]  }
0x12e: {  	v50 =	vld [tilespmem:s13+$0xD200]  }
0x12f: {  	v53 =	vld [tilespmem:s13+$0x10200]  }
0x130: {  	v48 =	vld [tilespmem:s13+$0xD280]  }
0x131: {  	v51 =	vld [tilespmem:s13+$0x10280]  }
0x132: {  	[tilespmem:$0x1FFE0] =	vst v0;
	v0 =	vld [tilespmem:s13+$0x14480]  }
0x133: {  	v49 =	vld [tilespmem:s13+$0xD300]  }
0x134: {  	v52 =	vld [tilespmem:s13+$0x10300]  }
0x135: {  	v46 =	vld [tilespmem:s13+$0xD380]  }
0x136: {  	v47 =	vld [tilespmem:s13+$0x10380]  }
0x137: {  	s15 =	simm.s32 $0x10;
	s16 =	simm.s32 $0x0;
	[tilespmem:$0x1FFF0] =	vst v0;
	v0 =	vld [tilespmem:s13+$0xF400]  }
.LBB2_5:
0x138: {  	v6 =	vld [tilespmem:s14+$0x0];
	_ =	sdelay $0x4  }
0x139: {  	vm1 =	veq.s32 v6, $0x1  }
0x13a: {  	vm0 =	veq.s32 v6, $0x2;
	vm2 =	veq.s32 v6, $0x3;
	v3 =	vsel vm1, v5, v3  }
0x13b: {  	v2 =	vsel vm1, v4, v2;
	v1 =	vsel vm1, v1, v62;
	v3 =	vsel vm0, v45, v3  }
0x13c: {  	v0 =	vsel vm1, v0, v61;
	v2 =	vsel vm0, v44, v2;
	v3 =	vsel vm2, v32, v3  }
0x13d: {  	v1 =	vsel vm0, v43, v1;
	v2 =	vsel vm2, v33, v2;
	[tilespmem:s13+$0x1B200] =	vst v3;
	v3 =	vsel vm1, v63, v60  }
0x13e: {  	v0 =	vsel vm0, v41, v0;
	v1 =	vsel vm2, v29, v1;
	[tilespmem:s13+$0x1B280] =	vst v2;
	v2 =	vsel vm0, v42, v3  }
0x13f: {  	v0 =	vsel vm2, v28, v0;
	[tilespmem:s13+$0x1B300] =	vst v1;
	v1 =	vsel vm2, v27, v2;
	v2 =	vsel vm1, v59, v56  }
0x140: {  	v28 =	vsel vm1, v58, v55;
	[tilespmem:s13+$0x1B380] =	vst v1;
	v1 =	vsel vm0, v40, v2;
	v2 =	vsel vm1, v57, v54  }
0x141: {  	[tilespmem:s13+$0x1B400] =	vst v0;
	v0 =	vsel vm2, v25, v1;
	v1 =	vsel vm0, v39, v2;
	v2 =	vsel vm0, v38, v28  }
0x142: {  	[tilespmem:s13+$0x1B480] =	vst v0;
	v0 =	vsel vm2, v22, v1;
	v1 =	vsel vm2, v21, v2;
	v2 =	vsel vm1, v53, v50  }
0x143: {  	v22 =	vsel vm1, v52, v49;
	[tilespmem:s13+$0x1B500] =	vst v0;
	v0 =	vsel vm0, v37, v2;
	v2 =	vsel vm1, v51, v48  }
0x144: {  	[tilespmem:s13+$0x1B580] =	vst v1;
	v0 =	vsel vm2, v19, v0;
	v1 =	vsel vm0, v36, v2;
	v2 =	vsel vm0, v35, v22  }
0x145: {  	v7 =	vld [tilespmem:s13+$0xD400];
	[tilespmem:s13+$0x1C200] =	vst v0;
	v0 =	vsel vm2, v16, v1;
	v1 =	vsel vm2, v15, v2;
	v2 =	vsel vm1, v47, v46  }
0x146: {  	v8 =	vld [tilespmem:s13+$0x10400];
	[tilespmem:s13+$0x1C280] =	vst v0;
	v0 =	vsel vm0, v34, v2  }
0x147: {  	v0 =	vsel vm2, v13, v0  }
0x148: {  	[tilespmem:s13+$0x1C380] =	vst v0;
	v0 =	vld [tilespmem:$0x1FF40];
	_ =	sdelay $0x1  }
0x149: {  	v9 =	vld [tilespmem:s13+$0xD480]  }
0x14a: {  	v10 =	vld [tilespmem:s13+$0x10480];
	v2 =	vsel vm1, v8, v7  }
0x14b: {  	[tilespmem:s13+$0x1C300] =	vst v1;
	v1 =	vsel vm0, v31, v2  }
0x14c: {  	v0 =	vsel vm2, v0, v1;
	v1 =	vld [tilespmem:$0x1FF50];
	_ =	sdelay $0x2  }
0x14d: {  	v11 =	vld [tilespmem:s13+$0xD500];
	v7 =	vsel vm1, v10, v9  }
0x14e: {  	v4 =	vld [tilespmem:s13+$0x10500];
	v2 =	vsel vm0, v30, v7  }
0x14f: {  	v1 =	vsel vm2, v1, v2  }
0x150: {  	[tilespmem:s13+$0x1C480] =	vst v1;
	v1 =	vld [tilespmem:$0x1FF60];
	_ =	sdelay $0x2  }
0x151: {  	v6 =	vld [tilespmem:s13+$0x10580];
	v2 =	vsel vm1, v4, v11  }
0x152: {  	v5 =	vld [tilespmem:s13+$0xD580];
	[tilespmem:s13+$0x1C400] =	vst v0;
	v0 =	vsel vm0, v26, v2  }
0x153: {  	v0 =	vsel vm2, v1, v0  }
0x154: {  	[tilespmem:s13+$0x1C500] =	vst v0;
	v0 =	vld [tilespmem:$0x1FF70];
	_ =	sdelay $0x1  }
0x155: {  	v45 =	vld [tilespmem:s13+$0xE200]  }
0x156: {  	v3 =	vld [tilespmem:s13+$0x11200];
	v2 =	vsel vm1, v6, v5  }
0x157: {  	v1 =	vsel vm0, v24, v2  }
0x158: {  	v0 =	vsel vm2, v0, v1;
	v1 =	vld [tilespmem:$0x1FF80];
	_ =	sdelay $0x2  }
0x159: {  	v29 =	vld [tilespmem:s13+$0x11280];
	v3 =	vsel vm1, v3, v45  }
0x15a: {  	v27 =	vld [tilespmem:s13+$0xE280];
	v2 =	vsel vm0, v23, v3  }
0x15b: {  	v1 =	vsel vm2, v1, v2  }
0x15c: {  	[tilespmem:s13+$0x1D200] =	vst v1;
	v1 =	vld [tilespmem:$0x1FF90];
	_ =	sdelay $0x2  }
0x15d: {  	v25 =	vld [tilespmem:s13+$0xE300];
	v2 =	vsel vm1, v29, v27  }
0x15e: {  	v21 =	vld [tilespmem:s13+$0x11300];
	[tilespmem:s13+$0x1C580] =	vst v0;
	v0 =	vsel vm0, v20, v2  }
0x15f: {  	v0 =	vsel vm2, v1, v0  }
0x160: {  	[tilespmem:s13+$0x1D280] =	vst v0;
	v0 =	vld [tilespmem:$0x1FFA0];
	_ =	sdelay $0x1  }
0x161: {  	v28 =	vld [tilespmem:s13+$0xE380]  }
0x162: {  	v19 =	vld [tilespmem:s13+$0x11380];
	v2 =	vsel vm1, v21, v25  }
0x163: {  	v1 =	vsel vm0, v17, v2  }
0x164: {  	v0 =	vsel vm2, v0, v1;
	v1 =	vld [tilespmem:$0x1FFB0]  }
0x165: {  	s16 =	sadd.s32 $0x80, s16  }
0x166: {  	s6 =	sand.u32 $0x70, s15;
	s7 =	sand.u32 $0xC00, s16;
	v59 =	vld [tilespmem:s13+$0x11400]  }
0x167: {  	s6 =	sor.u32 s6, s7;
	v15 =	vld [tilespmem:s13+$0xE400];
	v60 =	vsel vm1, v19, v28  }
0x168: {  	v2 =	vsel vm0, v18, v60;
	v32 =	vld [tilespmem:s6+$0x15200];
	[tilespmem:s13+$0x1D300] =	vst v0  }
0x169: {  	v33 =	vld [tilespmem:s6+$0x15280];
	v1 =	vsel vm2, v1, v2  }
0x16a: {  	[tilespmem:s13+$0x1D380] =	vst v1;
	v1 =	vld [tilespmem:$0x1FFC0];
	_ =	sdelay $0x1  }
0x16b: {  	v7 =	vld [tilespmem:s13+$0xE480]  }
0x16c: {  	v4 =	vld [tilespmem:s13+$0x11480];
	v2 =	vsel vm1, v59, v15  }
0x16d: {  	v0 =	vsel vm0, v14, v2;
	v29 =	vld [tilespmem:s6+$0x15300]  }
0x16e: {  	v0 =	vsel vm2, v1, v0;
	v1 =	vld [tilespmem:$0x1FFF0]  }
0x16f: {  	[tilespmem:s13+$0x1D400] =	vst v0;
	v0 =	vld [tilespmem:$0x1FFD0]  }
0x170: {  	v61 =	vld [tilespmem:s13+$0x11580]  }
0x171: {  	v5 =	vld [tilespmem:s13+$0xE500]  }
0x172: {  	v3 =	vld [tilespmem:s13+$0x11500];
	v2 =	vsel vm1, v4, v7  }
0x173: {  	v6 =	vld [tilespmem:s13+$0xE580];
	v1 =	vsel vm0, v1, v2  }
0x174: {  	v0 =	vsel vm2, v0, v1;
	v1 =	vld [tilespmem:$0x1FFE0]  }
0x175: {  	v62 =	vld [tilespmem:s13+$0x14580]  }
0x176: {  	v63 =	vld [tilespmem:s13+$0x17580]  }
0x177: {  	v3 =	vsel vm1, v3, v5  }
0x178: {  	v2 =	vsel vm0, v12, v3  }
0x179: {  	v1 =	vsel vm2, v1, v2;
	v2 =	vsel vm1, v61, v6  }
0x17a: {  	v27 =	vld [tilespmem:s6+$0x15380];
	[tilespmem:s13+$0x1D480] =	vst v0;
	v0 =	vsel vm0, v62, v2  }
0x17b: {  	v28 =	vld [tilespmem:s6+$0x15400];
	[tilespmem:s13+$0x1D500] =	vst v1;
	v0 =	vsel vm2, v63, v0  }
0x17c: {  	v25 =	vld [tilespmem:s6+$0x15480];
	[tilespmem:s13+$0x1D580] =	vst v0;
	s13 =	smov.u32 s6  }
0x17d: {  	v22 =	vld [tilespmem:s13+$0x15500]  }
0x17e: {  	v21 =	vld [tilespmem:s13+$0x15580]  }
0x17f: {  	v19 =	vld [tilespmem:s13+$0x16200]  }
0x180: {  	v0 =	vld [tilespmem:s13+$0x16400]  }
0x181: {  	v16 =	vld [tilespmem:s13+$0x16280]  }
0x182: {  	v15 =	vld [tilespmem:s13+$0x16300]  }
0x183: {  	v13 =	vld [tilespmem:s13+$0x16380]  }
0x184: {  	v45 =	vld [tilespmem:s13+$0x12200]  }
0x185: {  	[tilespmem:$0x1FF40] =	vst v0;
	v0 =	vld [tilespmem:s13+$0x16480]  }
0x186: {  	v44 =	vld [tilespmem:s13+$0x12280]  }
0x187: {  	v43 =	vld [tilespmem:s13+$0x12300]  }
0x188: {  	v42 =	vld [tilespmem:s13+$0x12380]  }
0x189: {  	v41 =	vld [tilespmem:s13+$0x12400]  }
0x18a: {  	[tilespmem:$0x1FF50] =	vst v0;
	v0 =	vld [tilespmem:s13+$0x16500]  }
0x18b: {  	v40 =	vld [tilespmem:s13+$0x12480]  }
0x18c: {  	v39 =	vld [tilespmem:s13+$0x12500]  }
0x18d: {  	v38 =	vld [tilespmem:s13+$0x12580]  }
0x18e: {  	v37 =	vld [tilespmem:s13+$0x13200]  }
0x18f: {  	[tilespmem:$0x1FF60] =	vst v0;
	v0 =	vld [tilespmem:s13+$0x16580]  }
0x190: {  	v36 =	vld [tilespmem:s13+$0x13280]  }
0x191: {  	v35 =	vld [tilespmem:s13+$0x13300]  }
0x192: {  	v34 =	vld [tilespmem:s13+$0x13380]  }
0x193: {  	v31 =	vld [tilespmem:s13+$0x13400]  }
0x194: {  	[tilespmem:$0x1FF70] =	vst v0;
	v0 =	vld [tilespmem:s13+$0x17200]  }
0x195: {  	v30 =	vld [tilespmem:s13+$0x13480]  }
0x196: {  	v26 =	vld [tilespmem:s13+$0x13500]  }
0x197: {  	v24 =	vld [tilespmem:s13+$0x13580]  }
0x198: {  	v23 =	vld [tilespmem:s13+$0x14200]  }
0x199: {  	[tilespmem:$0x1FF80] =	vst v0;
	v0 =	vld [tilespmem:s13+$0x17280]  }
0x19a: {  	v20 =	vld [tilespmem:s13+$0x14280]  }
0x19b: {  	v17 =	vld [tilespmem:s13+$0x14300]  }
0x19c: {  	v18 =	vld [tilespmem:s13+$0x14380]  }
0x19d: {  	v14 =	vld [tilespmem:s13+$0x14400]  }
0x19e: {  	[tilespmem:$0x1FF90] =	vst v0;
	v0 =	vld [tilespmem:s13+$0x17300]  }
0x19f: {  	v12 =	vld [tilespmem:s13+$0x14500]  }
0x1a0: {  	v3 =	vld [tilespmem:s13+$0xC200]  }
0x1a1: {  	v5 =	vld [tilespmem:s13+$0xF200]  }
0x1a2: {  	v2 =	vld [tilespmem:s13+$0xC280]  }
0x1a3: {  	[tilespmem:$0x1FFA0] =	vst v0;
	v0 =	vld [tilespmem:s13+$0x17380]  }
0x1a4: {  	v4 =	vld [tilespmem:s13+$0xF280]  }
0x1a5: {  	v62 =	vld [tilespmem:s13+$0xC300]  }
0x1a6: {  	v1 =	vld [tilespmem:s13+$0xF300]  }
0x1a7: {  	v60 =	vld [tilespmem:s13+$0xC380]  }
0x1a8: {  	[tilespmem:$0x1FFB0] =	vst v0;
	v0 =	vld [tilespmem:s13+$0x17400]  }
0x1a9: {  	v63 =	vld [tilespmem:s13+$0xF380]  }
0x1aa: {  	v61 =	vld [tilespmem:s13+$0xC400]  }
0x1ab: {  	v56 =	vld [tilespmem:s13+$0xC480]  }
0x1ac: {  	v59 =	vld [tilespmem:s13+$0xF480]  }
0x1ad: {  	[tilespmem:$0x1FFC0] =	vst v0;
	v0 =	vld [tilespmem:s13+$0x17480]  }
0x1ae: {  	v54 =	vld [tilespmem:s13+$0xC500]  }
0x1af: {  	v57 =	vld [tilespmem:s13+$0xF500]  }
0x1b0: {  	v55 =	vld [tilespmem:s13+$0xC580]  }
0x1b1: {  	v58 =	vld [tilespmem:s13+$0xF580]  }
0x1b2: {  	[tilespmem:$0x1FFD0] =	vst v0;
	v0 =	vld [tilespmem:s13+$0x17500]  }
0x1b3: {  	v50 =	vld [tilespmem:s13+$0xD200]  }
0x1b4: {  	v53 =	vld [tilespmem:s13+$0x10200]  }
0x1b5: {  	v48 =	vld [tilespmem:s13+$0xD280]  }
0x1b6: {  	v51 =	vld [tilespmem:s13+$0x10280]  }
0x1b7: {  	p0 =	sne.s32 s15, $0x1F0;
	[tilespmem:$0x1FFE0] =	vst v0;
	v0 =	vld [tilespmem:s13+$0x14480]  }
.Ltmp1:
0x1b8: {  	v49 =	vld [tilespmem:s13+$0xD300];
	(pc) =	sbr.rel @p0 .LBB2_5-.Ltmp1, $4  }
0x1b9: {  	v52 =	vld [tilespmem:s13+$0x10300]  }
0x1ba: {  	v46 =	vld [tilespmem:s13+$0xD380]  }
0x1bb: {  	v47 =	vld [tilespmem:s13+$0x10380]  }
0x1bc: {  	s15 =	sadd.s32 $0x10, s15;
	s14 =	sadd.s32 $0x10, s14;
	[tilespmem:$0x1FFF0] =	vst v0;
	v0 =	vld [tilespmem:s13+$0xF400]  }
0x1bd: {  	v6 =	vld [tilespmem:s14+$0x0]  }
0x1be: {  	v7 =	vld [tilespmem:s13+$0xD400]  }
0x1bf: {  	v8 =	vld [tilespmem:s13+$0x10400]  }
0x1c0: {  	v9 =	vld [tilespmem:s13+$0xD480]  }
0x1c1: {  	v10 =	vld [tilespmem:s13+$0x10480]  }
0x1c2: {  	v11 =	vld [tilespmem:s13+$0xD500]  }
0x1c3: {  	vm0 =	veq.s32 v6, $0x1;
	vm1 =	veq.s32 v6, $0x2;
	vm2 =	veq.s32 v6, $0x3;
	v6 =	vld [tilespmem:s13+$0xD580]  }
0x1c4: {  	v3 =	vsel vm0, v5, v3;
	v5 =	vld [tilespmem:s13+$0x10500]  }
0x1c5: {  	v2 =	vsel vm0, v4, v2;
	v4 =	vld [tilespmem:s13+$0x10580]  }
0x1c6: {  	v1 =	vsel vm0, v1, v62;
	v62 =	vsel vm0, v47, v46;
	v47 =	vld [tilespmem:s13+$0x11580]  }
0x1c7: {  	v1 =	vsel vm1, v43, v1;
	v43 =	vsel vm0, v59, v56;
	v56 =	vld [tilespmem:s13+$0xE380]  }
0x1c8: {  	v0 =	vsel vm0, v0, v61;
	v3 =	vsel vm1, v45, v3;
	v45 =	vsel vm0, v58, v55;
	v58 =	vld [tilespmem:s13+$0x11380]  }
0x1c9: {  	v0 =	vsel vm1, v41, v0;
	v41 =	vld [tilespmem:s13+$0x11500]  }
0x1ca: {  	v59 =	vsel vm0, v52, v49;
	v49 =	vld [tilespmem:$0x1FF90]  }
0x1cb: {  	v55 =	vsel vm0, v53, v50;
	v50 =	vld [tilespmem:s13+$0x14580]  }
0x1cc: {  	v53 =	vld [tilespmem:$0x1FFA0]  }
0x1cd: {  	v2 =	vsel vm1, v44, v2;
	v1 =	vsel vm2, v29, v1;
	v29 =	vld [tilespmem:s13+$0x11200]  }
0x1ce: {  	v2 =	vsel vm2, v33, v2;
	v33 =	vsel vm0, v63, v60;
	v60 =	vld [tilespmem:s13+$0xE400]  }
0x1cf: {  	v3 =	vsel vm2, v32, v3;
	v63 =	vld [tilespmem:s13+$0x11400]  }
0x1d0: {  	v32 =	vld [tilespmem:s13+$0xE480];
	[tilespmem:s13+$0x1B200] =	vst v3  }
0x1d1: {  	v3 =	vld [tilespmem:s13+$0xE200];
	[tilespmem:s13+$0x1B280] =	vst v2  }
0x1d2: {  	v0 =	vsel vm2, v28, v0;
	[tilespmem:s13+$0x1B300] =	vst v1;
	v1 =	vsel vm1, v40, v43;
	v40 =	vld [tilespmem:$0x1FF60]  }
0x1d3: {  	v44 =	vsel vm0, v57, v54;
	[tilespmem:s13+$0x1B400] =	vst v0;
	v43 =	vld [tilespmem:$0x1FF70];
	v1 =	vsel vm2, v25, v1  }
0x1d4: {  	v2 =	vsel vm1, v42, v33;
	v0 =	vsel vm1, v39, v44;
	v44 =	vld [tilespmem:s13+$0xE580];
	[tilespmem:s13+$0x1B480] =	vst v1;
	v1 =	vsel vm1, v38, v45  }
0x1d5: {  	v42 =	vsel vm2, v27, v2;
	v2 =	vld [tilespmem:s13+$0xE280];
	v54 =	vsel vm2, v21, v1;
	v1 =	vsel vm1, v37, v55  }
0x1d6: {  	v27 =	vld [tilespmem:s13+$0x11280];
	v1 =	vsel vm2, v19, v1  }
0x1d7: {  	v57 =	vsel vm0, v51, v48;
	v38 =	vld [tilespmem:s13+$0xE500];
	[tilespmem:s13+$0x1C200] =	vst v1;
	v1 =	vsel vm1, v35, v59  }
0x1d8: {  	v0 =	vsel vm2, v22, v0;
	[tilespmem:s13+$0x1B380] =	vst v42;
	v61 =	vsel vm2, v15, v1;
	v1 =	vsel vm1, v34, v62;
	v34 =	vld [tilespmem:$0x1FF40]  }
0x1d9: {  	[tilespmem:s13+$0x1B500] =	vst v0;
	v0 =	vsel vm1, v36, v57;
	v62 =	vld [tilespmem:$0x1FFE0]  }
0x1da: {  	v28 =	vsel vm0, v8, v7;
	v36 =	vld [tilespmem:$0x1FF50];
	v0 =	vsel vm2, v16, v0;
	[tilespmem:s13+$0x1B580] =	vst v54  }
0x1db: {  	v33 =	vsel vm0, v10, v9;
	v25 =	vld [tilespmem:s13+$0xE300];
	v39 =	vsel vm0, v4, v6;
	v37 =	vsel vm0, v5, v11;
	[tilespmem:s13+$0x1C280] =	vst v0  }
0x1dc: {  	v22 =	vld [tilespmem:s13+$0x11300];
	v0 =	vsel vm1, v31, v28;
	[tilespmem:s13+$0x1C300] =	vst v61;
	v1 =	vsel vm2, v13, v1;
	v4 =	vsel vm0, v41, v38  }
0x1dd: {  	v45 =	vld [tilespmem:$0x1FF80];
	v51 =	vsel vm0, v58, v56;
	[tilespmem:s13+$0x1C380] =	vst v1;
	v4 =	vsel vm1, v12, v4;
	v0 =	vsel vm2, v34, v0  }
0x1de: {  	v56 =	vld [tilespmem:$0x1FFB0];
	v46 =	vsel vm0, v27, v2;
	v1 =	vsel vm1, v30, v33;
	v2 =	vsel vm2, v62, v4;
	[tilespmem:s13+$0x1C400] =	vst v0  }
0x1df: {  	v58 =	vld [tilespmem:$0x1FFC0];
	v0 =	vsel vm2, v36, v1;
	v1 =	vsel vm1, v26, v37;
	[tilespmem:s13+$0x1D500] =	vst v2  }
0x1e0: {  	v35 =	vld [tilespmem:s13+$0x11480];
	v42 =	vsel vm0, v29, v3;
	[tilespmem:s13+$0x1C480] =	vst v0;
	v1 =	vsel vm2, v40, v1;
	v0 =	vsel vm1, v24, v39  }
0x1e1: {  	v54 =	vsel vm0, v63, v60;
	v59 =	vld [tilespmem:$0x1FFF0];
	[tilespmem:s13+$0x1C500] =	vst v1;
	v0 =	vsel vm2, v43, v0;
	v1 =	vsel vm1, v23, v42  }
0x1e2: {  	v60 =	vld [tilespmem:$0x1FFD0];
	v48 =	vsel vm0, v22, v25;
	[tilespmem:s13+$0x1C580] =	vst v0;
	v0 =	vsel vm2, v45, v1;
	v1 =	vsel vm1, v20, v46  }
0x1e3: {  	v55 =	vld [tilespmem:s13+$0x17580];
	[tilespmem:s13+$0x1D200] =	vst v0;
	v1 =	vsel vm2, v49, v1;
	v0 =	vsel vm1, v17, v48  }
0x1e4: {  	s9 =	sadd.s32 $0x1, s9;
	v52 =	vsel vm1, v18, v51;
	[tilespmem:s13+$0x1D280] =	vst v1;
	v0 =	vsel vm2, v53, v0  }
0x1e5: {  	p0 =	sne.s32 s9, $0x14;
	v57 =	vsel vm1, v14, v54;
	v7 =	vsel vm0, v35, v32;
	v1 =	vsel vm2, v56, v52;
	[tilespmem:s13+$0x1D300] =	vst v0  }
.Ltmp2:
0x1e6: {  	v61 =	vsel vm0, v47, v44;
	[tilespmem:s13+$0x1D380] =	vst v1;
	v0 =	vsel vm2, v58, v57;
	v1 =	vsel vm1, v59, v7;
	(pc) =	sbr.rel @p0 .LBB2_2-.Ltmp2, $4  }
0x1e7: {  	v63 =	vsel vm1, v50, v61;
	[tilespmem:s13+$0x1D400] =	vst v0;
	v0 =	vsel vm2, v60, v1  }
0x1e8: {  	[tilespmem:s13+$0x1D480] =	vst v0;
	v0 =	vsel vm2, v55, v63  }
0x1e9: {  	s6 =	sadd.s32 s3, s12;
	[tilespmem:s13+$0x1D580] =	vst v0  }
0x1ea: {  	[hbm4b:s6+s20] =	stream.strided.scatter [tilespmem:s4], [sflag:$0x4], $0x3000, s21, s20, $0x38;
	[tilespmem:$0x1E200] =	vst v63  }
0x1eb: {  	_ =	swait.ge [sflag:s31], $0x3000  }
0x1ec: {  	[sflag:s31] =	ssyncset.done $0x0  }
0x1ed: {  	[sflag:s31] =	ssyncadd.s32 $0xFFFFD000  }
0x1ee: {  	_ =	swait.ge [sflag:s31], $0x3000  }
0x1ef: {  	[sflag:s31] =	ssyncset.done $0x0  }
0x1f0: {  	[sflag:s31] =	ssyncadd.s32 $0xFFFFD000  }
0x1f1: {  	_ =	swait.ge [sflag:s31], $0x3000  }
0x1f2: {  	[sflag:s31] =	ssyncset.done $0x0  }
0x1f3: {  	[sflag:s31] =	ssyncadd.s32 $0xFFFFD000  }
0x1f4: {  	_ =	swait.ge [sflag:s31], $0x3000  }
0x1f5: {  	[sflag:s31] =	ssyncset.done $0x0  }
0x1f6: {  	s16 =	simm.s32 $0x3;
	[sflag:s31] =	ssyncadd.s32 $0xFFFFD000  }
0x1f7: {  	_ =	swait.ge [sflag:s16], $0x3000  }
0x1f8: {  	s9 =	simm.s32 $0x0;
	[sflag:s16] =	ssyncset.done $0x0  }
0x1f9: {  	s12 =	simm.s32 $0x0;
	s13 =	simm.s32 $0x0;
	[sflag:s16] =	ssyncadd.s32 $0xFFFFD000  }
.LBB2_8:
0x1fa: {  	s6 =	sand.u32 $0x70, s13;
	s7 =	sand.u32 $0xC00, s12  }
0x1fb: {  	v0 =	vld [tilespmem:s9+$0x0];
	s14 =	sor.u32 s6, s7  }
0x1fc: {  	v1 =	vld [tilespmem:s14+$0x200]  }
0x1fd: {  	v2 =	vld [tilespmem:s14+$0x3200]  }
0x1fe: {  	v3 =	vld [tilespmem:s14+$0x6200]  }
0x1ff: {  	v4 =	vld [tilespmem:s14+$0x9200]  }
0x200: {  	v5 =	vld [tilespmem:s14+$0x280]  }
0x201: {  	v6 =	vld [tilespmem:s14+$0x3280]  }
0x202: {  	v7 =	vld [tilespmem:s14+$0x6280]  }
0x203: {  	v8 =	vld [tilespmem:s14+$0x9280]  }
0x204: {  	v9 =	vld [tilespmem:s14+$0x300]  }
0x205: {  	v10 =	vld [tilespmem:s14+$0x3300]  }
0x206: {  	v11 =	vld [tilespmem:s14+$0x6300]  }
0x207: {  	v12 =	vld [tilespmem:s14+$0x9300];
	vm0 =	veq.s32 v0, $0x1  }
0x208: {  	vm1 =	veq.s32 v0, $0x2;
	v1 =	vsel vm0, v2, v1  }
0x209: {  	vm2 =	veq.s32 v0, $0x3;
	v13 =	vsel vm0, v6, v5;
	v63 =	vsel vm1, v3, v1  }
0x20a: {  	v14 =	vsel vm0, v10, v9;
	v1 =	vsel vm1, v7, v13;
	v0 =	vsel vm2, v4, v63  }
0x20b: {  	s17 =	sand.u32 $0xFFFFFC00, s12;
	v16 =	vsel vm1, v11, v14;
	v15 =	vsel vm2, v8, v1;
	[tilespmem:s14+$0x18200] =	vst v0  }
0x20c: {  	s15 =	sadd.s32 s17, s13;
	v17 =	vsel vm2, v12, v16;
	[tilespmem:s14+$0x18280] =	vst v15  }
0x20d: {  	s6 =	sor.u32 $0x180, s15;
	v18 =	vld [tilespmem:s14+$0x3380];
	[tilespmem:s14+$0x18300] =	vst v17  }
0x20e: {  	v0 =	vld [tilespmem:s6+$0x200]  }
0x20f: {  	v19 =	vld [tilespmem:s14+$0x6380]  }
0x210: {  	v20 =	vld [tilespmem:s14+$0x9380];
	_ =	sdelay $0x2  }
0x211: {  	v0 =	vsel vm0, v18, v0  }
0x212: {  	v0 =	vsel vm1, v19, v0  }
0x213: {  	v0 =	vsel vm2, v20, v0  }
0x214: {  	[tilespmem:s6+$0x18200] =	vst v0  }
0x215: {  	v0 =	vld [tilespmem:s14+$0x400]  }
0x216: {  	v21 =	vld [tilespmem:s14+$0x3400]  }
0x217: {  	v22 =	vld [tilespmem:s14+$0x6400]  }
0x218: {  	v23 =	vld [tilespmem:s14+$0x9400]  }
0x219: {  	v24 =	vld [tilespmem:s14+$0x480]  }
0x21a: {  	v25 =	vld [tilespmem:s14+$0x3480]  }
0x21b: {  	v26 =	vld [tilespmem:s14+$0x6480]  }
0x21c: {  	v27 =	vld [tilespmem:s14+$0x9480]  }
0x21d: {  	v28 =	vld [tilespmem:s14+$0x500]  }
0x21e: {  	v29 =	vld [tilespmem:s14+$0x3500]  }
0x21f: {  	v30 =	vld [tilespmem:s14+$0x6500]  }
0x220: {  	v31 =	vld [tilespmem:s14+$0x9500]  }
0x221: {  	v0 =	vsel vm0, v21, v0  }
0x222: {  	v32 =	vsel vm0, v25, v24;
	v0 =	vsel vm1, v22, v0  }
0x223: {  	v33 =	vsel vm0, v29, v28;
	v1 =	vsel vm1, v26, v32;
	v0 =	vsel vm2, v23, v0  }
0x224: {  	v35 =	vsel vm1, v30, v33;
	v34 =	vsel vm2, v27, v1;
	[tilespmem:s14+$0x18400] =	vst v0  }
0x225: {  	s7 =	sor.u32 s13, s12;
	v36 =	vsel vm2, v31, v35;
	[tilespmem:s14+$0x18480] =	vst v34  }
0x226: {  	s18 =	sor.u32 $0x380, s7;
	v37 =	vld [tilespmem:s14+$0x3580];
	[tilespmem:s14+$0x18500] =	vst v36  }
0x227: {  	v0 =	vld [tilespmem:s18+$0x200]  }
0x228: {  	v38 =	vld [tilespmem:s14+$0x6580]  }
0x229: {  	v39 =	vld [tilespmem:s14+$0x9580];
	_ =	sdelay $0x2  }
0x22a: {  	v0 =	vsel vm0, v37, v0  }
0x22b: {  	v0 =	vsel vm1, v38, v0  }
0x22c: {  	v0 =	vsel vm2, v39, v0  }
0x22d: {  	[tilespmem:s18+$0x18200] =	vst v0  }
0x22e: {  	v0 =	vld [tilespmem:s14+$0x1200]  }
0x22f: {  	v40 =	vld [tilespmem:s14+$0x4200]  }
0x230: {  	v41 =	vld [tilespmem:s14+$0x7200]  }
0x231: {  	v42 =	vld [tilespmem:s14+$0xA200]  }
0x232: {  	v43 =	vld [tilespmem:s14+$0x1280]  }
0x233: {  	v44 =	vld [tilespmem:s14+$0x4280]  }
0x234: {  	v45 =	vld [tilespmem:s14+$0x7280]  }
0x235: {  	v46 =	vld [tilespmem:s14+$0xA280]  }
0x236: {  	v47 =	vld [tilespmem:s14+$0x1300]  }
0x237: {  	v48 =	vld [tilespmem:s14+$0x4300]  }
0x238: {  	v49 =	vld [tilespmem:s14+$0x7300]  }
0x239: {  	v50 =	vld [tilespmem:s14+$0xA300]  }
0x23a: {  	v0 =	vsel vm0, v40, v0  }
0x23b: {  	v51 =	vsel vm0, v44, v43;
	v0 =	vsel vm1, v41, v0  }
0x23c: {  	v52 =	vsel vm0, v48, v47;
	v1 =	vsel vm1, v45, v51;
	v0 =	vsel vm2, v42, v0  }
0x23d: {  	v54 =	vsel vm1, v49, v52;
	v53 =	vsel vm2, v46, v1;
	[tilespmem:s14+$0x19200] =	vst v0  }
0x23e: {  	v55 =	vsel vm2, v50, v54;
	[tilespmem:s14+$0x19280] =	vst v53  }
0x23f: {  	s19 =	sor.u32 $0x1180, s15;
	v56 =	vld [tilespmem:s14+$0x4380];
	[tilespmem:s14+$0x19300] =	vst v55  }
0x240: {  	v0 =	vld [tilespmem:s19+$0x200]  }
0x241: {  	v57 =	vld [tilespmem:s14+$0x7380]  }
0x242: {  	v58 =	vld [tilespmem:s14+$0xA380];
	_ =	sdelay $0x2  }
0x243: {  	v0 =	vsel vm0, v56, v0  }
0x244: {  	v0 =	vsel vm1, v57, v0  }
0x245: {  	v0 =	vsel vm2, v58, v0  }
0x246: {  	[tilespmem:s19+$0x18200] =	vst v0  }
0x247: {  	v0 =	vld [tilespmem:s14+$0x1400]  }
0x248: {  	v59 =	vld [tilespmem:s14+$0x4400]  }
0x249: {  	v60 =	vld [tilespmem:s14+$0x7400]  }
0x24a: {  	v61 =	vld [tilespmem:s14+$0xA400]  }
0x24b: {  	v62 =	vld [tilespmem:s14+$0x1480]  }
0x24c: {  	v63 =	vld [tilespmem:s14+$0x4480]  }
0x24d: {  	v12 =	vld [tilespmem:s14+$0x7480]  }
0x24e: {  	v13 =	vld [tilespmem:s14+$0xA480]  }
0x24f: {  	v14 =	vld [tilespmem:s14+$0x1500]  }
0x250: {  	v15 =	vld [tilespmem:s14+$0x4500]  }
0x251: {  	v16 =	vld [tilespmem:s14+$0x7500]  }
0x252: {  	v17 =	vld [tilespmem:s14+$0xA500]  }
0x253: {  	v0 =	vsel vm0, v59, v0  }
0x254: {  	v18 =	vsel vm0, v63, v62;
	v0 =	vsel vm1, v60, v0  }
0x255: {  	v19 =	vsel vm0, v15, v14;
	v1 =	vsel vm1, v12, v18;
	v0 =	vsel vm2, v61, v0  }
0x256: {  	v21 =	vsel vm1, v16, v19;
	v20 =	vsel vm2, v13, v1;
	[tilespmem:s14+$0x19400] =	vst v0  }
0x257: {  	v22 =	vsel vm2, v17, v21;
	[tilespmem:s14+$0x19480] =	vst v20  }
0x258: {  	s17 =	sor.u32 $0x1380, s7;
	v23 =	vld [tilespmem:s14+$0x4580];
	[tilespmem:s14+$0x19500] =	vst v22  }
0x259: {  	v0 =	vld [tilespmem:s17+$0x200]  }
0x25a: {  	v24 =	vld [tilespmem:s14+$0x7580]  }
0x25b: {  	v25 =	vld [tilespmem:s14+$0xA580];
	_ =	sdelay $0x2  }
0x25c: {  	v0 =	vsel vm0, v23, v0  }
0x25d: {  	v0 =	vsel vm1, v24, v0  }
0x25e: {  	v0 =	vsel vm2, v25, v0  }
0x25f: {  	[tilespmem:s17+$0x18200] =	vst v0  }
0x260: {  	v0 =	vld [tilespmem:s14+$0x2200]  }
0x261: {  	v26 =	vld [tilespmem:s14+$0x5200]  }
0x262: {  	v27 =	vld [tilespmem:s14+$0x8200]  }
0x263: {  	v28 =	vld [tilespmem:s14+$0xB200]  }
0x264: {  	v29 =	vld [tilespmem:s14+$0x2280]  }
0x265: {  	v30 =	vld [tilespmem:s14+$0x5280]  }
0x266: {  	v31 =	vld [tilespmem:s14+$0x8280]  }
0x267: {  	v32 =	vld [tilespmem:s14+$0xB280]  }
0x268: {  	v33 =	vld [tilespmem:s14+$0x2300]  }
0x269: {  	v34 =	vld [tilespmem:s14+$0x5300]  }
0x26a: {  	v35 =	vld [tilespmem:s14+$0x8300]  }
0x26b: {  	v36 =	vld [tilespmem:s14+$0xB300]  }
0x26c: {  	v0 =	vsel vm0, v26, v0  }
0x26d: {  	v37 =	vsel vm0, v30, v29;
	v0 =	vsel vm1, v27, v0  }
0x26e: {  	v38 =	vsel vm0, v34, v33;
	v1 =	vsel vm1, v31, v37;
	v0 =	vsel vm2, v28, v0  }
0x26f: {  	v40 =	vsel vm1, v35, v38;
	v39 =	vsel vm2, v32, v1;
	[tilespmem:s14+$0x1A200] =	vst v0  }
0x270: {  	v41 =	vsel vm2, v36, v40;
	[tilespmem:s14+$0x1A280] =	vst v39  }
0x271: {  	s18 =	sor.u32 $0x2180, s15;
	v42 =	vld [tilespmem:s14+$0x5380];
	[tilespmem:s14+$0x1A300] =	vst v41  }
0x272: {  	v0 =	vld [tilespmem:s18+$0x200]  }
0x273: {  	v43 =	vld [tilespmem:s14+$0x8380]  }
0x274: {  	v44 =	vld [tilespmem:s14+$0xB380];
	_ =	sdelay $0x2  }
0x275: {  	v0 =	vsel vm0, v42, v0  }
0x276: {  	v0 =	vsel vm1, v43, v0  }
0x277: {  	v0 =	vsel vm2, v44, v0  }
0x278: {  	[tilespmem:s18+$0x18200] =	vst v0  }
0x279: {  	v0 =	vld [tilespmem:s14+$0x2400]  }
0x27a: {  	v45 =	vld [tilespmem:s14+$0x5400]  }
0x27b: {  	v46 =	vld [tilespmem:s14+$0x8400]  }
0x27c: {  	v47 =	vld [tilespmem:s14+$0xB400]  }
0x27d: {  	v48 =	vld [tilespmem:s14+$0x2480]  }
0x27e: {  	v49 =	vld [tilespmem:s14+$0x5480]  }
0x27f: {  	v50 =	vld [tilespmem:s14+$0x8480]  }
0x280: {  	v51 =	vld [tilespmem:s14+$0xB480]  }
0x281: {  	v52 =	vld [tilespmem:s14+$0x2500]  }
0x282: {  	v53 =	vld [tilespmem:s14+$0x5500]  }
0x283: {  	v54 =	vld [tilespmem:s14+$0x8500]  }
0x284: {  	v55 =	vld [tilespmem:s14+$0xB500]  }
0x285: {  	v0 =	vsel vm0, v45, v0  }
0x286: {  	v56 =	vsel vm0, v49, v48;
	v0 =	vsel vm1, v46, v0  }
0x287: {  	v57 =	vsel vm0, v53, v52;
	v1 =	vsel vm1, v50, v56;
	v0 =	vsel vm2, v47, v0  }
0x288: {  	v59 =	vsel vm1, v54, v57;
	v58 =	vsel vm2, v51, v1;
	[tilespmem:s14+$0x1A400] =	vst v0  }
0x289: {  	v60 =	vsel vm2, v55, v59;
	[tilespmem:s14+$0x1A480] =	vst v58  }
0x28a: {  	s19 =	sor.u32 $0x2380, s7;
	v61 =	vld [tilespmem:s14+$0x5580];
	[tilespmem:s14+$0x1A500] =	vst v60  }
0x28b: {  	v0 =	vld [tilespmem:s19+$0x200]  }
0x28c: {  	v62 =	vld [tilespmem:s14+$0x8580]  }
0x28d: {  	v63 =	vld [tilespmem:s14+$0xB580]  }
0x28e: {  	p0 =	sne.s32 s13, $0x1F0  }
.Ltmp3:
0x28f: {  	_ = 	snop;
	(pc) =	sbr.rel @p0 .LBB2_8-.Ltmp3, $4  }
0x290: {  	v0 =	vsel vm0, v61, v0  }
0x291: {  	v0 =	vsel vm1, v62, v0  }
0x292: {  	v0 =	vsel vm2, v63, v0  }
0x293: {  	s9 =	sadd.s32 $0x10, s9;
	s12 =	sadd.s32 $0x80, s12;
	s13 =	sadd.s32 $0x10, s13;
	[tilespmem:s19+$0x18200] =	vst v0  }
0x294: {  	s6 =	rddreg [dreg:$0x8];
	s14 =	simm.s32 $0x4  }
0x295: {  	[hbm4b:s6+s20] =	stream.strided.scatter [tilespmem:s0], [sflag:$0x3], $0x3000, s21, s20, $0x38;
	[tilespmem:$0x1E200] =	vst v63  }
0x296: {  	_ =	swait.ge [sflag:s14], $0x3000  }
0x297: {  	[sflag:s14] =	ssyncset.done $0x0  }
0x298: {  	[sflag:s14] =	ssyncadd.s32 $0xFFFFD000  }
0x299: {  	_ =	swait.ge [sflag:s16], $0x3000  }
0x29a: {  	[sflag:s16] =	ssyncset.done $0x0  }
0x29b: {  	s15 =	rddreg [dreg:$0x9];
	[sflag:s16] =	ssyncadd.s32 $0xFFFFD000  }
0x29c: {  	[tilespmem:s22], [sflag:$0x1] =	stream.strided.gather [hbm4b:s15+s20], $0x2000, s21, s20, $0x38;
	[tilespmem:$0x1E200] =	vst v63  }
0x29d: {  	s17 =	rddreg [dreg:$0xa]  }
0x29e: {  	[tilespmem:s23], [sflag:$0x1] =	stream.strided.gather [hbm4b:s17+s20], $0x2000, s21, s20, $0x38;
	[tilespmem:$0x1E200] =	vst v63  }
0x29f: {  	s18 =	rddreg [dreg:$0xb]  }
0x2a0: {  	[tilespmem:s24], [sflag:$0x1] =	stream.strided.gather [hbm4b:s18+s20], $0x2000, s21, s20, $0x38;
	[tilespmem:$0x1E200] =	vst v63  }
0x2a1: {  	s19 =	rddreg [dreg:$0xc]  }
0x2a2: {  	[tilespmem:s25], [sflag:$0x1] =	stream.strided.gather [hbm4b:s19+s20], $0x2000, s21, s20, $0x38;
	[tilespmem:$0x1E200] =	vst v63  }
0x2a3: {  	_ =	swait.ge [sflag:s31], $0x2000  }
0x2a4: {  	[sflag:s31] =	ssyncset.done $0x0  }
0x2a5: {  	[sflag:s31] =	ssyncadd.s32 $0xFFFFE000  }
0x2a6: {  	_ =	swait.ge [sflag:s31], $0x2000  }
0x2a7: {  	[sflag:s31] =	ssyncset.done $0x0  }
0x2a8: {  	[sflag:s31] =	ssyncadd.s32 $0xFFFFE000  }
0x2a9: {  	_ =	swait.ge [sflag:s31], $0x2000  }
0x2aa: {  	[sflag:s31] =	ssyncset.done $0x0  }
0x2ab: {  	[sflag:s31] =	ssyncadd.s32 $0xFFFFE000  }
0x2ac: {  	_ =	swait.ge [sflag:s31], $0x2000  }
0x2ad: {  	s9 =	simm.s32 $0x0;
	[sflag:s31] =	ssyncset.done $0x0  }
0x2ae: {  	s12 =	simm.s32 $0x0;
	s13 =	simm.s32 $0x0;
	[sflag:s31] =	ssyncadd.s32 $0xFFFFE000  }
.LBB2_10:
0x2af: {  	s6 =	sand.u32 $0x70, s13;
	s7 =	sand.u32 $0xC00, s12  }
0x2b0: {  	v0 =	vld [tilespmem:s9+$0x0];
	s7 =	sor.u32 s6, s7  }
0x2b1: {  	v1 =	vld [tilespmem:s7+$0x200]  }
0x2b2: {  	v2 =	vld [tilespmem:s7+$0x3200]  }
0x2b3: {  	v3 =	vld [tilespmem:s7+$0x6200]  }
0x2b4: {  	v4 =	vld [tilespmem:s7+$0x9200]  }
0x2b5: {  	v5 =	vld [tilespmem:s7+$0x280]  }
0x2b6: {  	v6 =	vld [tilespmem:s7+$0x3280]  }
0x2b7: {  	v7 =	vld [tilespmem:s7+$0x6280]  }
0x2b8: {  	v8 =	vld [tilespmem:s7+$0x9280]  }
0x2b9: {  	v9 =	vld [tilespmem:s7+$0x300]  }
0x2ba: {  	v10 =	vld [tilespmem:s7+$0x3300]  }
0x2bb: {  	v11 =	vld [tilespmem:s7+$0x6300]  }
0x2bc: {  	v12 =	vld [tilespmem:s7+$0x9300];
	vm0 =	veq.s32 v0, $0x1  }
0x2bd: {  	vm1 =	veq.s32 v0, $0x2;
	v1 =	vsel vm0, v2, v1  }
0x2be: {  	vm2 =	veq.s32 v0, $0x3;
	v51 =	vsel vm0, v6, v5;
	v50 =	vsel vm1, v3, v1  }
0x2bf: {  	v52 =	vsel vm0, v10, v9;
	v1 =	vsel vm1, v7, v51;
	v0 =	vsel vm2, v4, v50  }
0x2c0: {  	s15 =	sand.u32 $0xFFFFFC00, s12;
	v54 =	vsel vm1, v11, v52;
	v53 =	vsel vm2, v8, v1;
	[tilespmem:s7+$0x18200] =	vst v0  }
0x2c1: {  	s14 =	sadd.s32 s15, s13;
	v55 =	vsel vm2, v12, v54;
	[tilespmem:s7+$0x18280] =	vst v53  }
0x2c2: {  	s6 =	sor.u32 $0x180, s14;
	v56 =	vld [tilespmem:s7+$0x3380];
	[tilespmem:s7+$0x18300] =	vst v55  }
0x2c3: {  	v0 =	vld [tilespmem:s6+$0x200]  }
0x2c4: {  	v57 =	vld [tilespmem:s7+$0x6380]  }
0x2c5: {  	v58 =	vld [tilespmem:s7+$0x9380];
	_ =	sdelay $0x2  }
0x2c6: {  	v0 =	vsel vm0, v56, v0  }
0x2c7: {  	v0 =	vsel vm1, v57, v0  }
0x2c8: {  	v0 =	vsel vm2, v58, v0  }
0x2c9: {  	[tilespmem:s6+$0x18200] =	vst v0  }
0x2ca: {  	v0 =	vld [tilespmem:s7+$0x400]  }
0x2cb: {  	v59 =	vld [tilespmem:s7+$0x3400]  }
0x2cc: {  	v60 =	vld [tilespmem:s7+$0x6400]  }
0x2cd: {  	v61 =	vld [tilespmem:s7+$0x9400]  }
0x2ce: {  	v62 =	vld [tilespmem:s7+$0x480]  }
0x2cf: {  	v63 =	vld [tilespmem:s7+$0x3480]  }
0x2d0: {  	v12 =	vld [tilespmem:s7+$0x6480]  }
0x2d1: {  	v13 =	vld [tilespmem:s7+$0x9480]  }
0x2d2: {  	v14 =	vld [tilespmem:s7+$0x500]  }
0x2d3: {  	v15 =	vld [tilespmem:s7+$0x3500]  }
0x2d4: {  	v16 =	vld [tilespmem:s7+$0x6500]  }
0x2d5: {  	v17 =	vld [tilespmem:s7+$0x9500]  }
0x2d6: {  	v0 =	vsel vm0, v59, v0  }
0x2d7: {  	v18 =	vsel vm0, v63, v62;
	v0 =	vsel vm1, v60, v0  }
0x2d8: {  	v19 =	vsel vm0, v15, v14;
	v1 =	vsel vm1, v12, v18;
	v0 =	vsel vm2, v61, v0  }
0x2d9: {  	v21 =	vsel vm1, v16, v19;
	v20 =	vsel vm2, v13, v1;
	[tilespmem:s7+$0x18400] =	vst v0  }
0x2da: {  	s15 =	sor.u32 s13, s12;
	v22 =	vsel vm2, v17, v21;
	[tilespmem:s7+$0x18480] =	vst v20  }
0x2db: {  	s17 =	sor.u32 $0x380, s15;
	v23 =	vld [tilespmem:s7+$0x3580];
	[tilespmem:s7+$0x18500] =	vst v22  }
0x2dc: {  	v0 =	vld [tilespmem:s17+$0x200]  }
0x2dd: {  	v24 =	vld [tilespmem:s7+$0x6580]  }
0x2de: {  	v25 =	vld [tilespmem:s7+$0x9580];
	_ =	sdelay $0x2  }
0x2df: {  	v0 =	vsel vm0, v23, v0  }
0x2e0: {  	v0 =	vsel vm1, v24, v0  }
0x2e1: {  	v0 =	vsel vm2, v25, v0  }
0x2e2: {  	[tilespmem:s17+$0x18200] =	vst v0  }
0x2e3: {  	v0 =	vld [tilespmem:s7+$0x1200]  }
0x2e4: {  	v26 =	vld [tilespmem:s7+$0x4200]  }
0x2e5: {  	v27 =	vld [tilespmem:s7+$0x7200]  }
0x2e6: {  	v28 =	vld [tilespmem:s7+$0xA200]  }
0x2e7: {  	v29 =	vld [tilespmem:s7+$0x1280]  }
0x2e8: {  	v30 =	vld [tilespmem:s7+$0x4280]  }
0x2e9: {  	v31 =	vld [tilespmem:s7+$0x7280]  }
0x2ea: {  	v32 =	vld [tilespmem:s7+$0xA280]  }
0x2eb: {  	v33 =	vld [tilespmem:s7+$0x1300]  }
0x2ec: {  	v34 =	vld [tilespmem:s7+$0x4300]  }
0x2ed: {  	v35 =	vld [tilespmem:s7+$0x7300]  }
0x2ee: {  	v36 =	vld [tilespmem:s7+$0xA300]  }
0x2ef: {  	v0 =	vsel vm0, v26, v0  }
0x2f0: {  	v37 =	vsel vm0, v30, v29;
	v0 =	vsel vm1, v27, v0  }
0x2f1: {  	v38 =	vsel vm0, v34, v33;
	v1 =	vsel vm1, v31, v37;
	v0 =	vsel vm2, v28, v0  }
0x2f2: {  	v40 =	vsel vm1, v35, v38;
	v39 =	vsel vm2, v32, v1;
	[tilespmem:s7+$0x19200] =	vst v0  }
0x2f3: {  	v41 =	vsel vm2, v36, v40;
	[tilespmem:s7+$0x19280] =	vst v39  }
0x2f4: {  	s18 =	sor.u32 $0x1180, s14;
	v42 =	vld [tilespmem:s7+$0x4380];
	[tilespmem:s7+$0x19300] =	vst v41  }
0x2f5: {  	v0 =	vld [tilespmem:s18+$0x200]  }
0x2f6: {  	v43 =	vld [tilespmem:s7+$0x7380]  }
0x2f7: {  	v44 =	vld [tilespmem:s7+$0xA380];
	_ =	sdelay $0x2  }
0x2f8: {  	v0 =	vsel vm0, v42, v0  }
0x2f9: {  	v0 =	vsel vm1, v43, v0  }
0x2fa: {  	v0 =	vsel vm2, v44, v0  }
0x2fb: {  	[tilespmem:s18+$0x18200] =	vst v0  }
0x2fc: {  	v0 =	vld [tilespmem:s7+$0x1400]  }
0x2fd: {  	v45 =	vld [tilespmem:s7+$0x4400]  }
0x2fe: {  	v46 =	vld [tilespmem:s7+$0x7400]  }
0x2ff: {  	v47 =	vld [tilespmem:s7+$0xA400]  }
0x300: {  	v48 =	vld [tilespmem:s7+$0x1480]  }
0x301: {  	v49 =	vld [tilespmem:s7+$0x4480]  }
0x302: {  	v50 =	vld [tilespmem:s7+$0x7480]  }
0x303: {  	v51 =	vld [tilespmem:s7+$0xA480]  }
0x304: {  	v52 =	vld [tilespmem:s7+$0x1500]  }
0x305: {  	v53 =	vld [tilespmem:s7+$0x4500]  }
0x306: {  	v54 =	vld [tilespmem:s7+$0x7500]  }
0x307: {  	v55 =	vld [tilespmem:s7+$0xA500]  }
0x308: {  	v0 =	vsel vm0, v45, v0  }
0x309: {  	v56 =	vsel vm0, v49, v48;
	v0 =	vsel vm1, v46, v0  }
0x30a: {  	v57 =	vsel vm0, v53, v52;
	v1 =	vsel vm1, v50, v56;
	v0 =	vsel vm2, v47, v0  }
0x30b: {  	v59 =	vsel vm1, v54, v57;
	v58 =	vsel vm2, v51, v1;
	[tilespmem:s7+$0x19400] =	vst v0  }
0x30c: {  	v60 =	vsel vm2, v55, v59;
	[tilespmem:s7+$0x19480] =	vst v58  }
0x30d: {  	s19 =	sor.u32 $0x1380, s15;
	v61 =	vld [tilespmem:s7+$0x4580];
	[tilespmem:s7+$0x19500] =	vst v60  }
0x30e: {  	v0 =	vld [tilespmem:s19+$0x200]  }
0x30f: {  	v62 =	vld [tilespmem:s7+$0x7580]  }
0x310: {  	v63 =	vld [tilespmem:s7+$0xA580]  }
0x311: {  	p0 =	sne.s32 s13, $0x1F0  }
.Ltmp4:
0x312: {  	_ = 	snop;
	(pc) =	sbr.rel @p0 .LBB2_10-.Ltmp4, $4  }
0x313: {  	v0 =	vsel vm0, v61, v0  }
0x314: {  	v0 =	vsel vm1, v62, v0  }
0x315: {  	v0 =	vsel vm2, v63, v0  }
0x316: {  	s9 =	sadd.s32 $0x10, s9;
	s12 =	sadd.s32 $0x80, s12;
	s13 =	sadd.s32 $0x10, s13;
	[tilespmem:s19+$0x18200] =	vst v0  }
0x317: {  	s6 =	rddreg [dreg:$0xd]  }
0x318: {  	[hbm4b:s6+s20] =	stream.strided.scatter [tilespmem:s0], [sflag:$0x3], $0x2000, s21, s20, $0x38;
	[tilespmem:$0x1E200] =	vst v63  }
0x319: {  	_ =	swait.ge [sflag:s16], $0x2000  }
0x31a: {  	s8 =	sadd.s32 $0x1, s8;
	s19 =	rddreg [dreg:$0xe]  }
0x31b: {  	p0 =	sne.s32 s8, s19  }
.Ltmp5:
0x31c: {  	_ = 	snop;
	(pc) =	sbr.rel @p0 .LBB2_1-.Ltmp5, $3  }
0x31d: {  	_ =	sdelay $0x1  }
0x31e: {  	[sflag:s16] =	ssyncset.done $0x0  }
0x31f: {  	[sflag:s16] =	ssyncadd.s32 $0xFFFFE000  }
0x320: {  	_ =	sfence.sel $0x180000  }
0x321: {  	[bflag:$0x0] =	sbarrier.arrive $0xFFFF  }
0x322: {  	_ =	strace $0x90000047  }
0x323: {  	s0 =	stileid.u32;
	[bflag:$0x2] =	sbarrier.arrive $0xFFFF  }
0x324: {  	p0 =	sne.s32 s0, $0x0;
	s0 =	rddreg [dreg:$0x3]  }
0x325: {  	s0 =	sadd.s32 @!p0 $0x100000, s0  }
0x326: {  	[sflag:s0] =	ssyncadd.tile.s32 @!p0 $0x1;
	_ =	shalt  }
.Lfunc_end2:
_tile_overlayer_lowered:
.L_overlay_start_2:
0x327: {  	(tag) =	ssettag $0x2  }
0x328: {  	s0 =	rddreg [dreg:$0x0];
	s2 =	stileid.u32  }
0x329: {  	s1 =	rddreg [dreg:$0x1];
	p0 =	sne.s32 s2, $0x0  }
0x32a: {  	s3 =	rddreg [dreg:$0x2];
	[bflag:$0x3] =	sbarrier.arrive $0xFFFF;
	s2 =	simm.s32 @!p0 $0x1C05  }
0x32b: {  	[timem:s3], [sflag:s2] =	dma.local @!p0 [hbm:s0], s1  }
0x32c: {  	s0 =	simm.s32 @!p0 $0x5  }
0x32d: {  	_ =	swait.ge @!p0 [sflag:s0], s1  }
0x32e: {  	s1 =	ssub.s32 @!p0 $0x0, s1;
	[sflag:s0] =	ssyncset.done @!p0 $0x0  }
0x32f: {  	[sflag:s0] =	ssyncadd.s32 @!p0 s1  }
0x330: {  	[bflag:$0x3] =	sbarrier.arrive $0xFFFF  }
0x331: {  	_ =	shalt  }

</sc_bundles>
